<compile_context>
chip_gen: v7x
topology: tpu7x:2x2x1
jax: 0.10.2.dev20260603
libtpu: 0.0.44.dev20260713+nightly
codegen_flags: <defaults>
</compile_context>

<pallas_src>
import dataclasses
import functools

import jax
import jax.numpy as jnp
from jax import lax
from jax.experimental import pallas as pl
from jax.experimental.pallas import tpu as pltpu
from jax.experimental.pallas import tpu_sc as plsc

F32 = jnp.float32
I32 = jnp.int32

NN = 10000
NP = 10240
FD = 128
EE = 330000
NW = 32
CH = 128
NCHUNK = 82
PER_W = NCHUNK * CH
EP = NW * PER_W
DUMMY = NN
RPT = NP // 16

_mesh = plsc.VectorSubcoreMesh(core_axis_name="c", subcore_axis_name="s")

_sc_params = pltpu.CompilerParams()
if "needs_layout_passes" in pltpu.CompilerParams.__dataclass_fields__:
    _sc_params = dataclasses.replace(_sc_params, needs_layout_passes=False)



def _proj_body(h_ref, wl_ref, bl_ref, wr_ref, br_ref, xl_ref, xr_ref):
    h = h_ref[...]
    xl_ref[...] = jnp.dot(h, wl_ref[...], preferred_element_type=F32) + bl_ref[...]
    xr_ref[...] = jnp.dot(h, wr_ref[...], preferred_element_type=F32) + br_ref[...]


def tc_proj_first(h, Wl, bl, Wr, br):
    blk = 2048
    return pl.pallas_call(
        _proj_body,
        grid=(NP // blk,),
        in_specs=[
            pl.BlockSpec((blk, FD), lambda i: (i, 0)),
            pl.BlockSpec((FD, FD), lambda i: (0, 0)),
            pl.BlockSpec((1, FD), lambda i: (0, 0)),
            pl.BlockSpec((FD, FD), lambda i: (0, 0)),
            pl.BlockSpec((1, FD), lambda i: (0, 0)),
        ],
        out_specs=[pl.BlockSpec((blk, FD), lambda i: (i, 0))] * 2,
        out_shape=[jax.ShapeDtypeStruct((NP, FD), F32)] * 2,
    )(h, Wl, bl.reshape(1, FD), Wr, br.reshape(1, FD))


def _proj_next_body(p0_ref, p1_ref, b_ref, wl_ref, bl_ref, wr_ref, br_ref,
                    xl_ref, xr_ref):
    h = p0_ref[...] + p1_ref[...] + b_ref[...]
    h = jnp.where(h > 0, h, jnp.exp(jnp.minimum(h, 0.0)) - 1.0)
    xl_ref[...] = jnp.dot(h, wl_ref[...], preferred_element_type=F32) + bl_ref[...]
    xr_ref[...] = jnp.dot(h, wr_ref[...], preferred_element_type=F32) + br_ref[...]


def tc_proj_next(p0, p1, bias, Wl, bl, Wr, br):
    blk = 2048
    return pl.pallas_call(
        _proj_next_body,
        grid=(NP // blk,),
        in_specs=[
            pl.BlockSpec((blk, FD), lambda i: (i, 0)),
            pl.BlockSpec((blk, FD), lambda i: (i, 0)),
            pl.BlockSpec((1, FD), lambda i: (0, 0)),
            pl.BlockSpec((FD, FD), lambda i: (0, 0)),
            pl.BlockSpec((1, FD), lambda i: (0, 0)),
            pl.BlockSpec((FD, FD), lambda i: (0, 0)),
            pl.BlockSpec((1, FD), lambda i: (0, 0)),
        ],
        out_specs=[pl.BlockSpec((blk, FD), lambda i: (i, 0))] * 2,
        out_shape=[jax.ShapeDtypeStruct((NP, FD), F32)] * 2,
    )(p0, p1, bias.reshape(1, FD), Wl, bl.reshape(1, FD), Wr, br.reshape(1, FD))


def _alpha_body(nheads, gl_ref, gr_ref, attf_ref, a_ref, m_ref, mscr):
    i = pl.program_id(0)
    t = gl_ref[...] + gr_ref[...]
    t = jnp.where(t >= 0, t, 0.2 * t)
    ta = t * attf_ref[...]
    w = FD // nheads
    cols = [jnp.sum(ta[:, h * w:(h + 1) * w], axis=1, keepdims=True)
            for h in range(nheads)]
    a = cols[0] if nheads == 1 else jnp.concatenate(cols, axis=1)
    a_ref[...] = a
    bm = jnp.max(a)

    @pl.when(i == 0)
    def _():
        mscr[0] = bm

    @pl.when(i > 0)
    def _():
        mscr[0] = jnp.maximum(mscr[0], bm)

    m_ref[...] = jnp.broadcast_to(mscr[0], (1, 1))


def tc_alpha(gl, gr, attf, nheads):
    blk = 2048
    return pl.pallas_call(
        functools.partial(_alpha_body, nheads),
        grid=(EP // blk,),
        in_specs=[
            pl.BlockSpec((blk, FD), lambda i: (i, 0)),
            pl.BlockSpec((blk, FD), lambda i: (i, 0)),
            pl.BlockSpec((1, FD), lambda i: (0, 0)),
        ],
        out_specs=[
            pl.BlockSpec((blk, nheads), lambda i: (i, 0)),
            pl.BlockSpec((1, 1), lambda i: (0, 0)),
        ],
        out_shape=[
            jax.ShapeDtypeStruct((EP, nheads), F32),
            jax.ShapeDtypeStruct((1, 1), F32),
        ],
        scratch_shapes=[pltpu.SMEM((1,), F32)],
    )(gl, gr, attf)


def _exp_body(a_ref, m_ref, s_ref):
    s_ref[...] = jnp.exp(a_ref[...] - m_ref[0, 0])


def tc_exp(a, m, nheads):
    blk = 4096
    return pl.pallas_call(
        _exp_body,
        grid=(EP // blk,),
        in_specs=[
            pl.BlockSpec((blk, nheads), lambda i: (i, 0)),
            pl.BlockSpec((1, 1), lambda i: (0, 0)),
        ],
        out_specs=pl.BlockSpec((blk, nheads), lambda i: (i, 0)),
        out_shape=jax.ShapeDtypeStruct((EP, nheads), F32),
    )(a, m)


def _dsum_body(dp_ref, d_ref):
    d_ref[...] = jnp.sum(dp_ref[...], axis=0, keepdims=True)


def tc_dsum(dparts, nh_tot):
    blk = 5120
    return pl.pallas_call(
        _dsum_body,
        grid=(nh_tot // blk,),
        in_specs=[pl.BlockSpec((NW, blk), lambda i: (0, i))],
        out_specs=pl.BlockSpec((1, blk), lambda i: (0, i)),
        out_shape=jax.ShapeDtypeStruct((1, nh_tot), F32),
    )(dparts)


def _premul_body(nheads, gl_ref, c_ref, glw_ref):
    w = FD // nheads
    gl = gl_ref[...]
    c = c_ref[...]
    parts = [gl[:, h * w:(h + 1) * w] * c[:, h:h + 1] for h in range(nheads)]
    glw_ref[...] = parts[0] if nheads == 1 else jnp.concatenate(parts, axis=1)


def tc_premul(gl, coef, nheads):
    blk = 2048
    return pl.pallas_call(
        functools.partial(_premul_body, nheads),
        grid=(EP // blk,),
        in_specs=[
            pl.BlockSpec((blk, FD), lambda i: (i, 0)),
            pl.BlockSpec((blk, nheads), lambda i: (i, 0)),
        ],
        out_specs=pl.BlockSpec((blk, FD), lambda i: (i, 0)),
        out_shape=jax.ShapeDtypeStruct((EP, FD), F32),
    )(gl, coef)


def _final_body(p0_ref, p1_ref, b_ref, o_ref):
    o_ref[...] = p0_ref[...] + p1_ref[...] + b_ref[...]


def tc_final(p0, p1, bias):
    blk = 2048
    return pl.pallas_call(
        _final_body,
        grid=(NP // blk,),
        in_specs=[
            pl.BlockSpec((blk, FD), lambda i: (i, 0)),
            pl.BlockSpec((blk, FD), lambda i: (i, 0)),
            pl.BlockSpec((1, FD), lambda i: (0, 0)),
        ],
        out_specs=pl.BlockSpec((blk, FD), lambda i: (i, 0)),
        out_shape=jax.ShapeDtypeStruct((NP, FD), F32),
    )(p0, p1, bias.reshape(1, FD))



def sc_gather(xl, xr, sd2):

    @functools.partial(
        pl.kernel, mesh=_mesh, compiler_params=_sc_params,
        out_type=[jax.ShapeDtypeStruct((EP, FD), F32)] * 2,
        scratch_types=[
            pltpu.VMEM((2, CH), I32), pltpu.VMEM((2, CH), I32),
            pltpu.VMEM((CH, FD), F32), pltpu.VMEM((CH, FD), F32),
            pltpu.VMEM((CH, FD), F32), pltpu.VMEM((CH, FD), F32),
            pltpu.SemaphoreType.DMA, pltpu.SemaphoreType.DMA,
            pltpu.SemaphoreType.DMA, pltpu.SemaphoreType.DMA,
        ],
    )
    def k(xl_hbm, xr_hbm, sd_hbm, gl_hbm, gr_hbm,
          i0, i1, bl0, br0, bl1, br1, sl0, sr0, sl1, sr1):
        wid = lax.axis_index("s") * 2 + lax.axis_index("c")
        c0 = wid * NCHUNK

        def fire(c, ib, bl, br, sl, sr):
            pltpu.sync_copy(sd_hbm.at[c], ib)
            pltpu.async_copy(xl_hbm.at[ib.at[0]], bl, sl)
            pltpu.async_copy(xr_hbm.at[ib.at[1]], br, sr)

        def drain(ib, bl, br, sl, sr, c):
            pltpu.make_async_copy(xl_hbm.at[ib.at[0]], bl, sl).wait()
            pltpu.make_async_copy(xr_hbm.at[ib.at[1]], br, sr).wait()
            pltpu.sync_copy(bl, gl_hbm.at[pl.ds(c * CH, CH)])
            pltpu.sync_copy(br, gr_hbm.at[pl.ds(c * CH, CH)])

        fire(c0, i0, bl0, br0, sl0, sr0)

        @pl.loop(0, NCHUNK // 2)
        def _(jj):
            ca = c0 + jj * 2
            cb = ca + 1
            fire(cb, i1, bl1, br1, sl1, sr1)
            drain(i0, bl0, br0, sl0, sr0, ca)

            @pl.when(jj < NCHUNK // 2 - 1)
            def _():
                fire(ca + 2, i0, bl0, br0, sl0, sr0)

            drain(i1, bl1, br1, sl1, sr1, cb)

    return k(xl, xr, sd2)


def sc_scatter_d(sflat, dstp, nheads):
    nh_tot = NP * nheads
    ng = PER_W * nheads // 16
    epg = 16 // nheads

    @functools.partial(
        pl.kernel, mesh=_mesh, compiler_params=_sc_params,
        out_type=jax.ShapeDtypeStruct((NW, nh_tot), F32),
        scratch_types=[
            pltpu.VMEM((nh_tot,), F32), pltpu.VMEM((PER_W,), I32),
            pltpu.VMEM((PER_W * nheads,), F32), pltpu.SemaphoreType.DMA,
        ],
    )
    def k(s_hbm, dst_hbm, dp_hbm, dacc, di, sv, sem):
        wid = lax.axis_index("s") * 2 + lax.axis_index("c")
        base = wid * PER_W
        cp1 = pltpu.async_copy(dst_hbm.at[pl.ds(base, PER_W)], di, sem)
        cp2 = pltpu.async_copy(
            s_hbm.at[pl.ds(base * nheads, PER_W * nheads)], sv, sem)

        @pl.loop(0, nh_tot, step=16)
        def _(i):
            dacc[pl.ds(i, 16)] = jnp.zeros((16,), F32)

        cp1.wait()
        cp2.wait()
        lane = lax.iota(I32, 16)
        eoff = lane // nheads
        hoff = lane - eoff * nheads

        @pl.loop(0, ng)
        def _(g):
            el = plsc.load_gather(di, [g * epg + eoff])
            idx = el * nheads + hoff
            plsc.addupdate_scatter(dacc, [idx], sv[pl.ds(g * 16, 16)])

        pltpu.sync_copy(dacc, dp_hbm.at[wid])

    return k(sflat, dstp)


def sc_coef(sflat, dstp, d, nheads):
    nh_tot = NP * nheads
    ng = PER_W * nheads // 16
    epg = 16 // nheads

    @functools.partial(
        pl.kernel, mesh=_mesh, compiler_params=_sc_params,
        out_type=jax.ShapeDtypeStruct((EP * nheads,), F32),
        scratch_types=[
            pltpu.VMEM((nh_tot,), F32), pltpu.VMEM((PER_W,), I32),
            pltpu.VMEM((PER_W * nheads,), F32), pltpu.SemaphoreType.DMA,
        ],
    )
    def k(s_hbm, dst_hbm, d_hbm, coef_hbm, dv, di, sv, sem):
        wid = lax.axis_index("s") * 2 + lax.axis_index("c")
        base = wid * PER_W
        cp1 = pltpu.async_copy(dst_hbm.at[pl.ds(base, PER_W)], di, sem)
        cp2 = pltpu.async_copy(
            s_hbm.at[pl.ds(base * nheads, PER_W * nheads)], sv, sem)
        pltpu.sync_copy(d_hbm.at[0], dv)
        cp1.wait()
        cp2.wait()

        lane = lax.iota(I32, 16)
        eoff = lane // nheads
        hoff = lane - eoff * nheads

        @pl.loop(0, ng)
        def _(g):
            el = plsc.load_gather(di, [g * epg + eoff])
            idx = el * nheads + hoff
            dd = plsc.load_gather(dv, [idx])
            sv[pl.ds(g * 16, 16)] = sv[pl.ds(g * 16, 16)] / (dd + 1e-16)

        pltpu.sync_copy(sv, coef_hbm.at[pl.ds(base * nheads, PER_W * nheads)])

    return k(sflat, dstp, d)


def sc_out_scatter(glw, sd2, znp):

    @functools.partial(
        pl.kernel, mesh=_mesh, compiler_params=_sc_params,
        out_type=jax.ShapeDtypeStruct((2, NP, FD), F32),
        scratch_types=[
            pltpu.VMEM_SHARED((NP, FD), F32),
            pltpu.VMEM((2, CH), I32), pltpu.VMEM((2, CH), I32),
            pltpu.VMEM((CH, FD), F32), pltpu.VMEM((CH, FD), F32),
            pltpu.SemaphoreType.DMA, pltpu.SemaphoreType.DMA,
        ],
    )
    def k(glw_hbm, sd_hbm, z_hbm, op_hbm, acc_sh, i0, i1, b0, b1, s0, s1):
        cid = lax.axis_index("c")
        sid = lax.axis_index("s")
        wid = sid * 2 + cid
        c0 = wid * NCHUNK
        r0 = sid * RPT
        pltpu.sync_copy(z_hbm.at[pl.ds(r0, RPT)], acc_sh.at[pl.ds(r0, RPT)])

        def fire(c, ib, buf, sem):
            pltpu.sync_copy(sd_hbm.at[c], ib)
            pltpu.async_copy(glw_hbm.at[pl.ds(c * CH, CH)], buf, sem)

        def drain(ib, buf, sem):
            pltpu.make_async_copy(glw_hbm.at[pl.ds(0, CH)], buf, sem).wait()
            pltpu.sync_copy(buf, acc_sh.at[ib.at[1]], add=True)

        plsc.subcore_barrier()
        fire(c0, i0, b0, s0)

        @pl.loop(0, NCHUNK // 2)
        def _(jj):
            ca = c0 + jj * 2
            cb = ca + 1
            fire(cb, i1, b1, s1)
            drain(i0, b0, s0)

            @pl.when(jj < NCHUNK // 2 - 1)
            def _():
                fire(ca + 2, i0, b0, s0)

            drain(i1, b1, s1)

        plsc.subcore_barrier()
        pltpu.sync_copy(acc_sh.at[pl.ds(r0, RPT)],
                        op_hbm.at[cid].at[pl.ds(r0, RPT)])

    return k(glw, sd2, znp)



def kernel(x, edge_index, Wl0, bl0, Wr0, br0, att0, bias0,
           Wl1, bl1, Wr1, br1, att1, bias1,
           Wl2, bl2, Wr2, br2, att2, bias2):
    loop = jnp.arange(NN, dtype=I32)
    padi = jnp.full((EP - EE,), DUMMY, I32)
    srcp = jnp.concatenate([edge_index[0], loop, padi])
    dstp = jnp.concatenate([edge_index[1], loop, padi])
    sd2 = jnp.stack([srcp.reshape(EP // CH, CH),
                     dstp.reshape(EP // CH, CH)], axis=1)
    h = jnp.pad(x, ((0, NP - NN), (0, 0)))
    znp = jnp.zeros((NP, FD), F32)

    layers = [
        (Wl0, bl0, Wr0, br0, att0, bias0, 4),
        (Wl1, bl1, Wr1, br1, att1, bias1, 4),
        (Wl2, bl2, Wr2, br2, att2, bias2, 1),
    ]
    p0 = p1 = None
    prev_bias = None
    for li, (Wl, bl, Wr, br, att, bias, nheads) in enumerate(layers):
        if li == 0:
            xl, xr = tc_proj_first(h, Wl, bl, Wr, br)
        else:
            xl, xr = tc_proj_next(p0, p1, prev_bias, Wl, bl, Wr, br)
        gl, gr = sc_gather(xl, xr, sd2)
        a, m = tc_alpha(gl, gr, att.reshape(1, FD), nheads)
        s = tc_exp(a, m, nheads)
        sflat = s.reshape(-1)
        dparts = sc_scatter_d(sflat, dstp, nheads)
        d = tc_dsum(dparts, NP * nheads)
        coef = sc_coef(sflat, dstp, d, nheads).reshape(EP, nheads)
        glw = tc_premul(gl, coef, nheads)
        pp = sc_out_scatter(glw, sd2, znp)
        p0, p1 = pp[0], pp[1]
        prev_bias = bias

    out = tc_final(p0, p1, bias2)
    return out[:NN]

# --- scband reference (transcript-rebuilt; emitter-appended) ---
"""Pipeline reference for scband-gatv2-29351806501504 (READ-ONLY COPY).

The authoritative reference and input builder live on the scoring server;
editing this copy changes nothing except your own understanding.
"""

import jax, jax.numpy as jnp
import numpy as np

N, E, F = 10000, 320000, 128
PNAMES = ["Wl0","bl0","Wr0","br0","att0","bias0","Wl1","bl1","Wr1","br1","att1","bias1","Wl2","bl2","Wr2","br2","att2","bias2"]

def _glorot(key, shape):
    fan_in, fan_out = shape[0], shape[-1]
    s = jnp.sqrt(2.0 / (fan_in + fan_out))
    return jax.random.normal(key, shape, jnp.float32) * s

def setup_inputs(seed: int = 0) -> dict:
    key = jax.random.key(seed)
    ks = jax.random.split(key, 24)
    x = jax.random.normal(ks[0], (N, F), jnp.float32)
    src = jax.random.randint(ks[1], (E,), 0, N)
    off = jax.random.randint(ks[2], (E,), 1, N)
    dst = (src + off) % N  # guarantees no pre-existing self loops (remove_self_loops is a no-op)
    edge_index = jnp.stack([src, dst]).astype(jnp.int32)
    p = {}
    dims = [(128, 4, 32), (128, 4, 32), (128, 1, 128)]
    i = 3
    for li, (din, H, C) in enumerate(dims):
        p["Wl%d" % li] = _glorot(ks[i], (din, H * C)); i += 1
        p["bl%d" % li] = jnp.zeros((H * C,), jnp.float32)
        p["Wr%d" % li] = _glorot(ks[i], (din, H * C)); i += 1
        p["br%d" % li] = jnp.zeros((H * C,), jnp.float32)
        p["att%d" % li] = jax.random.normal(ks[i], (H, C), jnp.float32) * 0.1; i += 1
        outdim = H * C if li < 2 else C
        p["bias%d" % li] = jnp.zeros((outdim,), jnp.float32)
    return {"x": x, "edge_index": edge_index, **p}

def _segment_softmax(scores, seg, num):
    m = jax.ops.segment_max(scores, seg, num_segments=num)
    s = jnp.exp(scores - m[seg])
    d = jax.ops.segment_sum(s, seg, num_segments=num)
    return s / (d[seg] + 1e-16)

def _gatv2_conv(x, src, dst, Wl, bl, Wr, br, att, bias, H, C, concat):
    n = x.shape[0]
    xl = (x @ Wl + bl).reshape(n, H, C)  # PyG lin_l -> source side (x_j)
    xr = (x @ Wr + br).reshape(n, H, C)  # PyG lin_r -> target side (x_i)
    e = jax.nn.leaky_relu(xl[src] + xr[dst], 0.2)
    alpha = jnp.einsum('ehc,hc->eh', e, att)
    alpha = _segment_softmax(alpha, dst, n)
    out = jax.ops.segment_sum(xl[src] * alpha[:, :, None], dst, num_segments=n)
    out = out.reshape(n, H * C) if concat else out.mean(axis=1)
    return out + bias

def _model(x, edge_index, params):
    loop = jnp.arange(N, dtype=edge_index.dtype)  # add_self_loops=True
    src = jnp.concatenate([edge_index[0], loop])
    dst = jnp.concatenate([edge_index[1], loop])
    cfg = [(4, 32, True), (4, 32, True), (1, 128, False)]
    h = x
    for li, (H, C, concat) in enumerate(cfg):
        h = _gatv2_conv(h, src, dst, params["Wl%d" % li], params["bl%d" % li], params["Wr%d" % li], params["br%d" % li], params["att%d" % li], params["bias%d" % li], H, C, concat)
        if li < 2:
            h = jax.nn.elu(h)  # act=F.elu; dropout inactive in eval mode
    return h

def reference(x, edge_index, Wl0, bl0, Wr0, br0, att0, bias0, Wl1, bl1, Wr1, br1, att1, bias1, Wl2, bl2, Wr2, br2, att2, bias2):
    params = {"Wl0": Wl0, "bl0": bl0, "Wr0": Wr0, "br0": br0, "att0": att0, "bias0": bias0,
              "Wl1": Wl1, "bl1": bl1, "Wr1": Wr1, "br1": br1, "att1": att1, "bias1": bias1,
              "Wl2": Wl2, "bl2": bl2, "Wr2": Wr2, "br2": br2, "att2": att2, "bias2": bias2}
    return _model(x, edge_index, params)

if __name__ == "__main__":
    import jax
    _d = setup_inputs()
    print(jax.jit(kernel)(*tuple(_d.values())))

</pallas_src>

<mosaic_0001>
#map = affine_map<(d0, d1) -> (0, 0)>
#map1 = affine_map<(d0, d1) -> (0, 0, 0)>
module attributes {stable_mosaic.version = 14 : i64} {
  func.func @k(%arg0: i32, %arg1: i32, %arg2: memref<10240x128xf32, #tpu.memory_space<hbm>>, %arg3: memref<10240x128xf32, #tpu.memory_space<hbm>>, %arg4: memref<2624x2x128xi32, #tpu.memory_space<hbm>>, %arg5: memref<335872x128xf32, #tpu.memory_space<hbm>>, %arg6: memref<335872x128xf32, #tpu.memory_space<hbm>>, %arg7: memref<2x128xi32, #tpu.memory_space<vmem>>, %arg8: memref<2x128xi32, #tpu.memory_space<vmem>>, %arg9: memref<128x128xf32, #tpu.memory_space<vmem>>, %arg10: memref<128x128xf32, #tpu.memory_space<vmem>>, %arg11: memref<128x128xf32, #tpu.memory_space<vmem>>, %arg12: memref<128x128xf32, #tpu.memory_space<vmem>>, %arg13: memref<!tpu.dma_semaphore, #tpu.memory_space<semaphore_mem>>, %arg14: memref<!tpu.dma_semaphore, #tpu.memory_space<semaphore_mem>>, %arg15: memref<!tpu.dma_semaphore, #tpu.memory_space<semaphore_mem>>, %arg16: memref<!tpu.dma_semaphore, #tpu.memory_space<semaphore_mem>>) attributes {dimension_semantics = [#tpu.dimension_semantics<core_parallel>, #tpu.dimension_semantics<subcore_parallel>], iteration_bounds = array<i64: 2, 16>, scalar_prefetch = 0 : i64, scratch_operands = 10 : i64, tpu.core_type = #tpu.core_type<sc_vector_subcore>, window_params = [{transform_indices = #map}, {transform_indices = #map}, {transform_indices = #map1}, {transform_indices = #map}, {transform_indices = #map}]} {
    %mul3A = arith.constant 2 : i32
    %mul3A_0 = arith.muli %arg1, %mul3A : i32
    %add3A = arith.addi %mul3A_0, %arg0 : i32
    %mul3A_1 = arith.constant 82 : i32
    %mul3A_2 = arith.muli %add3A, %mul3A_1 : i32
    "tpu.region"() ({
      %run_scoped3A = tpu.sem_alloc : memref<!tpu.dma_semaphore, #tpu.memory_space<semaphore_mem>>
      %dma_start3A_20 = arith.constant 0 : i32
      %dma_start3A_21 = arith.constant 0 : i32
      %dma_start3A_22 = tpu.memref_slice %arg4[%mul3A_2, %dma_start3A_20, %dma_start3A_21] : memref<2624x2x128xi32, #tpu.memory_space<hbm>> -> memref<1x2x128xi32, #tpu.memory_space<hbm>>
      %dma_start3A_23 = tpu.memref_squeeze %dma_start3A_22 : memref<1x2x128xi32, #tpu.memory_space<hbm>> -> memref<2x128xi32, #tpu.memory_space<hbm>>
      %dma_start3A_24 = arith.constant 0 : i32
      %dma_start3A_25 = arith.constant 0 : i32
      %dma_start3A_26 = tpu.memref_slice %arg4[%mul3A_2, %dma_start3A_24, %dma_start3A_25] : memref<2624x2x128xi32, #tpu.memory_space<hbm>> -> memref<1x2x128xi32, #tpu.memory_space<hbm>>
      %dma_start3A_27 = tpu.memref_squeeze %dma_start3A_26 : memref<1x2x128xi32, #tpu.memory_space<hbm>> -> memref<2x128xi32, #tpu.memory_space<hbm>>
      tpu.enqueue_dma source(%dma_start3A_27 : memref<2x128xi32, #tpu.memory_space<hbm>>) target(%arg7 : memref<2x128xi32, #tpu.memory_space<vmem>>) target_semaphore(%run_scoped3A : memref<!tpu.dma_semaphore, #tpu.memory_space<semaphore_mem>>)
      %dma_wait3A = arith.constant 0 : i32
      %dma_wait3A_28 = arith.constant 0 : i32
      %dma_wait3A_29 = tpu.memref_slice %arg4[%mul3A_2, %dma_wait3A, %dma_wait3A_28] : memref<2624x2x128xi32, #tpu.memory_space<hbm>> -> memref<1x2x128xi32, #tpu.memory_space<hbm>>
      %dma_wait3A_30 = tpu.memref_squeeze %dma_wait3A_29 : memref<1x2x128xi32, #tpu.memory_space<hbm>> -> memref<2x128xi32, #tpu.memory_space<hbm>>
      %dma_wait3A_31 = arith.constant 0 : i32
      %dma_wait3A_32 = arith.constant 0 : i32
      %dma_wait3A_33 = tpu.memref_slice %arg4[%mul3A_2, %dma_wait3A_31, %dma_wait3A_32] : memref<2624x2x128xi32, #tpu.memory_space<hbm>> -> memref<1x2x128xi32, #tpu.memory_space<hbm>>
      %dma_wait3A_34 = tpu.memref_squeeze %dma_wait3A_33 : memref<1x2x128xi32, #tpu.memory_space<hbm>> -> memref<2x128xi32, #tpu.memory_space<hbm>>
      tpu.wait_dma2 semaphore(%run_scoped3A : memref<!tpu.dma_semaphore, #tpu.memory_space<semaphore_mem>>) src(%dma_wait3A_34 : memref<2x128xi32, #tpu.memory_space<hbm>>) dst(%arg7 : memref<2x128xi32, #tpu.memory_space<vmem>>)
      tpu.yield
    }) : () -> ()
    %dma_start3A = arith.constant 0 : i32
    %dma_start3A_3 = arith.constant 0 : i32
    %dma_start3A_4 = tpu.memref_slice %arg7[%dma_start3A, %dma_start3A_3] : memref<2x128xi32, #tpu.memory_space<vmem>> -> memref<1x128xi32, #tpu.memory_space<vmem>>
    %dma_start3A_5 = tpu.memref_squeeze %dma_start3A_4 : memref<1x128xi32, #tpu.memory_space<vmem>> -> memref<128xi32, #tpu.memory_space<vmem>>
    %dma_start3A_6 = arith.constant 0 : i32
    %dma_start3A_7 = arith.constant 0 : i32
    %dma_start3A_8 = tpu.memref_slice %arg2[%dma_start3A_6, %dma_start3A_7] : memref<10240x128xf32, #tpu.memory_space<hbm>> -> memref<10240x128xf32, #tpu.memory_space<hbm>>
    tpu.enqueue_indirect_dma source(%dma_start3A_8 : memref<10240x128xf32, #tpu.memory_space<hbm>>) target(%arg9 : memref<128x128xf32, #tpu.memory_space<vmem>>) offsets(%dma_start3A_5 : memref<128xi32, #tpu.memory_space<vmem>>) semaphore(%arg13 : memref<!tpu.dma_semaphore, #tpu.memory_space<semaphore_mem>>)
    %dma_start3A_9 = arith.constant 1 : i32
    %dma_start3A_10 = arith.constant 0 : i32
    %dma_start3A_11 = tpu.memref_slice %arg7[%dma_start3A_9, %dma_start3A_10] : memref<2x128xi32, #tpu.memory_space<vmem>> -> memref<1x128xi32, #tpu.memory_space<vmem>>
    %dma_start3A_12 = tpu.memref_squeeze %dma_start3A_11 : memref<1x128xi32, #tpu.memory_space<vmem>> -> memref<128xi32, #tpu.memory_space<vmem>>
    %dma_start3A_13 = arith.constant 0 : i32
    %dma_start3A_14 = arith.constant 0 : i32
    %dma_start3A_15 = tpu.memref_slice %arg3[%dma_start3A_13, %dma_start3A_14] : memref<10240x128xf32, #tpu.memory_space<hbm>> -> memref<10240x128xf32, #tpu.memory_space<hbm>>
    tpu.enqueue_indirect_dma source(%dma_start3A_15 : memref<10240x128xf32, #tpu.memory_space<hbm>>) target(%arg10 : memref<128x128xf32, #tpu.memory_space<vmem>>) offsets(%dma_start3A_12 : memref<128xi32, #tpu.memory_space<vmem>>) semaphore(%arg14 : memref<!tpu.dma_semaphore, #tpu.memory_space<semaphore_mem>>)
    %scan3A = arith.constant 0 : i32
    %scan3A_16 = arith.constant 41 : i32
    %scan3A_17 = arith.addi %scan3A, %scan3A_16 : i32
    %scan3A_18 = arith.constant 1 : i32
    scf.for %scan3A_20 = %scan3A to %scan3A_17 step %scan3A_18  : i32 {
      %mul3A_21 = arith.constant 1 : i32
      %mul3A_22 = arith.muli %scan3A_20, %mul3A_21 : i32
      %add3A_23 = arith.constant 0 : i32
      %add3A_24 = arith.addi %add3A_23, %mul3A_22 : i32
      %mul3A_25 = arith.constant 2 : i32
      %mul3A_26 = arith.muli %add3A_24, %mul3A_25 : i32
      %add3A_27 = arith.addi %mul3A_2, %mul3A_26 : i32
      %add3A_28 = arith.constant 1 : i32
      %add3A_29 = arith.addi %add3A_27, %add3A_28 : i32
      "tpu.region"() ({
        %run_scoped3A = tpu.sem_alloc : memref<!tpu.dma_semaphore, #tpu.memory_space<semaphore_mem>>
        %dma_start3A_81 = arith.constant 0 : i32
        %dma_start3A_82 = arith.constant 0 : i32
        %dma_start3A_83 = tpu.memref_slice %arg4[%add3A_29, %dma_start3A_81, %dma_start3A_82] : memref<2624x2x128xi32, #tpu.memory_space<hbm>> -> memref<1x2x128xi32, #tpu.memory_space<hbm>>
        %dma_start3A_84 = tpu.memref_squeeze %dma_start3A_83 : memref<1x2x128xi32, #tpu.memory_space<hbm>> -> memref<2x128xi32, #tpu.memory_space<hbm>>
        %dma_start3A_85 = arith.constant 0 : i32
        %dma_start3A_86 = arith.constant 0 : i32
        %dma_start3A_87 = tpu.memref_slice %arg4[%add3A_29, %dma_start3A_85, %dma_start3A_86] : memref<2624x2x128xi32, #tpu.memory_space<hbm>> -> memref<1x2x128xi32, #tpu.memory_space<hbm>>
        %dma_start3A_88 = tpu.memref_squeeze %dma_start3A_87 : memref<1x2x128xi32, #tpu.memory_space<hbm>> -> memref<2x128xi32, #tpu.memory_space<hbm>>
        tpu.enqueue_dma source(%dma_start3A_88 : memref<2x128xi32, #tpu.memory_space<hbm>>) target(%arg8 : memref<2x128xi32, #tpu.memory_space<vmem>>) target_semaphore(%run_scoped3A : memref<!tpu.dma_semaphore, #tpu.memory_space<semaphore_mem>>)
        %dma_wait3A_89 = arith.constant 0 : i32
        %dma_wait3A_90 = arith.constant 0 : i32
        %dma_wait3A_91 = tpu.memref_slice %arg4[%add3A_29, %dma_wait3A_89, %dma_wait3A_90] : memref<2624x2x128xi32, #tpu.memory_space<hbm>> -> memref<1x2x128xi32, #tpu.memory_space<hbm>>
        %dma_wait3A_92 = tpu.memref_squeeze %dma_wait3A_91 : memref<1x2x128xi32, #tpu.memory_space<hbm>> -> memref<2x128xi32, #tpu.memory_space<hbm>>
        %dma_wait3A_93 = arith.constant 0 : i32
        %dma_wait3A_94 = arith.constant 0 : i32
        %dma_wait3A_95 = tpu.memref_slice %arg4[%add3A_29, %dma_wait3A_93, %dma_wait3A_94] : memref<2624x2x128xi32, #tpu.memory_space<hbm>> -> memref<1x2x128xi32, #tpu.memory_space<hbm>>
        %dma_wait3A_96 = tpu.memref_squeeze %dma_wait3A_95 : memref<1x2x128xi32, #tpu.memory_space<hbm>> -> memref<2x128xi32, #tpu.memory_space<hbm>>
        tpu.wait_dma2 semaphore(%run_scoped3A : memref<!tpu.dma_semaphore, #tpu.memory_space<semaphore_mem>>) src(%dma_wait3A_96 : memref<2x128xi32, #tpu.memory_space<hbm>>) dst(%arg8 : memref<2x128xi32, #tpu.memory_space<vmem>>)
        tpu.yield
      }) : () -> ()
      %dma_start3A_30 = arith.constant 0 : i32
      %dma_start3A_31 = arith.constant 0 : i32
      %dma_start3A_32 = tpu.memref_slice %arg8[%dma_start3A_30, %dma_start3A_31] : memref<2x128xi32, #tpu.memory_space<vmem>> -> memref<1x128xi32, #tpu.memory_space<vmem>>
      %dma_start3A_33 = tpu.memref_squeeze %dma_start3A_32 : memref<1x128xi32, #tpu.memory_space<vmem>> -> memref<128xi32, #tpu.memory_space<vmem>>
      %dma_start3A_34 = arith.constant 0 : i32
      %dma_start3A_35 = arith.constant 0 : i32
      %dma_start3A_36 = tpu.memref_slice %arg2[%dma_start3A_34, %dma_start3A_35] : memref<10240x128xf32, #tpu.memory_space<hbm>> -> memref<10240x128xf32, #tpu.memory_space<hbm>>
      tpu.enqueue_indirect_dma source(%dma_start3A_36 : memref<10240x128xf32, #tpu.memory_space<hbm>>) target(%arg11 : memref<128x128xf32, #tpu.memory_space<vmem>>) offsets(%dma_start3A_33 : memref<128xi32, #tpu.memory_space<vmem>>) semaphore(%arg15 : memref<!tpu.dma_semaphore, #tpu.memory_space<semaphore_mem>>)
      %dma_start3A_37 = arith.constant 1 : i32
      %dma_start3A_38 = arith.constant 0 : i32
      %dma_start3A_39 = tpu.memref_slice %arg8[%dma_start3A_37, %dma_start3A_38] : memref<2x128xi32, #tpu.memory_space<vmem>> -> memref<1x128xi32, #tpu.memory_space<vmem>>
      %dma_start3A_40 = tpu.memref_squeeze %dma_start3A_39 : memref<1x128xi32, #tpu.memory_space<vmem>> -> memref<128xi32, #tpu.memory_space<vmem>>
      %dma_start3A_41 = arith.constant 0 : i32
      %dma_start3A_42 = arith.constant 0 : i32
      %dma_start3A_43 = tpu.memref_slice %arg3[%dma_start3A_41, %dma_start3A_42] : memref<10240x128xf32, #tpu.memory_space<hbm>> -> memref<10240x128xf32, #tpu.memory_space<hbm>>
      tpu.enqueue_indirect_dma source(%dma_start3A_43 : memref<10240x128xf32, #tpu.memory_space<hbm>>) target(%arg12 : memref<128x128xf32, #tpu.memory_space<vmem>>) offsets(%dma_start3A_40 : memref<128xi32, #tpu.memory_space<vmem>>) semaphore(%arg16 : memref<!tpu.dma_semaphore, #tpu.memory_space<semaphore_mem>>)
      %dma_wait3A = arith.constant 0 : i32
      %dma_wait3A_44 = arith.constant 0 : i32
      %dma_wait3A_45 = tpu.memref_slice %arg7[%dma_wait3A, %dma_wait3A_44] : memref<2x128xi32, #tpu.memory_space<vmem>> -> memref<1x128xi32, #tpu.memory_space<vmem>>
      %dma_wait3A_46 = tpu.memref_squeeze %dma_wait3A_45 : memref<1x128xi32, #tpu.memory_space<vmem>> -> memref<128xi32, #tpu.memory_space<vmem>>
      %dma_wait3A_47 = arith.constant 0 : i32
      %dma_wait3A_48 = arith.constant 0 : i32
      %dma_wait3A_49 = tpu.memref_slice %arg2[%dma_wait3A_47, %dma_wait3A_48] : memref<10240x128xf32, #tpu.memory_space<hbm>> -> memref<10240x128xf32, #tpu.memory_space<hbm>>
      tpu.wait_indirect_dma semaphore(%arg13 : memref<!tpu.dma_semaphore, #tpu.memory_space<semaphore_mem>>) src(%dma_wait3A_49 : memref<10240x128xf32, #tpu.memory_space<hbm>>) dst(%arg9 : memref<128x128xf32, #tpu.memory_space<vmem>>)
      %dma_wait3A_50 = arith.constant 1 : i32
      %dma_wait3A_51 = arith.constant 0 : i32
      %dma_wait3A_52 = tpu.memref_slice %arg7[%dma_wait3A_50, %dma_wait3A_51] : memref<2x128xi32, #tpu.memory_space<vmem>> -> memref<1x128xi32, #tpu.memory_space<vmem>>
      %dma_wait3A_53 = tpu.memref_squeeze %dma_wait3A_52 : memref<1x128xi32, #tpu.memory_space<vmem>> -> memref<128xi32, #tpu.memory_space<vmem>>
      %dma_wait3A_54 = arith.constant 0 : i32
      %dma_wait3A_55 = arith.constant 0 : i32
      %dma_wait3A_56 = tpu.memref_slice %arg3[%dma_wait3A_54, %dma_wait3A_55] : memref<10240x128xf32, #tpu.memory_space<hbm>> -> memref<10240x128xf32, #tpu.memory_space<hbm>>
      tpu.wait_indirect_dma semaphore(%arg14 : memref<!tpu.dma_semaphore, #tpu.memory_space<semaphore_mem>>) src(%dma_wait3A_56 : memref<10240x128xf32, #tpu.memory_space<hbm>>) dst(%arg10 : memref<128x128xf32, #tpu.memory_space<vmem>>)
      %mul3A_57 = arith.constant 128 : i32
      %mul3A_58 = arith.muli %add3A_27, %mul3A_57 : i32
      "tpu.region"() ({
        %run_scoped3A = tpu.sem_alloc : memref<!tpu.dma_semaphore, #tpu.memory_space<semaphore_mem>>
        %dma_start3A_81 = arith.constant 0 : i32
        %dma_start3A_82 = tpu.memref_slice %arg5[%mul3A_58, %dma_start3A_81] : memref<335872x128xf32, #tpu.memory_space<hbm>> -> memref<128x128xf32, #tpu.memory_space<hbm>>
        %dma_start3A_83 = arith.constant 0 : i32
        %dma_start3A_84 = tpu.memref_slice %arg5[%mul3A_58, %dma_start3A_83] : memref<335872x128xf32, #tpu.memory_space<hbm>> -> memref<128x128xf32, #tpu.memory_space<hbm>>
        tpu.enqueue_dma source(%arg9 : memref<128x128xf32, #tpu.memory_space<vmem>>) target(%dma_start3A_84 : memref<128x128xf32, #tpu.memory_space<hbm>>) target_semaphore(%run_scoped3A : memref<!tpu.dma_semaphore, #tpu.memory_space<semaphore_mem>>)
        %dma_wait3A_85 = arith.constant 0 : i32
        %dma_wait3A_86 = tpu.memref_slice %arg5[%mul3A_58, %dma_wait3A_85] : memref<335872x128xf32, #tpu.memory_space<hbm>> -> memref<128x128xf32, #tpu.memory_space<hbm>>
        %dma_wait3A_87 = arith.constant 0 : i32
        %dma_wait3A_88 = tpu.memref_slice %arg5[%mul3A_58, %dma_wait3A_87] : memref<335872x128xf32, #tpu.memory_space<hbm>> -> memref<128x128xf32, #tpu.memory_space<hbm>>
        tpu.wait_dma2 semaphore(%run_scoped3A : memref<!tpu.dma_semaphore, #tpu.memory_space<semaphore_mem>>) src(%arg9 : memref<128x128xf32, #tpu.memory_space<vmem>>) dst(%dma_wait3A_88 : memref<128x128xf32, #tpu.memory_space<hbm>>)
        tpu.yield
      }) : () -> ()
      %mul3A_59 = arith.constant 128 : i32
      %mul3A_60 = arith.muli %add3A_27, %mul3A_59 : i32
      "tpu.region"() ({
        %run_scoped3A = tpu.sem_alloc : memref<!tpu.dma_semaphore, #tpu.memory_space<semaphore_mem>>
        %dma_start3A_81 = arith.constant 0 : i32
        %dma_start3A_82 = tpu.memref_slice %arg6[%mul3A_60, %dma_start3A_81] : memref<335872x128xf32, #tpu.memory_space<hbm>> -> memref<128x128xf32, #tpu.memory_space<hbm>>
        %dma_start3A_83 = arith.constant 0 : i32
        %dma_start3A_84 = tpu.memref_slice %arg6[%mul3A_60, %dma_start3A_83] : memref<335872x128xf32, #tpu.memory_space<hbm>> -> memref<128x128xf32, #tpu.memory_space<hbm>>
        tpu.enqueue_dma source(%arg10 : memref<128x128xf32, #tpu.memory_space<vmem>>) target(%dma_start3A_84 : memref<128x128xf32, #tpu.memory_space<hbm>>) target_semaphore(%run_scoped3A : memref<!tpu.dma_semaphore, #tpu.memory_space<semaphore_mem>>)
        %dma_wait3A_85 = arith.constant 0 : i32
        %dma_wait3A_86 = tpu.memref_slice %arg6[%mul3A_60, %dma_wait3A_85] : memref<335872x128xf32, #tpu.memory_space<hbm>> -> memref<128x128xf32, #tpu.memory_space<hbm>>
        %dma_wait3A_87 = arith.constant 0 : i32
        %dma_wait3A_88 = tpu.memref_slice %arg6[%mul3A_60, %dma_wait3A_87] : memref<335872x128xf32, #tpu.memory_space<hbm>> -> memref<128x128xf32, #tpu.memory_space<hbm>>
        tpu.wait_dma2 semaphore(%run_scoped3A : memref<!tpu.dma_semaphore, #tpu.memory_space<semaphore_mem>>) src(%arg10 : memref<128x128xf32, #tpu.memory_space<vmem>>) dst(%dma_wait3A_88 : memref<128x128xf32, #tpu.memory_space<hbm>>)
        tpu.yield
      }) : () -> ()
      %lt3A = arith.constant 40 : i32
      %lt3A_61 = arith.cmpi slt, %add3A_24, %lt3A : i32
      %convert_element_type3A = arith.extui %lt3A_61 : i1 to i32
      %cond3A = arith.constant 0 : i32
      %cond3A_62 = arith.cmpi ne, %convert_element_type3A, %cond3A : i32
      scf.if %cond3A_62 {
        %add3A_81 = arith.constant 2 : i32
        %add3A_82 = arith.addi %add3A_27, %add3A_81 : i32
        "tpu.region"() ({
          %run_scoped3A = tpu.sem_alloc : memref<!tpu.dma_semaphore, #tpu.memory_space<semaphore_mem>>
          %dma_start3A_97 = arith.constant 0 : i32
          %dma_start3A_98 = arith.constant 0 : i32
          %dma_start3A_99 = tpu.memref_slice %arg4[%add3A_82, %dma_start3A_97, %dma_start3A_98] : memref<2624x2x128xi32, #tpu.memory_space<hbm>> -> memref<1x2x128xi32, #tpu.memory_space<hbm>>
          %dma_start3A_100 = tpu.memref_squeeze %dma_start3A_99 : memref<1x2x128xi32, #tpu.memory_space<hbm>> -> memref<2x128xi32, #tpu.memory_space<hbm>>
          %dma_start3A_101 = arith.constant 0 : i32
          %dma_start3A_102 = arith.constant 0 : i32
          %dma_start3A_103 = tpu.memref_slice %arg4[%add3A_82, %dma_start3A_101, %dma_start3A_102] : memref<2624x2x128xi32, #tpu.memory_space<hbm>> -> memref<1x2x128xi32, #tpu.memory_space<hbm>>
          %dma_start3A_104 = tpu.memref_squeeze %dma_start3A_103 : memref<1x2x128xi32, #tpu.memory_space<hbm>> -> memref<2x128xi32, #tpu.memory_space<hbm>>
          tpu.enqueue_dma source(%dma_start3A_104 : memref<2x128xi32, #tpu.memory_space<hbm>>) target(%arg7 : memref<2x128xi32, #tpu.memory_space<vmem>>) target_semaphore(%run_scoped3A : memref<!tpu.dma_semaphore, #tpu.memory_space<semaphore_mem>>)
          %dma_wait3A_105 = arith.constant 0 : i32
          %dma_wait3A_106 = arith.constant 0 : i32
          %dma_wait3A_107 = tpu.memref_slice %arg4[%add3A_82, %dma_wait3A_105, %dma_wait3A_106] : memref<2624x2x128xi32, #tpu.memory_space<hbm>> -> memref<1x2x128xi32, #tpu.memory_space<hbm>>
          %dma_wait3A_108 = tpu.memref_squeeze %dma_wait3A_107 : memref<1x2x128xi32, #tpu.memory_space<hbm>> -> memref<2x128xi32, #tpu.memory_space<hbm>>
          %dma_wait3A_109 = arith.constant 0 : i32
          %dma_wait3A_110 = arith.constant 0 : i32
          %dma_wait3A_111 = tpu.memref_slice %arg4[%add3A_82, %dma_wait3A_109, %dma_wait3A_110] : memref<2624x2x128xi32, #tpu.memory_space<hbm>> -> memref<1x2x128xi32, #tpu.memory_space<hbm>>
          %dma_wait3A_112 = tpu.memref_squeeze %dma_wait3A_111 : memref<1x2x128xi32, #tpu.memory_space<hbm>> -> memref<2x128xi32, #tpu.memory_space<hbm>>
          tpu.wait_dma2 semaphore(%run_scoped3A : memref<!tpu.dma_semaphore, #tpu.memory_space<semaphore_mem>>) src(%dma_wait3A_112 : memref<2x128xi32, #tpu.memory_space<hbm>>) dst(%arg7 : memref<2x128xi32, #tpu.memory_space<vmem>>)
          tpu.yield
        }) : () -> ()
        %dma_start3A_83 = arith.constant 0 : i32
        %dma_start3A_84 = arith.constant 0 : i32
        %dma_start3A_85 = tpu.memref_slice %arg7[%dma_start3A_83, %dma_start3A_84] : memref<2x128xi32, #tpu.memory_space<vmem>> -> memref<1x128xi32, #tpu.memory_space<vmem>>
        %dma_start3A_86 = tpu.memref_squeeze %dma_start3A_85 : memref<1x128xi32, #tpu.memory_space<vmem>> -> memref<128xi32, #tpu.memory_space<vmem>>
        %dma_start3A_87 = arith.constant 0 : i32
        %dma_start3A_88 = arith.constant 0 : i32
        %dma_start3A_89 = tpu.memref_slice %arg2[%dma_start3A_87, %dma_start3A_88] : memref<10240x128xf32, #tpu.memory_space<hbm>> -> memref<10240x128xf32, #tpu.memory_space<hbm>>
        tpu.enqueue_indirect_dma source(%dma_start3A_89 : memref<10240x128xf32, #tpu.memory_space<hbm>>) target(%arg9 : memref<128x128xf32, #tpu.memory_space<vmem>>) offsets(%dma_start3A_86 : memref<128xi32, #tpu.memory_space<vmem>>) semaphore(%arg13 : memref<!tpu.dma_semaphore, #tpu.memory_space<semaphore_mem>>)
        %dma_start3A_90 = arith.constant 1 : i32
        %dma_start3A_91 = arith.constant 0 : i32
        %dma_start3A_92 = tpu.memref_slice %arg7[%dma_start3A_90, %dma_start3A_91] : memref<2x128xi32, #tpu.memory_space<vmem>> -> memref<1x128xi32, #tpu.memory_space<vmem>>
        %dma_start3A_93 = tpu.memref_squeeze %dma_start3A_92 : memref<1x128xi32, #tpu.memory_space<vmem>> -> memref<128xi32, #tpu.memory_space<vmem>>
        %dma_start3A_94 = arith.constant 0 : i32
        %dma_start3A_95 = arith.constant 0 : i32
        %dma_start3A_96 = tpu.memref_slice %arg3[%dma_start3A_94, %dma_start3A_95] : memref<10240x128xf32, #tpu.memory_space<hbm>> -> memref<10240x128xf32, #tpu.memory_space<hbm>>
        tpu.enqueue_indirect_dma source(%dma_start3A_96 : memref<10240x128xf32, #tpu.memory_space<hbm>>) target(%arg10 : memref<128x128xf32, #tpu.memory_space<vmem>>) offsets(%dma_start3A_93 : memref<128xi32, #tpu.memory_space<vmem>>) semaphore(%arg14 : memref<!tpu.dma_semaphore, #tpu.memory_space<semaphore_mem>>)
      } else {
      }
      %dma_wait3A_63 = arith.constant 0 : i32
      %dma_wait3A_64 = arith.constant 0 : i32
      %dma_wait3A_65 = tpu.memref_slice %arg8[%dma_wait3A_63, %dma_wait3A_64] : memref<2x128xi32, #tpu.memory_space<vmem>> -> memref<1x128xi32, #tpu.memory_space<vmem>>
      %dma_wait3A_66 = tpu.memref_squeeze %dma_wait3A_65 : memref<1x128xi32, #tpu.memory_space<vmem>> -> memref<128xi32, #tpu.memory_space<vmem>>
      %dma_wait3A_67 = arith.constant 0 : i32
      %dma_wait3A_68 = arith.constant 0 : i32
      %dma_wait3A_69 = tpu.memref_slice %arg2[%dma_wait3A_67, %dma_wait3A_68] : memref<10240x128xf32, #tpu.memory_space<hbm>> -> memref<10240x128xf32, #tpu.memory_space<hbm>>
      tpu.wait_indirect_dma semaphore(%arg15 : memref<!tpu.dma_semaphore, #tpu.memory_space<semaphore_mem>>) src(%dma_wait3A_69 : memref<10240x128xf32, #tpu.memory_space<hbm>>) dst(%arg11 : memref<128x128xf32, #tpu.memory_space<vmem>>)
      %dma_wait3A_70 = arith.constant 1 : i32
      %dma_wait3A_71 = arith.constant 0 : i32
      %dma_wait3A_72 = tpu.memref_slice %arg8[%dma_wait3A_70, %dma_wait3A_71] : memref<2x128xi32, #tpu.memory_space<vmem>> -> memref<1x128xi32, #tpu.memory_space<vmem>>
      %dma_wait3A_73 = tpu.memref_squeeze %dma_wait3A_72 : memref<1x128xi32, #tpu.memory_space<vmem>> -> memref<128xi32, #tpu.memory_space<vmem>>
      %dma_wait3A_74 = arith.constant 0 : i32
      %dma_wait3A_75 = arith.constant 0 : i32
      %dma_wait3A_76 = tpu.memref_slice %arg3[%dma_wait3A_74, %dma_wait3A_75] : memref<10240x128xf32, #tpu.memory_space<hbm>> -> memref<10240x128xf32, #tpu.memory_space<hbm>>
      tpu.wait_indirect_dma semaphore(%arg16 : memref<!tpu.dma_semaphore, #tpu.memory_space<semaphore_mem>>) src(%dma_wait3A_76 : memref<10240x128xf32, #tpu.memory_space<hbm>>) dst(%arg12 : memref<128x128xf32, #tpu.memory_space<vmem>>)
      %mul3A_77 = arith.constant 128 : i32
      %mul3A_78 = arith.muli %add3A_29, %mul3A_77 : i32
      "tpu.region"() ({
        %run_scoped3A = tpu.sem_alloc : memref<!tpu.dma_semaphore, #tpu.memory_space<semaphore_mem>>
        %dma_start3A_81 = arith.constant 0 : i32
        %dma_start3A_82 = tpu.memref_slice %arg5[%mul3A_78, %dma_start3A_81] : memref<335872x128xf32, #tpu.memory_space<hbm>> -> memref<128x128xf32, #tpu.memory_space<hbm>>
        %dma_start3A_83 = arith.constant 0 : i32
        %dma_start3A_84 = tpu.memref_slice %arg5[%mul3A_78, %dma_start3A_83] : memref<335872x128xf32, #tpu.memory_space<hbm>> -> memref<128x128xf32, #tpu.memory_space<hbm>>
        tpu.enqueue_dma source(%arg11 : memref<128x128xf32, #tpu.memory_space<vmem>>) target(%dma_start3A_84 : memref<128x128xf32, #tpu.memory_space<hbm>>) target_semaphore(%run_scoped3A : memref<!tpu.dma_semaphore, #tpu.memory_space<semaphore_mem>>)
        %dma_wait3A_85 = arith.constant 0 : i32
        %dma_wait3A_86 = tpu.memref_slice %arg5[%mul3A_78, %dma_wait3A_85] : memref<335872x128xf32, #tpu.memory_space<hbm>> -> memref<128x128xf32, #tpu.memory_space<hbm>>
        %dma_wait3A_87 = arith.constant 0 : i32
        %dma_wait3A_88 = tpu.memref_slice %arg5[%mul3A_78, %dma_wait3A_87] : memref<335872x128xf32, #tpu.memory_space<hbm>> -> memref<128x128xf32, #tpu.memory_space<hbm>>
        tpu.wait_dma2 semaphore(%run_scoped3A : memref<!tpu.dma_semaphore, #tpu.memory_space<semaphore_mem>>) src(%arg11 : memref<128x128xf32, #tpu.memory_space<vmem>>) dst(%dma_wait3A_88 : memref<128x128xf32, #tpu.memory_space<hbm>>)
        tpu.yield
      }) : () -> ()
      %mul3A_79 = arith.constant 128 : i32
      %mul3A_80 = arith.muli %add3A_29, %mul3A_79 : i32
      "tpu.region"() ({
        %run_scoped3A = tpu.sem_alloc : memref<!tpu.dma_semaphore, #tpu.memory_space<semaphore_mem>>
        %dma_start3A_81 = arith.constant 0 : i32
        %dma_start3A_82 = tpu.memref_slice %arg6[%mul3A_80, %dma_start3A_81] : memref<335872x128xf32, #tpu.memory_space<hbm>> -> memref<128x128xf32, #tpu.memory_space<hbm>>
        %dma_start3A_83 = arith.constant 0 : i32
        %dma_start3A_84 = tpu.memref_slice %arg6[%mul3A_80, %dma_start3A_83] : memref<335872x128xf32, #tpu.memory_space<hbm>> -> memref<128x128xf32, #tpu.memory_space<hbm>>
        tpu.enqueue_dma source(%arg12 : memref<128x128xf32, #tpu.memory_space<vmem>>) target(%dma_start3A_84 : memref<128x128xf32, #tpu.memory_space<hbm>>) target_semaphore(%run_scoped3A : memref<!tpu.dma_semaphore, #tpu.memory_space<semaphore_mem>>)
        %dma_wait3A_85 = arith.constant 0 : i32
        %dma_wait3A_86 = tpu.memref_slice %arg6[%mul3A_80, %dma_wait3A_85] : memref<335872x128xf32, #tpu.memory_space<hbm>> -> memref<128x128xf32, #tpu.memory_space<hbm>>
        %dma_wait3A_87 = arith.constant 0 : i32
        %dma_wait3A_88 = tpu.memref_slice %arg6[%mul3A_80, %dma_wait3A_87] : memref<335872x128xf32, #tpu.memory_space<hbm>> -> memref<128x128xf32, #tpu.memory_space<hbm>>
        tpu.wait_dma2 semaphore(%run_scoped3A : memref<!tpu.dma_semaphore, #tpu.memory_space<semaphore_mem>>) src(%arg12 : memref<128x128xf32, #tpu.memory_space<vmem>>) dst(%dma_wait3A_88 : memref<128x128xf32, #tpu.memory_space<hbm>>)
        tpu.yield
      }) : () -> ()
    }
    %scan3A_19 = arith.constant 41 : i32
    return
  }
}

#map = affine_map<(d0, d1) -> (0)>
#map1 = affine_map<(d0, d1) -> (0, 0)>
module attributes {stable_mosaic.version = 14 : i64} {
  func.func @k(%arg0: i32, %arg1: i32, %arg2: memref<1343488xf32, #tpu.memory_space<hbm>>, %arg3: memref<335872xi32, #tpu.memory_space<hbm>>, %arg4: memref<32x40960xf32, #tpu.memory_space<hbm>>, %arg5: memref<40960xf32, #tpu.memory_space<vmem>>, %arg6: memref<10496xi32, #tpu.memory_space<vmem>>, %arg7: memref<41984xf32, #tpu.memory_space<vmem>>, %arg8: memref<!tpu.dma_semaphore, #tpu.memory_space<semaphore_mem>>) attributes {dimension_semantics = [#tpu.dimension_semantics<core_parallel>, #tpu.dimension_semantics<subcore_parallel>], iteration_bounds = array<i64: 2, 16>, scalar_prefetch = 0 : i64, scratch_operands = 4 : i64, tpu.core_type = #tpu.core_type<sc_vector_subcore>, window_params = [{transform_indices = #map}, {transform_indices = #map}, {transform_indices = #map1}]} {
    %mul3A = arith.constant 2 : i32
    %mul3A_0 = arith.muli %arg1, %mul3A : i32
    %add3A = arith.addi %mul3A_0, %arg0 : i32
    %mul3A_1 = arith.constant 10496 : i32
    %mul3A_2 = arith.muli %add3A, %mul3A_1 : i32
    %dma_start3A = tpu.memref_slice %arg3[%mul3A_2] : memref<335872xi32, #tpu.memory_space<hbm>> -> memref<10496xi32, #tpu.memory_space<hbm>>
    %dma_start3A_3 = tpu.memref_slice %arg3[%mul3A_2] : memref<335872xi32, #tpu.memory_space<hbm>> -> memref<10496xi32, #tpu.memory_space<hbm>>
    tpu.enqueue_dma source(%dma_start3A_3 : memref<10496xi32, #tpu.memory_space<hbm>>) target(%arg6 : memref<10496xi32, #tpu.memory_space<vmem>>) target_semaphore(%arg8 : memref<!tpu.dma_semaphore, #tpu.memory_space<semaphore_mem>>)
    %mul3A_4 = arith.constant 4 : i32
    %mul3A_5 = arith.muli %mul3A_2, %mul3A_4 : i32
    %dma_start3A_6 = tpu.memref_slice %arg2[%mul3A_5] : memref<1343488xf32, #tpu.memory_space<hbm>> -> memref<41984xf32, #tpu.memory_space<hbm>>
    %dma_start3A_7 = tpu.memref_slice %arg2[%mul3A_5] : memref<1343488xf32, #tpu.memory_space<hbm>> -> memref<41984xf32, #tpu.memory_space<hbm>>
    tpu.enqueue_dma source(%dma_start3A_7 : memref<41984xf32, #tpu.memory_space<hbm>>) target(%arg7 : memref<41984xf32, #tpu.memory_space<vmem>>) target_semaphore(%arg8 : memref<!tpu.dma_semaphore, #tpu.memory_space<semaphore_mem>>)
    %scan3A = arith.constant 0 : i32
    %scan3A_8 = arith.constant 2560 : i32
    %scan3A_9 = arith.addi %scan3A, %scan3A_8 : i32
    %scan3A_10 = arith.constant 1 : i32
    scf.for %scan3A_47 = %scan3A to %scan3A_9 step %scan3A_10  : i32 {
      %mul3A_48 = arith.constant 16 : i32
      %mul3A_49 = arith.muli %scan3A_47, %mul3A_48 : i32
      %add3A_50 = arith.constant 0 : i32
      %add3A_51 = arith.addi %add3A_50, %mul3A_49 : i32
      %broadcast_in_dim3A = arith.constant 0.000000e+00 : f32
      %broadcast_in_dim3A_52 = vector.broadcast %broadcast_in_dim3A : f32 to vector<16xf32>
      %swap3A = arith.index_cast %add3A_51 : i32 to index
      %swap3A_53 = tpu.vector_load %arg5[%swap3A] {strides = array<i32>} : memref<40960xf32, #tpu.memory_space<vmem>>, vector<16xf32>,
      tpu.vector_store %arg5[%swap3A], %broadcast_in_dim3A_52 {strides = array<i32>} : memref<40960xf32, #tpu.memory_space<vmem>>, vector<16xf32>,
    }
    %scan3A_11 = arith.constant 2560 : i32
    %dma_wait3A = tpu.memref_slice %arg3[%mul3A_2] : memref<335872xi32, #tpu.memory_space<hbm>> -> memref<10496xi32, #tpu.memory_space<hbm>>
    %dma_wait3A_12 = tpu.memref_slice %arg3[%mul3A_2] : memref<335872xi32, #tpu.memory_space<hbm>> -> memref<10496xi32, #tpu.memory_space<hbm>>
    tpu.wait_dma2 semaphore(%arg8 : memref<!tpu.dma_semaphore, #tpu.memory_space<semaphore_mem>>) src(%dma_wait3A_12 : memref<10496xi32, #tpu.memory_space<hbm>>) dst(%arg6 : memref<10496xi32, #tpu.memory_space<vmem>>)
    %dma_wait3A_13 = tpu.memref_slice %arg2[%mul3A_5] : memref<1343488xf32, #tpu.memory_space<hbm>> -> memref<41984xf32, #tpu.memory_space<hbm>>
    %dma_wait3A_14 = tpu.memref_slice %arg2[%mul3A_5] : memref<1343488xf32, #tpu.memory_space<hbm>> -> memref<41984xf32, #tpu.memory_space<hbm>>
    tpu.wait_dma2 semaphore(%arg8 : memref<!tpu.dma_semaphore, #tpu.memory_space<semaphore_mem>>) src(%dma_wait3A_14 : memref<41984xf32, #tpu.memory_space<hbm>>) dst(%arg7 : memref<41984xf32, #tpu.memory_space<vmem>>)
    %iota3A = tpu.iota {dimensions = array<i32: 0>} : vector<16xi32>
    %jit3A = arith.constant 4 : i32
    %div3A = vector.broadcast %jit3A : i32 to vector<16xi32>
    %div3A_15 = arith.divsi %iota3A, %div3A : vector<16xi32>
    %sign3A = arith.constant 0 : i32
    %sign3A_16 = vector.broadcast %sign3A : i32 to vector<16xi32>
    %sign3A_17 = arith.cmpi sgt, %iota3A, %sign3A_16 : vector<16xi32>
    %sign3A_18 = arith.extui %sign3A_17 : vector<16xi1> to vector<16xi32>
    %sign3A_19 = arith.constant 0 : i32
    %sign3A_20 = vector.broadcast %sign3A_19 : i32 to vector<16xi32>
    %sign3A_21 = arith.cmpi slt, %iota3A, %sign3A_20 : vector<16xi32>
    %sign3A_22 = arith.extui %sign3A_21 : vector<16xi1> to vector<16xi32>
    %sign3A_23 = arith.subi %sign3A_18, %sign3A_22 : vector<16xi32>
    %sign3A_24 = arith.constant 0 : i32
    %sign3A_25 = arith.cmpi sgt, %jit3A, %sign3A_24 : i32
    %sign3A_26 = arith.extui %sign3A_25 : i1 to i32
    %sign3A_27 = arith.constant 0 : i32
    %sign3A_28 = arith.cmpi slt, %jit3A, %sign3A_27 : i32
    %sign3A_29 = arith.extui %sign3A_28 : i1 to i32
    %sign3A_30 = arith.subi %sign3A_26, %sign3A_29 : i32
    %ne3A = vector.broadcast %sign3A_30 : i32 to vector<16xi32>
    %ne3A_31 = arith.cmpi ne, %sign3A_23, %ne3A : vector<16xi32>
    %rem3A = vector.broadcast %jit3A : i32 to vector<16xi32>
    %rem3A_32 = arith.remsi %iota3A, %rem3A : vector<16xi32>
    %ne3A_33 = arith.constant 0 : i32
    %ne3A_34 = vector.broadcast %ne3A_33 : i32 to vector<16xi32>
    %ne3A_35 = arith.cmpi ne, %rem3A_32, %ne3A_34 : vector<16xi32>
    %and3A = arith.andi %ne3A_31, %ne3A_35 : vector<16xi1>
    %sub3A = arith.constant 1 : i32
    %sub3A_36 = vector.broadcast %sub3A : i32 to vector<16xi32>
    %sub3A_37 = arith.subi %div3A_15, %sub3A_36 : vector<16xi32>
    %select_n3A = arith.select %and3A, %sub3A_37, %div3A_15 : vector<16xi1>, vector<16xi32>
    %mul3A_38 = arith.constant 4 : i32
    %mul3A_39 = vector.broadcast %mul3A_38 : i32 to vector<16xi32>
    %mul3A_40 = arith.muli %select_n3A, %mul3A_39 : vector<16xi32>
    %sub3A_41 = arith.subi %iota3A, %mul3A_40 : vector<16xi32>
    %scan3A_42 = arith.constant 0 : i32
    %scan3A_43 = arith.constant 2624 : i32
    %scan3A_44 = arith.addi %scan3A_42, %scan3A_43 : i32
    %scan3A_45 = arith.constant 1 : i32
    scf.for %scan3A_47 = %scan3A_42 to %scan3A_44 step %scan3A_45  : i32 {
      %mul3A_48 = arith.constant 1 : i32
      %mul3A_49 = arith.muli %scan3A_47, %mul3A_48 : i32
      %add3A_50 = arith.constant 0 : i32
      %add3A_51 = arith.addi %add3A_50, %mul3A_49 : i32
      %mul3A_52 = arith.constant 4 : i32
      %mul3A_53 = arith.muli %add3A_51, %mul3A_52 : i32
      %add3A_54 = vector.broadcast %mul3A_53 : i32 to vector<16xi32>
      %add3A_55 = arith.addi %add3A_54, %select_n3A : vector<16xi32>
      %gather3A = tpu.vector_load_idx %arg6[%add3A_55] : memref<10496xi32, #tpu.memory_space<vmem>>[vector<16xi32>], vector<16xi32>,
      %mul3A_56 = arith.constant 4 : i32
      %mul3A_57 = vector.broadcast %mul3A_56 : i32 to vector<16xi32>
      %mul3A_58 = arith.muli %gather3A, %mul3A_57 : vector<16xi32>
      %add3A_59 = arith.addi %mul3A_58, %sub3A_41 : vector<16xi32>
      %mul3A_60 = arith.constant 16 : i32
      %mul3A_61 = arith.muli %add3A_51, %mul3A_60 : i32
      %get3A = arith.index_cast %mul3A_61 : i32 to index
      %get3A_62 = tpu.vector_load %arg7[%get3A] {strides = array<i32>} : memref<41984xf32, #tpu.memory_space<vmem>>, vector<16xf32>,
      tpu.vector_store_idx %arg5[%add3A_59], %get3A_62 {add = true} : memref<40960xf32, #tpu.memory_space<vmem>>[vector<16xi32>], vector<16xf32>,
    }
    %scan3A_46 = arith.constant 2624 : i32
    "tpu.region"() ({
      %run_scoped3A = tpu.sem_alloc : memref<!tpu.dma_semaphore, #tpu.memory_space<semaphore_mem>>
      %dma_start3A_47 = arith.constant 0 : i32
      %dma_start3A_48 = tpu.memref_slice %arg4[%add3A, %dma_start3A_47] : memref<32x40960xf32, #tpu.memory_space<hbm>> -> memref<1x40960xf32, #tpu.memory_space<hbm>>
      %dma_start3A_49 = tpu.memref_squeeze %dma_start3A_48 : memref<1x40960xf32, #tpu.memory_space<hbm>> -> memref<40960xf32, #tpu.memory_space<hbm>>
      %dma_start3A_50 = arith.constant 0 : i32
      %dma_start3A_51 = tpu.memref_slice %arg4[%add3A, %dma_start3A_50] : memref<32x40960xf32, #tpu.memory_space<hbm>> -> memref<1x40960xf32, #tpu.memory_space<hbm>>
      %dma_start3A_52 = tpu.memref_squeeze %dma_start3A_51 : memref<1x40960xf32, #tpu.memory_space<hbm>> -> memref<40960xf32, #tpu.memory_space<hbm>>
      tpu.enqueue_dma source(%arg5 : memref<40960xf32, #tpu.memory_space<vmem>>) target(%dma_start3A_52 : memref<40960xf32, #tpu.memory_space<hbm>>) target_semaphore(%run_scoped3A : memref<!tpu.dma_semaphore, #tpu.memory_space<semaphore_mem>>)
      %dma_wait3A_53 = arith.constant 0 : i32
      %dma_wait3A_54 = tpu.memref_slice %arg4[%add3A, %dma_wait3A_53] : memref<32x40960xf32, #tpu.memory_space<hbm>> -> memref<1x40960xf32, #tpu.memory_space<hbm>>
      %dma_wait3A_55 = tpu.memref_squeeze %dma_wait3A_54 : memref<1x40960xf32, #tpu.memory_space<hbm>> -> memref<40960xf32, #tpu.memory_space<hbm>>
      %dma_wait3A_56 = arith.constant 0 : i32
      %dma_wait3A_57 = tpu.memref_slice %arg4[%add3A, %dma_wait3A_56] : memref<32x40960xf32, #tpu.memory_space<hbm>> -> memref<1x40960xf32, #tpu.memory_space<hbm>>
      %dma_wait3A_58 = tpu.memref_squeeze %dma_wait3A_57 : memref<1x40960xf32, #tpu.memory_space<hbm>> -> memref<40960xf32, #tpu.memory_space<hbm>>
      tpu.wait_dma2 semaphore(%run_scoped3A : memref<!tpu.dma_semaphore, #tpu.memory_space<semaphore_mem>>) src(%arg5 : memref<40960xf32, #tpu.memory_space<vmem>>) dst(%dma_wait3A_58 : memref<40960xf32, #tpu.memory_space<hbm>>)
      tpu.yield
    }) : () -> ()
    return
  }
}

#map = affine_map<(d0, d1) -> (0)>
#map1 = affine_map<(d0, d1) -> (0, 0)>
module attributes {stable_mosaic.version = 14 : i64} {
  func.func @k(%arg0: i32, %arg1: i32, %arg2: memref<1343488xf32, #tpu.memory_space<hbm>>, %arg3: memref<335872xi32, #tpu.memory_space<hbm>>, %arg4: memref<1x40960xf32, #tpu.memory_space<hbm>>, %arg5: memref<1343488xf32, #tpu.memory_space<hbm>>, %arg6: memref<40960xf32, #tpu.memory_space<vmem>>, %arg7: memref<10496xi32, #tpu.memory_space<vmem>>, %arg8: memref<41984xf32, #tpu.memory_space<vmem>>, %arg9: memref<!tpu.dma_semaphore, #tpu.memory_space<semaphore_mem>>) attributes {dimension_semantics = [#tpu.dimension_semantics<core_parallel>, #tpu.dimension_semantics<subcore_parallel>], iteration_bounds = array<i64: 2, 16>, scalar_prefetch = 0 : i64, scratch_operands = 4 : i64, tpu.core_type = #tpu.core_type<sc_vector_subcore>, window_params = [{transform_indices = #map}, {transform_indices = #map}, {transform_indices = #map1}, {transform_indices = #map}]} {
    %mul3A = arith.constant 2 : i32
    %mul3A_0 = arith.muli %arg1, %mul3A : i32
    %add3A = arith.addi %mul3A_0, %arg0 : i32
    %mul3A_1 = arith.constant 10496 : i32
    %mul3A_2 = arith.muli %add3A, %mul3A_1 : i32
    %dma_start3A = tpu.memref_slice %arg3[%mul3A_2] : memref<335872xi32, #tpu.memory_space<hbm>> -> memref<10496xi32, #tpu.memory_space<hbm>>
    %dma_start3A_3 = tpu.memref_slice %arg3[%mul3A_2] : memref<335872xi32, #tpu.memory_space<hbm>> -> memref<10496xi32, #tpu.memory_space<hbm>>
    tpu.enqueue_dma source(%dma_start3A_3 : memref<10496xi32, #tpu.memory_space<hbm>>) target(%arg7 : memref<10496xi32, #tpu.memory_space<vmem>>) target_semaphore(%arg9 : memref<!tpu.dma_semaphore, #tpu.memory_space<semaphore_mem>>)
    %mul3A_4 = arith.constant 4 : i32
    %mul3A_5 = arith.muli %mul3A_2, %mul3A_4 : i32
    %dma_start3A_6 = tpu.memref_slice %arg2[%mul3A_5] : memref<1343488xf32, #tpu.memory_space<hbm>> -> memref<41984xf32, #tpu.memory_space<hbm>>
    %dma_start3A_7 = tpu.memref_slice %arg2[%mul3A_5] : memref<1343488xf32, #tpu.memory_space<hbm>> -> memref<41984xf32, #tpu.memory_space<hbm>>
    tpu.enqueue_dma source(%dma_start3A_7 : memref<41984xf32, #tpu.memory_space<hbm>>) target(%arg8 : memref<41984xf32, #tpu.memory_space<vmem>>) target_semaphore(%arg9 : memref<!tpu.dma_semaphore, #tpu.memory_space<semaphore_mem>>)
    %run_scoped3A = arith.constant 0 : i32
    "tpu.region"() ({
      %run_scoped3A_44 = tpu.sem_alloc : memref<!tpu.dma_semaphore, #tpu.memory_space<semaphore_mem>>
      %dma_start3A_45 = arith.constant 0 : i32
      %dma_start3A_46 = tpu.memref_slice %arg4[%run_scoped3A, %dma_start3A_45] : memref<1x40960xf32, #tpu.memory_space<hbm>> -> memref<1x40960xf32, #tpu.memory_space<hbm>>
      %dma_start3A_47 = tpu.memref_squeeze %dma_start3A_46 : memref<1x40960xf32, #tpu.memory_space<hbm>> -> memref<40960xf32, #tpu.memory_space<hbm>>
      %dma_start3A_48 = arith.constant 0 : i32
      %dma_start3A_49 = tpu.memref_slice %arg4[%run_scoped3A, %dma_start3A_48] : memref<1x40960xf32, #tpu.memory_space<hbm>> -> memref<1x40960xf32, #tpu.memory_space<hbm>>
      %dma_start3A_50 = tpu.memref_squeeze %dma_start3A_49 : memref<1x40960xf32, #tpu.memory_space<hbm>> -> memref<40960xf32, #tpu.memory_space<hbm>>
      tpu.enqueue_dma source(%dma_start3A_50 : memref<40960xf32, #tpu.memory_space<hbm>>) target(%arg6 : memref<40960xf32, #tpu.memory_space<vmem>>) target_semaphore(%run_scoped3A_44 : memref<!tpu.dma_semaphore, #tpu.memory_space<semaphore_mem>>)
      %dma_wait3A_51 = arith.constant 0 : i32
      %dma_wait3A_52 = tpu.memref_slice %arg4[%run_scoped3A, %dma_wait3A_51] : memref<1x40960xf32, #tpu.memory_space<hbm>> -> memref<1x40960xf32, #tpu.memory_space<hbm>>
      %dma_wait3A_53 = tpu.memref_squeeze %dma_wait3A_52 : memref<1x40960xf32, #tpu.memory_space<hbm>> -> memref<40960xf32, #tpu.memory_space<hbm>>
      %dma_wait3A_54 = arith.constant 0 : i32
      %dma_wait3A_55 = tpu.memref_slice %arg4[%run_scoped3A, %dma_wait3A_54] : memref<1x40960xf32, #tpu.memory_space<hbm>> -> memref<1x40960xf32, #tpu.memory_space<hbm>>
      %dma_wait3A_56 = tpu.memref_squeeze %dma_wait3A_55 : memref<1x40960xf32, #tpu.memory_space<hbm>> -> memref<40960xf32, #tpu.memory_space<hbm>>
      tpu.wait_dma2 semaphore(%run_scoped3A_44 : memref<!tpu.dma_semaphore, #tpu.memory_space<semaphore_mem>>) src(%dma_wait3A_56 : memref<40960xf32, #tpu.memory_space<hbm>>) dst(%arg6 : memref<40960xf32, #tpu.memory_space<vmem>>)
      tpu.yield
    }) : () -> ()
    %dma_wait3A = tpu.memref_slice %arg3[%mul3A_2] : memref<335872xi32, #tpu.memory_space<hbm>> -> memref<10496xi32, #tpu.memory_space<hbm>>
    %dma_wait3A_8 = tpu.memref_slice %arg3[%mul3A_2] : memref<335872xi32, #tpu.memory_space<hbm>> -> memref<10496xi32, #tpu.memory_space<hbm>>
    tpu.wait_dma2 semaphore(%arg9 : memref<!tpu.dma_semaphore, #tpu.memory_space<semaphore_mem>>) src(%dma_wait3A_8 : memref<10496xi32, #tpu.memory_space<hbm>>) dst(%arg7 : memref<10496xi32, #tpu.memory_space<vmem>>)
    %dma_wait3A_9 = tpu.memref_slice %arg2[%mul3A_5] : memref<1343488xf32, #tpu.memory_space<hbm>> -> memref<41984xf32, #tpu.memory_space<hbm>>
    %dma_wait3A_10 = tpu.memref_slice %arg2[%mul3A_5] : memref<1343488xf32, #tpu.memory_space<hbm>> -> memref<41984xf32, #tpu.memory_space<hbm>>
    tpu.wait_dma2 semaphore(%arg9 : memref<!tpu.dma_semaphore, #tpu.memory_space<semaphore_mem>>) src(%dma_wait3A_10 : memref<41984xf32, #tpu.memory_space<hbm>>) dst(%arg8 : memref<41984xf32, #tpu.memory_space<vmem>>)
    %iota3A = tpu.iota {dimensions = array<i32: 0>} : vector<16xi32>
    %jit3A = arith.constant 4 : i32
    %div3A = vector.broadcast %jit3A : i32 to vector<16xi32>
    %div3A_11 = arith.divsi %iota3A, %div3A : vector<16xi32>
    %sign3A = arith.constant 0 : i32
    %sign3A_12 = vector.broadcast %sign3A : i32 to vector<16xi32>
    %sign3A_13 = arith.cmpi sgt, %iota3A, %sign3A_12 : vector<16xi32>
    %sign3A_14 = arith.extui %sign3A_13 : vector<16xi1> to vector<16xi32>
    %sign3A_15 = arith.constant 0 : i32
    %sign3A_16 = vector.broadcast %sign3A_15 : i32 to vector<16xi32>
    %sign3A_17 = arith.cmpi slt, %iota3A, %sign3A_16 : vector<16xi32>
    %sign3A_18 = arith.extui %sign3A_17 : vector<16xi1> to vector<16xi32>
    %sign3A_19 = arith.subi %sign3A_14, %sign3A_18 : vector<16xi32>
    %sign3A_20 = arith.constant 0 : i32
    %sign3A_21 = arith.cmpi sgt, %jit3A, %sign3A_20 : i32
    %sign3A_22 = arith.extui %sign3A_21 : i1 to i32
    %sign3A_23 = arith.constant 0 : i32
    %sign3A_24 = arith.cmpi slt, %jit3A, %sign3A_23 : i32
    %sign3A_25 = arith.extui %sign3A_24 : i1 to i32
    %sign3A_26 = arith.subi %sign3A_22, %sign3A_25 : i32
    %ne3A = vector.broadcast %sign3A_26 : i32 to vector<16xi32>
    %ne3A_27 = arith.cmpi ne, %sign3A_19, %ne3A : vector<16xi32>
    %rem3A = vector.broadcast %jit3A : i32 to vector<16xi32>
    %rem3A_28 = arith.remsi %iota3A, %rem3A : vector<16xi32>
    %ne3A_29 = arith.constant 0 : i32
    %ne3A_30 = vector.broadcast %ne3A_29 : i32 to vector<16xi32>
    %ne3A_31 = arith.cmpi ne, %rem3A_28, %ne3A_30 : vector<16xi32>
    %and3A = arith.andi %ne3A_27, %ne3A_31 : vector<16xi1>
    %sub3A = arith.constant 1 : i32
    %sub3A_32 = vector.broadcast %sub3A : i32 to vector<16xi32>
    %sub3A_33 = arith.subi %div3A_11, %sub3A_32 : vector<16xi32>
    %select_n3A = arith.select %and3A, %sub3A_33, %div3A_11 : vector<16xi1>, vector<16xi32>
    %mul3A_34 = arith.constant 4 : i32
    %mul3A_35 = vector.broadcast %mul3A_34 : i32 to vector<16xi32>
    %mul3A_36 = arith.muli %select_n3A, %mul3A_35 : vector<16xi32>
    %sub3A_37 = arith.subi %iota3A, %mul3A_36 : vector<16xi32>
    %scan3A = arith.constant 0 : i32
    %scan3A_38 = arith.constant 2624 : i32
    %scan3A_39 = arith.addi %scan3A, %scan3A_38 : i32
    %scan3A_40 = arith.constant 1 : i32
    scf.for %scan3A_44 = %scan3A to %scan3A_39 step %scan3A_40  : i32 {
      %mul3A_45 = arith.constant 1 : i32
      %mul3A_46 = arith.muli %scan3A_44, %mul3A_45 : i32
      %add3A_47 = arith.constant 0 : i32
      %add3A_48 = arith.addi %add3A_47, %mul3A_46 : i32
      %mul3A_49 = arith.constant 4 : i32
      %mul3A_50 = arith.muli %add3A_48, %mul3A_49 : i32
      %add3A_51 = vector.broadcast %mul3A_50 : i32 to vector<16xi32>
      %add3A_52 = arith.addi %add3A_51, %select_n3A : vector<16xi32>
      %gather3A = tpu.vector_load_idx %arg7[%add3A_52] : memref<10496xi32, #tpu.memory_space<vmem>>[vector<16xi32>], vector<16xi32>,
      %mul3A_53 = arith.constant 4 : i32
      %mul3A_54 = vector.broadcast %mul3A_53 : i32 to vector<16xi32>
      %mul3A_55 = arith.muli %gather3A, %mul3A_54 : vector<16xi32>
      %add3A_56 = arith.addi %mul3A_55, %sub3A_37 : vector<16xi32>
      %gather3A_57 = tpu.vector_load_idx %arg6[%add3A_56] : memref<40960xf32, #tpu.memory_space<vmem>>[vector<16xi32>], vector<16xf32>,
      %mul3A_58 = arith.constant 16 : i32
      %mul3A_59 = arith.muli %add3A_48, %mul3A_58 : i32
      %get3A = arith.index_cast %mul3A_59 : i32 to index
      %get3A_60 = tpu.vector_load %arg8[%get3A] {strides = array<i32>} : memref<41984xf32, #tpu.memory_space<vmem>>, vector<16xf32>,
      %add3A_61 = arith.constant 1.000000e-16 : f32
      %add3A_62 = vector.broadcast %add3A_61 : f32 to vector<16xf32>
      %add3A_63 = arith.addf %gather3A_57, %add3A_62 : vector<16xf32>
      %div3A_64 = arith.divf %get3A_60, %add3A_63 : vector<16xf32>
      %mul3A_65 = arith.constant 16 : i32
      %mul3A_66 = arith.muli %add3A_48, %mul3A_65 : i32
      %swap3A = arith.index_cast %mul3A_66 : i32 to index
      %swap3A_67 = tpu.vector_load %arg8[%swap3A] {strides = array<i32>} : memref<41984xf32, #tpu.memory_space<vmem>>, vector<16xf32>,
      tpu.vector_store %arg8[%swap3A], %div3A_64 {strides = array<i32>} : memref<41984xf32, #tpu.memory_space<vmem>>, vector<16xf32>,
    }
    %scan3A_41 = arith.constant 2624 : i32
    %mul3A_42 = arith.constant 4 : i32
    %mul3A_43 = arith.muli %mul3A_2, %mul3A_42 : i32
    "tpu.region"() ({
      %run_scoped3A_44 = tpu.sem_alloc : memref<!tpu.dma_semaphore, #tpu.memory_space<semaphore_mem>>
      %dma_start3A_45 = tpu.memref_slice %arg5[%mul3A_43] : memref<1343488xf32, #tpu.memory_space<hbm>> -> memref<41984xf32, #tpu.memory_space<hbm>>
      %dma_start3A_46 = tpu.memref_slice %arg5[%mul3A_43] : memref<1343488xf32, #tpu.memory_space<hbm>> -> memref<41984xf32, #tpu.memory_space<hbm>>
      tpu.enqueue_dma source(%arg8 : memref<41984xf32, #tpu.memory_space<vmem>>) target(%dma_start3A_46 : memref<41984xf32, #tpu.memory_space<hbm>>) target_semaphore(%run_scoped3A_44 : memref<!tpu.dma_semaphore, #tpu.memory_space<semaphore_mem>>)
      %dma_wait3A_47 = tpu.memref_slice %arg5[%mul3A_43] : memref<1343488xf32, #tpu.memory_space<hbm>> -> memref<41984xf32, #tpu.memory_space<hbm>>
      %dma_wait3A_48 = tpu.memref_slice %arg5[%mul3A_43] : memref<1343488xf32, #tpu.memory_space<hbm>> -> memref<41984xf32, #tpu.memory_space<hbm>>
      tpu.wait_dma2 semaphore(%run_scoped3A_44 : memref<!tpu.dma_semaphore, #tpu.memory_space<semaphore_mem>>) src(%arg8 : memref<41984xf32, #tpu.memory_space<vmem>>) dst(%dma_wait3A_48 : memref<41984xf32, #tpu.memory_space<hbm>>)
      tpu.yield
    }) : () -> ()
    return
  }
}

#map = affine_map<(d0, d1) -> (0, 0)>
#map1 = affine_map<(d0, d1) -> (0, 0, 0)>
module attributes {stable_mosaic.version = 14 : i64} {
  func.func @k(%arg0: i32, %arg1: i32, %arg2: memref<335872x128xf32, #tpu.memory_space<hbm>>, %arg3: memref<2624x2x128xi32, #tpu.memory_space<hbm>>, %arg4: memref<10240x128xf32, #tpu.memory_space<hbm>>, %arg5: memref<2x10240x128xf32, #tpu.memory_space<hbm>>, %arg6: memref<10240x128xf32, #tpu.memory_space<vmem_shared>>, %arg7: memref<2x128xi32, #tpu.memory_space<vmem>>, %arg8: memref<2x128xi32, #tpu.memory_space<vmem>>, %arg9: memref<128x128xf32, #tpu.memory_space<vmem>>, %arg10: memref<128x128xf32, #tpu.memory_space<vmem>>, %arg11: memref<!tpu.dma_semaphore, #tpu.memory_space<semaphore_mem>>, %arg12: memref<!tpu.dma_semaphore, #tpu.memory_space<semaphore_mem>>) attributes {dimension_semantics = [#tpu.dimension_semantics<core_parallel>, #tpu.dimension_semantics<subcore_parallel>], iteration_bounds = array<i64: 2, 16>, scalar_prefetch = 0 : i64, scratch_operands = 7 : i64, tpu.core_type = #tpu.core_type<sc_vector_subcore>, window_params = [{transform_indices = #map}, {transform_indices = #map1}, {transform_indices = #map}, {transform_indices = #map1}]} {
    %mul3A = arith.constant 2 : i32
    %mul3A_0 = arith.muli %arg1, %mul3A : i32
    %add3A = arith.addi %mul3A_0, %arg0 : i32
    %mul3A_1 = arith.constant 82 : i32
    %mul3A_2 = arith.muli %add3A, %mul3A_1 : i32
    %mul3A_3 = arith.constant 640 : i32
    %mul3A_4 = arith.muli %arg1, %mul3A_3 : i32
    "tpu.region"() ({
      %run_scoped3A = tpu.sem_alloc : memref<!tpu.dma_semaphore, #tpu.memory_space<semaphore_mem>>
      %dma_start3A_15 = arith.constant 0 : i32
      %dma_start3A_16 = tpu.memref_slice %arg6[%mul3A_4, %dma_start3A_15] : memref<10240x128xf32, #tpu.memory_space<vmem_shared>> -> memref<640x128xf32, #tpu.memory_space<vmem_shared>>
      %dma_start3A_17 = arith.constant 0 : i32
      %dma_start3A_18 = tpu.memref_slice %arg4[%mul3A_4, %dma_start3A_17] : memref<10240x128xf32, #tpu.memory_space<hbm>> -> memref<640x128xf32, #tpu.memory_space<hbm>>
      tpu.enqueue_dma source(%dma_start3A_18 : memref<640x128xf32, #tpu.memory_space<hbm>>) target(%dma_start3A_16 : memref<640x128xf32, #tpu.memory_space<vmem_shared>>) target_semaphore(%run_scoped3A : memref<!tpu.dma_semaphore, #tpu.memory_space<semaphore_mem>>)
      %dma_wait3A = arith.constant 0 : i32
      %dma_wait3A_19 = tpu.memref_slice %arg6[%mul3A_4, %dma_wait3A] : memref<10240x128xf32, #tpu.memory_space<vmem_shared>> -> memref<640x128xf32, #tpu.memory_space<vmem_shared>>
      %dma_wait3A_20 = arith.constant 0 : i32
      %dma_wait3A_21 = tpu.memref_slice %arg4[%mul3A_4, %dma_wait3A_20] : memref<10240x128xf32, #tpu.memory_space<hbm>> -> memref<640x128xf32, #tpu.memory_space<hbm>>
      tpu.wait_dma2 semaphore(%run_scoped3A : memref<!tpu.dma_semaphore, #tpu.memory_space<semaphore_mem>>) src(%dma_wait3A_21 : memref<640x128xf32, #tpu.memory_space<hbm>>) dst(%dma_wait3A_19 : memref<640x128xf32, #tpu.memory_space<vmem_shared>>)
      tpu.yield
    }) : () -> ()
    %barrier3A = arith.constant 0 : index
    tpu.barrier barrier_id(%barrier3A)
    "tpu.region"() ({
      %run_scoped3A = tpu.sem_alloc : memref<!tpu.dma_semaphore, #tpu.memory_space<semaphore_mem>>
      %dma_start3A_15 = arith.constant 0 : i32
      %dma_start3A_16 = arith.constant 0 : i32
      %dma_start3A_17 = tpu.memref_slice %arg3[%mul3A_2, %dma_start3A_15, %dma_start3A_16] : memref<2624x2x128xi32, #tpu.memory_space<hbm>> -> memref<1x2x128xi32, #tpu.memory_space<hbm>>
      %dma_start3A_18 = tpu.memref_squeeze %dma_start3A_17 : memref<1x2x128xi32, #tpu.memory_space<hbm>> -> memref<2x128xi32, #tpu.memory_space<hbm>>
      %dma_start3A_19 = arith.constant 0 : i32
      %dma_start3A_20 = arith.constant 0 : i32
      %dma_start3A_21 = tpu.memref_slice %arg3[%mul3A_2, %dma_start3A_19, %dma_start3A_20] : memref<2624x2x128xi32, #tpu.memory_space<hbm>> -> memref<1x2x128xi32, #tpu.memory_space<hbm>>
      %dma_start3A_22 = tpu.memref_squeeze %dma_start3A_21 : memref<1x2x128xi32, #tpu.memory_space<hbm>> -> memref<2x128xi32, #tpu.memory_space<hbm>>
      tpu.enqueue_dma source(%dma_start3A_22 : memref<2x128xi32, #tpu.memory_space<hbm>>) target(%arg7 : memref<2x128xi32, #tpu.memory_space<vmem>>) target_semaphore(%run_scoped3A : memref<!tpu.dma_semaphore, #tpu.memory_space<semaphore_mem>>)
      %dma_wait3A = arith.constant 0 : i32
      %dma_wait3A_23 = arith.constant 0 : i32
      %dma_wait3A_24 = tpu.memref_slice %arg3[%mul3A_2, %dma_wait3A, %dma_wait3A_23] : memref<2624x2x128xi32, #tpu.memory_space<hbm>> -> memref<1x2x128xi32, #tpu.memory_space<hbm>>
      %dma_wait3A_25 = tpu.memref_squeeze %dma_wait3A_24 : memref<1x2x128xi32, #tpu.memory_space<hbm>> -> memref<2x128xi32, #tpu.memory_space<hbm>>
      %dma_wait3A_26 = arith.constant 0 : i32
      %dma_wait3A_27 = arith.constant 0 : i32
      %dma_wait3A_28 = tpu.memref_slice %arg3[%mul3A_2, %dma_wait3A_26, %dma_wait3A_27] : memref<2624x2x128xi32, #tpu.memory_space<hbm>> -> memref<1x2x128xi32, #tpu.memory_space<hbm>>
      %dma_wait3A_29 = tpu.memref_squeeze %dma_wait3A_28 : memref<1x2x128xi32, #tpu.memory_space<hbm>> -> memref<2x128xi32, #tpu.memory_space<hbm>>
      tpu.wait_dma2 semaphore(%run_scoped3A : memref<!tpu.dma_semaphore, #tpu.memory_space<semaphore_mem>>) src(%dma_wait3A_29 : memref<2x128xi32, #tpu.memory_space<hbm>>) dst(%arg7 : memref<2x128xi32, #tpu.memory_space<vmem>>)
      tpu.yield
    }) : () -> ()
    %mul3A_5 = arith.constant 128 : i32
    %mul3A_6 = arith.muli %mul3A_2, %mul3A_5 : i32
    %dma_start3A = arith.constant 0 : i32
    %dma_start3A_7 = tpu.memref_slice %arg2[%mul3A_6, %dma_start3A] : memref<335872x128xf32, #tpu.memory_space<hbm>> -> memref<128x128xf32, #tpu.memory_space<hbm>>
    %dma_start3A_8 = arith.constant 0 : i32
    %dma_start3A_9 = tpu.memref_slice %arg2[%mul3A_6, %dma_start3A_8] : memref<335872x128xf32, #tpu.memory_space<hbm>> -> memref<128x128xf32, #tpu.memory_space<hbm>>
    tpu.enqueue_dma source(%dma_start3A_9 : memref<128x128xf32, #tpu.memory_space<hbm>>) target(%arg9 : memref<128x128xf32, #tpu.memory_space<vmem>>) target_semaphore(%arg11 : memref<!tpu.dma_semaphore, #tpu.memory_space<semaphore_mem>>)
    %scan3A = arith.constant 0 : i32
    %scan3A_10 = arith.constant 41 : i32
    %scan3A_11 = arith.addi %scan3A, %scan3A_10 : i32
    %scan3A_12 = arith.constant 1 : i32
    scf.for %scan3A_15 = %scan3A to %scan3A_11 step %scan3A_12  : i32 {
      %mul3A_16 = arith.constant 1 : i32
      %mul3A_17 = arith.muli %scan3A_15, %mul3A_16 : i32
      %add3A_18 = arith.constant 0 : i32
      %add3A_19 = arith.addi %add3A_18, %mul3A_17 : i32
      %mul3A_20 = arith.constant 2 : i32
      %mul3A_21 = arith.muli %add3A_19, %mul3A_20 : i32
      %add3A_22 = arith.addi %mul3A_2, %mul3A_21 : i32
      %add3A_23 = arith.constant 1 : i32
      %add3A_24 = arith.addi %add3A_22, %add3A_23 : i32
      "tpu.region"() ({
        %run_scoped3A_45 = tpu.sem_alloc : memref<!tpu.dma_semaphore, #tpu.memory_space<semaphore_mem>>
        %dma_start3A_46 = arith.constant 0 : i32
        %dma_start3A_47 = arith.constant 0 : i32
        %dma_start3A_48 = tpu.memref_slice %arg3[%add3A_24, %dma_start3A_46, %dma_start3A_47] : memref<2624x2x128xi32, #tpu.memory_space<hbm>> -> memref<1x2x128xi32, #tpu.memory_space<hbm>>
        %dma_start3A_49 = tpu.memref_squeeze %dma_start3A_48 : memref<1x2x128xi32, #tpu.memory_space<hbm>> -> memref<2x128xi32, #tpu.memory_space<hbm>>
        %dma_start3A_50 = arith.constant 0 : i32
        %dma_start3A_51 = arith.constant 0 : i32
        %dma_start3A_52 = tpu.memref_slice %arg3[%add3A_24, %dma_start3A_50, %dma_start3A_51] : memref<2624x2x128xi32, #tpu.memory_space<hbm>> -> memref<1x2x128xi32, #tpu.memory_space<hbm>>
        %dma_start3A_53 = tpu.memref_squeeze %dma_start3A_52 : memref<1x2x128xi32, #tpu.memory_space<hbm>> -> memref<2x128xi32, #tpu.memory_space<hbm>>
        tpu.enqueue_dma source(%dma_start3A_53 : memref<2x128xi32, #tpu.memory_space<hbm>>) target(%arg8 : memref<2x128xi32, #tpu.memory_space<vmem>>) target_semaphore(%run_scoped3A_45 : memref<!tpu.dma_semaphore, #tpu.memory_space<semaphore_mem>>)
        %dma_wait3A_54 = arith.constant 0 : i32
        %dma_wait3A_55 = arith.constant 0 : i32
        %dma_wait3A_56 = tpu.memref_slice %arg3[%add3A_24, %dma_wait3A_54, %dma_wait3A_55] : memref<2624x2x128xi32, #tpu.memory_space<hbm>> -> memref<1x2x128xi32, #tpu.memory_space<hbm>>
        %dma_wait3A_57 = tpu.memref_squeeze %dma_wait3A_56 : memref<1x2x128xi32, #tpu.memory_space<hbm>> -> memref<2x128xi32, #tpu.memory_space<hbm>>
        %dma_wait3A_58 = arith.constant 0 : i32
        %dma_wait3A_59 = arith.constant 0 : i32
        %dma_wait3A_60 = tpu.memref_slice %arg3[%add3A_24, %dma_wait3A_58, %dma_wait3A_59] : memref<2624x2x128xi32, #tpu.memory_space<hbm>> -> memref<1x2x128xi32, #tpu.memory_space<hbm>>
        %dma_wait3A_61 = tpu.memref_squeeze %dma_wait3A_60 : memref<1x2x128xi32, #tpu.memory_space<hbm>> -> memref<2x128xi32, #tpu.memory_space<hbm>>
        tpu.wait_dma2 semaphore(%run_scoped3A_45 : memref<!tpu.dma_semaphore, #tpu.memory_space<semaphore_mem>>) src(%dma_wait3A_61 : memref<2x128xi32, #tpu.memory_space<hbm>>) dst(%arg8 : memref<2x128xi32, #tpu.memory_space<vmem>>)
        tpu.yield
      }) : () -> ()
      %mul3A_25 = arith.constant 128 : i32
      %mul3A_26 = arith.muli %add3A_24, %mul3A_25 : i32
      %dma_start3A_27 = arith.constant 0 : i32
      %dma_start3A_28 = tpu.memref_slice %arg2[%mul3A_26, %dma_start3A_27] : memref<335872x128xf32, #tpu.memory_space<hbm>> -> memref<128x128xf32, #tpu.memory_space<hbm>>
      %dma_start3A_29 = arith.constant 0 : i32
      %dma_start3A_30 = tpu.memref_slice %arg2[%mul3A_26, %dma_start3A_29] : memref<335872x128xf32, #tpu.memory_space<hbm>> -> memref<128x128xf32, #tpu.memory_space<hbm>>
      tpu.enqueue_dma source(%dma_start3A_30 : memref<128x128xf32, #tpu.memory_space<hbm>>) target(%arg10 : memref<128x128xf32, #tpu.memory_space<vmem>>) target_semaphore(%arg12 : memref<!tpu.dma_semaphore, #tpu.memory_space<semaphore_mem>>)
      %dma_wait3A = arith.constant 0 : i32
      %dma_wait3A_31 = arith.constant 0 : i32
      %dma_wait3A_32 = tpu.memref_slice %arg2[%dma_wait3A, %dma_wait3A_31] : memref<335872x128xf32, #tpu.memory_space<hbm>> -> memref<128x128xf32, #tpu.memory_space<hbm>>
      %dma_wait3A_33 = arith.constant 0 : i32
      %dma_wait3A_34 = arith.constant 0 : i32
      %dma_wait3A_35 = tpu.memref_slice %arg2[%dma_wait3A_33, %dma_wait3A_34] : memref<335872x128xf32, #tpu.memory_space<hbm>> -> memref<128x128xf32, #tpu.memory_space<hbm>>
      tpu.wait_dma2 semaphore(%arg11 : memref<!tpu.dma_semaphore, #tpu.memory_space<semaphore_mem>>) src(%dma_wait3A_35 : memref<128x128xf32, #tpu.memory_space<hbm>>) dst(%arg9 : memref<128x128xf32, #tpu.memory_space<vmem>>)
      %run_scoped3A = arith.constant 1 : i32
      "tpu.region"() ({
        %run_scoped3A_45 = tpu.sem_alloc : memref<!tpu.dma_semaphore, #tpu.memory_space<semaphore_mem>>
        %dma_start3A_46 = arith.constant 0 : i32
        %dma_start3A_47 = tpu.memref_slice %arg7[%run_scoped3A, %dma_start3A_46] : memref<2x128xi32, #tpu.memory_space<vmem>> -> memref<1x128xi32, #tpu.memory_space<vmem>>
        %dma_start3A_48 = tpu.memref_squeeze %dma_start3A_47 : memref<1x128xi32, #tpu.memory_space<vmem>> -> memref<128xi32, #tpu.memory_space<vmem>>
        %dma_start3A_49 = arith.constant 0 : i32
        %dma_start3A_50 = arith.constant 0 : i32
        %dma_start3A_51 = tpu.memref_slice %arg6[%dma_start3A_49, %dma_start3A_50] : memref<10240x128xf32, #tpu.memory_space<vmem_shared>> -> memref<10240x128xf32, #tpu.memory_space<vmem_shared>>
        tpu.enqueue_indirect_dma source(%arg9 : memref<128x128xf32, #tpu.memory_space<vmem>>) target(%dma_start3A_51 : memref<10240x128xf32, #tpu.memory_space<vmem_shared>>) offsets(%dma_start3A_48 : memref<128xi32, #tpu.memory_space<vmem>>) semaphore(%run_scoped3A_45 : memref<!tpu.dma_semaphore, #tpu.memory_space<semaphore_mem>>) {add = true}
        %dma_wait3A_52 = arith.constant 0 : i32
        %dma_wait3A_53 = tpu.memref_slice %arg7[%run_scoped3A, %dma_wait3A_52] : memref<2x128xi32, #tpu.memory_space<vmem>> -> memref<1x128xi32, #tpu.memory_space<vmem>>
        %dma_wait3A_54 = tpu.memref_squeeze %dma_wait3A_53 : memref<1x128xi32, #tpu.memory_space<vmem>> -> memref<128xi32, #tpu.memory_space<vmem>>
        %dma_wait3A_55 = arith.constant 0 : i32
        %dma_wait3A_56 = arith.constant 0 : i32
        %dma_wait3A_57 = tpu.memref_slice %arg6[%dma_wait3A_55, %dma_wait3A_56] : memref<10240x128xf32, #tpu.memory_space<vmem_shared>> -> memref<10240x128xf32, #tpu.memory_space<vmem_shared>>
        tpu.wait_indirect_dma semaphore(%run_scoped3A_45 : memref<!tpu.dma_semaphore, #tpu.memory_space<semaphore_mem>>) src(%arg9 : memref<128x128xf32, #tpu.memory_space<vmem>>) dst(%dma_wait3A_57 : memref<10240x128xf32, #tpu.memory_space<vmem_shared>>)
        tpu.yield
      }) : () -> ()
      %lt3A = arith.constant 40 : i32
      %lt3A_36 = arith.cmpi slt, %add3A_19, %lt3A : i32
      %convert_element_type3A = arith.extui %lt3A_36 : i1 to i32
      %cond3A = arith.constant 0 : i32
      %cond3A_37 = arith.cmpi ne, %convert_element_type3A, %cond3A : i32
      scf.if %cond3A_37 {
        %add3A_45 = arith.constant 2 : i32
        %add3A_46 = arith.addi %add3A_22, %add3A_45 : i32
        "tpu.region"() ({
          %run_scoped3A_53 = tpu.sem_alloc : memref<!tpu.dma_semaphore, #tpu.memory_space<semaphore_mem>>
          %dma_start3A_54 = arith.constant 0 : i32
          %dma_start3A_55 = arith.constant 0 : i32
          %dma_start3A_56 = tpu.memref_slice %arg3[%add3A_46, %dma_start3A_54, %dma_start3A_55] : memref<2624x2x128xi32, #tpu.memory_space<hbm>> -> memref<1x2x128xi32, #tpu.memory_space<hbm>>
          %dma_start3A_57 = tpu.memref_squeeze %dma_start3A_56 : memref<1x2x128xi32, #tpu.memory_space<hbm>> -> memref<2x128xi32, #tpu.memory_space<hbm>>
          %dma_start3A_58 = arith.constant 0 : i32
          %dma_start3A_59 = arith.constant 0 : i32
          %dma_start3A_60 = tpu.memref_slice %arg3[%add3A_46, %dma_start3A_58, %dma_start3A_59] : memref<2624x2x128xi32, #tpu.memory_space<hbm>> -> memref<1x2x128xi32, #tpu.memory_space<hbm>>
          %dma_start3A_61 = tpu.memref_squeeze %dma_start3A_60 : memref<1x2x128xi32, #tpu.memory_space<hbm>> -> memref<2x128xi32, #tpu.memory_space<hbm>>
          tpu.enqueue_dma source(%dma_start3A_61 : memref<2x128xi32, #tpu.memory_space<hbm>>) target(%arg7 : memref<2x128xi32, #tpu.memory_space<vmem>>) target_semaphore(%run_scoped3A_53 : memref<!tpu.dma_semaphore, #tpu.memory_space<semaphore_mem>>)
          %dma_wait3A_62 = arith.constant 0 : i32
          %dma_wait3A_63 = arith.constant 0 : i32
          %dma_wait3A_64 = tpu.memref_slice %arg3[%add3A_46, %dma_wait3A_62, %dma_wait3A_63] : memref<2624x2x128xi32, #tpu.memory_space<hbm>> -> memref<1x2x128xi32, #tpu.memory_space<hbm>>
          %dma_wait3A_65 = tpu.memref_squeeze %dma_wait3A_64 : memref<1x2x128xi32, #tpu.memory_space<hbm>> -> memref<2x128xi32, #tpu.memory_space<hbm>>
          %dma_wait3A_66 = arith.constant 0 : i32
          %dma_wait3A_67 = arith.constant 0 : i32
          %dma_wait3A_68 = tpu.memref_slice %arg3[%add3A_46, %dma_wait3A_66, %dma_wait3A_67] : memref<2624x2x128xi32, #tpu.memory_space<hbm>> -> memref<1x2x128xi32, #tpu.memory_space<hbm>>
          %dma_wait3A_69 = tpu.memref_squeeze %dma_wait3A_68 : memref<1x2x128xi32, #tpu.memory_space<hbm>> -> memref<2x128xi32, #tpu.memory_space<hbm>>
          tpu.wait_dma2 semaphore(%run_scoped3A_53 : memref<!tpu.dma_semaphore, #tpu.memory_space<semaphore_mem>>) src(%dma_wait3A_69 : memref<2x128xi32, #tpu.memory_space<hbm>>) dst(%arg7 : memref<2x128xi32, #tpu.memory_space<vmem>>)
          tpu.yield
        }) : () -> ()
        %mul3A_47 = arith.constant 128 : i32
        %mul3A_48 = arith.muli %add3A_46, %mul3A_47 : i32
        %dma_start3A_49 = arith.constant 0 : i32
        %dma_start3A_50 = tpu.memref_slice %arg2[%mul3A_48, %dma_start3A_49] : memref<335872x128xf32, #tpu.memory_space<hbm>> -> memref<128x128xf32, #tpu.memory_space<hbm>>
        %dma_start3A_51 = arith.constant 0 : i32
        %dma_start3A_52 = tpu.memref_slice %arg2[%mul3A_48, %dma_start3A_51] : memref<335872x128xf32, #tpu.memory_space<hbm>> -> memref<128x128xf32, #tpu.memory_space<hbm>>
        tpu.enqueue_dma source(%dma_start3A_52 : memref<128x128xf32, #tpu.memory_space<hbm>>) target(%arg9 : memref<128x128xf32, #tpu.memory_space<vmem>>) target_semaphore(%arg11 : memref<!tpu.dma_semaphore, #tpu.memory_space<semaphore_mem>>)
      } else {
      }
      %dma_wait3A_38 = arith.constant 0 : i32
      %dma_wait3A_39 = arith.constant 0 : i32
      %dma_wait3A_40 = tpu.memref_slice %arg2[%dma_wait3A_38, %dma_wait3A_39] : memref<335872x128xf32, #tpu.memory_space<hbm>> -> memref<128x128xf32, #tpu.memory_space<hbm>>
      %dma_wait3A_41 = arith.constant 0 : i32
      %dma_wait3A_42 = arith.constant 0 : i32
      %dma_wait3A_43 = tpu.memref_slice %arg2[%dma_wait3A_41, %dma_wait3A_42] : memref<335872x128xf32, #tpu.memory_space<hbm>> -> memref<128x128xf32, #tpu.memory_space<hbm>>
      tpu.wait_dma2 semaphore(%arg12 : memref<!tpu.dma_semaphore, #tpu.memory_space<semaphore_mem>>) src(%dma_wait3A_43 : memref<128x128xf32, #tpu.memory_space<hbm>>) dst(%arg10 : memref<128x128xf32, #tpu.memory_space<vmem>>)
      %run_scoped3A_44 = arith.constant 1 : i32
      "tpu.region"() ({
        %run_scoped3A_45 = tpu.sem_alloc : memref<!tpu.dma_semaphore, #tpu.memory_space<semaphore_mem>>
        %dma_start3A_46 = arith.constant 0 : i32
        %dma_start3A_47 = tpu.memref_slice %arg8[%run_scoped3A_44, %dma_start3A_46] : memref<2x128xi32, #tpu.memory_space<vmem>> -> memref<1x128xi32, #tpu.memory_space<vmem>>
        %dma_start3A_48 = tpu.memref_squeeze %dma_start3A_47 : memref<1x128xi32, #tpu.memory_space<vmem>> -> memref<128xi32, #tpu.memory_space<vmem>>
        %dma_start3A_49 = arith.constant 0 : i32
        %dma_start3A_50 = arith.constant 0 : i32
        %dma_start3A_51 = tpu.memref_slice %arg6[%dma_start3A_49, %dma_start3A_50] : memref<10240x128xf32, #tpu.memory_space<vmem_shared>> -> memref<10240x128xf32, #tpu.memory_space<vmem_shared>>
        tpu.enqueue_indirect_dma source(%arg10 : memref<128x128xf32, #tpu.memory_space<vmem>>) target(%dma_start3A_51 : memref<10240x128xf32, #tpu.memory_space<vmem_shared>>) offsets(%dma_start3A_48 : memref<128xi32, #tpu.memory_space<vmem>>) semaphore(%run_scoped3A_45 : memref<!tpu.dma_semaphore, #tpu.memory_space<semaphore_mem>>) {add = true}
        %dma_wait3A_52 = arith.constant 0 : i32
        %dma_wait3A_53 = tpu.memref_slice %arg8[%run_scoped3A_44, %dma_wait3A_52] : memref<2x128xi32, #tpu.memory_space<vmem>> -> memref<1x128xi32, #tpu.memory_space<vmem>>
        %dma_wait3A_54 = tpu.memref_squeeze %dma_wait3A_53 : memref<1x128xi32, #tpu.memory_space<vmem>> -> memref<128xi32, #tpu.memory_space<vmem>>
        %dma_wait3A_55 = arith.constant 0 : i32
        %dma_wait3A_56 = arith.constant 0 : i32
        %dma_wait3A_57 = tpu.memref_slice %arg6[%dma_wait3A_55, %dma_wait3A_56] : memref<10240x128xf32, #tpu.memory_space<vmem_shared>> -> memref<10240x128xf32, #tpu.memory_space<vmem_shared>>
        tpu.wait_indirect_dma semaphore(%run_scoped3A_45 : memref<!tpu.dma_semaphore, #tpu.memory_space<semaphore_mem>>) src(%arg10 : memref<128x128xf32, #tpu.memory_space<vmem>>) dst(%dma_wait3A_57 : memref<10240x128xf32, #tpu.memory_space<vmem_shared>>)
        tpu.yield
      }) : () -> ()
    }
    %scan3A_13 = arith.constant 41 : i32
    %barrier3A_14 = arith.constant 0 : index
    tpu.barrier barrier_id(%barrier3A_14)
    "tpu.region"() ({
      %run_scoped3A = tpu.sem_alloc : memref<!tpu.dma_semaphore, #tpu.memory_space<semaphore_mem>>
      %dma_start3A_15 = arith.constant 0 : i32
      %dma_start3A_16 = arith.constant 0 : i32
      %dma_start3A_17 = tpu.memref_slice %arg5[%arg0, %dma_start3A_15, %dma_start3A_16] : memref<2x10240x128xf32, #tpu.memory_space<hbm>> -> memref<1x10240x128xf32, #tpu.memory_space<hbm>>
      %dma_start3A_18 = tpu.memref_squeeze %dma_start3A_17 : memref<1x10240x128xf32, #tpu.memory_space<hbm>> -> memref<10240x128xf32, #tpu.memory_space<hbm>>
      %dma_start3A_19 = arith.constant 0 : i32
      %dma_start3A_20 = tpu.memref_slice %dma_start3A_18[%mul3A_4, %dma_start3A_19] : memref<10240x128xf32, #tpu.memory_space<hbm>> -> memref<640x128xf32, #tpu.memory_space<hbm>>
      %dma_start3A_21 = arith.constant 0 : i32
      %dma_start3A_22 = tpu.memref_slice %arg6[%mul3A_4, %dma_start3A_21] : memref<10240x128xf32, #tpu.memory_space<vmem_shared>> -> memref<640x128xf32, #tpu.memory_space<vmem_shared>>
      tpu.enqueue_dma source(%dma_start3A_22 : memref<640x128xf32, #tpu.memory_space<vmem_shared>>) target(%dma_start3A_20 : memref<640x128xf32, #tpu.memory_space<hbm>>) target_semaphore(%run_scoped3A : memref<!tpu.dma_semaphore, #tpu.memory_space<semaphore_mem>>)
      %dma_wait3A = arith.constant 0 : i32
      %dma_wait3A_23 = arith.constant 0 : i32
      %dma_wait3A_24 = tpu.memref_slice %arg5[%arg0, %dma_wait3A, %dma_wait3A_23] : memref<2x10240x128xf32, #tpu.memory_space<hbm>> -> memref<1x10240x128xf32, #tpu.memory_space<hbm>>
      %dma_wait3A_25 = tpu.memref_squeeze %dma_wait3A_24 : memref<1x10240x128xf32, #tpu.memory_space<hbm>> -> memref<10240x128xf32, #tpu.memory_space<hbm>>
      %dma_wait3A_26 = arith.constant 0 : i32
      %dma_wait3A_27 = tpu.memref_slice %dma_wait3A_25[%mul3A_4, %dma_wait3A_26] : memref<10240x128xf32, #tpu.memory_space<hbm>> -> memref<640x128xf32, #tpu.memory_space<hbm>>
      %dma_wait3A_28 = arith.constant 0 : i32
      %dma_wait3A_29 = tpu.memref_slice %arg6[%mul3A_4, %dma_wait3A_28] : memref<10240x128xf32, #tpu.memory_space<vmem_shared>> -> memref<640x128xf32, #tpu.memory_space<vmem_shared>>
      tpu.wait_dma2 semaphore(%run_scoped3A : memref<!tpu.dma_semaphore, #tpu.memory_space<semaphore_mem>>) src(%dma_wait3A_29 : memref<640x128xf32, #tpu.memory_space<vmem_shared>>) dst(%dma_wait3A_27 : memref<640x128xf32, #tpu.memory_space<hbm>>)
      tpu.yield
    }) : () -> ()
    return
  }
}

#map = affine_map<(d0, d1) -> (0, 0)>
#map1 = affine_map<(d0, d1) -> (0, 0, 0)>
module attributes {stable_mosaic.version = 14 : i64} {
  func.func @k(%arg0: i32, %arg1: i32, %arg2: memref<10240x128xf32, #tpu.memory_space<hbm>>, %arg3: memref<10240x128xf32, #tpu.memory_space<hbm>>, %arg4: memref<2624x2x128xi32, #tpu.memory_space<hbm>>, %arg5: memref<335872x128xf32, #tpu.memory_space<hbm>>, %arg6: memref<335872x128xf32, #tpu.memory_space<hbm>>, %arg7: memref<2x128xi32, #tpu.memory_space<vmem>>, %arg8: memref<2x128xi32, #tpu.memory_space<vmem>>, %arg9: memref<128x128xf32, #tpu.memory_space<vmem>>, %arg10: memref<128x128xf32, #tpu.memory_space<vmem>>, %arg11: memref<128x128xf32, #tpu.memory_space<vmem>>, %arg12: memref<128x128xf32, #tpu.memory_space<vmem>>, %arg13: memref<!tpu.dma_semaphore, #tpu.memory_space<semaphore_mem>>, %arg14: memref<!tpu.dma_semaphore, #tpu.memory_space<semaphore_mem>>, %arg15: memref<!tpu.dma_semaphore, #tpu.memory_space<semaphore_mem>>, %arg16: memref<!tpu.dma_semaphore, #tpu.memory_space<semaphore_mem>>) attributes {dimension_semantics = [#tpu.dimension_semantics<core_parallel>, #tpu.dimension_semantics<subcore_parallel>], iteration_bounds = array<i64: 2, 16>, scalar_prefetch = 0 : i64, scratch_operands = 10 : i64, tpu.core_type = #tpu.core_type<sc_vector_subcore>, window_params = [{transform_indices = #map}, {transform_indices = #map}, {transform_indices = #map1}, {transform_indices = #map}, {transform_indices = #map}]} {
    %mul3A = arith.constant 2 : i32
    %mul3A_0 = arith.muli %arg1, %mul3A : i32
    %add3A = arith.addi %mul3A_0, %arg0 : i32
    %mul3A_1 = arith.constant 82 : i32
    %mul3A_2 = arith.muli %add3A, %mul3A_1 : i32
    "tpu.region"() ({
      %run_scoped3A = tpu.sem_alloc : memref<!tpu.dma_semaphore, #tpu.memory_space<semaphore_mem>>
      %dma_start3A_20 = arith.constant 0 : i32
      %dma_start3A_21 = arith.constant 0 : i32
      %dma_start3A_22 = tpu.memref_slice %arg4[%mul3A_2, %dma_start3A_20, %dma_start3A_21] : memref<2624x2x128xi32, #tpu.memory_space<hbm>> -> memref<1x2x128xi32, #tpu.memory_space<hbm>>
      %dma_start3A_23 = tpu.memref_squeeze %dma_start3A_22 : memref<1x2x128xi32, #tpu.memory_space<hbm>> -> memref<2x128xi32, #tpu.memory_space<hbm>>
      %dma_start3A_24 = arith.constant 0 : i32
      %dma_start3A_25 = arith.constant 0 : i32
      %dma_start3A_26 = tpu.memref_slice %arg4[%mul3A_2, %dma_start3A_24, %dma_start3A_25] : memref<2624x2x128xi32, #tpu.memory_space<hbm>> -> memref<1x2x128xi32, #tpu.memory_space<hbm>>
      %dma_start3A_27 = tpu.memref_squeeze %dma_start3A_26 : memref<1x2x128xi32, #tpu.memory_space<hbm>> -> memref<2x128xi32, #tpu.memory_space<hbm>>
      tpu.enqueue_dma source(%dma_start3A_27 : memref<2x128xi32, #tpu.memory_space<hbm>>) target(%arg7 : memref<2x128xi32, #tpu.memory_space<vmem>>) target_semaphore(%run_scoped3A : memref<!tpu.dma_semaphore, #tpu.memory_space<semaphore_mem>>)
      %dma_wait3A = arith.constant 0 : i32
      %dma_wait3A_28 = arith.constant 0 : i32
      %dma_wait3A_29 = tpu.memref_slice %arg4[%mul3A_2, %dma_wait3A, %dma_wait3A_28] : memref<2624x2x128xi32, #tpu.memory_space<hbm>> -> memref<1x2x128xi32, #tpu.memory_space<hbm>>
      %dma_wait3A_30 = tpu.memref_squeeze %dma_wait3A_29 : memref<1x2x128xi32, #tpu.memory_space<hbm>> -> memref<2x128xi32, #tpu.memory_space<hbm>>
      %dma_wait3A_31 = arith.constant 0 : i32
      %dma_wait3A_32 = arith.constant 0 : i32
      %dma_wait3A_33 = tpu.memref_slice %arg4[%mul3A_2, %dma_wait3A_31, %dma_wait3A_32] : memref<2624x2x128xi32, #tpu.memory_space<hbm>> -> memref<1x2x128xi32, #tpu.memory_space<hbm>>
      %dma_wait3A_34 = tpu.memref_squeeze %dma_wait3A_33 : memref<1x2x128xi32, #tpu.memory_space<hbm>> -> memref<2x128xi32, #tpu.memory_space<hbm>>
      tpu.wait_dma2 semaphore(%run_scoped3A : memref<!tpu.dma_semaphore, #tpu.memory_space<semaphore_mem>>) src(%dma_wait3A_34 : memref<2x128xi32, #tpu.memory_space<hbm>>) dst(%arg7 : memref<2x128xi32, #tpu.memory_space<vmem>>)
      tpu.yield
    }) : () -> ()
    %dma_start3A = arith.constant 0 : i32
    %dma_start3A_3 = arith.constant 0 : i32
    %dma_start3A_4 = tpu.memref_slice %arg7[%dma_start3A, %dma_start3A_3] : memref<2x128xi32, #tpu.memory_space<vmem>> -> memref<1x128xi32, #tpu.memory_space<vmem>>
    %dma_start3A_5 = tpu.memref_squeeze %dma_start3A_4 : memref<1x128xi32, #tpu.memory_space<vmem>> -> memref<128xi32, #tpu.memory_space<vmem>>
    %dma_start3A_6 = arith.constant 0 : i32
    %dma_start3A_7 = arith.constant 0 : i32
    %dma_start3A_8 = tpu.memref_slice %arg2[%dma_start3A_6, %dma_start3A_7] : memref<10240x128xf32, #tpu.memory_space<hbm>> -> memref<10240x128xf32, #tpu.memory_space<hbm>>
    tpu.enqueue_indirect_dma source(%dma_start3A_8 : memref<10240x128xf32, #tpu.memory_space<hbm>>) target(%arg9 : memref<128x128xf32, #tpu.memory_space<vmem>>) offsets(%dma_start3A_5 : memref<128xi32, #tpu.memory_space<vmem>>) semaphore(%arg13 : memref<!tpu.dma_semaphore, #tpu.memory_space<semaphore_mem>>)
    %dma_start3A_9 = arith.constant 1 : i32
    %dma_start3A_10 = arith.constant 0 : i32
    %dma_start3A_11 = tpu.memref_slice %arg7[%dma_start3A_9, %dma_start3A_10] : memref<2x128xi32, #tpu.memory_space<vmem>> -> memref<1x128xi32, #tpu.memory_space<vmem>>
    %dma_start3A_12 = tpu.memref_squeeze %dma_start3A_11 : memref<1x128xi32, #tpu.memory_space<vmem>> -> memref<128xi32, #tpu.memory_space<vmem>>
    %dma_start3A_13 = arith.constant 0 : i32
    %dma_start3A_14 = arith.constant 0 : i32
    %dma_start3A_15 = tpu.memref_slice %arg3[%dma_start3A_13, %dma_start3A_14] : memref<10240x128xf32, #tpu.memory_space<hbm>> -> memref<10240x128xf32, #tpu.memory_space<hbm>>
    tpu.enqueue_indirect_dma source(%dma_start3A_15 : memref<10240x128xf32, #tpu.memory_space<hbm>>) target(%arg10 : memref<128x128xf32, #tpu.memory_space<vmem>>) offsets(%dma_start3A_12 : memref<128xi32, #tpu.memory_space<vmem>>) semaphore(%arg14 : memref<!tpu.dma_semaphore, #tpu.memory_space<semaphore_mem>>)
    %scan3A = arith.constant 0 : i32
    %scan3A_16 = arith.constant 41 : i32
    %scan3A_17 = arith.addi %scan3A, %scan3A_16 : i32
    %scan3A_18 = arith.constant 1 : i32
    scf.for %scan3A_20 = %scan3A to %scan3A_17 step %scan3A_18  : i32 {
      %mul3A_21 = arith.constant 1 : i32
      %mul3A_22 = arith.muli %scan3A_20, %mul3A_21 : i32
      %add3A_23 = arith.constant 0 : i32
      %add3A_24 = arith.addi %add3A_23, %mul3A_22 : i32
      %mul3A_25 = arith.constant 2 : i32
      %mul3A_26 = arith.muli %add3A_24, %mul3A_25 : i32
      %add3A_27 = arith.addi %mul3A_2, %mul3A_26 : i32
      %add3A_28 = arith.constant 1 : i32
      %add3A_29 = arith.addi %add3A_27, %add3A_28 : i32
      "tpu.region"() ({
        %run_scoped3A = tpu.sem_alloc : memref<!tpu.dma_semaphore, #tpu.memory_space<semaphore_mem>>
        %dma_start3A_81 = arith.constant 0 : i32
        %dma_start3A_82 = arith.constant 0 : i32
        %dma_start3A_83 = tpu.memref_slice %arg4[%add3A_29, %dma_start3A_81, %dma_start3A_82] : memref<2624x2x128xi32, #tpu.memory_space<hbm>> -> memref<1x2x128xi32, #tpu.memory_space<hbm>>
        %dma_start3A_84 = tpu.memref_squeeze %dma_start3A_83 : memref<1x2x128xi32, #tpu.memory_space<hbm>> -> memref<2x128xi32, #tpu.memory_space<hbm>>
        %dma_start3A_85 = arith.constant 0 : i32
        %dma_start3A_86 = arith.constant 0 : i32
        %dma_start3A_87 = tpu.memref_slice %arg4[%add3A_29, %dma_start3A_85, %dma_start3A_86] : memref<2624x2x128xi32, #tpu.memory_space<hbm>> -> memref<1x2x128xi32, #tpu.memory_space<hbm>>
        %dma_start3A_88 = tpu.memref_squeeze %dma_start3A_87 : memref<1x2x128xi32, #tpu.memory_space<hbm>> -> memref<2x128xi32, #tpu.memory_space<hbm>>
        tpu.enqueue_dma source(%dma_start3A_88 : memref<2x128xi32, #tpu.memory_space<hbm>>) target(%arg8 : memref<2x128xi32, #tpu.memory_space<vmem>>) target_semaphore(%run_scoped3A : memref<!tpu.dma_semaphore, #tpu.memory_space<semaphore_mem>>)
        %dma_wait3A_89 = arith.constant 0 : i32
        %dma_wait3A_90 = arith.constant 0 : i32
        %dma_wait3A_91 = tpu.memref_slice %arg4[%add3A_29, %dma_wait3A_89, %dma_wait3A_90] : memref<2624x2x128xi32, #tpu.memory_space<hbm>> -> memref<1x2x128xi32, #tpu.memory_space<hbm>>
        %dma_wait3A_92 = tpu.memref_squeeze %dma_wait3A_91 : memref<1x2x128xi32, #tpu.memory_space<hbm>> -> memref<2x128xi32, #tpu.memory_space<hbm>>
        %dma_wait3A_93 = arith.constant 0 : i32
        %dma_wait3A_94 = arith.constant 0 : i32
        %dma_wait3A_95 = tpu.memref_slice %arg4[%add3A_29, %dma_wait3A_93, %dma_wait3A_94] : memref<2624x2x128xi32, #tpu.memory_space<hbm>> -> memref<1x2x128xi32, #tpu.memory_space<hbm>>
        %dma_wait3A_96 = tpu.memref_squeeze %dma_wait3A_95 : memref<1x2x128xi32, #tpu.memory_space<hbm>> -> memref<2x128xi32, #tpu.memory_space<hbm>>
        tpu.wait_dma2 semaphore(%run_scoped3A : memref<!tpu.dma_semaphore, #tpu.memory_space<semaphore_mem>>) src(%dma_wait3A_96 : memref<2x128xi32, #tpu.memory_space<hbm>>) dst(%arg8 : memref<2x128xi32, #tpu.memory_space<vmem>>)
        tpu.yield
      }) : () -> ()
      %dma_start3A_30 = arith.constant 0 : i32
      %dma_start3A_31 = arith.constant 0 : i32
      %dma_start3A_32 = tpu.memref_slice %arg8[%dma_start3A_30, %dma_start3A_31] : memref<2x128xi32, #tpu.memory_space<vmem>> -> memref<1x128xi32, #tpu.memory_space<vmem>>
      %dma_start3A_33 = tpu.memref_squeeze %dma_start3A_32 : memref<1x128xi32, #tpu.memory_space<vmem>> -> memref<128xi32, #tpu.memory_space<vmem>>
      %dma_start3A_34 = arith.constant 0 : i32
      %dma_start3A_35 = arith.constant 0 : i32
      %dma_start3A_36 = tpu.memref_slice %arg2[%dma_start3A_34, %dma_start3A_35] : memref<10240x128xf32, #tpu.memory_space<hbm>> -> memref<10240x128xf32, #tpu.memory_space<hbm>>
      tpu.enqueue_indirect_dma source(%dma_start3A_36 : memref<10240x128xf32, #tpu.memory_space<hbm>>) target(%arg11 : memref<128x128xf32, #tpu.memory_space<vmem>>) offsets(%dma_start3A_33 : memref<128xi32, #tpu.memory_space<vmem>>) semaphore(%arg15 : memref<!tpu.dma_semaphore, #tpu.memory_space<semaphore_mem>>)
      %dma_start3A_37 = arith.constant 1 : i32
      %dma_start3A_38 = arith.constant 0 : i32
      %dma_start3A_39 = tpu.memref_slice %arg8[%dma_start3A_37, %dma_start3A_38] : memref<2x128xi32, #tpu.memory_space<vmem>> -> memref<1x128xi32, #tpu.memory_space<vmem>>
      %dma_start3A_40 = tpu.memref_squeeze %dma_start3A_39 : memref<1x128xi32, #tpu.memory_space<vmem>> -> memref<128xi32, #tpu.memory_space<vmem>>
      %dma_start3A_41 = arith.constant 0 : i32
      %dma_start3A_42 = arith.constant 0 : i32
      %dma_start3A_43 = tpu.memref_slice %arg3[%dma_start3A_41, %dma_start3A_42] : memref<10240x128xf32, #tpu.memory_space<hbm>> -> memref<10240x128xf32, #tpu.memory_space<hbm>>
      tpu.enqueue_indirect_dma source(%dma_start3A_43 : memref<10240x128xf32, #tpu.memory_space<hbm>>) target(%arg12 : memref<128x128xf32, #tpu.memory_space<vmem>>) offsets(%dma_start3A_40 : memref<128xi32, #tpu.memory_space<vmem>>) semaphore(%arg16 : memref<!tpu.dma_semaphore, #tpu.memory_space<semaphore_mem>>)
      %dma_wait3A = arith.constant 0 : i32
      %dma_wait3A_44 = arith.constant 0 : i32
      %dma_wait3A_45 = tpu.memref_slice %arg7[%dma_wait3A, %dma_wait3A_44] : memref<2x128xi32, #tpu.memory_space<vmem>> -> memref<1x128xi32, #tpu.memory_space<vmem>>
      %dma_wait3A_46 = tpu.memref_squeeze %dma_wait3A_45 : memref<1x128xi32, #tpu.memory_space<vmem>> -> memref<128xi32, #tpu.memory_space<vmem>>
      %dma_wait3A_47 = arith.constant 0 : i32
      %dma_wait3A_48 = arith.constant 0 : i32
      %dma_wait3A_49 = tpu.memref_slice %arg2[%dma_wait3A_47, %dma_wait3A_48] : memref<10240x128xf32, #tpu.memory_space<hbm>> -> memref<10240x128xf32, #tpu.memory_space<hbm>>
      tpu.wait_indirect_dma semaphore(%arg13 : memref<!tpu.dma_semaphore, #tpu.memory_space<semaphore_mem>>) src(%dma_wait3A_49 : memref<10240x128xf32, #tpu.memory_space<hbm>>) dst(%arg9 : memref<128x128xf32, #tpu.memory_space<vmem>>)
      %dma_wait3A_50 = arith.constant 1 : i32
      %dma_wait3A_51 = arith.constant 0 : i32
      %dma_wait3A_52 = tpu.memref_slice %arg7[%dma_wait3A_50, %dma_wait3A_51] : memref<2x128xi32, #tpu.memory_space<vmem>> -> memref<1x128xi32, #tpu.memory_space<vmem>>
      %dma_wait3A_53 = tpu.memref_squeeze %dma_wait3A_52 : memref<1x128xi32, #tpu.memory_space<vmem>> -> memref<128xi32, #tpu.memory_space<vmem>>
      %dma_wait3A_54 = arith.constant 0 : i32
      %dma_wait3A_55 = arith.constant 0 : i32
      %dma_wait3A_56 = tpu.memref_slice %arg3[%dma_wait3A_54, %dma_wait3A_55] : memref<10240x128xf32, #tpu.memory_space<hbm>> -> memref<10240x128xf32, #tpu.memory_space<hbm>>
      tpu.wait_indirect_dma semaphore(%arg14 : memref<!tpu.dma_semaphore, #tpu.memory_space<semaphore_mem>>) src(%dma_wait3A_56 : memref<10240x128xf32, #tpu.memory_space<hbm>>) dst(%arg10 : memref<128x128xf32, #tpu.memory_space<vmem>>)
      %mul3A_57 = arith.constant 128 : i32
      %mul3A_58 = arith.muli %add3A_27, %mul3A_57 : i32
      "tpu.region"() ({
        %run_scoped3A = tpu.sem_alloc : memref<!tpu.dma_semaphore, #tpu.memory_space<semaphore_mem>>
        %dma_start3A_81 = arith.constant 0 : i32
        %dma_start3A_82 = tpu.memref_slice %arg5[%mul3A_58, %dma_start3A_81] : memref<335872x128xf32, #tpu.memory_space<hbm>> -> memref<128x128xf32, #tpu.memory_space<hbm>>
        %dma_start3A_83 = arith.constant 0 : i32
        %dma_start3A_84 = tpu.memref_slice %arg5[%mul3A_58, %dma_start3A_83] : memref<335872x128xf32, #tpu.memory_space<hbm>> -> memref<128x128xf32, #tpu.memory_space<hbm>>
        tpu.enqueue_dma source(%arg9 : memref<128x128xf32, #tpu.memory_space<vmem>>) target(%dma_start3A_84 : memref<128x128xf32, #tpu.memory_space<hbm>>) target_semaphore(%run_scoped3A : memref<!tpu.dma_semaphore, #tpu.memory_space<semaphore_mem>>)
        %dma_wait3A_85 = arith.constant 0 : i32
        %dma_wait3A_86 = tpu.memref_slice %arg5[%mul3A_58, %dma_wait3A_85] : memref<335872x128xf32, #tpu.memory_space<hbm>> -> memref<128x128xf32, #tpu.memory_space<hbm>>
        %dma_wait3A_87 = arith.constant 0 : i32
        %dma_wait3A_88 = tpu.memref_slice %arg5[%mul3A_58, %dma_wait3A_87] : memref<335872x128xf32, #tpu.memory_space<hbm>> -> memref<128x128xf32, #tpu.memory_space<hbm>>
        tpu.wait_dma2 semaphore(%run_scoped3A : memref<!tpu.dma_semaphore, #tpu.memory_space<semaphore_mem>>) src(%arg9 : memref<128x128xf32, #tpu.memory_space<vmem>>) dst(%dma_wait3A_88 : memref<128x128xf32, #tpu.memory_space<hbm>>)
        tpu.yield
      }) : () -> ()
      %mul3A_59 = arith.constant 128 : i32
      %mul3A_60 = arith.muli %add3A_27, %mul3A_59 : i32
      "tpu.region"() ({
        %run_scoped3A = tpu.sem_alloc : memref<!tpu.dma_semaphore, #tpu.memory_space<semaphore_mem>>
        %dma_start3A_81 = arith.constant 0 : i32
        %dma_start3A_82 = tpu.memref_slice %arg6[%mul3A_60, %dma_start3A_81] : memref<335872x128xf32, #tpu.memory_space<hbm>> -> memref<128x128xf32, #tpu.memory_space<hbm>>
        %dma_start3A_83 = arith.constant 0 : i32
        %dma_start3A_84 = tpu.memref_slice %arg6[%mul3A_60, %dma_start3A_83] : memref<335872x128xf32, #tpu.memory_space<hbm>> -> memref<128x128xf32, #tpu.memory_space<hbm>>
        tpu.enqueue_dma source(%arg10 : memref<128x128xf32, #tpu.memory_space<vmem>>) target(%dma_start3A_84 : memref<128x128xf32, #tpu.memory_space<hbm>>) target_semaphore(%run_scoped3A : memref<!tpu.dma_semaphore, #tpu.memory_space<semaphore_mem>>)
        %dma_wait3A_85 = arith.constant 0 : i32
        %dma_wait3A_86 = tpu.memref_slice %arg6[%mul3A_60, %dma_wait3A_85] : memref<335872x128xf32, #tpu.memory_space<hbm>> -> memref<128x128xf32, #tpu.memory_space<hbm>>
        %dma_wait3A_87 = arith.constant 0 : i32
        %dma_wait3A_88 = tpu.memref_slice %arg6[%mul3A_60, %dma_wait3A_87] : memref<335872x128xf32, #tpu.memory_space<hbm>> -> memref<128x128xf32, #tpu.memory_space<hbm>>
        tpu.wait_dma2 semaphore(%run_scoped3A : memref<!tpu.dma_semaphore, #tpu.memory_space<semaphore_mem>>) src(%arg10 : memref<128x128xf32, #tpu.memory_space<vmem>>) dst(%dma_wait3A_88 : memref<128x128xf32, #tpu.memory_space<hbm>>)
        tpu.yield
      }) : () -> ()
      %lt3A = arith.constant 40 : i32
      %lt3A_61 = arith.cmpi slt, %add3A_24, %lt3A : i32
      %convert_element_type3A = arith.extui %lt3A_61 : i1 to i32
      %cond3A = arith.constant 0 : i32
      %cond3A_62 = arith.cmpi ne, %convert_element_type3A, %cond3A : i32
      scf.if %cond3A_62 {
        %add3A_81 = arith.constant 2 : i32
        %add3A_82 = arith.addi %add3A_27, %add3A_81 : i32
        "tpu.region"() ({
          %run_scoped3A = tpu.sem_alloc : memref<!tpu.dma_semaphore, #tpu.memory_space<semaphore_mem>>
          %dma_start3A_97 = arith.constant 0 : i32
          %dma_start3A_98 = arith.constant 0 : i32
          %dma_start3A_99 = tpu.memref_slice %arg4[%add3A_82, %dma_start3A_97, %dma_start3A_98] : memref<2624x2x128xi32, #tpu.memory_space<hbm>> -> memref<1x2x128xi32, #tpu.memory_space<hbm>>
          %dma_start3A_100 = tpu.memref_squeeze %dma_start3A_99 : memref<1x2x128xi32, #tpu.memory_space<hbm>> -> memref<2x128xi32, #tpu.memory_space<hbm>>
          %dma_start3A_101 = arith.constant 0 : i32
          %dma_start3A_102 = arith.constant 0 : i32
          %dma_start3A_103 = tpu.memref_slice %arg4[%add3A_82, %dma_start3A_101, %dma_start3A_102] : memref<2624x2x128xi32, #tpu.memory_space<hbm>> -> memref<1x2x128xi32, #tpu.memory_space<hbm>>
          %dma_start3A_104 = tpu.memref_squeeze %dma_start3A_103 : memref<1x2x128xi32, #tpu.memory_space<hbm>> -> memref<2x128xi32, #tpu.memory_space<hbm>>
          tpu.enqueue_dma source(%dma_start3A_104 : memref<2x128xi32, #tpu.memory_space<hbm>>) target(%arg7 : memref<2x128xi32, #tpu.memory_space<vmem>>) target_semaphore(%run_scoped3A : memref<!tpu.dma_semaphore, #tpu.memory_space<semaphore_mem>>)
          %dma_wait3A_105 = arith.constant 0 : i32
          %dma_wait3A_106 = arith.constant 0 : i32
          %dma_wait3A_107 = tpu.memref_slice %arg4[%add3A_82, %dma_wait3A_105, %dma_wait3A_106] : memref<2624x2x128xi32, #tpu.memory_space<hbm>> -> memref<1x2x128xi32, #tpu.memory_space<hbm>>
          %dma_wait3A_108 = tpu.memref_squeeze %dma_wait3A_107 : memref<1x2x128xi32, #tpu.memory_space<hbm>> -> memref<2x128xi32, #tpu.memory_space<hbm>>
          %dma_wait3A_109 = arith.constant 0 : i32
          %dma_wait3A_110 = arith.constant 0 : i32
          %dma_wait3A_111 = tpu.memref_slice %arg4[%add3A_82, %dma_wait3A_109, %dma_wait3A_110] : memref<2624x2x128xi32, #tpu.memory_space<hbm>> -> memref<1x2x128xi32, #tpu.memory_space<hbm>>
          %dma_wait3A_112 = tpu.memref_squeeze %dma_wait3A_111 : memref<1x2x128xi32, #tpu.memory_space<hbm>> -> memref<2x128xi32, #tpu.memory_space<hbm>>
          tpu.wait_dma2 semaphore(%run_scoped3A : memref<!tpu.dma_semaphore, #tpu.memory_space<semaphore_mem>>) src(%dma_wait3A_112 : memref<2x128xi32, #tpu.memory_space<hbm>>) dst(%arg7 : memref<2x128xi32, #tpu.memory_space<vmem>>)
          tpu.yield
        }) : () -> ()
        %dma_start3A_83 = arith.constant 0 : i32
        %dma_start3A_84 = arith.constant 0 : i32
        %dma_start3A_85 = tpu.memref_slice %arg7[%dma_start3A_83, %dma_start3A_84] : memref<2x128xi32, #tpu.memory_space<vmem>> -> memref<1x128xi32, #tpu.memory_space<vmem>>
        %dma_start3A_86 = tpu.memref_squeeze %dma_start3A_85 : memref<1x128xi32, #tpu.memory_space<vmem>> -> memref<128xi32, #tpu.memory_space<vmem>>
        %dma_start3A_87 = arith.constant 0 : i32
        %dma_start3A_88 = arith.constant 0 : i32
        %dma_start3A_89 = tpu.memref_slice %arg2[%dma_start3A_87, %dma_start3A_88] : memref<10240x128xf32, #tpu.memory_space<hbm>> -> memref<10240x128xf32, #tpu.memory_space<hbm>>
        tpu.enqueue_indirect_dma source(%dma_start3A_89 : memref<10240x128xf32, #tpu.memory_space<hbm>>) target(%arg9 : memref<128x128xf32, #tpu.memory_space<vmem>>) offsets(%dma_start3A_86 : memref<128xi32, #tpu.memory_space<vmem>>) semaphore(%arg13 : memref<!tpu.dma_semaphore, #tpu.memory_space<semaphore_mem>>)
        %dma_start3A_90 = arith.constant 1 : i32
        %dma_start3A_91 = arith.constant 0 : i32
        %dma_start3A_92 = tpu.memref_slice %arg7[%dma_start3A_90, %dma_start3A_91] : memref<2x128xi32, #tpu.memory_space<vmem>> -> memref<1x128xi32, #tpu.memory_space<vmem>>
        %dma_start3A_93 = tpu.memref_squeeze %dma_start3A_92 : memref<1x128xi32, #tpu.memory_space<vmem>> -> memref<128xi32, #tpu.memory_space<vmem>>
        %dma_start3A_94 = arith.constant 0 : i32
        %dma_start3A_95 = arith.constant 0 : i32
        %dma_start3A_96 = tpu.memref_slice %arg3[%dma_start3A_94, %dma_start3A_95] : memref<10240x128xf32, #tpu.memory_space<hbm>> -> memref<10240x128xf32, #tpu.memory_space<hbm>>
        tpu.enqueue_indirect_dma source(%dma_start3A_96 : memref<10240x128xf32, #tpu.memory_space<hbm>>) target(%arg10 : memref<128x128xf32, #tpu.memory_space<vmem>>) offsets(%dma_start3A_93 : memref<128xi32, #tpu.memory_space<vmem>>) semaphore(%arg14 : memref<!tpu.dma_semaphore, #tpu.memory_space<semaphore_mem>>)
      } else {
      }
      %dma_wait3A_63 = arith.constant 0 : i32
      %dma_wait3A_64 = arith.constant 0 : i32
      %dma_wait3A_65 = tpu.memref_slice %arg8[%dma_wait3A_63, %dma_wait3A_64] : memref<2x128xi32, #tpu.memory_space<vmem>> -> memref<1x128xi32, #tpu.memory_space<vmem>>
      %dma_wait3A_66 = tpu.memref_squeeze %dma_wait3A_65 : memref<1x128xi32, #tpu.memory_space<vmem>> -> memref<128xi32, #tpu.memory_space<vmem>>
      %dma_wait3A_67 = arith.constant 0 : i32
      %dma_wait3A_68 = arith.constant 0 : i32
      %dma_wait3A_69 = tpu.memref_slice %arg2[%dma_wait3A_67, %dma_wait3A_68] : memref<10240x128xf32, #tpu.memory_space<hbm>> -> memref<10240x128xf32, #tpu.memory_space<hbm>>
      tpu.wait_indirect_dma semaphore(%arg15 : memref<!tpu.dma_semaphore, #tpu.memory_space<semaphore_mem>>) src(%dma_wait3A_69 : memref<10240x128xf32, #tpu.memory_space<hbm>>) dst(%arg11 : memref<128x128xf32, #tpu.memory_space<vmem>>)
      %dma_wait3A_70 = arith.constant 1 : i32
      %dma_wait3A_71 = arith.constant 0 : i32
      %dma_wait3A_72 = tpu.memref_slice %arg8[%dma_wait3A_70, %dma_wait3A_71] : memref<2x128xi32, #tpu.memory_space<vmem>> -> memref<1x128xi32, #tpu.memory_space<vmem>>
      %dma_wait3A_73 = tpu.memref_squeeze %dma_wait3A_72 : memref<1x128xi32, #tpu.memory_space<vmem>> -> memref<128xi32, #tpu.memory_space<vmem>>
      %dma_wait3A_74 = arith.constant 0 : i32
      %dma_wait3A_75 = arith.constant 0 : i32
      %dma_wait3A_76 = tpu.memref_slice %arg3[%dma_wait3A_74, %dma_wait3A_75] : memref<10240x128xf32, #tpu.memory_space<hbm>> -> memref<10240x128xf32, #tpu.memory_space<hbm>>
      tpu.wait_indirect_dma semaphore(%arg16 : memref<!tpu.dma_semaphore, #tpu.memory_space<semaphore_mem>>) src(%dma_wait3A_76 : memref<10240x128xf32, #tpu.memory_space<hbm>>) dst(%arg12 : memref<128x128xf32, #tpu.memory_space<vmem>>)
      %mul3A_77 = arith.constant 128 : i32
      %mul3A_78 = arith.muli %add3A_29, %mul3A_77 : i32
      "tpu.region"() ({
        %run_scoped3A = tpu.sem_alloc : memref<!tpu.dma_semaphore, #tpu.memory_space<semaphore_mem>>
        %dma_start3A_81 = arith.constant 0 : i32
        %dma_start3A_82 = tpu.memref_slice %arg5[%mul3A_78, %dma_start3A_81] : memref<335872x128xf32, #tpu.memory_space<hbm>> -> memref<128x128xf32, #tpu.memory_space<hbm>>
        %dma_start3A_83 = arith.constant 0 : i32
        %dma_start3A_84 = tpu.memref_slice %arg5[%mul3A_78, %dma_start3A_83] : memref<335872x128xf32, #tpu.memory_space<hbm>> -> memref<128x128xf32, #tpu.memory_space<hbm>>
        tpu.enqueue_dma source(%arg11 : memref<128x128xf32, #tpu.memory_space<vmem>>) target(%dma_start3A_84 : memref<128x128xf32, #tpu.memory_space<hbm>>) target_semaphore(%run_scoped3A : memref<!tpu.dma_semaphore, #tpu.memory_space<semaphore_mem>>)
        %dma_wait3A_85 = arith.constant 0 : i32
        %dma_wait3A_86 = tpu.memref_slice %arg5[%mul3A_78, %dma_wait3A_85] : memref<335872x128xf32, #tpu.memory_space<hbm>> -> memref<128x128xf32, #tpu.memory_space<hbm>>
        %dma_wait3A_87 = arith.constant 0 : i32
        %dma_wait3A_88 = tpu.memref_slice %arg5[%mul3A_78, %dma_wait3A_87] : memref<335872x128xf32, #tpu.memory_space<hbm>> -> memref<128x128xf32, #tpu.memory_space<hbm>>
        tpu.wait_dma2 semaphore(%run_scoped3A : memref<!tpu.dma_semaphore, #tpu.memory_space<semaphore_mem>>) src(%arg11 : memref<128x128xf32, #tpu.memory_space<vmem>>) dst(%dma_wait3A_88 : memref<128x128xf32, #tpu.memory_space<hbm>>)
        tpu.yield
      }) : () -> ()
      %mul3A_79 = arith.constant 128 : i32
      %mul3A_80 = arith.muli %add3A_29, %mul3A_79 : i32
      "tpu.region"() ({
        %run_scoped3A = tpu.sem_alloc : memref<!tpu.dma_semaphore, #tpu.memory_space<semaphore_mem>>
        %dma_start3A_81 = arith.constant 0 : i32
        %dma_start3A_82 = tpu.memref_slice %arg6[%mul3A_80, %dma_start3A_81] : memref<335872x128xf32, #tpu.memory_space<hbm>> -> memref<128x128xf32, #tpu.memory_space<hbm>>
        %dma_start3A_83 = arith.constant 0 : i32
        %dma_start3A_84 = tpu.memref_slice %arg6[%mul3A_80, %dma_start3A_83] : memref<335872x128xf32, #tpu.memory_space<hbm>> -> memref<128x128xf32, #tpu.memory_space<hbm>>
        tpu.enqueue_dma source(%arg12 : memref<128x128xf32, #tpu.memory_space<vmem>>) target(%dma_start3A_84 : memref<128x128xf32, #tpu.memory_space<hbm>>) target_semaphore(%run_scoped3A : memref<!tpu.dma_semaphore, #tpu.memory_space<semaphore_mem>>)
        %dma_wait3A_85 = arith.constant 0 : i32
        %dma_wait3A_86 = tpu.memref_slice %arg6[%mul3A_80, %dma_wait3A_85] : memref<335872x128xf32, #tpu.memory_space<hbm>> -> memref<128x128xf32, #tpu.memory_space<hbm>>
        %dma_wait3A_87 = arith.constant 0 : i32
        %dma_wait3A_88 = tpu.memref_slice %arg6[%mul3A_80, %dma_wait3A_87] : memref<335872x128xf32, #tpu.memory_space<hbm>> -> memref<128x128xf32, #tpu.memory_space<hbm>>
        tpu.wait_dma2 semaphore(%run_scoped3A : memref<!tpu.dma_semaphore, #tpu.memory_space<semaphore_mem>>) src(%arg12 : memref<128x128xf32, #tpu.memory_space<vmem>>) dst(%dma_wait3A_88 : memref<128x128xf32, #tpu.memory_space<hbm>>)
        tpu.yield
      }) : () -> ()
    }
    %scan3A_19 = arith.constant 41 : i32
    return
  }
}

#map = affine_map<(d0, d1) -> (0)>
#map1 = affine_map<(d0, d1) -> (0, 0)>
module attributes {stable_mosaic.version = 14 : i64} {
  func.func @k(%arg0: i32, %arg1: i32, %arg2: memref<1343488xf32, #tpu.memory_space<hbm>>, %arg3: memref<335872xi32, #tpu.memory_space<hbm>>, %arg4: memref<32x40960xf32, #tpu.memory_space<hbm>>, %arg5: memref<40960xf32, #tpu.memory_space<vmem>>, %arg6: memref<10496xi32, #tpu.memory_space<vmem>>, %arg7: memref<41984xf32, #tpu.memory_space<vmem>>, %arg8: memref<!tpu.dma_semaphore, #tpu.memory_space<semaphore_mem>>) attributes {dimension_semantics = [#tpu.dimension_semantics<core_parallel>, #tpu.dimension_semantics<subcore_parallel>], iteration_bounds = array<i64: 2, 16>, scalar_prefetch = 0 : i64, scratch_operands = 4 : i64, tpu.core_type = #tpu.core_type<sc_vector_subcore>, window_params = [{transform_indices = #map}, {transform_indices = #map}, {transform_indices = #map1}]} {
    %mul3A = arith.constant 2 : i32
    %mul3A_0 = arith.muli %arg1, %mul3A : i32
    %add3A = arith.addi %mul3A_0, %arg0 : i32
    %mul3A_1 = arith.constant 10496 : i32
    %mul3A_2 = arith.muli %add3A, %mul3A_1 : i32
    %dma_start3A = tpu.memref_slice %arg3[%mul3A_2] : memref<335872xi32, #tpu.memory_space<hbm>> -> memref<10496xi32, #tpu.memory_space<hbm>>
    %dma_start3A_3 = tpu.memref_slice %arg3[%mul3A_2] : memref<335872xi32, #tpu.memory_space<hbm>> -> memref<10496xi32, #tpu.memory_space<hbm>>
    tpu.enqueue_dma source(%dma_start3A_3 : memref<10496xi32, #tpu.memory_space<hbm>>) target(%arg6 : memref<10496xi32, #tpu.memory_space<vmem>>) target_semaphore(%arg8 : memref<!tpu.dma_semaphore, #tpu.memory_space<semaphore_mem>>)
    %mul3A_4 = arith.constant 4 : i32
    %mul3A_5 = arith.muli %mul3A_2, %mul3A_4 : i32
    %dma_start3A_6 = tpu.memref_slice %arg2[%mul3A_5] : memref<1343488xf32, #tpu.memory_space<hbm>> -> memref<41984xf32, #tpu.memory_space<hbm>>
    %dma_start3A_7 = tpu.memref_slice %arg2[%mul3A_5] : memref<1343488xf32, #tpu.memory_space<hbm>> -> memref<41984xf32, #tpu.memory_space<hbm>>
    tpu.enqueue_dma source(%dma_start3A_7 : memref<41984xf32, #tpu.memory_space<hbm>>) target(%arg7 : memref<41984xf32, #tpu.memory_space<vmem>>) target_semaphore(%arg8 : memref<!tpu.dma_semaphore, #tpu.memory_space<semaphore_mem>>)
    %scan3A = arith.constant 0 : i32
    %scan3A_8 = arith.constant 2560 : i32
    %scan3A_9 = arith.addi %scan3A, %scan3A_8 : i32
    %scan3A_10 = arith.constant 1 : i32
    scf.for %scan3A_47 = %scan3A to %scan3A_9 step %scan3A_10  : i32 {
      %mul3A_48 = arith.constant 16 : i32
      %mul3A_49 = arith.muli %scan3A_47, %mul3A_48 : i32
      %add3A_50 = arith.constant 0 : i32
      %add3A_51 = arith.addi %add3A_50, %mul3A_49 : i32
      %broadcast_in_dim3A = arith.constant 0.000000e+00 : f32
      %broadcast_in_dim3A_52 = vector.broadcast %broadcast_in_dim3A : f32 to vector<16xf32>
      %swap3A = arith.index_cast %add3A_51 : i32 to index
      %swap3A_53 = tpu.vector_load %arg5[%swap3A] {strides = array<i32>} : memref<40960xf32, #tpu.memory_space<vmem>>, vector<16xf32>,
      tpu.vector_store %arg5[%swap3A], %broadcast_in_dim3A_52 {strides = array<i32>} : memref<40960xf32, #tpu.memory_space<vmem>>, vector<16xf32>,
    }
    %scan3A_11 = arith.constant 2560 : i32
    %dma_wait3A = tpu.memref_slice %arg3[%mul3A_2] : memref<335872xi32, #tpu.memory_space<hbm>> -> memref<10496xi32, #tpu.memory_space<hbm>>
    %dma_wait3A_12 = tpu.memref_slice %arg3[%mul3A_2] : memref<335872xi32, #tpu.memory_space<hbm>> -> memref<10496xi32, #tpu.memory_space<hbm>>
    tpu.wait_dma2 semaphore(%arg8 : memref<!tpu.dma_semaphore, #tpu.memory_space<semaphore_mem>>) src(%dma_wait3A_12 : memref<10496xi32, #tpu.memory_space<hbm>>) dst(%arg6 : memref<10496xi32, #tpu.memory_space<vmem>>)
    %dma_wait3A_13 = tpu.memref_slice %arg2[%mul3A_5] : memref<1343488xf32, #tpu.memory_space<hbm>> -> memref<41984xf32, #tpu.memory_space<hbm>>
    %dma_wait3A_14 = tpu.memref_slice %arg2[%mul3A_5] : memref<1343488xf32, #tpu.memory_space<hbm>> -> memref<41984xf32, #tpu.memory_space<hbm>>
    tpu.wait_dma2 semaphore(%arg8 : memref<!tpu.dma_semaphore, #tpu.memory_space<semaphore_mem>>) src(%dma_wait3A_14 : memref<41984xf32, #tpu.memory_space<hbm>>) dst(%arg7 : memref<41984xf32, #tpu.memory_space<vmem>>)
    %iota3A = tpu.iota {dimensions = array<i32: 0>} : vector<16xi32>
    %jit3A = arith.constant 4 : i32
    %div3A = vector.broadcast %jit3A : i32 to vector<16xi32>
    %div3A_15 = arith.divsi %iota3A, %div3A : vector<16xi32>
    %sign3A = arith.constant 0 : i32
    %sign3A_16 = vector.broadcast %sign3A : i32 to vector<16xi32>
    %sign3A_17 = arith.cmpi sgt, %iota3A, %sign3A_16 : vector<16xi32>
    %sign3A_18 = arith.extui %sign3A_17 : vector<16xi1> to vector<16xi32>
    %sign3A_19 = arith.constant 0 : i32
    %sign3A_20 = vector.broadcast %sign3A_19 : i32 to vector<16xi32>
    %sign3A_21 = arith.cmpi slt, %iota3A, %sign3A_20 : vector<16xi32>
    %sign3A_22 = arith.extui %sign3A_21 : vector<16xi1> to vector<16xi32>
    %sign3A_23 = arith.subi %sign3A_18, %sign3A_22 : vector<16xi32>
    %sign3A_24 = arith.constant 0 : i32
    %sign3A_25 = arith.cmpi sgt, %jit3A, %sign3A_24 : i32
    %sign3A_26 = arith.extui %sign3A_25 : i1 to i32
    %sign3A_27 = arith.constant 0 : i32
    %sign3A_28 = arith.cmpi slt, %jit3A, %sign3A_27 : i32
    %sign3A_29 = arith.extui %sign3A_28 : i1 to i32
    %sign3A_30 = arith.subi %sign3A_26, %sign3A_29 : i32
    %ne3A = vector.broadcast %sign3A_30 : i32 to vector<16xi32>
    %ne3A_31 = arith.cmpi ne, %sign3A_23, %ne3A : vector<16xi32>
    %rem3A = vector.broadcast %jit3A : i32 to vector<16xi32>
    %rem3A_32 = arith.remsi %iota3A, %rem3A : vector<16xi32>
    %ne3A_33 = arith.constant 0 : i32
    %ne3A_34 = vector.broadcast %ne3A_33 : i32 to vector<16xi32>
    %ne3A_35 = arith.cmpi ne, %rem3A_32, %ne3A_34 : vector<16xi32>
    %and3A = arith.andi %ne3A_31, %ne3A_35 : vector<16xi1>
    %sub3A = arith.constant 1 : i32
    %sub3A_36 = vector.broadcast %sub3A : i32 to vector<16xi32>
    %sub3A_37 = arith.subi %div3A_15, %sub3A_36 : vector<16xi32>
    %select_n3A = arith.select %and3A, %sub3A_37, %div3A_15 : vector<16xi1>, vector<16xi32>
    %mul3A_38 = arith.constant 4 : i32
    %mul3A_39 = vector.broadcast %mul3A_38 : i32 to vector<16xi32>
    %mul3A_40 = arith.muli %select_n3A, %mul3A_39 : vector<16xi32>
    %sub3A_41 = arith.subi %iota3A, %mul3A_40 : vector<16xi32>
    %scan3A_42 = arith.constant 0 : i32
    %scan3A_43 = arith.constant 2624 : i32
    %scan3A_44 = arith.addi %scan3A_42, %scan3A_43 : i32
    %scan3A_45 = arith.constant 1 : i32
    scf.for %scan3A_47 = %scan3A_42 to %scan3A_44 step %scan3A_45  : i32 {
      %mul3A_48 = arith.constant 1 : i32
      %mul3A_49 = arith.muli %scan3A_47, %mul3A_48 : i32
      %add3A_50 = arith.constant 0 : i32
      %add3A_51 = arith.addi %add3A_50, %mul3A_49 : i32
      %mul3A_52 = arith.constant 4 : i32
      %mul3A_53 = arith.muli %add3A_51, %mul3A_52 : i32
      %add3A_54 = vector.broadcast %mul3A_53 : i32 to vector<16xi32>
      %add3A_55 = arith.addi %add3A_54, %select_n3A : vector<16xi32>
      %gather3A = tpu.vector_load_idx %arg6[%add3A_55] : memref<10496xi32, #tpu.memory_space<vmem>>[vector<16xi32>], vector<16xi32>,
      %mul3A_56 = arith.constant 4 : i32
      %mul3A_57 = vector.broadcast %mul3A_56 : i32 to vector<16xi32>
      %mul3A_58 = arith.muli %gather3A, %mul3A_57 : vector<16xi32>
      %add3A_59 = arith.addi %mul3A_58, %sub3A_41 : vector<16xi32>
      %mul3A_60 = arith.constant 16 : i32
      %mul3A_61 = arith.muli %add3A_51, %mul3A_60 : i32
      %get3A = arith.index_cast %mul3A_61 : i32 to index
      %get3A_62 = tpu.vector_load %arg7[%get3A] {strides = array<i32>} : memref<41984xf32, #tpu.memory_space<vmem>>, vector<16xf32>,
      tpu.vector_store_idx %arg5[%add3A_59], %get3A_62 {add = true} : memref<40960xf32, #tpu.memory_space<vmem>>[vector<16xi32>], vector<16xf32>,
    }
    %scan3A_46 = arith.constant 2624 : i32
    "tpu.region"() ({
      %run_scoped3A = tpu.sem_alloc : memref<!tpu.dma_semaphore, #tpu.memory_space<semaphore_mem>>
      %dma_start3A_47 = arith.constant 0 : i32
      %dma_start3A_48 = tpu.memref_slice %arg4[%add3A, %dma_start3A_47] : memref<32x40960xf32, #tpu.memory_space<hbm>> -> memref<1x40960xf32, #tpu.memory_space<hbm>>
      %dma_start3A_49 = tpu.memref_squeeze %dma_start3A_48 : memref<1x40960xf32, #tpu.memory_space<hbm>> -> memref<40960xf32, #tpu.memory_space<hbm>>
      %dma_start3A_50 = arith.constant 0 : i32
      %dma_start3A_51 = tpu.memref_slice %arg4[%add3A, %dma_start3A_50] : memref<32x40960xf32, #tpu.memory_space<hbm>> -> memref<1x40960xf32, #tpu.memory_space<hbm>>
      %dma_start3A_52 = tpu.memref_squeeze %dma_start3A_51 : memref<1x40960xf32, #tpu.memory_space<hbm>> -> memref<40960xf32, #tpu.memory_space<hbm>>
      tpu.enqueue_dma source(%arg5 : memref<40960xf32, #tpu.memory_space<vmem>>) target(%dma_start3A_52 : memref<40960xf32, #tpu.memory_space<hbm>>) target_semaphore(%run_scoped3A : memref<!tpu.dma_semaphore, #tpu.memory_space<semaphore_mem>>)
      %dma_wait3A_53 = arith.constant 0 : i32
      %dma_wait3A_54 = tpu.memref_slice %arg4[%add3A, %dma_wait3A_53] : memref<32x40960xf32, #tpu.memory_space<hbm>> -> memref<1x40960xf32, #tpu.memory_space<hbm>>
      %dma_wait3A_55 = tpu.memref_squeeze %dma_wait3A_54 : memref<1x40960xf32, #tpu.memory_space<hbm>> -> memref<40960xf32, #tpu.memory_space<hbm>>
      %dma_wait3A_56 = arith.constant 0 : i32
      %dma_wait3A_57 = tpu.memref_slice %arg4[%add3A, %dma_wait3A_56] : memref<32x40960xf32, #tpu.memory_space<hbm>> -> memref<1x40960xf32, #tpu.memory_space<hbm>>
      %dma_wait3A_58 = tpu.memref_squeeze %dma_wait3A_57 : memref<1x40960xf32, #tpu.memory_space<hbm>> -> memref<40960xf32, #tpu.memory_space<hbm>>
      tpu.wait_dma2 semaphore(%run_scoped3A : memref<!tpu.dma_semaphore, #tpu.memory_space<semaphore_mem>>) src(%arg5 : memref<40960xf32, #tpu.memory_space<vmem>>) dst(%dma_wait3A_58 : memref<40960xf32, #tpu.memory_space<hbm>>)
      tpu.yield
    }) : () -> ()
    return
  }
}

#map = affine_map<(d0, d1) -> (0)>
#map1 = affine_map<(d0, d1) -> (0, 0)>
module attributes {stable_mosaic.version = 14 : i64} {
  func.func @k(%arg0: i32, %arg1: i32, %arg2: memref<1343488xf32, #tpu.memory_space<hbm>>, %arg3: memref<335872xi32, #tpu.memory_space<hbm>>, %arg4: memref<1x40960xf32, #tpu.memory_space<hbm>>, %arg5: memref<1343488xf32, #tpu.memory_space<hbm>>, %arg6: memref<40960xf32, #tpu.memory_space<vmem>>, %arg7: memref<10496xi32, #tpu.memory_space<vmem>>, %arg8: memref<41984xf32, #tpu.memory_space<vmem>>, %arg9: memref<!tpu.dma_semaphore, #tpu.memory_space<semaphore_mem>>) attributes {dimension_semantics = [#tpu.dimension_semantics<core_parallel>, #tpu.dimension_semantics<subcore_parallel>], iteration_bounds = array<i64: 2, 16>, scalar_prefetch = 0 : i64, scratch_operands = 4 : i64, tpu.core_type = #tpu.core_type<sc_vector_subcore>, window_params = [{transform_indices = #map}, {transform_indices = #map}, {transform_indices = #map1}, {transform_indices = #map}]} {
    %mul3A = arith.constant 2 : i32
    %mul3A_0 = arith.muli %arg1, %mul3A : i32
    %add3A = arith.addi %mul3A_0, %arg0 : i32
    %mul3A_1 = arith.constant 10496 : i32
    %mul3A_2 = arith.muli %add3A, %mul3A_1 : i32
    %dma_start3A = tpu.memref_slice %arg3[%mul3A_2] : memref<335872xi32, #tpu.memory_space<hbm>> -> memref<10496xi32, #tpu.memory_space<hbm>>
    %dma_start3A_3 = tpu.memref_slice %arg3[%mul3A_2] : memref<335872xi32, #tpu.memory_space<hbm>> -> memref<10496xi32, #tpu.memory_space<hbm>>
    tpu.enqueue_dma source(%dma_start3A_3 : memref<10496xi32, #tpu.memory_space<hbm>>) target(%arg7 : memref<10496xi32, #tpu.memory_space<vmem>>) target_semaphore(%arg9 : memref<!tpu.dma_semaphore, #tpu.memory_space<semaphore_mem>>)
    %mul3A_4 = arith.constant 4 : i32
    %mul3A_5 = arith.muli %mul3A_2, %mul3A_4 : i32
    %dma_start3A_6 = tpu.memref_slice %arg2[%mul3A_5] : memref<1343488xf32, #tpu.memory_space<hbm>> -> memref<41984xf32, #tpu.memory_space<hbm>>
    %dma_start3A_7 = tpu.memref_slice %arg2[%mul3A_5] : memref<1343488xf32, #tpu.memory_space<hbm>> -> memref<41984xf32, #tpu.memory_space<hbm>>
    tpu.enqueue_dma source(%dma_start3A_7 : memref<41984xf32, #tpu.memory_space<hbm>>) target(%arg8 : memref<41984xf32, #tpu.memory_space<vmem>>) target_semaphore(%arg9 : memref<!tpu.dma_semaphore, #tpu.memory_space<semaphore_mem>>)
    %run_scoped3A = arith.constant 0 : i32
    "tpu.region"() ({
      %run_scoped3A_44 = tpu.sem_alloc : memref<!tpu.dma_semaphore, #tpu.memory_space<semaphore_mem>>
      %dma_start3A_45 = arith.constant 0 : i32
      %dma_start3A_46 = tpu.memref_slice %arg4[%run_scoped3A, %dma_start3A_45] : memref<1x40960xf32, #tpu.memory_space<hbm>> -> memref<1x40960xf32, #tpu.memory_space<hbm>>
      %dma_start3A_47 = tpu.memref_squeeze %dma_start3A_46 : memref<1x40960xf32, #tpu.memory_space<hbm>> -> memref<40960xf32, #tpu.memory_space<hbm>>
      %dma_start3A_48 = arith.constant 0 : i32
      %dma_start3A_49 = tpu.memref_slice %arg4[%run_scoped3A, %dma_start3A_48] : memref<1x40960xf32, #tpu.memory_space<hbm>> -> memref<1x40960xf32, #tpu.memory_space<hbm>>
      %dma_start3A_50 = tpu.memref_squeeze %dma_start3A_49 : memref<1x40960xf32, #tpu.memory_space<hbm>> -> memref<40960xf32, #tpu.memory_space<hbm>>
      tpu.enqueue_dma source(%dma_start3A_50 : memref<40960xf32, #tpu.memory_space<hbm>>) target(%arg6 : memref<40960xf32, #tpu.memory_space<vmem>>) target_semaphore(%run_scoped3A_44 : memref<!tpu.dma_semaphore, #tpu.memory_space<semaphore_mem>>)
      %dma_wait3A_51 = arith.constant 0 : i32
      %dma_wait3A_52 = tpu.memref_slice %arg4[%run_scoped3A, %dma_wait3A_51] : memref<1x40960xf32, #tpu.memory_space<hbm>> -> memref<1x40960xf32, #tpu.memory_space<hbm>>
      %dma_wait3A_53 = tpu.memref_squeeze %dma_wait3A_52 : memref<1x40960xf32, #tpu.memory_space<hbm>> -> memref<40960xf32, #tpu.memory_space<hbm>>
      %dma_wait3A_54 = arith.constant 0 : i32
      %dma_wait3A_55 = tpu.memref_slice %arg4[%run_scoped3A, %dma_wait3A_54] : memref<1x40960xf32, #tpu.memory_space<hbm>> -> memref<1x40960xf32, #tpu.memory_space<hbm>>
      %dma_wait3A_56 = tpu.memref_squeeze %dma_wait3A_55 : memref<1x40960xf32, #tpu.memory_space<hbm>> -> memref<40960xf32, #tpu.memory_space<hbm>>
      tpu.wait_dma2 semaphore(%run_scoped3A_44 : memref<!tpu.dma_semaphore, #tpu.memory_space<semaphore_mem>>) src(%dma_wait3A_56 : memref<40960xf32, #tpu.memory_space<hbm>>) dst(%arg6 : memref<40960xf32, #tpu.memory_space<vmem>>)
      tpu.yield
    }) : () -> ()
    %dma_wait3A = tpu.memref_slice %arg3[%mul3A_2] : memref<335872xi32, #tpu.memory_space<hbm>> -> memref<10496xi32, #tpu.memory_space<hbm>>
    %dma_wait3A_8 = tpu.memref_slice %arg3[%mul3A_2] : memref<335872xi32, #tpu.memory_space<hbm>> -> memref<10496xi32, #tpu.memory_space<hbm>>
    tpu.wait_dma2 semaphore(%arg9 : memref<!tpu.dma_semaphore, #tpu.memory_space<semaphore_mem>>) src(%dma_wait3A_8 : memref<10496xi32, #tpu.memory_space<hbm>>) dst(%arg7 : memref<10496xi32, #tpu.memory_space<vmem>>)
    %dma_wait3A_9 = tpu.memref_slice %arg2[%mul3A_5] : memref<1343488xf32, #tpu.memory_space<hbm>> -> memref<41984xf32, #tpu.memory_space<hbm>>
    %dma_wait3A_10 = tpu.memref_slice %arg2[%mul3A_5] : memref<1343488xf32, #tpu.memory_space<hbm>> -> memref<41984xf32, #tpu.memory_space<hbm>>
    tpu.wait_dma2 semaphore(%arg9 : memref<!tpu.dma_semaphore, #tpu.memory_space<semaphore_mem>>) src(%dma_wait3A_10 : memref<41984xf32, #tpu.memory_space<hbm>>) dst(%arg8 : memref<41984xf32, #tpu.memory_space<vmem>>)
    %iota3A = tpu.iota {dimensions = array<i32: 0>} : vector<16xi32>
    %jit3A = arith.constant 4 : i32
    %div3A = vector.broadcast %jit3A : i32 to vector<16xi32>
    %div3A_11 = arith.divsi %iota3A, %div3A : vector<16xi32>
    %sign3A = arith.constant 0 : i32
    %sign3A_12 = vector.broadcast %sign3A : i32 to vector<16xi32>
    %sign3A_13 = arith.cmpi sgt, %iota3A, %sign3A_12 : vector<16xi32>
    %sign3A_14 = arith.extui %sign3A_13 : vector<16xi1> to vector<16xi32>
    %sign3A_15 = arith.constant 0 : i32
    %sign3A_16 = vector.broadcast %sign3A_15 : i32 to vector<16xi32>
    %sign3A_17 = arith.cmpi slt, %iota3A, %sign3A_16 : vector<16xi32>
    %sign3A_18 = arith.extui %sign3A_17 : vector<16xi1> to vector<16xi32>
    %sign3A_19 = arith.subi %sign3A_14, %sign3A_18 : vector<16xi32>
    %sign3A_20 = arith.constant 0 : i32
    %sign3A_21 = arith.cmpi sgt, %jit3A, %sign3A_20 : i32
    %sign3A_22 = arith.extui %sign3A_21 : i1 to i32
    %sign3A_23 = arith.constant 0 : i32
    %sign3A_24 = arith.cmpi slt, %jit3A, %sign3A_23 : i32
    %sign3A_25 = arith.extui %sign3A_24 : i1 to i32
    %sign3A_26 = arith.subi %sign3A_22, %sign3A_25 : i32
    %ne3A = vector.broadcast %sign3A_26 : i32 to vector<16xi32>
    %ne3A_27 = arith.cmpi ne, %sign3A_19, %ne3A : vector<16xi32>
    %rem3A = vector.broadcast %jit3A : i32 to vector<16xi32>
    %rem3A_28 = arith.remsi %iota3A, %rem3A : vector<16xi32>
    %ne3A_29 = arith.constant 0 : i32
    %ne3A_30 = vector.broadcast %ne3A_29 : i32 to vector<16xi32>
    %ne3A_31 = arith.cmpi ne, %rem3A_28, %ne3A_30 : vector<16xi32>
    %and3A = arith.andi %ne3A_27, %ne3A_31 : vector<16xi1>
    %sub3A = arith.constant 1 : i32
    %sub3A_32 = vector.broadcast %sub3A : i32 to vector<16xi32>
    %sub3A_33 = arith.subi %div3A_11, %sub3A_32 : vector<16xi32>
    %select_n3A = arith.select %and3A, %sub3A_33, %div3A_11 : vector<16xi1>, vector<16xi32>
    %mul3A_34 = arith.constant 4 : i32
    %mul3A_35 = vector.broadcast %mul3A_34 : i32 to vector<16xi32>
    %mul3A_36 = arith.muli %select_n3A, %mul3A_35 : vector<16xi32>
    %sub3A_37 = arith.subi %iota3A, %mul3A_36 : vector<16xi32>
    %scan3A = arith.constant 0 : i32
    %scan3A_38 = arith.constant 2624 : i32
    %scan3A_39 = arith.addi %scan3A, %scan3A_38 : i32
    %scan3A_40 = arith.constant 1 : i32
    scf.for %scan3A_44 = %scan3A to %scan3A_39 step %scan3A_40  : i32 {
      %mul3A_45 = arith.constant 1 : i32
      %mul3A_46 = arith.muli %scan3A_44, %mul3A_45 : i32
      %add3A_47 = arith.constant 0 : i32
      %add3A_48 = arith.addi %add3A_47, %mul3A_46 : i32
      %mul3A_49 = arith.constant 4 : i32
      %mul3A_50 = arith.muli %add3A_48, %mul3A_49 : i32
      %add3A_51 = vector.broadcast %mul3A_50 : i32 to vector<16xi32>
      %add3A_52 = arith.addi %add3A_51, %select_n3A : vector<16xi32>
      %gather3A = tpu.vector_load_idx %arg7[%add3A_52] : memref<10496xi32, #tpu.memory_space<vmem>>[vector<16xi32>], vector<16xi32>,
      %mul3A_53 = arith.constant 4 : i32
      %mul3A_54 = vector.broadcast %mul3A_53 : i32 to vector<16xi32>
      %mul3A_55 = arith.muli %gather3A, %mul3A_54 : vector<16xi32>
      %add3A_56 = arith.addi %mul3A_55, %sub3A_37 : vector<16xi32>
      %gather3A_57 = tpu.vector_load_idx %arg6[%add3A_56] : memref<40960xf32, #tpu.memory_space<vmem>>[vector<16xi32>], vector<16xf32>,
      %mul3A_58 = arith.constant 16 : i32
      %mul3A_59 = arith.muli %add3A_48, %mul3A_58 : i32
      %get3A = arith.index_cast %mul3A_59 : i32 to index
      %get3A_60 = tpu.vector_load %arg8[%get3A] {strides = array<i32>} : memref<41984xf32, #tpu.memory_space<vmem>>, vector<16xf32>,
      %add3A_61 = arith.constant 1.000000e-16 : f32
      %add3A_62 = vector.broadcast %add3A_61 : f32 to vector<16xf32>
      %add3A_63 = arith.addf %gather3A_57, %add3A_62 : vector<16xf32>
      %div3A_64 = arith.divf %get3A_60, %add3A_63 : vector<16xf32>
      %mul3A_65 = arith.constant 16 : i32
      %mul3A_66 = arith.muli %add3A_48, %mul3A_65 : i32
      %swap3A = arith.index_cast %mul3A_66 : i32 to index
      %swap3A_67 = tpu.vector_load %arg8[%swap3A] {strides = array<i32>} : memref<41984xf32, #tpu.memory_space<vmem>>, vector<16xf32>,
      tpu.vector_store %arg8[%swap3A], %div3A_64 {strides = array<i32>} : memref<41984xf32, #tpu.memory_space<vmem>>, vector<16xf32>,
    }
    %scan3A_41 = arith.constant 2624 : i32
    %mul3A_42 = arith.constant 4 : i32
    %mul3A_43 = arith.muli %mul3A_2, %mul3A_42 : i32
    "tpu.region"() ({
      %run_scoped3A_44 = tpu.sem_alloc : memref<!tpu.dma_semaphore, #tpu.memory_space<semaphore_mem>>
      %dma_start3A_45 = tpu.memref_slice %arg5[%mul3A_43] : memref<1343488xf32, #tpu.memory_space<hbm>> -> memref<41984xf32, #tpu.memory_space<hbm>>
      %dma_start3A_46 = tpu.memref_slice %arg5[%mul3A_43] : memref<1343488xf32, #tpu.memory_space<hbm>> -> memref<41984xf32, #tpu.memory_space<hbm>>
      tpu.enqueue_dma source(%arg8 : memref<41984xf32, #tpu.memory_space<vmem>>) target(%dma_start3A_46 : memref<41984xf32, #tpu.memory_space<hbm>>) target_semaphore(%run_scoped3A_44 : memref<!tpu.dma_semaphore, #tpu.memory_space<semaphore_mem>>)
      %dma_wait3A_47 = tpu.memref_slice %arg5[%mul3A_43] : memref<1343488xf32, #tpu.memory_space<hbm>> -> memref<41984xf32, #tpu.memory_space<hbm>>
      %dma_wait3A_48 = tpu.memref_slice %arg5[%mul3A_43] : memref<1343488xf32, #tpu.memory_space<hbm>> -> memref<41984xf32, #tpu.memory_space<hbm>>
      tpu.wait_dma2 semaphore(%run_scoped3A_44 : memref<!tpu.dma_semaphore, #tpu.memory_space<semaphore_mem>>) src(%arg8 : memref<41984xf32, #tpu.memory_space<vmem>>) dst(%dma_wait3A_48 : memref<41984xf32, #tpu.memory_space<hbm>>)
      tpu.yield
    }) : () -> ()
    return
  }
}

#map = affine_map<(d0, d1) -> (0, 0)>
#map1 = affine_map<(d0, d1) -> (0, 0, 0)>
module attributes {stable_mosaic.version = 14 : i64} {
  func.func @k(%arg0: i32, %arg1: i32, %arg2: memref<335872x128xf32, #tpu.memory_space<hbm>>, %arg3: memref<2624x2x128xi32, #tpu.memory_space<hbm>>, %arg4: memref<10240x128xf32, #tpu.memory_space<hbm>>, %arg5: memref<2x10240x128xf32, #tpu.memory_space<hbm>>, %arg6: memref<10240x128xf32, #tpu.memory_space<vmem_shared>>, %arg7: memref<2x128xi32, #tpu.memory_space<vmem>>, %arg8: memref<2x128xi32, #tpu.memory_space<vmem>>, %arg9: memref<128x128xf32, #tpu.memory_space<vmem>>, %arg10: memref<128x128xf32, #tpu.memory_space<vmem>>, %arg11: memref<!tpu.dma_semaphore, #tpu.memory_space<semaphore_mem>>, %arg12: memref<!tpu.dma_semaphore, #tpu.memory_space<semaphore_mem>>) attributes {dimension_semantics = [#tpu.dimension_semantics<core_parallel>, #tpu.dimension_semantics<subcore_parallel>], iteration_bounds = array<i64: 2, 16>, scalar_prefetch = 0 : i64, scratch_operands = 7 : i64, tpu.core_type = #tpu.core_type<sc_vector_subcore>, window_params = [{transform_indices = #map}, {transform_indices = #map1}, {transform_indices = #map}, {transform_indices = #map1}]} {
    %mul3A = arith.constant 2 : i32
    %mul3A_0 = arith.muli %arg1, %mul3A : i32
    %add3A = arith.addi %mul3A_0, %arg0 : i32
    %mul3A_1 = arith.constant 82 : i32
    %mul3A_2 = arith.muli %add3A, %mul3A_1 : i32
    %mul3A_3 = arith.constant 640 : i32
    %mul3A_4 = arith.muli %arg1, %mul3A_3 : i32
    "tpu.region"() ({
      %run_scoped3A = tpu.sem_alloc : memref<!tpu.dma_semaphore, #tpu.memory_space<semaphore_mem>>
      %dma_start3A_15 = arith.constant 0 : i32
      %dma_start3A_16 = tpu.memref_slice %arg6[%mul3A_4, %dma_start3A_15] : memref<10240x128xf32, #tpu.memory_space<vmem_shared>> -> memref<640x128xf32, #tpu.memory_space<vmem_shared>>
      %dma_start3A_17 = arith.constant 0 : i32
      %dma_start3A_18 = tpu.memref_slice %arg4[%mul3A_4, %dma_start3A_17] : memref<10240x128xf32, #tpu.memory_space<hbm>> -> memref<640x128xf32, #tpu.memory_space<hbm>>
      tpu.enqueue_dma source(%dma_start3A_18 : memref<640x128xf32, #tpu.memory_space<hbm>>) target(%dma_start3A_16 : memref<640x128xf32, #tpu.memory_space<vmem_shared>>) target_semaphore(%run_scoped3A : memref<!tpu.dma_semaphore, #tpu.memory_space<semaphore_mem>>)
      %dma_wait3A = arith.constant 0 : i32
      %dma_wait3A_19 = tpu.memref_slice %arg6[%mul3A_4, %dma_wait3A] : memref<10240x128xf32, #tpu.memory_space<vmem_shared>> -> memref<640x128xf32, #tpu.memory_space<vmem_shared>>
      %dma_wait3A_20 = arith.constant 0 : i32
      %dma_wait3A_21 = tpu.memref_slice %arg4[%mul3A_4, %dma_wait3A_20] : memref<10240x128xf32, #tpu.memory_space<hbm>> -> memref<640x128xf32, #tpu.memory_space<hbm>>
      tpu.wait_dma2 semaphore(%run_scoped3A : memref<!tpu.dma_semaphore, #tpu.memory_space<semaphore_mem>>) src(%dma_wait3A_21 : memref<640x128xf32, #tpu.memory_space<hbm>>) dst(%dma_wait3A_19 : memref<640x128xf32, #tpu.memory_space<vmem_shared>>)
      tpu.yield
    }) : () -> ()
    %barrier3A = arith.constant 0 : index
    tpu.barrier barrier_id(%barrier3A)
    "tpu.region"() ({
      %run_scoped3A = tpu.sem_alloc : memref<!tpu.dma_semaphore, #tpu.memory_space<semaphore_mem>>
      %dma_start3A_15 = arith.constant 0 : i32
      %dma_start3A_16 = arith.constant 0 : i32
      %dma_start3A_17 = tpu.memref_slice %arg3[%mul3A_2, %dma_start3A_15, %dma_start3A_16] : memref<2624x2x128xi32, #tpu.memory_space<hbm>> -> memref<1x2x128xi32, #tpu.memory_space<hbm>>
      %dma_start3A_18 = tpu.memref_squeeze %dma_start3A_17 : memref<1x2x128xi32, #tpu.memory_space<hbm>> -> memref<2x128xi32, #tpu.memory_space<hbm>>
      %dma_start3A_19 = arith.constant 0 : i32
      %dma_start3A_20 = arith.constant 0 : i32
      %dma_start3A_21 = tpu.memref_slice %arg3[%mul3A_2, %dma_start3A_19, %dma_start3A_20] : memref<2624x2x128xi32, #tpu.memory_space<hbm>> -> memref<1x2x128xi32, #tpu.memory_space<hbm>>
      %dma_start3A_22 = tpu.memref_squeeze %dma_start3A_21 : memref<1x2x128xi32, #tpu.memory_space<hbm>> -> memref<2x128xi32, #tpu.memory_space<hbm>>
      tpu.enqueue_dma source(%dma_start3A_22 : memref<2x128xi32, #tpu.memory_space<hbm>>) target(%arg7 : memref<2x128xi32, #tpu.memory_space<vmem>>) target_semaphore(%run_scoped3A : memref<!tpu.dma_semaphore, #tpu.memory_space<semaphore_mem>>)
      %dma_wait3A = arith.constant 0 : i32
      %dma_wait3A_23 = arith.constant 0 : i32
      %dma_wait3A_24 = tpu.memref_slice %arg3[%mul3A_2, %dma_wait3A, %dma_wait3A_23] : memref<2624x2x128xi32, #tpu.memory_space<hbm>> -> memref<1x2x128xi32, #tpu.memory_space<hbm>>
      %dma_wait3A_25 = tpu.memref_squeeze %dma_wait3A_24 : memref<1x2x128xi32, #tpu.memory_space<hbm>> -> memref<2x128xi32, #tpu.memory_space<hbm>>
      %dma_wait3A_26 = arith.constant 0 : i32
      %dma_wait3A_27 = arith.constant 0 : i32
      %dma_wait3A_28 = tpu.memref_slice %arg3[%mul3A_2, %dma_wait3A_26, %dma_wait3A_27] : memref<2624x2x128xi32, #tpu.memory_space<hbm>> -> memref<1x2x128xi32, #tpu.memory_space<hbm>>
      %dma_wait3A_29 = tpu.memref_squeeze %dma_wait3A_28 : memref<1x2x128xi32, #tpu.memory_space<hbm>> -> memref<2x128xi32, #tpu.memory_space<hbm>>
      tpu.wait_dma2 semaphore(%run_scoped3A : memref<!tpu.dma_semaphore, #tpu.memory_space<semaphore_mem>>) src(%dma_wait3A_29 : memref<2x128xi32, #tpu.memory_space<hbm>>) dst(%arg7 : memref<2x128xi32, #tpu.memory_space<vmem>>)
      tpu.yield
    }) : () -> ()
    %mul3A_5 = arith.constant 128 : i32
    %mul3A_6 = arith.muli %mul3A_2, %mul3A_5 : i32
    %dma_start3A = arith.constant 0 : i32
    %dma_start3A_7 = tpu.memref_slice %arg2[%mul3A_6, %dma_start3A] : memref<335872x128xf32, #tpu.memory_space<hbm>> -> memref<128x128xf32, #tpu.memory_space<hbm>>
    %dma_start3A_8 = arith.constant 0 : i32
    %dma_start3A_9 = tpu.memref_slice %arg2[%mul3A_6, %dma_start3A_8] : memref<335872x128xf32, #tpu.memory_space<hbm>> -> memref<128x128xf32, #tpu.memory_space<hbm>>
    tpu.enqueue_dma source(%dma_start3A_9 : memref<128x128xf32, #tpu.memory_space<hbm>>) target(%arg9 : memref<128x128xf32, #tpu.memory_space<vmem>>) target_semaphore(%arg11 : memref<!tpu.dma_semaphore, #tpu.memory_space<semaphore_mem>>)
    %scan3A = arith.constant 0 : i32
    %scan3A_10 = arith.constant 41 : i32
    %scan3A_11 = arith.addi %scan3A, %scan3A_10 : i32
    %scan3A_12 = arith.constant 1 : i32
    scf.for %scan3A_15 = %scan3A to %scan3A_11 step %scan3A_12  : i32 {
      %mul3A_16 = arith.constant 1 : i32
      %mul3A_17 = arith.muli %scan3A_15, %mul3A_16 : i32
      %add3A_18 = arith.constant 0 : i32
      %add3A_19 = arith.addi %add3A_18, %mul3A_17 : i32
      %mul3A_20 = arith.constant 2 : i32
      %mul3A_21 = arith.muli %add3A_19, %mul3A_20 : i32
      %add3A_22 = arith.addi %mul3A_2, %mul3A_21 : i32
      %add3A_23 = arith.constant 1 : i32
      %add3A_24 = arith.addi %add3A_22, %add3A_23 : i32
      "tpu.region"() ({
        %run_scoped3A_45 = tpu.sem_alloc : memref<!tpu.dma_semaphore, #tpu.memory_space<semaphore_mem>>
        %dma_start3A_46 = arith.constant 0 : i32
        %dma_start3A_47 = arith.constant 0 : i32
        %dma_start3A_48 = tpu.memref_slice %arg3[%add3A_24, %dma_start3A_46, %dma_start3A_47] : memref<2624x2x128xi32, #tpu.memory_space<hbm>> -> memref<1x2x128xi32, #tpu.memory_space<hbm>>
        %dma_start3A_49 = tpu.memref_squeeze %dma_start3A_48 : memref<1x2x128xi32, #tpu.memory_space<hbm>> -> memref<2x128xi32, #tpu.memory_space<hbm>>
        %dma_start3A_50 = arith.constant 0 : i32
        %dma_start3A_51 = arith.constant 0 : i32
        %dma_start3A_52 = tpu.memref_slice %arg3[%add3A_24, %dma_start3A_50, %dma_start3A_51] : memref<2624x2x128xi32, #tpu.memory_space<hbm>> -> memref<1x2x128xi32, #tpu.memory_space<hbm>>
        %dma_start3A_53 = tpu.memref_squeeze %dma_start3A_52 : memref<1x2x128xi32, #tpu.memory_space<hbm>> -> memref<2x128xi32, #tpu.memory_space<hbm>>
        tpu.enqueue_dma source(%dma_start3A_53 : memref<2x128xi32, #tpu.memory_space<hbm>>) target(%arg8 : memref<2x128xi32, #tpu.memory_space<vmem>>) target_semaphore(%run_scoped3A_45 : memref<!tpu.dma_semaphore, #tpu.memory_space<semaphore_mem>>)
        %dma_wait3A_54 = arith.constant 0 : i32
        %dma_wait3A_55 = arith.constant 0 : i32
        %dma_wait3A_56 = tpu.memref_slice %arg3[%add3A_24, %dma_wait3A_54, %dma_wait3A_55] : memref<2624x2x128xi32, #tpu.memory_space<hbm>> -> memref<1x2x128xi32, #tpu.memory_space<hbm>>
        %dma_wait3A_57 = tpu.memref_squeeze %dma_wait3A_56 : memref<1x2x128xi32, #tpu.memory_space<hbm>> -> memref<2x128xi32, #tpu.memory_space<hbm>>
        %dma_wait3A_58 = arith.constant 0 : i32
        %dma_wait3A_59 = arith.constant 0 : i32
        %dma_wait3A_60 = tpu.memref_slice %arg3[%add3A_24, %dma_wait3A_58, %dma_wait3A_59] : memref<2624x2x128xi32, #tpu.memory_space<hbm>> -> memref<1x2x128xi32, #tpu.memory_space<hbm>>
        %dma_wait3A_61 = tpu.memref_squeeze %dma_wait3A_60 : memref<1x2x128xi32, #tpu.memory_space<hbm>> -> memref<2x128xi32, #tpu.memory_space<hbm>>
        tpu.wait_dma2 semaphore(%run_scoped3A_45 : memref<!tpu.dma_semaphore, #tpu.memory_space<semaphore_mem>>) src(%dma_wait3A_61 : memref<2x128xi32, #tpu.memory_space<hbm>>) dst(%arg8 : memref<2x128xi32, #tpu.memory_space<vmem>>)
        tpu.yield
      }) : () -> ()
      %mul3A_25 = arith.constant 128 : i32
      %mul3A_26 = arith.muli %add3A_24, %mul3A_25 : i32
      %dma_start3A_27 = arith.constant 0 : i32
      %dma_start3A_28 = tpu.memref_slice %arg2[%mul3A_26, %dma_start3A_27] : memref<335872x128xf32, #tpu.memory_space<hbm>> -> memref<128x128xf32, #tpu.memory_space<hbm>>
      %dma_start3A_29 = arith.constant 0 : i32
      %dma_start3A_30 = tpu.memref_slice %arg2[%mul3A_26, %dma_start3A_29] : memref<335872x128xf32, #tpu.memory_space<hbm>> -> memref<128x128xf32, #tpu.memory_space<hbm>>
      tpu.enqueue_dma source(%dma_start3A_30 : memref<128x128xf32, #tpu.memory_space<hbm>>) target(%arg10 : memref<128x128xf32, #tpu.memory_space<vmem>>) target_semaphore(%arg12 : memref<!tpu.dma_semaphore, #tpu.memory_space<semaphore_mem>>)
      %dma_wait3A = arith.constant 0 : i32
      %dma_wait3A_31 = arith.constant 0 : i32
      %dma_wait3A_32 = tpu.memref_slice %arg2[%dma_wait3A, %dma_wait3A_31] : memref<335872x128xf32, #tpu.memory_space<hbm>> -> memref<128x128xf32, #tpu.memory_space<hbm>>
      %dma_wait3A_33 = arith.constant 0 : i32
      %dma_wait3A_34 = arith.constant 0 : i32
      %dma_wait3A_35 = tpu.memref_slice %arg2[%dma_wait3A_33, %dma_wait3A_34] : memref<335872x128xf32, #tpu.memory_space<hbm>> -> memref<128x128xf32, #tpu.memory_space<hbm>>
      tpu.wait_dma2 semaphore(%arg11 : memref<!tpu.dma_semaphore, #tpu.memory_space<semaphore_mem>>) src(%dma_wait3A_35 : memref<128x128xf32, #tpu.memory_space<hbm>>) dst(%arg9 : memref<128x128xf32, #tpu.memory_space<vmem>>)
      %run_scoped3A = arith.constant 1 : i32
      "tpu.region"() ({
        %run_scoped3A_45 = tpu.sem_alloc : memref<!tpu.dma_semaphore, #tpu.memory_space<semaphore_mem>>
        %dma_start3A_46 = arith.constant 0 : i32
        %dma_start3A_47 = tpu.memref_slice %arg7[%run_scoped3A, %dma_start3A_46] : memref<2x128xi32, #tpu.memory_space<vmem>> -> memref<1x128xi32, #tpu.memory_space<vmem>>
        %dma_start3A_48 = tpu.memref_squeeze %dma_start3A_47 : memref<1x128xi32, #tpu.memory_space<vmem>> -> memref<128xi32, #tpu.memory_space<vmem>>
        %dma_start3A_49 = arith.constant 0 : i32
        %dma_start3A_50 = arith.constant 0 : i32
        %dma_start3A_51 = tpu.memref_slice %arg6[%dma_start3A_49, %dma_start3A_50] : memref<10240x128xf32, #tpu.memory_space<vmem_shared>> -> memref<10240x128xf32, #tpu.memory_space<vmem_shared>>
        tpu.enqueue_indirect_dma source(%arg9 : memref<128x128xf32, #tpu.memory_space<vmem>>) target(%dma_start3A_51 : memref<10240x128xf32, #tpu.memory_space<vmem_shared>>) offsets(%dma_start3A_48 : memref<128xi32, #tpu.memory_space<vmem>>) semaphore(%run_scoped3A_45 : memref<!tpu.dma_semaphore, #tpu.memory_space<semaphore_mem>>) {add = true}
        %dma_wait3A_52 = arith.constant 0 : i32
        %dma_wait3A_53 = tpu.memref_slice %arg7[%run_scoped3A, %dma_wait3A_52] : memref<2x128xi32, #tpu.memory_space<vmem>> -> memref<1x128xi32, #tpu.memory_space<vmem>>
        %dma_wait3A_54 = tpu.memref_squeeze %dma_wait3A_53 : memref<1x128xi32, #tpu.memory_space<vmem>> -> memref<128xi32, #tpu.memory_space<vmem>>
        %dma_wait3A_55 = arith.constant 0 : i32
        %dma_wait3A_56 = arith.constant 0 : i32
        %dma_wait3A_57 = tpu.memref_slice %arg6[%dma_wait3A_55, %dma_wait3A_56] : memref<10240x128xf32, #tpu.memory_space<vmem_shared>> -> memref<10240x128xf32, #tpu.memory_space<vmem_shared>>
        tpu.wait_indirect_dma semaphore(%run_scoped3A_45 : memref<!tpu.dma_semaphore, #tpu.memory_space<semaphore_mem>>) src(%arg9 : memref<128x128xf32, #tpu.memory_space<vmem>>) dst(%dma_wait3A_57 : memref<10240x128xf32, #tpu.memory_space<vmem_shared>>)
        tpu.yield
      }) : () -> ()
      %lt3A = arith.constant 40 : i32
      %lt3A_36 = arith.cmpi slt, %add3A_19, %lt3A : i32
      %convert_element_type3A = arith.extui %lt3A_36 : i1 to i32
      %cond3A = arith.constant 0 : i32
      %cond3A_37 = arith.cmpi ne, %convert_element_type3A, %cond3A : i32
      scf.if %cond3A_37 {
        %add3A_45 = arith.constant 2 : i32
        %add3A_46 = arith.addi %add3A_22, %add3A_45 : i32
        "tpu.region"() ({
          %run_scoped3A_53 = tpu.sem_alloc : memref<!tpu.dma_semaphore, #tpu.memory_space<semaphore_mem>>
          %dma_start3A_54 = arith.constant 0 : i32
          %dma_start3A_55 = arith.constant 0 : i32
          %dma_start3A_56 = tpu.memref_slice %arg3[%add3A_46, %dma_start3A_54, %dma_start3A_55] : memref<2624x2x128xi32, #tpu.memory_space<hbm>> -> memref<1x2x128xi32, #tpu.memory_space<hbm>>
          %dma_start3A_57 = tpu.memref_squeeze %dma_start3A_56 : memref<1x2x128xi32, #tpu.memory_space<hbm>> -> memref<2x128xi32, #tpu.memory_space<hbm>>
          %dma_start3A_58 = arith.constant 0 : i32
          %dma_start3A_59 = arith.constant 0 : i32
          %dma_start3A_60 = tpu.memref_slice %arg3[%add3A_46, %dma_start3A_58, %dma_start3A_59] : memref<2624x2x128xi32, #tpu.memory_space<hbm>> -> memref<1x2x128xi32, #tpu.memory_space<hbm>>
          %dma_start3A_61 = tpu.memref_squeeze %dma_start3A_60 : memref<1x2x128xi32, #tpu.memory_space<hbm>> -> memref<2x128xi32, #tpu.memory_space<hbm>>
          tpu.enqueue_dma source(%dma_start3A_61 : memref<2x128xi32, #tpu.memory_space<hbm>>) target(%arg7 : memref<2x128xi32, #tpu.memory_space<vmem>>) target_semaphore(%run_scoped3A_53 : memref<!tpu.dma_semaphore, #tpu.memory_space<semaphore_mem>>)
          %dma_wait3A_62 = arith.constant 0 : i32
          %dma_wait3A_63 = arith.constant 0 : i32
          %dma_wait3A_64 = tpu.memref_slice %arg3[%add3A_46, %dma_wait3A_62, %dma_wait3A_63] : memref<2624x2x128xi32, #tpu.memory_space<hbm>> -> memref<1x2x128xi32, #tpu.memory_space<hbm>>
          %dma_wait3A_65 = tpu.memref_squeeze %dma_wait3A_64 : memref<1x2x128xi32, #tpu.memory_space<hbm>> -> memref<2x128xi32, #tpu.memory_space<hbm>>
          %dma_wait3A_66 = arith.constant 0 : i32
          %dma_wait3A_67 = arith.constant 0 : i32
          %dma_wait3A_68 = tpu.memref_slice %arg3[%add3A_46, %dma_wait3A_66, %dma_wait3A_67] : memref<2624x2x128xi32, #tpu.memory_space<hbm>> -> memref<1x2x128xi32, #tpu.memory_space<hbm>>
          %dma_wait3A_69 = tpu.memref_squeeze %dma_wait3A_68 : memref<1x2x128xi32, #tpu.memory_space<hbm>> -> memref<2x128xi32, #tpu.memory_space<hbm>>
          tpu.wait_dma2 semaphore(%run_scoped3A_53 : memref<!tpu.dma_semaphore, #tpu.memory_space<semaphore_mem>>) src(%dma_wait3A_69 : memref<2x128xi32, #tpu.memory_space<hbm>>) dst(%arg7 : memref<2x128xi32, #tpu.memory_space<vmem>>)
          tpu.yield
        }) : () -> ()
        %mul3A_47 = arith.constant 128 : i32
        %mul3A_48 = arith.muli %add3A_46, %mul3A_47 : i32
        %dma_start3A_49 = arith.constant 0 : i32
        %dma_start3A_50 = tpu.memref_slice %arg2[%mul3A_48, %dma_start3A_49] : memref<335872x128xf32, #tpu.memory_space<hbm>> -> memref<128x128xf32, #tpu.memory_space<hbm>>
        %dma_start3A_51 = arith.constant 0 : i32
        %dma_start3A_52 = tpu.memref_slice %arg2[%mul3A_48, %dma_start3A_51] : memref<335872x128xf32, #tpu.memory_space<hbm>> -> memref<128x128xf32, #tpu.memory_space<hbm>>
        tpu.enqueue_dma source(%dma_start3A_52 : memref<128x128xf32, #tpu.memory_space<hbm>>) target(%arg9 : memref<128x128xf32, #tpu.memory_space<vmem>>) target_semaphore(%arg11 : memref<!tpu.dma_semaphore, #tpu.memory_space<semaphore_mem>>)
      } else {
      }
      %dma_wait3A_38 = arith.constant 0 : i32
      %dma_wait3A_39 = arith.constant 0 : i32
      %dma_wait3A_40 = tpu.memref_slice %arg2[%dma_wait3A_38, %dma_wait3A_39] : memref<335872x128xf32, #tpu.memory_space<hbm>> -> memref<128x128xf32, #tpu.memory_space<hbm>>
      %dma_wait3A_41 = arith.constant 0 : i32
      %dma_wait3A_42 = arith.constant 0 : i32
      %dma_wait3A_43 = tpu.memref_slice %arg2[%dma_wait3A_41, %dma_wait3A_42] : memref<335872x128xf32, #tpu.memory_space<hbm>> -> memref<128x128xf32, #tpu.memory_space<hbm>>
      tpu.wait_dma2 semaphore(%arg12 : memref<!tpu.dma_semaphore, #tpu.memory_space<semaphore_mem>>) src(%dma_wait3A_43 : memref<128x128xf32, #tpu.memory_space<hbm>>) dst(%arg10 : memref<128x128xf32, #tpu.memory_space<vmem>>)
      %run_scoped3A_44 = arith.constant 1 : i32
      "tpu.region"() ({
        %run_scoped3A_45 = tpu.sem_alloc : memref<!tpu.dma_semaphore, #tpu.memory_space<semaphore_mem>>
        %dma_start3A_46 = arith.constant 0 : i32
        %dma_start3A_47 = tpu.memref_slice %arg8[%run_scoped3A_44, %dma_start3A_46] : memref<2x128xi32, #tpu.memory_space<vmem>> -> memref<1x128xi32, #tpu.memory_space<vmem>>
        %dma_start3A_48 = tpu.memref_squeeze %dma_start3A_47 : memref<1x128xi32, #tpu.memory_space<vmem>> -> memref<128xi32, #tpu.memory_space<vmem>>
        %dma_start3A_49 = arith.constant 0 : i32
        %dma_start3A_50 = arith.constant 0 : i32
        %dma_start3A_51 = tpu.memref_slice %arg6[%dma_start3A_49, %dma_start3A_50] : memref<10240x128xf32, #tpu.memory_space<vmem_shared>> -> memref<10240x128xf32, #tpu.memory_space<vmem_shared>>
        tpu.enqueue_indirect_dma source(%arg10 : memref<128x128xf32, #tpu.memory_space<vmem>>) target(%dma_start3A_51 : memref<10240x128xf32, #tpu.memory_space<vmem_shared>>) offsets(%dma_start3A_48 : memref<128xi32, #tpu.memory_space<vmem>>) semaphore(%run_scoped3A_45 : memref<!tpu.dma_semaphore, #tpu.memory_space<semaphore_mem>>) {add = true}
        %dma_wait3A_52 = arith.constant 0 : i32
        %dma_wait3A_53 = tpu.memref_slice %arg8[%run_scoped3A_44, %dma_wait3A_52] : memref<2x128xi32, #tpu.memory_space<vmem>> -> memref<1x128xi32, #tpu.memory_space<vmem>>
        %dma_wait3A_54 = tpu.memref_squeeze %dma_wait3A_53 : memref<1x128xi32, #tpu.memory_space<vmem>> -> memref<128xi32, #tpu.memory_space<vmem>>
        %dma_wait3A_55 = arith.constant 0 : i32
        %dma_wait3A_56 = arith.constant 0 : i32
        %dma_wait3A_57 = tpu.memref_slice %arg6[%dma_wait3A_55, %dma_wait3A_56] : memref<10240x128xf32, #tpu.memory_space<vmem_shared>> -> memref<10240x128xf32, #tpu.memory_space<vmem_shared>>
        tpu.wait_indirect_dma semaphore(%run_scoped3A_45 : memref<!tpu.dma_semaphore, #tpu.memory_space<semaphore_mem>>) src(%arg10 : memref<128x128xf32, #tpu.memory_space<vmem>>) dst(%dma_wait3A_57 : memref<10240x128xf32, #tpu.memory_space<vmem_shared>>)
        tpu.yield
      }) : () -> ()
    }
    %scan3A_13 = arith.constant 41 : i32
    %barrier3A_14 = arith.constant 0 : index
    tpu.barrier barrier_id(%barrier3A_14)
    "tpu.region"() ({
      %run_scoped3A = tpu.sem_alloc : memref<!tpu.dma_semaphore, #tpu.memory_space<semaphore_mem>>
      %dma_start3A_15 = arith.constant 0 : i32
      %dma_start3A_16 = arith.constant 0 : i32
      %dma_start3A_17 = tpu.memref_slice %arg5[%arg0, %dma_start3A_15, %dma_start3A_16] : memref<2x10240x128xf32, #tpu.memory_space<hbm>> -> memref<1x10240x128xf32, #tpu.memory_space<hbm>>
      %dma_start3A_18 = tpu.memref_squeeze %dma_start3A_17 : memref<1x10240x128xf32, #tpu.memory_space<hbm>> -> memref<10240x128xf32, #tpu.memory_space<hbm>>
      %dma_start3A_19 = arith.constant 0 : i32
      %dma_start3A_20 = tpu.memref_slice %dma_start3A_18[%mul3A_4, %dma_start3A_19] : memref<10240x128xf32, #tpu.memory_space<hbm>> -> memref<640x128xf32, #tpu.memory_space<hbm>>
      %dma_start3A_21 = arith.constant 0 : i32
      %dma_start3A_22 = tpu.memref_slice %arg6[%mul3A_4, %dma_start3A_21] : memref<10240x128xf32, #tpu.memory_space<vmem_shared>> -> memref<640x128xf32, #tpu.memory_space<vmem_shared>>
      tpu.enqueue_dma source(%dma_start3A_22 : memref<640x128xf32, #tpu.memory_space<vmem_shared>>) target(%dma_start3A_20 : memref<640x128xf32, #tpu.memory_space<hbm>>) target_semaphore(%run_scoped3A : memref<!tpu.dma_semaphore, #tpu.memory_space<semaphore_mem>>)
      %dma_wait3A = arith.constant 0 : i32
      %dma_wait3A_23 = arith.constant 0 : i32
      %dma_wait3A_24 = tpu.memref_slice %arg5[%arg0, %dma_wait3A, %dma_wait3A_23] : memref<2x10240x128xf32, #tpu.memory_space<hbm>> -> memref<1x10240x128xf32, #tpu.memory_space<hbm>>
      %dma_wait3A_25 = tpu.memref_squeeze %dma_wait3A_24 : memref<1x10240x128xf32, #tpu.memory_space<hbm>> -> memref<10240x128xf32, #tpu.memory_space<hbm>>
      %dma_wait3A_26 = arith.constant 0 : i32
      %dma_wait3A_27 = tpu.memref_slice %dma_wait3A_25[%mul3A_4, %dma_wait3A_26] : memref<10240x128xf32, #tpu.memory_space<hbm>> -> memref<640x128xf32, #tpu.memory_space<hbm>>
      %dma_wait3A_28 = arith.constant 0 : i32
      %dma_wait3A_29 = tpu.memref_slice %arg6[%mul3A_4, %dma_wait3A_28] : memref<10240x128xf32, #tpu.memory_space<vmem_shared>> -> memref<640x128xf32, #tpu.memory_space<vmem_shared>>
      tpu.wait_dma2 semaphore(%run_scoped3A : memref<!tpu.dma_semaphore, #tpu.memory_space<semaphore_mem>>) src(%dma_wait3A_29 : memref<640x128xf32, #tpu.memory_space<vmem_shared>>) dst(%dma_wait3A_27 : memref<640x128xf32, #tpu.memory_space<hbm>>)
      tpu.yield
    }) : () -> ()
    return
  }
}

#map = affine_map<(d0, d1) -> (0, 0)>
#map1 = affine_map<(d0, d1) -> (0, 0, 0)>
module attributes {stable_mosaic.version = 14 : i64} {
  func.func @k(%arg0: i32, %arg1: i32, %arg2: memref<10240x128xf32, #tpu.memory_space<hbm>>, %arg3: memref<10240x128xf32, #tpu.memory_space<hbm>>, %arg4: memref<2624x2x128xi32, #tpu.memory_space<hbm>>, %arg5: memref<335872x128xf32, #tpu.memory_space<hbm>>, %arg6: memref<335872x128xf32, #tpu.memory_space<hbm>>, %arg7: memref<2x128xi32, #tpu.memory_space<vmem>>, %arg8: memref<2x128xi32, #tpu.memory_space<vmem>>, %arg9: memref<128x128xf32, #tpu.memory_space<vmem>>, %arg10: memref<128x128xf32, #tpu.memory_space<vmem>>, %arg11: memref<128x128xf32, #tpu.memory_space<vmem>>, %arg12: memref<128x128xf32, #tpu.memory_space<vmem>>, %arg13: memref<!tpu.dma_semaphore, #tpu.memory_space<semaphore_mem>>, %arg14: memref<!tpu.dma_semaphore, #tpu.memory_space<semaphore_mem>>, %arg15: memref<!tpu.dma_semaphore, #tpu.memory_space<semaphore_mem>>, %arg16: memref<!tpu.dma_semaphore, #tpu.memory_space<semaphore_mem>>) attributes {dimension_semantics = [#tpu.dimension_semantics<core_parallel>, #tpu.dimension_semantics<subcore_parallel>], iteration_bounds = array<i64: 2, 16>, scalar_prefetch = 0 : i64, scratch_operands = 10 : i64, tpu.core_type = #tpu.core_type<sc_vector_subcore>, window_params = [{transform_indices = #map}, {transform_indices = #map}, {transform_indices = #map1}, {transform_indices = #map}, {transform_indices = #map}]} {
    %mul3A = arith.constant 2 : i32
    %mul3A_0 = arith.muli %arg1, %mul3A : i32
    %add3A = arith.addi %mul3A_0, %arg0 : i32
    %mul3A_1 = arith.constant 82 : i32
    %mul3A_2 = arith.muli %add3A, %mul3A_1 : i32
    "tpu.region"() ({
      %run_scoped3A = tpu.sem_alloc : memref<!tpu.dma_semaphore, #tpu.memory_space<semaphore_mem>>
      %dma_start3A_20 = arith.constant 0 : i32
      %dma_start3A_21 = arith.constant 0 : i32
      %dma_start3A_22 = tpu.memref_slice %arg4[%mul3A_2, %dma_start3A_20, %dma_start3A_21] : memref<2624x2x128xi32, #tpu.memory_space<hbm>> -> memref<1x2x128xi32, #tpu.memory_space<hbm>>
      %dma_start3A_23 = tpu.memref_squeeze %dma_start3A_22 : memref<1x2x128xi32, #tpu.memory_space<hbm>> -> memref<2x128xi32, #tpu.memory_space<hbm>>
      %dma_start3A_24 = arith.constant 0 : i32
      %dma_start3A_25 = arith.constant 0 : i32
      %dma_start3A_26 = tpu.memref_slice %arg4[%mul3A_2, %dma_start3A_24, %dma_start3A_25] : memref<2624x2x128xi32, #tpu.memory_space<hbm>> -> memref<1x2x128xi32, #tpu.memory_space<hbm>>
      %dma_start3A_27 = tpu.memref_squeeze %dma_start3A_26 : memref<1x2x128xi32, #tpu.memory_space<hbm>> -> memref<2x128xi32, #tpu.memory_space<hbm>>
      tpu.enqueue_dma source(%dma_start3A_27 : memref<2x128xi32, #tpu.memory_space<hbm>>) target(%arg7 : memref<2x128xi32, #tpu.memory_space<vmem>>) target_semaphore(%run_scoped3A : memref<!tpu.dma_semaphore, #tpu.memory_space<semaphore_mem>>)
      %dma_wait3A = arith.constant 0 : i32
      %dma_wait3A_28 = arith.constant 0 : i32
      %dma_wait3A_29 = tpu.memref_slice %arg4[%mul3A_2, %dma_wait3A, %dma_wait3A_28] : memref<2624x2x128xi32, #tpu.memory_space<hbm>> -> memref<1x2x128xi32, #tpu.memory_space<hbm>>
      %dma_wait3A_30 = tpu.memref_squeeze %dma_wait3A_29 : memref<1x2x128xi32, #tpu.memory_space<hbm>> -> memref<2x128xi32, #tpu.memory_space<hbm>>
      %dma_wait3A_31 = arith.constant 0 : i32
      %dma_wait3A_32 = arith.constant 0 : i32
      %dma_wait3A_33 = tpu.memref_slice %arg4[%mul3A_2, %dma_wait3A_31, %dma_wait3A_32] : memref<2624x2x128xi32, #tpu.memory_space<hbm>> -> memref<1x2x128xi32, #tpu.memory_space<hbm>>
      %dma_wait3A_34 = tpu.memref_squeeze %dma_wait3A_33 : memref<1x2x128xi32, #tpu.memory_space<hbm>> -> memref<2x128xi32, #tpu.memory_space<hbm>>
      tpu.wait_dma2 semaphore(%run_scoped3A : memref<!tpu.dma_semaphore, #tpu.memory_space<semaphore_mem>>) src(%dma_wait3A_34 : memref<2x128xi32, #tpu.memory_space<hbm>>) dst(%arg7 : memref<2x128xi32, #tpu.memory_space<vmem>>)
      tpu.yield
    }) : () -> ()
    %dma_start3A = arith.constant 0 : i32
    %dma_start3A_3 = arith.constant 0 : i32
    %dma_start3A_4 = tpu.memref_slice %arg7[%dma_start3A, %dma_start3A_3] : memref<2x128xi32, #tpu.memory_space<vmem>> -> memref<1x128xi32, #tpu.memory_space<vmem>>
    %dma_start3A_5 = tpu.memref_squeeze %dma_start3A_4 : memref<1x128xi32, #tpu.memory_space<vmem>> -> memref<128xi32, #tpu.memory_space<vmem>>
    %dma_start3A_6 = arith.constant 0 : i32
    %dma_start3A_7 = arith.constant 0 : i32
    %dma_start3A_8 = tpu.memref_slice %arg2[%dma_start3A_6, %dma_start3A_7] : memref<10240x128xf32, #tpu.memory_space<hbm>> -> memref<10240x128xf32, #tpu.memory_space<hbm>>
    tpu.enqueue_indirect_dma source(%dma_start3A_8 : memref<10240x128xf32, #tpu.memory_space<hbm>>) target(%arg9 : memref<128x128xf32, #tpu.memory_space<vmem>>) offsets(%dma_start3A_5 : memref<128xi32, #tpu.memory_space<vmem>>) semaphore(%arg13 : memref<!tpu.dma_semaphore, #tpu.memory_space<semaphore_mem>>)
    %dma_start3A_9 = arith.constant 1 : i32
    %dma_start3A_10 = arith.constant 0 : i32
    %dma_start3A_11 = tpu.memref_slice %arg7[%dma_start3A_9, %dma_start3A_10] : memref<2x128xi32, #tpu.memory_space<vmem>> -> memref<1x128xi32, #tpu.memory_space<vmem>>
    %dma_start3A_12 = tpu.memref_squeeze %dma_start3A_11 : memref<1x128xi32, #tpu.memory_space<vmem>> -> memref<128xi32, #tpu.memory_space<vmem>>
    %dma_start3A_13 = arith.constant 0 : i32
    %dma_start3A_14 = arith.constant 0 : i32
    %dma_start3A_15 = tpu.memref_slice %arg3[%dma_start3A_13, %dma_start3A_14] : memref<10240x128xf32, #tpu.memory_space<hbm>> -> memref<10240x128xf32, #tpu.memory_space<hbm>>
    tpu.enqueue_indirect_dma source(%dma_start3A_15 : memref<10240x128xf32, #tpu.memory_space<hbm>>) target(%arg10 : memref<128x128xf32, #tpu.memory_space<vmem>>) offsets(%dma_start3A_12 : memref<128xi32, #tpu.memory_space<vmem>>) semaphore(%arg14 : memref<!tpu.dma_semaphore, #tpu.memory_space<semaphore_mem>>)
    %scan3A = arith.constant 0 : i32
    %scan3A_16 = arith.constant 41 : i32
    %scan3A_17 = arith.addi %scan3A, %scan3A_16 : i32
    %scan3A_18 = arith.constant 1 : i32
    scf.for %scan3A_20 = %scan3A to %scan3A_17 step %scan3A_18  : i32 {
      %mul3A_21 = arith.constant 1 : i32
      %mul3A_22 = arith.muli %scan3A_20, %mul3A_21 : i32
      %add3A_23 = arith.constant 0 : i32
      %add3A_24 = arith.addi %add3A_23, %mul3A_22 : i32
      %mul3A_25 = arith.constant 2 : i32
      %mul3A_26 = arith.muli %add3A_24, %mul3A_25 : i32
      %add3A_27 = arith.addi %mul3A_2, %mul3A_26 : i32
      %add3A_28 = arith.constant 1 : i32
      %add3A_29 = arith.addi %add3A_27, %add3A_28 : i32
      "tpu.region"() ({
        %run_scoped3A = tpu.sem_alloc : memref<!tpu.dma_semaphore, #tpu.memory_space<semaphore_mem>>
        %dma_start3A_81 = arith.constant 0 : i32
        %dma_start3A_82 = arith.constant 0 : i32
        %dma_start3A_83 = tpu.memref_slice %arg4[%add3A_29, %dma_start3A_81, %dma_start3A_82] : memref<2624x2x128xi32, #tpu.memory_space<hbm>> -> memref<1x2x128xi32, #tpu.memory_space<hbm>>
        %dma_start3A_84 = tpu.memref_squeeze %dma_start3A_83 : memref<1x2x128xi32, #tpu.memory_space<hbm>> -> memref<2x128xi32, #tpu.memory_space<hbm>>
        %dma_start3A_85 = arith.constant 0 : i32
        %dma_start3A_86 = arith.constant 0 : i32
        %dma_start3A_87 = tpu.memref_slice %arg4[%add3A_29, %dma_start3A_85, %dma_start3A_86] : memref<2624x2x128xi32, #tpu.memory_space<hbm>> -> memref<1x2x128xi32, #tpu.memory_space<hbm>>
        %dma_start3A_88 = tpu.memref_squeeze %dma_start3A_87 : memref<1x2x128xi32, #tpu.memory_space<hbm>> -> memref<2x128xi32, #tpu.memory_space<hbm>>
        tpu.enqueue_dma source(%dma_start3A_88 : memref<2x128xi32, #tpu.memory_space<hbm>>) target(%arg8 : memref<2x128xi32, #tpu.memory_space<vmem>>) target_semaphore(%run_scoped3A : memref<!tpu.dma_semaphore, #tpu.memory_space<semaphore_mem>>)
        %dma_wait3A_89 = arith.constant 0 : i32
        %dma_wait3A_90 = arith.constant 0 : i32
        %dma_wait3A_91 = tpu.memref_slice %arg4[%add3A_29, %dma_wait3A_89, %dma_wait3A_90] : memref<2624x2x128xi32, #tpu.memory_space<hbm>> -> memref<1x2x128xi32, #tpu.memory_space<hbm>>
        %dma_wait3A_92 = tpu.memref_squeeze %dma_wait3A_91 : memref<1x2x128xi32, #tpu.memory_space<hbm>> -> memref<2x128xi32, #tpu.memory_space<hbm>>
        %dma_wait3A_93 = arith.constant 0 : i32
        %dma_wait3A_94 = arith.constant 0 : i32
        %dma_wait3A_95 = tpu.memref_slice %arg4[%add3A_29, %dma_wait3A_93, %dma_wait3A_94] : memref<2624x2x128xi32, #tpu.memory_space<hbm>> -> memref<1x2x128xi32, #tpu.memory_space<hbm>>
        %dma_wait3A_96 = tpu.memref_squeeze %dma_wait3A_95 : memref<1x2x128xi32, #tpu.memory_space<hbm>> -> memref<2x128xi32, #tpu.memory_space<hbm>>
        tpu.wait_dma2 semaphore(%run_scoped3A : memref<!tpu.dma_semaphore, #tpu.memory_space<semaphore_mem>>) src(%dma_wait3A_96 : memref<2x128xi32, #tpu.memory_space<hbm>>) dst(%arg8 : memref<2x128xi32, #tpu.memory_space<vmem>>)
        tpu.yield
      }) : () -> ()
      %dma_start3A_30 = arith.constant 0 : i32
      %dma_start3A_31 = arith.constant 0 : i32
      %dma_start3A_32 = tpu.memref_slice %arg8[%dma_start3A_30, %dma_start3A_31] : memref<2x128xi32, #tpu.memory_space<vmem>> -> memref<1x128xi32, #tpu.memory_space<vmem>>
      %dma_start3A_33 = tpu.memref_squeeze %dma_start3A_32 : memref<1x128xi32, #tpu.memory_space<vmem>> -> memref<128xi32, #tpu.memory_space<vmem>>
      %dma_start3A_34 = arith.constant 0 : i32
      %dma_start3A_35 = arith.constant 0 : i32
      %dma_start3A_36 = tpu.memref_slice %arg2[%dma_start3A_34, %dma_start3A_35] : memref<10240x128xf32, #tpu.memory_space<hbm>> -> memref<10240x128xf32, #tpu.memory_space<hbm>>
      tpu.enqueue_indirect_dma source(%dma_start3A_36 : memref<10240x128xf32, #tpu.memory_space<hbm>>) target(%arg11 : memref<128x128xf32, #tpu.memory_space<vmem>>) offsets(%dma_start3A_33 : memref<128xi32, #tpu.memory_space<vmem>>) semaphore(%arg15 : memref<!tpu.dma_semaphore, #tpu.memory_space<semaphore_mem>>)
      %dma_start3A_37 = arith.constant 1 : i32
      %dma_start3A_38 = arith.constant 0 : i32
      %dma_start3A_39 = tpu.memref_slice %arg8[%dma_start3A_37, %dma_start3A_38] : memref<2x128xi32, #tpu.memory_space<vmem>> -> memref<1x128xi32, #tpu.memory_space<vmem>>
      %dma_start3A_40 = tpu.memref_squeeze %dma_start3A_39 : memref<1x128xi32, #tpu.memory_space<vmem>> -> memref<128xi32, #tpu.memory_space<vmem>>
      %dma_start3A_41 = arith.constant 0 : i32
      %dma_start3A_42 = arith.constant 0 : i32
      %dma_start3A_43 = tpu.memref_slice %arg3[%dma_start3A_41, %dma_start3A_42] : memref<10240x128xf32, #tpu.memory_space<hbm>> -> memref<10240x128xf32, #tpu.memory_space<hbm>>
      tpu.enqueue_indirect_dma source(%dma_start3A_43 : memref<10240x128xf32, #tpu.memory_space<hbm>>) target(%arg12 : memref<128x128xf32, #tpu.memory_space<vmem>>) offsets(%dma_start3A_40 : memref<128xi32, #tpu.memory_space<vmem>>) semaphore(%arg16 : memref<!tpu.dma_semaphore, #tpu.memory_space<semaphore_mem>>)
      %dma_wait3A = arith.constant 0 : i32
      %dma_wait3A_44 = arith.constant 0 : i32
      %dma_wait3A_45 = tpu.memref_slice %arg7[%dma_wait3A, %dma_wait3A_44] : memref<2x128xi32, #tpu.memory_space<vmem>> -> memref<1x128xi32, #tpu.memory_space<vmem>>
      %dma_wait3A_46 = tpu.memref_squeeze %dma_wait3A_45 : memref<1x128xi32, #tpu.memory_space<vmem>> -> memref<128xi32, #tpu.memory_space<vmem>>
      %dma_wait3A_47 = arith.constant 0 : i32
      %dma_wait3A_48 = arith.constant 0 : i32
      %dma_wait3A_49 = tpu.memref_slice %arg2[%dma_wait3A_47, %dma_wait3A_48] : memref<10240x128xf32, #tpu.memory_space<hbm>> -> memref<10240x128xf32, #tpu.memory_space<hbm>>
      tpu.wait_indirect_dma semaphore(%arg13 : memref<!tpu.dma_semaphore, #tpu.memory_space<semaphore_mem>>) src(%dma_wait3A_49 : memref<10240x128xf32, #tpu.memory_space<hbm>>) dst(%arg9 : memref<128x128xf32, #tpu.memory_space<vmem>>)
      %dma_wait3A_50 = arith.constant 1 : i32
      %dma_wait3A_51 = arith.constant 0 : i32
      %dma_wait3A_52 = tpu.memref_slice %arg7[%dma_wait3A_50, %dma_wait3A_51] : memref<2x128xi32, #tpu.memory_space<vmem>> -> memref<1x128xi32, #tpu.memory_space<vmem>>
      %dma_wait3A_53 = tpu.memref_squeeze %dma_wait3A_52 : memref<1x128xi32, #tpu.memory_space<vmem>> -> memref<128xi32, #tpu.memory_space<vmem>>
      %dma_wait3A_54 = arith.constant 0 : i32
      %dma_wait3A_55 = arith.constant 0 : i32
      %dma_wait3A_56 = tpu.memref_slice %arg3[%dma_wait3A_54, %dma_wait3A_55] : memref<10240x128xf32, #tpu.memory_space<hbm>> -> memref<10240x128xf32, #tpu.memory_space<hbm>>
      tpu.wait_indirect_dma semaphore(%arg14 : memref<!tpu.dma_semaphore, #tpu.memory_space<semaphore_mem>>) src(%dma_wait3A_56 : memref<10240x128xf32, #tpu.memory_space<hbm>>) dst(%arg10 : memref<128x128xf32, #tpu.memory_space<vmem>>)
      %mul3A_57 = arith.constant 128 : i32
      %mul3A_58 = arith.muli %add3A_27, %mul3A_57 : i32
      "tpu.region"() ({
        %run_scoped3A = tpu.sem_alloc : memref<!tpu.dma_semaphore, #tpu.memory_space<semaphore_mem>>
        %dma_start3A_81 = arith.constant 0 : i32
        %dma_start3A_82 = tpu.memref_slice %arg5[%mul3A_58, %dma_start3A_81] : memref<335872x128xf32, #tpu.memory_space<hbm>> -> memref<128x128xf32, #tpu.memory_space<hbm>>
        %dma_start3A_83 = arith.constant 0 : i32
        %dma_start3A_84 = tpu.memref_slice %arg5[%mul3A_58, %dma_start3A_83] : memref<335872x128xf32, #tpu.memory_space<hbm>> -> memref<128x128xf32, #tpu.memory_space<hbm>>
        tpu.enqueue_dma source(%arg9 : memref<128x128xf32, #tpu.memory_space<vmem>>) target(%dma_start3A_84 : memref<128x128xf32, #tpu.memory_space<hbm>>) target_semaphore(%run_scoped3A : memref<!tpu.dma_semaphore, #tpu.memory_space<semaphore_mem>>)
        %dma_wait3A_85 = arith.constant 0 : i32
        %dma_wait3A_86 = tpu.memref_slice %arg5[%mul3A_58, %dma_wait3A_85] : memref<335872x128xf32, #tpu.memory_space<hbm>> -> memref<128x128xf32, #tpu.memory_space<hbm>>
        %dma_wait3A_87 = arith.constant 0 : i32
        %dma_wait3A_88 = tpu.memref_slice %arg5[%mul3A_58, %dma_wait3A_87] : memref<335872x128xf32, #tpu.memory_space<hbm>> -> memref<128x128xf32, #tpu.memory_space<hbm>>
        tpu.wait_dma2 semaphore(%run_scoped3A : memref<!tpu.dma_semaphore, #tpu.memory_space<semaphore_mem>>) src(%arg9 : memref<128x128xf32, #tpu.memory_space<vmem>>) dst(%dma_wait3A_88 : memref<128x128xf32, #tpu.memory_space<hbm>>)
        tpu.yield
      }) : () -> ()
      %mul3A_59 = arith.constant 128 : i32
      %mul3A_60 = arith.muli %add3A_27, %mul3A_59 : i32
      "tpu.region"() ({
        %run_scoped3A = tpu.sem_alloc : memref<!tpu.dma_semaphore, #tpu.memory_space<semaphore_mem>>
        %dma_start3A_81 = arith.constant 0 : i32
        %dma_start3A_82 = tpu.memref_slice %arg6[%mul3A_60, %dma_start3A_81] : memref<335872x128xf32, #tpu.memory_space<hbm>> -> memref<128x128xf32, #tpu.memory_space<hbm>>
        %dma_start3A_83 = arith.constant 0 : i32
        %dma_start3A_84 = tpu.memref_slice %arg6[%mul3A_60, %dma_start3A_83] : memref<335872x128xf32, #tpu.memory_space<hbm>> -> memref<128x128xf32, #tpu.memory_space<hbm>>
        tpu.enqueue_dma source(%arg10 : memref<128x128xf32, #tpu.memory_space<vmem>>) target(%dma_start3A_84 : memref<128x128xf32, #tpu.memory_space<hbm>>) target_semaphore(%run_scoped3A : memref<!tpu.dma_semaphore, #tpu.memory_space<semaphore_mem>>)
        %dma_wait3A_85 = arith.constant 0 : i32
        %dma_wait3A_86 = tpu.memref_slice %arg6[%mul3A_60, %dma_wait3A_85] : memref<335872x128xf32, #tpu.memory_space<hbm>> -> memref<128x128xf32, #tpu.memory_space<hbm>>
        %dma_wait3A_87 = arith.constant 0 : i32
        %dma_wait3A_88 = tpu.memref_slice %arg6[%mul3A_60, %dma_wait3A_87] : memref<335872x128xf32, #tpu.memory_space<hbm>> -> memref<128x128xf32, #tpu.memory_space<hbm>>
        tpu.wait_dma2 semaphore(%run_scoped3A : memref<!tpu.dma_semaphore, #tpu.memory_space<semaphore_mem>>) src(%arg10 : memref<128x128xf32, #tpu.memory_space<vmem>>) dst(%dma_wait3A_88 : memref<128x128xf32, #tpu.memory_space<hbm>>)
        tpu.yield
      }) : () -> ()
      %lt3A = arith.constant 40 : i32
      %lt3A_61 = arith.cmpi slt, %add3A_24, %lt3A : i32
      %convert_element_type3A = arith.extui %lt3A_61 : i1 to i32
      %cond3A = arith.constant 0 : i32
      %cond3A_62 = arith.cmpi ne, %convert_element_type3A, %cond3A : i32
      scf.if %cond3A_62 {
        %add3A_81 = arith.constant 2 : i32
        %add3A_82 = arith.addi %add3A_27, %add3A_81 : i32
        "tpu.region"() ({
          %run_scoped3A = tpu.sem_alloc : memref<!tpu.dma_semaphore, #tpu.memory_space<semaphore_mem>>
          %dma_start3A_97 = arith.constant 0 : i32
          %dma_start3A_98 = arith.constant 0 : i32
          %dma_start3A_99 = tpu.memref_slice %arg4[%add3A_82, %dma_start3A_97, %dma_start3A_98] : memref<2624x2x128xi32, #tpu.memory_space<hbm>> -> memref<1x2x128xi32, #tpu.memory_space<hbm>>
          %dma_start3A_100 = tpu.memref_squeeze %dma_start3A_99 : memref<1x2x128xi32, #tpu.memory_space<hbm>> -> memref<2x128xi32, #tpu.memory_space<hbm>>
          %dma_start3A_101 = arith.constant 0 : i32
          %dma_start3A_102 = arith.constant 0 : i32
          %dma_start3A_103 = tpu.memref_slice %arg4[%add3A_82, %dma_start3A_101, %dma_start3A_102] : memref<2624x2x128xi32, #tpu.memory_space<hbm>> -> memref<1x2x128xi32, #tpu.memory_space<hbm>>
          %dma_start3A_104 = tpu.memref_squeeze %dma_start3A_103 : memref<1x2x128xi32, #tpu.memory_space<hbm>> -> memref<2x128xi32, #tpu.memory_space<hbm>>
          tpu.enqueue_dma source(%dma_start3A_104 : memref<2x128xi32, #tpu.memory_space<hbm>>) target(%arg7 : memref<2x128xi32, #tpu.memory_space<vmem>>) target_semaphore(%run_scoped3A : memref<!tpu.dma_semaphore, #tpu.memory_space<semaphore_mem>>)
          %dma_wait3A_105 = arith.constant 0 : i32
          %dma_wait3A_106 = arith.constant 0 : i32
          %dma_wait3A_107 = tpu.memref_slice %arg4[%add3A_82, %dma_wait3A_105, %dma_wait3A_106] : memref<2624x2x128xi32, #tpu.memory_space<hbm>> -> memref<1x2x128xi32, #tpu.memory_space<hbm>>
          %dma_wait3A_108 = tpu.memref_squeeze %dma_wait3A_107 : memref<1x2x128xi32, #tpu.memory_space<hbm>> -> memref<2x128xi32, #tpu.memory_space<hbm>>
          %dma_wait3A_109 = arith.constant 0 : i32
          %dma_wait3A_110 = arith.constant 0 : i32
          %dma_wait3A_111 = tpu.memref_slice %arg4[%add3A_82, %dma_wait3A_109, %dma_wait3A_110] : memref<2624x2x128xi32, #tpu.memory_space<hbm>> -> memref<1x2x128xi32, #tpu.memory_space<hbm>>
          %dma_wait3A_112 = tpu.memref_squeeze %dma_wait3A_111 : memref<1x2x128xi32, #tpu.memory_space<hbm>> -> memref<2x128xi32, #tpu.memory_space<hbm>>
          tpu.wait_dma2 semaphore(%run_scoped3A : memref<!tpu.dma_semaphore, #tpu.memory_space<semaphore_mem>>) src(%dma_wait3A_112 : memref<2x128xi32, #tpu.memory_space<hbm>>) dst(%arg7 : memref<2x128xi32, #tpu.memory_space<vmem>>)
          tpu.yield
        }) : () -> ()
        %dma_start3A_83 = arith.constant 0 : i32
        %dma_start3A_84 = arith.constant 0 : i32
        %dma_start3A_85 = tpu.memref_slice %arg7[%dma_start3A_83, %dma_start3A_84] : memref<2x128xi32, #tpu.memory_space<vmem>> -> memref<1x128xi32, #tpu.memory_space<vmem>>
        %dma_start3A_86 = tpu.memref_squeeze %dma_start3A_85 : memref<1x128xi32, #tpu.memory_space<vmem>> -> memref<128xi32, #tpu.memory_space<vmem>>
        %dma_start3A_87 = arith.constant 0 : i32
        %dma_start3A_88 = arith.constant 0 : i32
        %dma_start3A_89 = tpu.memref_slice %arg2[%dma_start3A_87, %dma_start3A_88] : memref<10240x128xf32, #tpu.memory_space<hbm>> -> memref<10240x128xf32, #tpu.memory_space<hbm>>
        tpu.enqueue_indirect_dma source(%dma_start3A_89 : memref<10240x128xf32, #tpu.memory_space<hbm>>) target(%arg9 : memref<128x128xf32, #tpu.memory_space<vmem>>) offsets(%dma_start3A_86 : memref<128xi32, #tpu.memory_space<vmem>>) semaphore(%arg13 : memref<!tpu.dma_semaphore, #tpu.memory_space<semaphore_mem>>)
        %dma_start3A_90 = arith.constant 1 : i32
        %dma_start3A_91 = arith.constant 0 : i32
        %dma_start3A_92 = tpu.memref_slice %arg7[%dma_start3A_90, %dma_start3A_91] : memref<2x128xi32, #tpu.memory_space<vmem>> -> memref<1x128xi32, #tpu.memory_space<vmem>>
        %dma_start3A_93 = tpu.memref_squeeze %dma_start3A_92 : memref<1x128xi32, #tpu.memory_space<vmem>> -> memref<128xi32, #tpu.memory_space<vmem>>
        %dma_start3A_94 = arith.constant 0 : i32
        %dma_start3A_95 = arith.constant 0 : i32
        %dma_start3A_96 = tpu.memref_slice %arg3[%dma_start3A_94, %dma_start3A_95] : memref<10240x128xf32, #tpu.memory_space<hbm>> -> memref<10240x128xf32, #tpu.memory_space<hbm>>
        tpu.enqueue_indirect_dma source(%dma_start3A_96 : memref<10240x128xf32, #tpu.memory_space<hbm>>) target(%arg10 : memref<128x128xf32, #tpu.memory_space<vmem>>) offsets(%dma_start3A_93 : memref<128xi32, #tpu.memory_space<vmem>>) semaphore(%arg14 : memref<!tpu.dma_semaphore, #tpu.memory_space<semaphore_mem>>)
      } else {
      }
      %dma_wait3A_63 = arith.constant 0 : i32
      %dma_wait3A_64 = arith.constant 0 : i32
      %dma_wait3A_65 = tpu.memref_slice %arg8[%dma_wait3A_63, %dma_wait3A_64] : memref<2x128xi32, #tpu.memory_space<vmem>> -> memref<1x128xi32, #tpu.memory_space<vmem>>
      %dma_wait3A_66 = tpu.memref_squeeze %dma_wait3A_65 : memref<1x128xi32, #tpu.memory_space<vmem>> -> memref<128xi32, #tpu.memory_space<vmem>>
      %dma_wait3A_67 = arith.constant 0 : i32
      %dma_wait3A_68 = arith.constant 0 : i32
      %dma_wait3A_69 = tpu.memref_slice %arg2[%dma_wait3A_67, %dma_wait3A_68] : memref<10240x128xf32, #tpu.memory_space<hbm>> -> memref<10240x128xf32, #tpu.memory_space<hbm>>
      tpu.wait_indirect_dma semaphore(%arg15 : memref<!tpu.dma_semaphore, #tpu.memory_space<semaphore_mem>>) src(%dma_wait3A_69 : memref<10240x128xf32, #tpu.memory_space<hbm>>) dst(%arg11 : memref<128x128xf32, #tpu.memory_space<vmem>>)
      %dma_wait3A_70 = arith.constant 1 : i32
      %dma_wait3A_71 = arith.constant 0 : i32
      %dma_wait3A_72 = tpu.memref_slice %arg8[%dma_wait3A_70, %dma_wait3A_71] : memref<2x128xi32, #tpu.memory_space<vmem>> -> memref<1x128xi32, #tpu.memory_space<vmem>>
      %dma_wait3A_73 = tpu.memref_squeeze %dma_wait3A_72 : memref<1x128xi32, #tpu.memory_space<vmem>> -> memref<128xi32, #tpu.memory_space<vmem>>
      %dma_wait3A_74 = arith.constant 0 : i32
      %dma_wait3A_75 = arith.constant 0 : i32
      %dma_wait3A_76 = tpu.memref_slice %arg3[%dma_wait3A_74, %dma_wait3A_75] : memref<10240x128xf32, #tpu.memory_space<hbm>> -> memref<10240x128xf32, #tpu.memory_space<hbm>>
      tpu.wait_indirect_dma semaphore(%arg16 : memref<!tpu.dma_semaphore, #tpu.memory_space<semaphore_mem>>) src(%dma_wait3A_76 : memref<10240x128xf32, #tpu.memory_space<hbm>>) dst(%arg12 : memref<128x128xf32, #tpu.memory_space<vmem>>)
      %mul3A_77 = arith.constant 128 : i32
      %mul3A_78 = arith.muli %add3A_29, %mul3A_77 : i32
      "tpu.region"() ({
        %run_scoped3A = tpu.sem_alloc : memref<!tpu.dma_semaphore, #tpu.memory_space<semaphore_mem>>
        %dma_start3A_81 = arith.constant 0 : i32
        %dma_start3A_82 = tpu.memref_slice %arg5[%mul3A_78, %dma_start3A_81] : memref<335872x128xf32, #tpu.memory_space<hbm>> -> memref<128x128xf32, #tpu.memory_space<hbm>>
        %dma_start3A_83 = arith.constant 0 : i32
        %dma_start3A_84 = tpu.memref_slice %arg5[%mul3A_78, %dma_start3A_83] : memref<335872x128xf32, #tpu.memory_space<hbm>> -> memref<128x128xf32, #tpu.memory_space<hbm>>
        tpu.enqueue_dma source(%arg11 : memref<128x128xf32, #tpu.memory_space<vmem>>) target(%dma_start3A_84 : memref<128x128xf32, #tpu.memory_space<hbm>>) target_semaphore(%run_scoped3A : memref<!tpu.dma_semaphore, #tpu.memory_space<semaphore_mem>>)
        %dma_wait3A_85 = arith.constant 0 : i32
        %dma_wait3A_86 = tpu.memref_slice %arg5[%mul3A_78, %dma_wait3A_85] : memref<335872x128xf32, #tpu.memory_space<hbm>> -> memref<128x128xf32, #tpu.memory_space<hbm>>
        %dma_wait3A_87 = arith.constant 0 : i32
        %dma_wait3A_88 = tpu.memref_slice %arg5[%mul3A_78, %dma_wait3A_87] : memref<335872x128xf32, #tpu.memory_space<hbm>> -> memref<128x128xf32, #tpu.memory_space<hbm>>
        tpu.wait_dma2 semaphore(%run_scoped3A : memref<!tpu.dma_semaphore, #tpu.memory_space<semaphore_mem>>) src(%arg11 : memref<128x128xf32, #tpu.memory_space<vmem>>) dst(%dma_wait3A_88 : memref<128x128xf32, #tpu.memory_space<hbm>>)
        tpu.yield
      }) : () -> ()
      %mul3A_79 = arith.constant 128 : i32
      %mul3A_80 = arith.muli %add3A_29, %mul3A_79 : i32
      "tpu.region"() ({
        %run_scoped3A = tpu.sem_alloc : memref<!tpu.dma_semaphore, #tpu.memory_space<semaphore_mem>>
        %dma_start3A_81 = arith.constant 0 : i32
        %dma_start3A_82 = tpu.memref_slice %arg6[%mul3A_80, %dma_start3A_81] : memref<335872x128xf32, #tpu.memory_space<hbm>> -> memref<128x128xf32, #tpu.memory_space<hbm>>
        %dma_start3A_83 = arith.constant 0 : i32
        %dma_start3A_84 = tpu.memref_slice %arg6[%mul3A_80, %dma_start3A_83] : memref<335872x128xf32, #tpu.memory_space<hbm>> -> memref<128x128xf32, #tpu.memory_space<hbm>>
        tpu.enqueue_dma source(%arg12 : memref<128x128xf32, #tpu.memory_space<vmem>>) target(%dma_start3A_84 : memref<128x128xf32, #tpu.memory_space<hbm>>) target_semaphore(%run_scoped3A : memref<!tpu.dma_semaphore, #tpu.memory_space<semaphore_mem>>)
        %dma_wait3A_85 = arith.constant 0 : i32
        %dma_wait3A_86 = tpu.memref_slice %arg6[%mul3A_80, %dma_wait3A_85] : memref<335872x128xf32, #tpu.memory_space<hbm>> -> memref<128x128xf32, #tpu.memory_space<hbm>>
        %dma_wait3A_87 = arith.constant 0 : i32
        %dma_wait3A_88 = tpu.memref_slice %arg6[%mul3A_80, %dma_wait3A_87] : memref<335872x128xf32, #tpu.memory_space<hbm>> -> memref<128x128xf32, #tpu.memory_space<hbm>>
        tpu.wait_dma2 semaphore(%run_scoped3A : memref<!tpu.dma_semaphore, #tpu.memory_space<semaphore_mem>>) src(%arg12 : memref<128x128xf32, #tpu.memory_space<vmem>>) dst(%dma_wait3A_88 : memref<128x128xf32, #tpu.memory_space<hbm>>)
        tpu.yield
      }) : () -> ()
    }
    %scan3A_19 = arith.constant 41 : i32
    return
  }
}

#map = affine_map<(d0, d1) -> (0)>
#map1 = affine_map<(d0, d1) -> (0, 0)>
module attributes {stable_mosaic.version = 14 : i64} {
  func.func @k(%arg0: i32, %arg1: i32, %arg2: memref<335872xf32, #tpu.memory_space<hbm>>, %arg3: memref<335872xi32, #tpu.memory_space<hbm>>, %arg4: memref<32x10240xf32, #tpu.memory_space<hbm>>, %arg5: memref<10240xf32, #tpu.memory_space<vmem>>, %arg6: memref<10496xi32, #tpu.memory_space<vmem>>, %arg7: memref<10496xf32, #tpu.memory_space<vmem>>, %arg8: memref<!tpu.dma_semaphore, #tpu.memory_space<semaphore_mem>>) attributes {dimension_semantics = [#tpu.dimension_semantics<core_parallel>, #tpu.dimension_semantics<subcore_parallel>], iteration_bounds = array<i64: 2, 16>, scalar_prefetch = 0 : i64, scratch_operands = 4 : i64, tpu.core_type = #tpu.core_type<sc_vector_subcore>, window_params = [{transform_indices = #map}, {transform_indices = #map}, {transform_indices = #map1}]} {
    %mul3A = arith.constant 2 : i32
    %mul3A_0 = arith.muli %arg1, %mul3A : i32
    %add3A = arith.addi %mul3A_0, %arg0 : i32
    %mul3A_1 = arith.constant 10496 : i32
    %mul3A_2 = arith.muli %add3A, %mul3A_1 : i32
    %dma_start3A = tpu.memref_slice %arg3[%mul3A_2] : memref<335872xi32, #tpu.memory_space<hbm>> -> memref<10496xi32, #tpu.memory_space<hbm>>
    %dma_start3A_3 = tpu.memref_slice %arg3[%mul3A_2] : memref<335872xi32, #tpu.memory_space<hbm>> -> memref<10496xi32, #tpu.memory_space<hbm>>
    tpu.enqueue_dma source(%dma_start3A_3 : memref<10496xi32, #tpu.memory_space<hbm>>) target(%arg6 : memref<10496xi32, #tpu.memory_space<vmem>>) target_semaphore(%arg8 : memref<!tpu.dma_semaphore, #tpu.memory_space<semaphore_mem>>)
    %mul3A_4 = arith.constant 1 : i32
    %mul3A_5 = arith.muli %mul3A_2, %mul3A_4 : i32
    %dma_start3A_6 = tpu.memref_slice %arg2[%mul3A_5] : memref<335872xf32, #tpu.memory_space<hbm>> -> memref<10496xf32, #tpu.memory_space<hbm>>
    %dma_start3A_7 = tpu.memref_slice %arg2[%mul3A_5] : memref<335872xf32, #tpu.memory_space<hbm>> -> memref<10496xf32, #tpu.memory_space<hbm>>
    tpu.enqueue_dma source(%dma_start3A_7 : memref<10496xf32, #tpu.memory_space<hbm>>) target(%arg7 : memref<10496xf32, #tpu.memory_space<vmem>>) target_semaphore(%arg8 : memref<!tpu.dma_semaphore, #tpu.memory_space<semaphore_mem>>)
    %scan3A = arith.constant 0 : i32
    %scan3A_8 = arith.constant 640 : i32
    %scan3A_9 = arith.addi %scan3A, %scan3A_8 : i32
    %scan3A_10 = arith.constant 1 : i32
    scf.for %scan3A_47 = %scan3A to %scan3A_9 step %scan3A_10  : i32 {
      %mul3A_48 = arith.constant 16 : i32
      %mul3A_49 = arith.muli %scan3A_47, %mul3A_48 : i32
      %add3A_50 = arith.constant 0 : i32
      %add3A_51 = arith.addi %add3A_50, %mul3A_49 : i32
      %broadcast_in_dim3A = arith.constant 0.000000e+00 : f32
      %broadcast_in_dim3A_52 = vector.broadcast %broadcast_in_dim3A : f32 to vector<16xf32>
      %swap3A = arith.index_cast %add3A_51 : i32 to index
      %swap3A_53 = tpu.vector_load %arg5[%swap3A] {strides = array<i32>} : memref<10240xf32, #tpu.memory_space<vmem>>, vector<16xf32>,
      tpu.vector_store %arg5[%swap3A], %broadcast_in_dim3A_52 {strides = array<i32>} : memref<10240xf32, #tpu.memory_space<vmem>>, vector<16xf32>,
    }
    %scan3A_11 = arith.constant 640 : i32
    %dma_wait3A = tpu.memref_slice %arg3[%mul3A_2] : memref<335872xi32, #tpu.memory_space<hbm>> -> memref<10496xi32, #tpu.memory_space<hbm>>
    %dma_wait3A_12 = tpu.memref_slice %arg3[%mul3A_2] : memref<335872xi32, #tpu.memory_space<hbm>> -> memref<10496xi32, #tpu.memory_space<hbm>>
    tpu.wait_dma2 semaphore(%arg8 : memref<!tpu.dma_semaphore, #tpu.memory_space<semaphore_mem>>) src(%dma_wait3A_12 : memref<10496xi32, #tpu.memory_space<hbm>>) dst(%arg6 : memref<10496xi32, #tpu.memory_space<vmem>>)
    %dma_wait3A_13 = tpu.memref_slice %arg2[%mul3A_5] : memref<335872xf32, #tpu.memory_space<hbm>> -> memref<10496xf32, #tpu.memory_space<hbm>>
    %dma_wait3A_14 = tpu.memref_slice %arg2[%mul3A_5] : memref<335872xf32, #tpu.memory_space<hbm>> -> memref<10496xf32, #tpu.memory_space<hbm>>
    tpu.wait_dma2 semaphore(%arg8 : memref<!tpu.dma_semaphore, #tpu.memory_space<semaphore_mem>>) src(%dma_wait3A_14 : memref<10496xf32, #tpu.memory_space<hbm>>) dst(%arg7 : memref<10496xf32, #tpu.memory_space<vmem>>)
    %iota3A = tpu.iota {dimensions = array<i32: 0>} : vector<16xi32>
    %jit3A = arith.constant 1 : i32
    %div3A = vector.broadcast %jit3A : i32 to vector<16xi32>
    %div3A_15 = arith.divsi %iota3A, %div3A : vector<16xi32>
    %sign3A = arith.constant 0 : i32
    %sign3A_16 = vector.broadcast %sign3A : i32 to vector<16xi32>
    %sign3A_17 = arith.cmpi sgt, %iota3A, %sign3A_16 : vector<16xi32>
    %sign3A_18 = arith.extui %sign3A_17 : vector<16xi1> to vector<16xi32>
    %sign3A_19 = arith.constant 0 : i32
    %sign3A_20 = vector.broadcast %sign3A_19 : i32 to vector<16xi32>
    %sign3A_21 = arith.cmpi slt, %iota3A, %sign3A_20 : vector<16xi32>
    %sign3A_22 = arith.extui %sign3A_21 : vector<16xi1> to vector<16xi32>
    %sign3A_23 = arith.subi %sign3A_18, %sign3A_22 : vector<16xi32>
    %sign3A_24 = arith.constant 0 : i32
    %sign3A_25 = arith.cmpi sgt, %jit3A, %sign3A_24 : i32
    %sign3A_26 = arith.extui %sign3A_25 : i1 to i32
    %sign3A_27 = arith.constant 0 : i32
    %sign3A_28 = arith.cmpi slt, %jit3A, %sign3A_27 : i32
    %sign3A_29 = arith.extui %sign3A_28 : i1 to i32
    %sign3A_30 = arith.subi %sign3A_26, %sign3A_29 : i32
    %ne3A = vector.broadcast %sign3A_30 : i32 to vector<16xi32>
    %ne3A_31 = arith.cmpi ne, %sign3A_23, %ne3A : vector<16xi32>
    %rem3A = vector.broadcast %jit3A : i32 to vector<16xi32>
    %rem3A_32 = arith.remsi %iota3A, %rem3A : vector<16xi32>
    %ne3A_33 = arith.constant 0 : i32
    %ne3A_34 = vector.broadcast %ne3A_33 : i32 to vector<16xi32>
    %ne3A_35 = arith.cmpi ne, %rem3A_32, %ne3A_34 : vector<16xi32>
    %and3A = arith.andi %ne3A_31, %ne3A_35 : vector<16xi1>
    %sub3A = arith.constant 1 : i32
    %sub3A_36 = vector.broadcast %sub3A : i32 to vector<16xi32>
    %sub3A_37 = arith.subi %div3A_15, %sub3A_36 : vector<16xi32>
    %select_n3A = arith.select %and3A, %sub3A_37, %div3A_15 : vector<16xi1>, vector<16xi32>
    %mul3A_38 = arith.constant 1 : i32
    %mul3A_39 = vector.broadcast %mul3A_38 : i32 to vector<16xi32>
    %mul3A_40 = arith.muli %select_n3A, %mul3A_39 : vector<16xi32>
    %sub3A_41 = arith.subi %iota3A, %mul3A_40 : vector<16xi32>
    %scan3A_42 = arith.constant 0 : i32
    %scan3A_43 = arith.constant 656 : i32
    %scan3A_44 = arith.addi %scan3A_42, %scan3A_43 : i32
    %scan3A_45 = arith.constant 1 : i32
    scf.for %scan3A_47 = %scan3A_42 to %scan3A_44 step %scan3A_45  : i32 {
      %mul3A_48 = arith.constant 1 : i32
      %mul3A_49 = arith.muli %scan3A_47, %mul3A_48 : i32
      %add3A_50 = arith.constant 0 : i32
      %add3A_51 = arith.addi %add3A_50, %mul3A_49 : i32
      %mul3A_52 = arith.constant 16 : i32
      %mul3A_53 = arith.muli %add3A_51, %mul3A_52 : i32
      %add3A_54 = vector.broadcast %mul3A_53 : i32 to vector<16xi32>
      %add3A_55 = arith.addi %add3A_54, %select_n3A : vector<16xi32>
      %gather3A = tpu.vector_load_idx %arg6[%add3A_55] : memref<10496xi32, #tpu.memory_space<vmem>>[vector<16xi32>], vector<16xi32>,
      %mul3A_56 = arith.constant 1 : i32
      %mul3A_57 = vector.broadcast %mul3A_56 : i32 to vector<16xi32>
      %mul3A_58 = arith.muli %gather3A, %mul3A_57 : vector<16xi32>
      %add3A_59 = arith.addi %mul3A_58, %sub3A_41 : vector<16xi32>
      %mul3A_60 = arith.constant 16 : i32
      %mul3A_61 = arith.muli %add3A_51, %mul3A_60 : i32
      %get3A = arith.index_cast %mul3A_61 : i32 to index
      %get3A_62 = tpu.vector_load %arg7[%get3A] {strides = array<i32>} : memref<10496xf32, #tpu.memory_space<vmem>>, vector<16xf32>,
      tpu.vector_store_idx %arg5[%add3A_59], %get3A_62 {add = true} : memref<10240xf32, #tpu.memory_space<vmem>>[vector<16xi32>], vector<16xf32>,
    }
    %scan3A_46 = arith.constant 656 : i32
    "tpu.region"() ({
      %run_scoped3A = tpu.sem_alloc : memref<!tpu.dma_semaphore, #tpu.memory_space<semaphore_mem>>
      %dma_start3A_47 = arith.constant 0 : i32
      %dma_start3A_48 = tpu.memref_slice %arg4[%add3A, %dma_start3A_47] : memref<32x10240xf32, #tpu.memory_space<hbm>> -> memref<1x10240xf32, #tpu.memory_space<hbm>>
      %dma_start3A_49 = tpu.memref_squeeze %dma_start3A_48 : memref<1x10240xf32, #tpu.memory_space<hbm>> -> memref<10240xf32, #tpu.memory_space<hbm>>
      %dma_start3A_50 = arith.constant 0 : i32
      %dma_start3A_51 = tpu.memref_slice %arg4[%add3A, %dma_start3A_50] : memref<32x10240xf32, #tpu.memory_space<hbm>> -> memref<1x10240xf32, #tpu.memory_space<hbm>>
      %dma_start3A_52 = tpu.memref_squeeze %dma_start3A_51 : memref<1x10240xf32, #tpu.memory_space<hbm>> -> memref<10240xf32, #tpu.memory_space<hbm>>
      tpu.enqueue_dma source(%arg5 : memref<10240xf32, #tpu.memory_space<vmem>>) target(%dma_start3A_52 : memref<10240xf32, #tpu.memory_space<hbm>>) target_semaphore(%run_scoped3A : memref<!tpu.dma_semaphore, #tpu.memory_space<semaphore_mem>>)
      %dma_wait3A_53 = arith.constant 0 : i32
      %dma_wait3A_54 = tpu.memref_slice %arg4[%add3A, %dma_wait3A_53] : memref<32x10240xf32, #tpu.memory_space<hbm>> -> memref<1x10240xf32, #tpu.memory_space<hbm>>
      %dma_wait3A_55 = tpu.memref_squeeze %dma_wait3A_54 : memref<1x10240xf32, #tpu.memory_space<hbm>> -> memref<10240xf32, #tpu.memory_space<hbm>>
      %dma_wait3A_56 = arith.constant 0 : i32
      %dma_wait3A_57 = tpu.memref_slice %arg4[%add3A, %dma_wait3A_56] : memref<32x10240xf32, #tpu.memory_space<hbm>> -> memref<1x10240xf32, #tpu.memory_space<hbm>>
      %dma_wait3A_58 = tpu.memref_squeeze %dma_wait3A_57 : memref<1x10240xf32, #tpu.memory_space<hbm>> -> memref<10240xf32, #tpu.memory_space<hbm>>
      tpu.wait_dma2 semaphore(%run_scoped3A : memref<!tpu.dma_semaphore, #tpu.memory_space<semaphore_mem>>) src(%arg5 : memref<10240xf32, #tpu.memory_space<vmem>>) dst(%dma_wait3A_58 : memref<10240xf32, #tpu.memory_space<hbm>>)
      tpu.yield
    }) : () -> ()
    return
  }
}

#map = affine_map<(d0, d1) -> (0)>
#map1 = affine_map<(d0, d1) -> (0, 0)>
module attributes {stable_mosaic.version = 14 : i64} {
  func.func @k(%arg0: i32, %arg1: i32, %arg2: memref<335872xf32, #tpu.memory_space<hbm>>, %arg3: memref<335872xi32, #tpu.memory_space<hbm>>, %arg4: memref<1x10240xf32, #tpu.memory_space<hbm>>, %arg5: memref<335872xf32, #tpu.memory_space<hbm>>, %arg6: memref<10240xf32, #tpu.memory_space<vmem>>, %arg7: memref<10496xi32, #tpu.memory_space<vmem>>, %arg8: memref<10496xf32, #tpu.memory_space<vmem>>, %arg9: memref<!tpu.dma_semaphore, #tpu.memory_space<semaphore_mem>>) attributes {dimension_semantics = [#tpu.dimension_semantics<core_parallel>, #tpu.dimension_semantics<subcore_parallel>], iteration_bounds = array<i64: 2, 16>, scalar_prefetch = 0 : i64, scratch_operands = 4 : i64, tpu.core_type = #tpu.core_type<sc_vector_subcore>, window_params = [{transform_indices = #map}, {transform_indices = #map}, {transform_indices = #map1}, {transform_indices = #map}]} {
    %mul3A = arith.constant 2 : i32
    %mul3A_0 = arith.muli %arg1, %mul3A : i32
    %add3A = arith.addi %mul3A_0, %arg0 : i32
    %mul3A_1 = arith.constant 10496 : i32
    %mul3A_2 = arith.muli %add3A, %mul3A_1 : i32
    %dma_start3A = tpu.memref_slice %arg3[%mul3A_2] : memref<335872xi32, #tpu.memory_space<hbm>> -> memref<10496xi32, #tpu.memory_space<hbm>>
    %dma_start3A_3 = tpu.memref_slice %arg3[%mul3A_2] : memref<335872xi32, #tpu.memory_space<hbm>> -> memref<10496xi32, #tpu.memory_space<hbm>>
    tpu.enqueue_dma source(%dma_start3A_3 : memref<10496xi32, #tpu.memory_space<hbm>>) target(%arg7 : memref<10496xi32, #tpu.memory_space<vmem>>) target_semaphore(%arg9 : memref<!tpu.dma_semaphore, #tpu.memory_space<semaphore_mem>>)
    %mul3A_4 = arith.constant 1 : i32
    %mul3A_5 = arith.muli %mul3A_2, %mul3A_4 : i32
    %dma_start3A_6 = tpu.memref_slice %arg2[%mul3A_5] : memref<335872xf32, #tpu.memory_space<hbm>> -> memref<10496xf32, #tpu.memory_space<hbm>>
    %dma_start3A_7 = tpu.memref_slice %arg2[%mul3A_5] : memref<335872xf32, #tpu.memory_space<hbm>> -> memref<10496xf32, #tpu.memory_space<hbm>>
    tpu.enqueue_dma source(%dma_start3A_7 : memref<10496xf32, #tpu.memory_space<hbm>>) target(%arg8 : memref<10496xf32, #tpu.memory_space<vmem>>) target_semaphore(%arg9 : memref<!tpu.dma_semaphore, #tpu.memory_space<semaphore_mem>>)
    %run_scoped3A = arith.constant 0 : i32
    "tpu.region"() ({
      %run_scoped3A_44 = tpu.sem_alloc : memref<!tpu.dma_semaphore, #tpu.memory_space<semaphore_mem>>
      %dma_start3A_45 = arith.constant 0 : i32
      %dma_start3A_46 = tpu.memref_slice %arg4[%run_scoped3A, %dma_start3A_45] : memref<1x10240xf32, #tpu.memory_space<hbm>> -> memref<1x10240xf32, #tpu.memory_space<hbm>>
      %dma_start3A_47 = tpu.memref_squeeze %dma_start3A_46 : memref<1x10240xf32, #tpu.memory_space<hbm>> -> memref<10240xf32, #tpu.memory_space<hbm>>
      %dma_start3A_48 = arith.constant 0 : i32
      %dma_start3A_49 = tpu.memref_slice %arg4[%run_scoped3A, %dma_start3A_48] : memref<1x10240xf32, #tpu.memory_space<hbm>> -> memref<1x10240xf32, #tpu.memory_space<hbm>>
      %dma_start3A_50 = tpu.memref_squeeze %dma_start3A_49 : memref<1x10240xf32, #tpu.memory_space<hbm>> -> memref<10240xf32, #tpu.memory_space<hbm>>
      tpu.enqueue_dma source(%dma_start3A_50 : memref<10240xf32, #tpu.memory_space<hbm>>) target(%arg6 : memref<10240xf32, #tpu.memory_space<vmem>>) target_semaphore(%run_scoped3A_44 : memref<!tpu.dma_semaphore, #tpu.memory_space<semaphore_mem>>)
      %dma_wait3A_51 = arith.constant 0 : i32
      %dma_wait3A_52 = tpu.memref_slice %arg4[%run_scoped3A, %dma_wait3A_51] : memref<1x10240xf32, #tpu.memory_space<hbm>> -> memref<1x10240xf32, #tpu.memory_space<hbm>>
      %dma_wait3A_53 = tpu.memref_squeeze %dma_wait3A_52 : memref<1x10240xf32, #tpu.memory_space<hbm>> -> memref<10240xf32, #tpu.memory_space<hbm>>
      %dma_wait3A_54 = arith.constant 0 : i32
      %dma_wait3A_55 = tpu.memref_slice %arg4[%run_scoped3A, %dma_wait3A_54] : memref<1x10240xf32, #tpu.memory_space<hbm>> -> memref<1x10240xf32, #tpu.memory_space<hbm>>
      %dma_wait3A_56 = tpu.memref_squeeze %dma_wait3A_55 : memref<1x10240xf32, #tpu.memory_space<hbm>> -> memref<10240xf32, #tpu.memory_space<hbm>>
      tpu.wait_dma2 semaphore(%run_scoped3A_44 : memref<!tpu.dma_semaphore, #tpu.memory_space<semaphore_mem>>) src(%dma_wait3A_56 : memref<10240xf32, #tpu.memory_space<hbm>>) dst(%arg6 : memref<10240xf32, #tpu.memory_space<vmem>>)
      tpu.yield
    }) : () -> ()
    %dma_wait3A = tpu.memref_slice %arg3[%mul3A_2] : memref<335872xi32, #tpu.memory_space<hbm>> -> memref<10496xi32, #tpu.memory_space<hbm>>
    %dma_wait3A_8 = tpu.memref_slice %arg3[%mul3A_2] : memref<335872xi32, #tpu.memory_space<hbm>> -> memref<10496xi32, #tpu.memory_space<hbm>>
    tpu.wait_dma2 semaphore(%arg9 : memref<!tpu.dma_semaphore, #tpu.memory_space<semaphore_mem>>) src(%dma_wait3A_8 : memref<10496xi32, #tpu.memory_space<hbm>>) dst(%arg7 : memref<10496xi32, #tpu.memory_space<vmem>>)
    %dma_wait3A_9 = tpu.memref_slice %arg2[%mul3A_5] : memref<335872xf32, #tpu.memory_space<hbm>> -> memref<10496xf32, #tpu.memory_space<hbm>>
    %dma_wait3A_10 = tpu.memref_slice %arg2[%mul3A_5] : memref<335872xf32, #tpu.memory_space<hbm>> -> memref<10496xf32, #tpu.memory_space<hbm>>
    tpu.wait_dma2 semaphore(%arg9 : memref<!tpu.dma_semaphore, #tpu.memory_space<semaphore_mem>>) src(%dma_wait3A_10 : memref<10496xf32, #tpu.memory_space<hbm>>) dst(%arg8 : memref<10496xf32, #tpu.memory_space<vmem>>)
    %iota3A = tpu.iota {dimensions = array<i32: 0>} : vector<16xi32>
    %jit3A = arith.constant 1 : i32
    %div3A = vector.broadcast %jit3A : i32 to vector<16xi32>
    %div3A_11 = arith.divsi %iota3A, %div3A : vector<16xi32>
    %sign3A = arith.constant 0 : i32
    %sign3A_12 = vector.broadcast %sign3A : i32 to vector<16xi32>
    %sign3A_13 = arith.cmpi sgt, %iota3A, %sign3A_12 : vector<16xi32>
    %sign3A_14 = arith.extui %sign3A_13 : vector<16xi1> to vector<16xi32>
    %sign3A_15 = arith.constant 0 : i32
    %sign3A_16 = vector.broadcast %sign3A_15 : i32 to vector<16xi32>
    %sign3A_17 = arith.cmpi slt, %iota3A, %sign3A_16 : vector<16xi32>
    %sign3A_18 = arith.extui %sign3A_17 : vector<16xi1> to vector<16xi32>
    %sign3A_19 = arith.subi %sign3A_14, %sign3A_18 : vector<16xi32>
    %sign3A_20 = arith.constant 0 : i32
    %sign3A_21 = arith.cmpi sgt, %jit3A, %sign3A_20 : i32
    %sign3A_22 = arith.extui %sign3A_21 : i1 to i32
    %sign3A_23 = arith.constant 0 : i32
    %sign3A_24 = arith.cmpi slt, %jit3A, %sign3A_23 : i32
    %sign3A_25 = arith.extui %sign3A_24 : i1 to i32
    %sign3A_26 = arith.subi %sign3A_22, %sign3A_25 : i32
    %ne3A = vector.broadcast %sign3A_26 : i32 to vector<16xi32>
    %ne3A_27 = arith.cmpi ne, %sign3A_19, %ne3A : vector<16xi32>
    %rem3A = vector.broadcast %jit3A : i32 to vector<16xi32>
    %rem3A_28 = arith.remsi %iota3A, %rem3A : vector<16xi32>
    %ne3A_29 = arith.constant 0 : i32
    %ne3A_30 = vector.broadcast %ne3A_29 : i32 to vector<16xi32>
    %ne3A_31 = arith.cmpi ne, %rem3A_28, %ne3A_30 : vector<16xi32>
    %and3A = arith.andi %ne3A_27, %ne3A_31 : vector<16xi1>
    %sub3A = arith.constant 1 : i32
    %sub3A_32 = vector.broadcast %sub3A : i32 to vector<16xi32>
    %sub3A_33 = arith.subi %div3A_11, %sub3A_32 : vector<16xi32>
    %select_n3A = arith.select %and3A, %sub3A_33, %div3A_11 : vector<16xi1>, vector<16xi32>
    %mul3A_34 = arith.constant 1 : i32
    %mul3A_35 = vector.broadcast %mul3A_34 : i32 to vector<16xi32>
    %mul3A_36 = arith.muli %select_n3A, %mul3A_35 : vector<16xi32>
    %sub3A_37 = arith.subi %iota3A, %mul3A_36 : vector<16xi32>
    %scan3A = arith.constant 0 : i32
    %scan3A_38 = arith.constant 656 : i32
    %scan3A_39 = arith.addi %scan3A, %scan3A_38 : i32
    %scan3A_40 = arith.constant 1 : i32
    scf.for %scan3A_44 = %scan3A to %scan3A_39 step %scan3A_40  : i32 {
      %mul3A_45 = arith.constant 1 : i32
      %mul3A_46 = arith.muli %scan3A_44, %mul3A_45 : i32
      %add3A_47 = arith.constant 0 : i32
      %add3A_48 = arith.addi %add3A_47, %mul3A_46 : i32
      %mul3A_49 = arith.constant 16 : i32
      %mul3A_50 = arith.muli %add3A_48, %mul3A_49 : i32
      %add3A_51 = vector.broadcast %mul3A_50 : i32 to vector<16xi32>
      %add3A_52 = arith.addi %add3A_51, %select_n3A : vector<16xi32>
      %gather3A = tpu.vector_load_idx %arg7[%add3A_52] : memref<10496xi32, #tpu.memory_space<vmem>>[vector<16xi32>], vector<16xi32>,
      %mul3A_53 = arith.constant 1 : i32
      %mul3A_54 = vector.broadcast %mul3A_53 : i32 to vector<16xi32>
      %mul3A_55 = arith.muli %gather3A, %mul3A_54 : vector<16xi32>
      %add3A_56 = arith.addi %mul3A_55, %sub3A_37 : vector<16xi32>
      %gather3A_57 = tpu.vector_load_idx %arg6[%add3A_56] : memref<10240xf32, #tpu.memory_space<vmem>>[vector<16xi32>], vector<16xf32>,
      %mul3A_58 = arith.constant 16 : i32
      %mul3A_59 = arith.muli %add3A_48, %mul3A_58 : i32
      %get3A = arith.index_cast %mul3A_59 : i32 to index
      %get3A_60 = tpu.vector_load %arg8[%get3A] {strides = array<i32>} : memref<10496xf32, #tpu.memory_space<vmem>>, vector<16xf32>,
      %add3A_61 = arith.constant 1.000000e-16 : f32
      %add3A_62 = vector.broadcast %add3A_61 : f32 to vector<16xf32>
      %add3A_63 = arith.addf %gather3A_57, %add3A_62 : vector<16xf32>
      %div3A_64 = arith.divf %get3A_60, %add3A_63 : vector<16xf32>
      %mul3A_65 = arith.constant 16 : i32
      %mul3A_66 = arith.muli %add3A_48, %mul3A_65 : i32
      %swap3A = arith.index_cast %mul3A_66 : i32 to index
      %swap3A_67 = tpu.vector_load %arg8[%swap3A] {strides = array<i32>} : memref<10496xf32, #tpu.memory_space<vmem>>, vector<16xf32>,
      tpu.vector_store %arg8[%swap3A], %div3A_64 {strides = array<i32>} : memref<10496xf32, #tpu.memory_space<vmem>>, vector<16xf32>,
    }
    %scan3A_41 = arith.constant 656 : i32
    %mul3A_42 = arith.constant 1 : i32
    %mul3A_43 = arith.muli %mul3A_2, %mul3A_42 : i32
    "tpu.region"() ({
      %run_scoped3A_44 = tpu.sem_alloc : memref<!tpu.dma_semaphore, #tpu.memory_space<semaphore_mem>>
      %dma_start3A_45 = tpu.memref_slice %arg5[%mul3A_43] : memref<335872xf32, #tpu.memory_space<hbm>> -> memref<10496xf32, #tpu.memory_space<hbm>>
      %dma_start3A_46 = tpu.memref_slice %arg5[%mul3A_43] : memref<335872xf32, #tpu.memory_space<hbm>> -> memref<10496xf32, #tpu.memory_space<hbm>>
      tpu.enqueue_dma source(%arg8 : memref<10496xf32, #tpu.memory_space<vmem>>) target(%dma_start3A_46 : memref<10496xf32, #tpu.memory_space<hbm>>) target_semaphore(%run_scoped3A_44 : memref<!tpu.dma_semaphore, #tpu.memory_space<semaphore_mem>>)
      %dma_wait3A_47 = tpu.memref_slice %arg5[%mul3A_43] : memref<335872xf32, #tpu.memory_space<hbm>> -> memref<10496xf32, #tpu.memory_space<hbm>>
      %dma_wait3A_48 = tpu.memref_slice %arg5[%mul3A_43] : memref<335872xf32, #tpu.memory_space<hbm>> -> memref<10496xf32, #tpu.memory_space<hbm>>
      tpu.wait_dma2 semaphore(%run_scoped3A_44 : memref<!tpu.dma_semaphore, #tpu.memory_space<semaphore_mem>>) src(%arg8 : memref<10496xf32, #tpu.memory_space<vmem>>) dst(%dma_wait3A_48 : memref<10496xf32, #tpu.memory_space<hbm>>)
      tpu.yield
    }) : () -> ()
    return
  }
}

#map = affine_map<(d0, d1) -> (0, 0)>
#map1 = affine_map<(d0, d1) -> (0, 0, 0)>
module attributes {stable_mosaic.version = 14 : i64} {
  func.func @k(%arg0: i32, %arg1: i32, %arg2: memref<335872x128xf32, #tpu.memory_space<hbm>>, %arg3: memref<2624x2x128xi32, #tpu.memory_space<hbm>>, %arg4: memref<10240x128xf32, #tpu.memory_space<hbm>>, %arg5: memref<2x10240x128xf32, #tpu.memory_space<hbm>>, %arg6: memref<10240x128xf32, #tpu.memory_space<vmem_shared>>, %arg7: memref<2x128xi32, #tpu.memory_space<vmem>>, %arg8: memref<2x128xi32, #tpu.memory_space<vmem>>, %arg9: memref<128x128xf32, #tpu.memory_space<vmem>>, %arg10: memref<128x128xf32, #tpu.memory_space<vmem>>, %arg11: memref<!tpu.dma_semaphore, #tpu.memory_space<semaphore_mem>>, %arg12: memref<!tpu.dma_semaphore, #tpu.memory_space<semaphore_mem>>) attributes {dimension_semantics = [#tpu.dimension_semantics<core_parallel>, #tpu.dimension_semantics<subcore_parallel>], iteration_bounds = array<i64: 2, 16>, scalar_prefetch = 0 : i64, scratch_operands = 7 : i64, tpu.core_type = #tpu.core_type<sc_vector_subcore>, window_params = [{transform_indices = #map}, {transform_indices = #map1}, {transform_indices = #map}, {transform_indices = #map1}]} {
    %mul3A = arith.constant 2 : i32
    %mul3A_0 = arith.muli %arg1, %mul3A : i32
    %add3A = arith.addi %mul3A_0, %arg0 : i32
    %mul3A_1 = arith.constant 82 : i32
    %mul3A_2 = arith.muli %add3A, %mul3A_1 : i32
    %mul3A_3 = arith.constant 640 : i32
    %mul3A_4 = arith.muli %arg1, %mul3A_3 : i32
    "tpu.region"() ({
      %run_scoped3A = tpu.sem_alloc : memref<!tpu.dma_semaphore, #tpu.memory_space<semaphore_mem>>
      %dma_start3A_15 = arith.constant 0 : i32
      %dma_start3A_16 = tpu.memref_slice %arg6[%mul3A_4, %dma_start3A_15] : memref<10240x128xf32, #tpu.memory_space<vmem_shared>> -> memref<640x128xf32, #tpu.memory_space<vmem_shared>>
      %dma_start3A_17 = arith.constant 0 : i32
      %dma_start3A_18 = tpu.memref_slice %arg4[%mul3A_4, %dma_start3A_17] : memref<10240x128xf32, #tpu.memory_space<hbm>> -> memref<640x128xf32, #tpu.memory_space<hbm>>
      tpu.enqueue_dma source(%dma_start3A_18 : memref<640x128xf32, #tpu.memory_space<hbm>>) target(%dma_start3A_16 : memref<640x128xf32, #tpu.memory_space<vmem_shared>>) target_semaphore(%run_scoped3A : memref<!tpu.dma_semaphore, #tpu.memory_space<semaphore_mem>>)
      %dma_wait3A = arith.constant 0 : i32
      %dma_wait3A_19 = tpu.memref_slice %arg6[%mul3A_4, %dma_wait3A] : memref<10240x128xf32, #tpu.memory_space<vmem_shared>> -> memref<640x128xf32, #tpu.memory_space<vmem_shared>>
      %dma_wait3A_20 = arith.constant 0 : i32
      %dma_wait3A_21 = tpu.memref_slice %arg4[%mul3A_4, %dma_wait3A_20] : memref<10240x128xf32, #tpu.memory_space<hbm>> -> memref<640x128xf32, #tpu.memory_space<hbm>>
      tpu.wait_dma2 semaphore(%run_scoped3A : memref<!tpu.dma_semaphore, #tpu.memory_space<semaphore_mem>>) src(%dma_wait3A_21 : memref<640x128xf32, #tpu.memory_space<hbm>>) dst(%dma_wait3A_19 : memref<640x128xf32, #tpu.memory_space<vmem_shared>>)
      tpu.yield
    }) : () -> ()
    %barrier3A = arith.constant 0 : index
    tpu.barrier barrier_id(%barrier3A)
    "tpu.region"() ({
      %run_scoped3A = tpu.sem_alloc : memref<!tpu.dma_semaphore, #tpu.memory_space<semaphore_mem>>
      %dma_start3A_15 = arith.constant 0 : i32
      %dma_start3A_16 = arith.constant 0 : i32
      %dma_start3A_17 = tpu.memref_slice %arg3[%mul3A_2, %dma_start3A_15, %dma_start3A_16] : memref<2624x2x128xi32, #tpu.memory_space<hbm>> -> memref<1x2x128xi32, #tpu.memory_space<hbm>>
      %dma_start3A_18 = tpu.memref_squeeze %dma_start3A_17 : memref<1x2x128xi32, #tpu.memory_space<hbm>> -> memref<2x128xi32, #tpu.memory_space<hbm>>
      %dma_start3A_19 = arith.constant 0 : i32
      %dma_start3A_20 = arith.constant 0 : i32
      %dma_start3A_21 = tpu.memref_slice %arg3[%mul3A_2, %dma_start3A_19, %dma_start3A_20] : memref<2624x2x128xi32, #tpu.memory_space<hbm>> -> memref<1x2x128xi32, #tpu.memory_space<hbm>>
      %dma_start3A_22 = tpu.memref_squeeze %dma_start3A_21 : memref<1x2x128xi32, #tpu.memory_space<hbm>> -> memref<2x128xi32, #tpu.memory_space<hbm>>
      tpu.enqueue_dma source(%dma_start3A_22 : memref<2x128xi32, #tpu.memory_space<hbm>>) target(%arg7 : memref<2x128xi32, #tpu.memory_space<vmem>>) target_semaphore(%run_scoped3A : memref<!tpu.dma_semaphore, #tpu.memory_space<semaphore_mem>>)
      %dma_wait3A = arith.constant 0 : i32
      %dma_wait3A_23 = arith.constant 0 : i32
      %dma_wait3A_24 = tpu.memref_slice %arg3[%mul3A_2, %dma_wait3A, %dma_wait3A_23] : memref<2624x2x128xi32, #tpu.memory_space<hbm>> -> memref<1x2x128xi32, #tpu.memory_space<hbm>>
      %dma_wait3A_25 = tpu.memref_squeeze %dma_wait3A_24 : memref<1x2x128xi32, #tpu.memory_space<hbm>> -> memref<2x128xi32, #tpu.memory_space<hbm>>
      %dma_wait3A_26 = arith.constant 0 : i32
      %dma_wait3A_27 = arith.constant 0 : i32
      %dma_wait3A_28 = tpu.memref_slice %arg3[%mul3A_2, %dma_wait3A_26, %dma_wait3A_27] : memref<2624x2x128xi32, #tpu.memory_space<hbm>> -> memref<1x2x128xi32, #tpu.memory_space<hbm>>
      %dma_wait3A_29 = tpu.memref_squeeze %dma_wait3A_28 : memref<1x2x128xi32, #tpu.memory_space<hbm>> -> memref<2x128xi32, #tpu.memory_space<hbm>>
      tpu.wait_dma2 semaphore(%run_scoped3A : memref<!tpu.dma_semaphore, #tpu.memory_space<semaphore_mem>>) src(%dma_wait3A_29 : memref<2x128xi32, #tpu.memory_space<hbm>>) dst(%arg7 : memref<2x128xi32, #tpu.memory_space<vmem>>)
      tpu.yield
    }) : () -> ()
    %mul3A_5 = arith.constant 128 : i32
    %mul3A_6 = arith.muli %mul3A_2, %mul3A_5 : i32
    %dma_start3A = arith.constant 0 : i32
    %dma_start3A_7 = tpu.memref_slice %arg2[%mul3A_6, %dma_start3A] : memref<335872x128xf32, #tpu.memory_space<hbm>> -> memref<128x128xf32, #tpu.memory_space<hbm>>
    %dma_start3A_8 = arith.constant 0 : i32
    %dma_start3A_9 = tpu.memref_slice %arg2[%mul3A_6, %dma_start3A_8] : memref<335872x128xf32, #tpu.memory_space<hbm>> -> memref<128x128xf32, #tpu.memory_space<hbm>>
    tpu.enqueue_dma source(%dma_start3A_9 : memref<128x128xf32, #tpu.memory_space<hbm>>) target(%arg9 : memref<128x128xf32, #tpu.memory_space<vmem>>) target_semaphore(%arg11 : memref<!tpu.dma_semaphore, #tpu.memory_space<semaphore_mem>>)
    %scan3A = arith.constant 0 : i32
    %scan3A_10 = arith.constant 41 : i32
    %scan3A_11 = arith.addi %scan3A, %scan3A_10 : i32
    %scan3A_12 = arith.constant 1 : i32
    scf.for %scan3A_15 = %scan3A to %scan3A_11 step %scan3A_12  : i32 {
      %mul3A_16 = arith.constant 1 : i32
      %mul3A_17 = arith.muli %scan3A_15, %mul3A_16 : i32
      %add3A_18 = arith.constant 0 : i32
      %add3A_19 = arith.addi %add3A_18, %mul3A_17 : i32
      %mul3A_20 = arith.constant 2 : i32
      %mul3A_21 = arith.muli %add3A_19, %mul3A_20 : i32
      %add3A_22 = arith.addi %mul3A_2, %mul3A_21 : i32
      %add3A_23 = arith.constant 1 : i32
      %add3A_24 = arith.addi %add3A_22, %add3A_23 : i32
      "tpu.region"() ({
        %run_scoped3A_45 = tpu.sem_alloc : memref<!tpu.dma_semaphore, #tpu.memory_space<semaphore_mem>>
        %dma_start3A_46 = arith.constant 0 : i32
        %dma_start3A_47 = arith.constant 0 : i32
        %dma_start3A_48 = tpu.memref_slice %arg3[%add3A_24, %dma_start3A_46, %dma_start3A_47] : memref<2624x2x128xi32, #tpu.memory_space<hbm>> -> memref<1x2x128xi32, #tpu.memory_space<hbm>>
        %dma_start3A_49 = tpu.memref_squeeze %dma_start3A_48 : memref<1x2x128xi32, #tpu.memory_space<hbm>> -> memref<2x128xi32, #tpu.memory_space<hbm>>
        %dma_start3A_50 = arith.constant 0 : i32
        %dma_start3A_51 = arith.constant 0 : i32
        %dma_start3A_52 = tpu.memref_slice %arg3[%add3A_24, %dma_start3A_50, %dma_start3A_51] : memref<2624x2x128xi32, #tpu.memory_space<hbm>> -> memref<1x2x128xi32, #tpu.memory_space<hbm>>
        %dma_start3A_53 = tpu.memref_squeeze %dma_start3A_52 : memref<1x2x128xi32, #tpu.memory_space<hbm>> -> memref<2x128xi32, #tpu.memory_space<hbm>>
        tpu.enqueue_dma source(%dma_start3A_53 : memref<2x128xi32, #tpu.memory_space<hbm>>) target(%arg8 : memref<2x128xi32, #tpu.memory_space<vmem>>) target_semaphore(%run_scoped3A_45 : memref<!tpu.dma_semaphore, #tpu.memory_space<semaphore_mem>>)
        %dma_wait3A_54 = arith.constant 0 : i32
        %dma_wait3A_55 = arith.constant 0 : i32
        %dma_wait3A_56 = tpu.memref_slice %arg3[%add3A_24, %dma_wait3A_54, %dma_wait3A_55] : memref<2624x2x128xi32, #tpu.memory_space<hbm>> -> memref<1x2x128xi32, #tpu.memory_space<hbm>>
        %dma_wait3A_57 = tpu.memref_squeeze %dma_wait3A_56 : memref<1x2x128xi32, #tpu.memory_space<hbm>> -> memref<2x128xi32, #tpu.memory_space<hbm>>
        %dma_wait3A_58 = arith.constant 0 : i32
        %dma_wait3A_59 = arith.constant 0 : i32
        %dma_wait3A_60 = tpu.memref_slice %arg3[%add3A_24, %dma_wait3A_58, %dma_wait3A_59] : memref<2624x2x128xi32, #tpu.memory_space<hbm>> -> memref<1x2x128xi32, #tpu.memory_space<hbm>>
        %dma_wait3A_61 = tpu.memref_squeeze %dma_wait3A_60 : memref<1x2x128xi32, #tpu.memory_space<hbm>> -> memref<2x128xi32, #tpu.memory_space<hbm>>
        tpu.wait_dma2 semaphore(%run_scoped3A_45 : memref<!tpu.dma_semaphore, #tpu.memory_space<semaphore_mem>>) src(%dma_wait3A_61 : memref<2x128xi32, #tpu.memory_space<hbm>>) dst(%arg8 : memref<2x128xi32, #tpu.memory_space<vmem>>)
        tpu.yield
      }) : () -> ()
      %mul3A_25 = arith.constant 128 : i32
      %mul3A_26 = arith.muli %add3A_24, %mul3A_25 : i32
      %dma_start3A_27 = arith.constant 0 : i32
      %dma_start3A_28 = tpu.memref_slice %arg2[%mul3A_26, %dma_start3A_27] : memref<335872x128xf32, #tpu.memory_space<hbm>> -> memref<128x128xf32, #tpu.memory_space<hbm>>
      %dma_start3A_29 = arith.constant 0 : i32
      %dma_start3A_30 = tpu.memref_slice %arg2[%mul3A_26, %dma_start3A_29] : memref<335872x128xf32, #tpu.memory_space<hbm>> -> memref<128x128xf32, #tpu.memory_space<hbm>>
      tpu.enqueue_dma source(%dma_start3A_30 : memref<128x128xf32, #tpu.memory_space<hbm>>) target(%arg10 : memref<128x128xf32, #tpu.memory_space<vmem>>) target_semaphore(%arg12 : memref<!tpu.dma_semaphore, #tpu.memory_space<semaphore_mem>>)
      %dma_wait3A = arith.constant 0 : i32
      %dma_wait3A_31 = arith.constant 0 : i32
      %dma_wait3A_32 = tpu.memref_slice %arg2[%dma_wait3A, %dma_wait3A_31] : memref<335872x128xf32, #tpu.memory_space<hbm>> -> memref<128x128xf32, #tpu.memory_space<hbm>>
      %dma_wait3A_33 = arith.constant 0 : i32
      %dma_wait3A_34 = arith.constant 0 : i32
      %dma_wait3A_35 = tpu.memref_slice %arg2[%dma_wait3A_33, %dma_wait3A_34] : memref<335872x128xf32, #tpu.memory_space<hbm>> -> memref<128x128xf32, #tpu.memory_space<hbm>>
      tpu.wait_dma2 semaphore(%arg11 : memref<!tpu.dma_semaphore, #tpu.memory_space<semaphore_mem>>) src(%dma_wait3A_35 : memref<128x128xf32, #tpu.memory_space<hbm>>) dst(%arg9 : memref<128x128xf32, #tpu.memory_space<vmem>>)
      %run_scoped3A = arith.constant 1 : i32
      "tpu.region"() ({
        %run_scoped3A_45 = tpu.sem_alloc : memref<!tpu.dma_semaphore, #tpu.memory_space<semaphore_mem>>
        %dma_start3A_46 = arith.constant 0 : i32
        %dma_start3A_47 = tpu.memref_slice %arg7[%run_scoped3A, %dma_start3A_46] : memref<2x128xi32, #tpu.memory_space<vmem>> -> memref<1x128xi32, #tpu.memory_space<vmem>>
        %dma_start3A_48 = tpu.memref_squeeze %dma_start3A_47 : memref<1x128xi32, #tpu.memory_space<vmem>> -> memref<128xi32, #tpu.memory_space<vmem>>
        %dma_start3A_49 = arith.constant 0 : i32
        %dma_start3A_50 = arith.constant 0 : i32
        %dma_start3A_51 = tpu.memref_slice %arg6[%dma_start3A_49, %dma_start3A_50] : memref<10240x128xf32, #tpu.memory_space<vmem_shared>> -> memref<10240x128xf32, #tpu.memory_space<vmem_shared>>
        tpu.enqueue_indirect_dma source(%arg9 : memref<128x128xf32, #tpu.memory_space<vmem>>) target(%dma_start3A_51 : memref<10240x128xf32, #tpu.memory_space<vmem_shared>>) offsets(%dma_start3A_48 : memref<128xi32, #tpu.memory_space<vmem>>) semaphore(%run_scoped3A_45 : memref<!tpu.dma_semaphore, #tpu.memory_space<semaphore_mem>>) {add = true}
        %dma_wait3A_52 = arith.constant 0 : i32
        %dma_wait3A_53 = tpu.memref_slice %arg7[%run_scoped3A, %dma_wait3A_52] : memref<2x128xi32, #tpu.memory_space<vmem>> -> memref<1x128xi32, #tpu.memory_space<vmem>>
        %dma_wait3A_54 = tpu.memref_squeeze %dma_wait3A_53 : memref<1x128xi32, #tpu.memory_space<vmem>> -> memref<128xi32, #tpu.memory_space<vmem>>
        %dma_wait3A_55 = arith.constant 0 : i32
        %dma_wait3A_56 = arith.constant 0 : i32
        %dma_wait3A_57 = tpu.memref_slice %arg6[%dma_wait3A_55, %dma_wait3A_56] : memref<10240x128xf32, #tpu.memory_space<vmem_shared>> -> memref<10240x128xf32, #tpu.memory_space<vmem_shared>>
        tpu.wait_indirect_dma semaphore(%run_scoped3A_45 : memref<!tpu.dma_semaphore, #tpu.memory_space<semaphore_mem>>) src(%arg9 : memref<128x128xf32, #tpu.memory_space<vmem>>) dst(%dma_wait3A_57 : memref<10240x128xf32, #tpu.memory_space<vmem_shared>>)
        tpu.yield
      }) : () -> ()
      %lt3A = arith.constant 40 : i32
      %lt3A_36 = arith.cmpi slt, %add3A_19, %lt3A : i32
      %convert_element_type3A = arith.extui %lt3A_36 : i1 to i32
      %cond3A = arith.constant 0 : i32
      %cond3A_37 = arith.cmpi ne, %convert_element_type3A, %cond3A : i32
      scf.if %cond3A_37 {
        %add3A_45 = arith.constant 2 : i32
        %add3A_46 = arith.addi %add3A_22, %add3A_45 : i32
        "tpu.region"() ({
          %run_scoped3A_53 = tpu.sem_alloc : memref<!tpu.dma_semaphore, #tpu.memory_space<semaphore_mem>>
          %dma_start3A_54 = arith.constant 0 : i32
          %dma_start3A_55 = arith.constant 0 : i32
          %dma_start3A_56 = tpu.memref_slice %arg3[%add3A_46, %dma_start3A_54, %dma_start3A_55] : memref<2624x2x128xi32, #tpu.memory_space<hbm>> -> memref<1x2x128xi32, #tpu.memory_space<hbm>>
          %dma_start3A_57 = tpu.memref_squeeze %dma_start3A_56 : memref<1x2x128xi32, #tpu.memory_space<hbm>> -> memref<2x128xi32, #tpu.memory_space<hbm>>
          %dma_start3A_58 = arith.constant 0 : i32
          %dma_start3A_59 = arith.constant 0 : i32
          %dma_start3A_60 = tpu.memref_slice %arg3[%add3A_46, %dma_start3A_58, %dma_start3A_59] : memref<2624x2x128xi32, #tpu.memory_space<hbm>> -> memref<1x2x128xi32, #tpu.memory_space<hbm>>
          %dma_start3A_61 = tpu.memref_squeeze %dma_start3A_60 : memref<1x2x128xi32, #tpu.memory_space<hbm>> -> memref<2x128xi32, #tpu.memory_space<hbm>>
          tpu.enqueue_dma source(%dma_start3A_61 : memref<2x128xi32, #tpu.memory_space<hbm>>) target(%arg7 : memref<2x128xi32, #tpu.memory_space<vmem>>) target_semaphore(%run_scoped3A_53 : memref<!tpu.dma_semaphore, #tpu.memory_space<semaphore_mem>>)
          %dma_wait3A_62 = arith.constant 0 : i32
          %dma_wait3A_63 = arith.constant 0 : i32
          %dma_wait3A_64 = tpu.memref_slice %arg3[%add3A_46, %dma_wait3A_62, %dma_wait3A_63] : memref<2624x2x128xi32, #tpu.memory_space<hbm>> -> memref<1x2x128xi32, #tpu.memory_space<hbm>>
          %dma_wait3A_65 = tpu.memref_squeeze %dma_wait3A_64 : memref<1x2x128xi32, #tpu.memory_space<hbm>> -> memref<2x128xi32, #tpu.memory_space<hbm>>
          %dma_wait3A_66 = arith.constant 0 : i32
          %dma_wait3A_67 = arith.constant 0 : i32
          %dma_wait3A_68 = tpu.memref_slice %arg3[%add3A_46, %dma_wait3A_66, %dma_wait3A_67] : memref<2624x2x128xi32, #tpu.memory_space<hbm>> -> memref<1x2x128xi32, #tpu.memory_space<hbm>>
          %dma_wait3A_69 = tpu.memref_squeeze %dma_wait3A_68 : memref<1x2x128xi32, #tpu.memory_space<hbm>> -> memref<2x128xi32, #tpu.memory_space<hbm>>
          tpu.wait_dma2 semaphore(%run_scoped3A_53 : memref<!tpu.dma_semaphore, #tpu.memory_space<semaphore_mem>>) src(%dma_wait3A_69 : memref<2x128xi32, #tpu.memory_space<hbm>>) dst(%arg7 : memref<2x128xi32, #tpu.memory_space<vmem>>)
          tpu.yield
        }) : () -> ()
        %mul3A_47 = arith.constant 128 : i32
        %mul3A_48 = arith.muli %add3A_46, %mul3A_47 : i32
        %dma_start3A_49 = arith.constant 0 : i32
        %dma_start3A_50 = tpu.memref_slice %arg2[%mul3A_48, %dma_start3A_49] : memref<335872x128xf32, #tpu.memory_space<hbm>> -> memref<128x128xf32, #tpu.memory_space<hbm>>
        %dma_start3A_51 = arith.constant 0 : i32
        %dma_start3A_52 = tpu.memref_slice %arg2[%mul3A_48, %dma_start3A_51] : memref<335872x128xf32, #tpu.memory_space<hbm>> -> memref<128x128xf32, #tpu.memory_space<hbm>>
        tpu.enqueue_dma source(%dma_start3A_52 : memref<128x128xf32, #tpu.memory_space<hbm>>) target(%arg9 : memref<128x128xf32, #tpu.memory_space<vmem>>) target_semaphore(%arg11 : memref<!tpu.dma_semaphore, #tpu.memory_space<semaphore_mem>>)
      } else {
      }
      %dma_wait3A_38 = arith.constant 0 : i32
      %dma_wait3A_39 = arith.constant 0 : i32
      %dma_wait3A_40 = tpu.memref_slice %arg2[%dma_wait3A_38, %dma_wait3A_39] : memref<335872x128xf32, #tpu.memory_space<hbm>> -> memref<128x128xf32, #tpu.memory_space<hbm>>
      %dma_wait3A_41 = arith.constant 0 : i32
      %dma_wait3A_42 = arith.constant 0 : i32
      %dma_wait3A_43 = tpu.memref_slice %arg2[%dma_wait3A_41, %dma_wait3A_42] : memref<335872x128xf32, #tpu.memory_space<hbm>> -> memref<128x128xf32, #tpu.memory_space<hbm>>
      tpu.wait_dma2 semaphore(%arg12 : memref<!tpu.dma_semaphore, #tpu.memory_space<semaphore_mem>>) src(%dma_wait3A_43 : memref<128x128xf32, #tpu.memory_space<hbm>>) dst(%arg10 : memref<128x128xf32, #tpu.memory_space<vmem>>)
      %run_scoped3A_44 = arith.constant 1 : i32
      "tpu.region"() ({
        %run_scoped3A_45 = tpu.sem_alloc : memref<!tpu.dma_semaphore, #tpu.memory_space<semaphore_mem>>
        %dma_start3A_46 = arith.constant 0 : i32
        %dma_start3A_47 = tpu.memref_slice %arg8[%run_scoped3A_44, %dma_start3A_46] : memref<2x128xi32, #tpu.memory_space<vmem>> -> memref<1x128xi32, #tpu.memory_space<vmem>>
        %dma_start3A_48 = tpu.memref_squeeze %dma_start3A_47 : memref<1x128xi32, #tpu.memory_space<vmem>> -> memref<128xi32, #tpu.memory_space<vmem>>
        %dma_start3A_49 = arith.constant 0 : i32
        %dma_start3A_50 = arith.constant 0 : i32
        %dma_start3A_51 = tpu.memref_slice %arg6[%dma_start3A_49, %dma_start3A_50] : memref<10240x128xf32, #tpu.memory_space<vmem_shared>> -> memref<10240x128xf32, #tpu.memory_space<vmem_shared>>
        tpu.enqueue_indirect_dma source(%arg10 : memref<128x128xf32, #tpu.memory_space<vmem>>) target(%dma_start3A_51 : memref<10240x128xf32, #tpu.memory_space<vmem_shared>>) offsets(%dma_start3A_48 : memref<128xi32, #tpu.memory_space<vmem>>) semaphore(%run_scoped3A_45 : memref<!tpu.dma_semaphore, #tpu.memory_space<semaphore_mem>>) {add = true}
        %dma_wait3A_52 = arith.constant 0 : i32
        %dma_wait3A_53 = tpu.memref_slice %arg8[%run_scoped3A_44, %dma_wait3A_52] : memref<2x128xi32, #tpu.memory_space<vmem>> -> memref<1x128xi32, #tpu.memory_space<vmem>>
        %dma_wait3A_54 = tpu.memref_squeeze %dma_wait3A_53 : memref<1x128xi32, #tpu.memory_space<vmem>> -> memref<128xi32, #tpu.memory_space<vmem>>
        %dma_wait3A_55 = arith.constant 0 : i32
        %dma_wait3A_56 = arith.constant 0 : i32
        %dma_wait3A_57 = tpu.memref_slice %arg6[%dma_wait3A_55, %dma_wait3A_56] : memref<10240x128xf32, #tpu.memory_space<vmem_shared>> -> memref<10240x128xf32, #tpu.memory_space<vmem_shared>>
        tpu.wait_indirect_dma semaphore(%run_scoped3A_45 : memref<!tpu.dma_semaphore, #tpu.memory_space<semaphore_mem>>) src(%arg10 : memref<128x128xf32, #tpu.memory_space<vmem>>) dst(%dma_wait3A_57 : memref<10240x128xf32, #tpu.memory_space<vmem_shared>>)
        tpu.yield
      }) : () -> ()
    }
    %scan3A_13 = arith.constant 41 : i32
    %barrier3A_14 = arith.constant 0 : index
    tpu.barrier barrier_id(%barrier3A_14)
    "tpu.region"() ({
      %run_scoped3A = tpu.sem_alloc : memref<!tpu.dma_semaphore, #tpu.memory_space<semaphore_mem>>
      %dma_start3A_15 = arith.constant 0 : i32
      %dma_start3A_16 = arith.constant 0 : i32
      %dma_start3A_17 = tpu.memref_slice %arg5[%arg0, %dma_start3A_15, %dma_start3A_16] : memref<2x10240x128xf32, #tpu.memory_space<hbm>> -> memref<1x10240x128xf32, #tpu.memory_space<hbm>>
      %dma_start3A_18 = tpu.memref_squeeze %dma_start3A_17 : memref<1x10240x128xf32, #tpu.memory_space<hbm>> -> memref<10240x128xf32, #tpu.memory_space<hbm>>
      %dma_start3A_19 = arith.constant 0 : i32
      %dma_start3A_20 = tpu.memref_slice %dma_start3A_18[%mul3A_4, %dma_start3A_19] : memref<10240x128xf32, #tpu.memory_space<hbm>> -> memref<640x128xf32, #tpu.memory_space<hbm>>
      %dma_start3A_21 = arith.constant 0 : i32
      %dma_start3A_22 = tpu.memref_slice %arg6[%mul3A_4, %dma_start3A_21] : memref<10240x128xf32, #tpu.memory_space<vmem_shared>> -> memref<640x128xf32, #tpu.memory_space<vmem_shared>>
      tpu.enqueue_dma source(%dma_start3A_22 : memref<640x128xf32, #tpu.memory_space<vmem_shared>>) target(%dma_start3A_20 : memref<640x128xf32, #tpu.memory_space<hbm>>) target_semaphore(%run_scoped3A : memref<!tpu.dma_semaphore, #tpu.memory_space<semaphore_mem>>)
      %dma_wait3A = arith.constant 0 : i32
      %dma_wait3A_23 = arith.constant 0 : i32
      %dma_wait3A_24 = tpu.memref_slice %arg5[%arg0, %dma_wait3A, %dma_wait3A_23] : memref<2x10240x128xf32, #tpu.memory_space<hbm>> -> memref<1x10240x128xf32, #tpu.memory_space<hbm>>
      %dma_wait3A_25 = tpu.memref_squeeze %dma_wait3A_24 : memref<1x10240x128xf32, #tpu.memory_space<hbm>> -> memref<10240x128xf32, #tpu.memory_space<hbm>>
      %dma_wait3A_26 = arith.constant 0 : i32
      %dma_wait3A_27 = tpu.memref_slice %dma_wait3A_25[%mul3A_4, %dma_wait3A_26] : memref<10240x128xf32, #tpu.memory_space<hbm>> -> memref<640x128xf32, #tpu.memory_space<hbm>>
      %dma_wait3A_28 = arith.constant 0 : i32
      %dma_wait3A_29 = tpu.memref_slice %arg6[%mul3A_4, %dma_wait3A_28] : memref<10240x128xf32, #tpu.memory_space<vmem_shared>> -> memref<640x128xf32, #tpu.memory_space<vmem_shared>>
      tpu.wait_dma2 semaphore(%run_scoped3A : memref<!tpu.dma_semaphore, #tpu.memory_space<semaphore_mem>>) src(%dma_wait3A_29 : memref<640x128xf32, #tpu.memory_space<vmem_shared>>) dst(%dma_wait3A_27 : memref<640x128xf32, #tpu.memory_space<hbm>>)
      tpu.yield
    }) : () -> ()
    return
  }
}

module attributes {stable_mosaic.version = 14 : i64} {
  func.func @_proj_body(%arg0: i32, %arg1: memref<2048x128xf32, #tpu.memory_space<vmem>>, %arg2: memref<128x128xf32, #tpu.memory_space<vmem>>, %arg3: memref<1x128xf32, #tpu.memory_space<vmem>>, %arg4: memref<128x128xf32, #tpu.memory_space<vmem>>, %arg5: memref<1x128xf32, #tpu.memory_space<vmem>>, %arg6: memref<2048x128xf32, #tpu.memory_space<vmem>>, %arg7: memref<2048x128xf32, #tpu.memory_space<vmem>>) attributes {dimension_semantics = [#tpu.dimension_semantics<arbitrary>], iteration_bounds = array<i64: 5>, scalar_prefetch = 0 : i64, scratch_operands = 0 : i64, tpu.core_type = #tpu.core_type<tc>, window_params = [{transform_indices = @transform_0, window_bounds = array<i64: 2048, 128>}, {pipeline_mode = #tpu.pipeline_mode<synchronous>, transform_indices = @transform_1, window_bounds = array<i64: 128, 128>}, {pipeline_mode = #tpu.pipeline_mode<synchronous>, transform_indices = @transform_2, window_bounds = array<i64: 1, 128>}, {pipeline_mode = #tpu.pipeline_mode<synchronous>, transform_indices = @transform_3, window_bounds = array<i64: 128, 128>}, {pipeline_mode = #tpu.pipeline_mode<synchronous>, transform_indices = @transform_4, window_bounds = array<i64: 1, 128>}, {transform_indices = @transform_5, window_bounds = array<i64: 2048, 128>}, {transform_indices = @transform_6, window_bounds = array<i64: 2048, 128>}]} {
    %get3A = arith.constant 0 : index
    %get3A_0 = arith.constant 0 : index
    %get3A_1 = vector.load %arg1[%get3A, %get3A_0] : memref<2048x128xf32, #tpu.memory_space<vmem>>, vector<2048x128xf32>
    %get3A_2 = arith.constant 0 : index
    %get3A_3 = arith.constant 0 : index
    %get3A_4 = vector.load %arg2[%get3A_2, %get3A_3] : memref<128x128xf32, #tpu.memory_space<vmem>>, vector<128x128xf32>
    %dot_general3A = arith.constant dense<0.000000e+00> : vector<2048x128xf32>
    %dot_general3A_5 = tpu.matmul %get3A_1, %get3A_4, %dot_general3A {dimension_numbers = #tpu.dot_dimension_numbers<[1], [0], [0], [1], [0, 0, 1, 1], [], []>, transpose_lhs_hint = false} : vector<2048x128xf32>, vector<128x128xf32>, vector<2048x128xf32> -> vector<2048x128xf32>
    %get3A_6 = arith.constant 0 : index
    %get3A_7 = arith.constant 0 : index
    %get3A_8 = vector.load %arg3[%get3A_6, %get3A_7] : memref<1x128xf32, #tpu.memory_space<vmem>>, vector<1x128xf32>
    %add3A = vector.broadcast %get3A_8 : vector<1x128xf32> to vector<2048x128xf32>
    %add3A_9 = arith.addf %dot_general3A_5, %add3A : vector<2048x128xf32>
    %swap3A = arith.constant 0 : index
    %swap3A_10 = arith.constant 0 : index
    %swap3A_11 = vector.load %arg6[%swap3A, %swap3A_10] : memref<2048x128xf32, #tpu.memory_space<vmem>>, vector<2048x128xf32>
    tpu.vector_store %arg6[%swap3A, %swap3A_10], %add3A_9 {strides = array<i32>} : memref<2048x128xf32, #tpu.memory_space<vmem>>, vector<2048x128xf32>,
    %get3A_12 = arith.constant 0 : index
    %get3A_13 = arith.constant 0 : index
    %get3A_14 = vector.load %arg4[%get3A_12, %get3A_13] : memref<128x128xf32, #tpu.memory_space<vmem>>, vector<128x128xf32>
    %dot_general3A_15 = arith.constant dense<0.000000e+00> : vector<2048x128xf32>
    %dot_general3A_16 = tpu.matmul %get3A_1, %get3A_14, %dot_general3A_15 {dimension_numbers = #tpu.dot_dimension_numbers<[1], [0], [0], [1], [0, 0, 1, 1], [], []>, transpose_lhs_hint = false} : vector<2048x128xf32>, vector<128x128xf32>, vector<2048x128xf32> -> vector<2048x128xf32>
    %get3A_17 = arith.constant 0 : index
    %get3A_18 = arith.constant 0 : index
    %get3A_19 = vector.load %arg5[%get3A_17, %get3A_18] : memref<1x128xf32, #tpu.memory_space<vmem>>, vector<1x128xf32>
    %add3A_20 = vector.broadcast %get3A_19 : vector<1x128xf32> to vector<2048x128xf32>
    %add3A_21 = arith.addf %dot_general3A_16, %add3A_20 : vector<2048x128xf32>
    %swap3A_22 = arith.constant 0 : index
    %swap3A_23 = arith.constant 0 : index
    %swap3A_24 = vector.load %arg7[%swap3A_22, %swap3A_23] : memref<2048x128xf32, #tpu.memory_space<vmem>>, vector<2048x128xf32>
    tpu.vector_store %arg7[%swap3A_22, %swap3A_23], %add3A_21 {strides = array<i32>} : memref<2048x128xf32, #tpu.memory_space<vmem>>, vector<2048x128xf32>,
    return
  }
  func.func @transform_0(%arg0: i32) -> (i32, i32) {
    %c0_i32 = arith.constant 0 : i32
    %c0_i32_0 = arith.constant 0 : i32
    return %arg0, %c0_i32 : i32, i32
  }
  func.func @transform_1(%arg0: i32) -> (i32, i32) {
    %c0_i32 = arith.constant 0 : i32
    %c0_i32_0 = arith.constant 0 : i32
    %c0_i32_1 = arith.constant 0 : i32
    return %c0_i32, %c0_i32_0 : i32, i32
  }
  func.func @transform_2(%arg0: i32) -> (i32, i32) {
    %c0_i32 = arith.constant 0 : i32
    %c0_i32_0 = arith.constant 0 : i32
    %c0_i32_1 = arith.constant 0 : i32
    return %c0_i32, %c0_i32_0 : i32, i32
  }
  func.func @transform_3(%arg0: i32) -> (i32, i32) {
    %c0_i32 = arith.constant 0 : i32
    %c0_i32_0 = arith.constant 0 : i32
    %c0_i32_1 = arith.constant 0 : i32
    return %c0_i32, %c0_i32_0 : i32, i32
  }
  func.func @transform_4(%arg0: i32) -> (i32, i32) {
    %c0_i32 = arith.constant 0 : i32
    %c0_i32_0 = arith.constant 0 : i32
    %c0_i32_1 = arith.constant 0 : i32
    return %c0_i32, %c0_i32_0 : i32, i32
  }
  func.func @transform_5(%arg0: i32) -> (i32, i32) {
    %c0_i32 = arith.constant 0 : i32
    %c0_i32_0 = arith.constant 0 : i32
    return %arg0, %c0_i32 : i32, i32
  }
  func.func @transform_6(%arg0: i32) -> (i32, i32) {
    %c0_i32 = arith.constant 0 : i32
    %c0_i32_0 = arith.constant 0 : i32
    return %arg0, %c0_i32 : i32, i32
  }
}

module attributes {stable_mosaic.version = 14 : i64} {
  func.func @_alpha_body(%arg0: i32, %arg1: memref<2048x128xf32, #tpu.memory_space<vmem>>, %arg2: memref<2048x128xf32, #tpu.memory_space<vmem>>, %arg3: memref<1x128xf32, #tpu.memory_space<vmem>>, %arg4: memref<2048x4xf32, #tpu.memory_space<vmem>>, %arg5: memref<1x1xf32, #tpu.memory_space<vmem>>, %arg6: memref<1xf32, #tpu.memory_space<smem>>) attributes {dimension_semantics = [#tpu.dimension_semantics<arbitrary>], iteration_bounds = array<i64: 164>, scalar_prefetch = 0 : i64, scratch_operands = 1 : i64, tpu.core_type = #tpu.core_type<tc>, window_params = [{transform_indices = @transform_0, window_bounds = array<i64: 2048, 128>}, {transform_indices = @transform_1, window_bounds = array<i64: 2048, 128>}, {pipeline_mode = #tpu.pipeline_mode<synchronous>, transform_indices = @transform_2, window_bounds = array<i64: 1, 128>}, {transform_indices = @transform_3, window_bounds = array<i64: 2048, 4>}, {pipeline_mode = #tpu.pipeline_mode<synchronous>, transform_indices = @transform_4, window_bounds = array<i64: 1, 1>}]} {
    %get3A = arith.constant 0 : index
    %get3A_0 = arith.constant 0 : index
    %get3A_1 = vector.load %arg1[%get3A, %get3A_0] : memref<2048x128xf32, #tpu.memory_space<vmem>>, vector<2048x128xf32>
    %get3A_2 = arith.constant 0 : index
    %get3A_3 = arith.constant 0 : index
    %get3A_4 = vector.load %arg2[%get3A_2, %get3A_3] : memref<2048x128xf32, #tpu.memory_space<vmem>>, vector<2048x128xf32>
    %add3A = arith.addf %get3A_1, %get3A_4 : vector<2048x128xf32>
    %ge3A = arith.constant 0.000000e+00 : f32
    %ge3A_5 = vector.broadcast %ge3A : f32 to vector<2048x128xf32>
    %ge3A_6 = arith.cmpf oge, %add3A, %ge3A_5 : vector<2048x128xf32>
    %mul3A = arith.constant 2.000000e-01 : f32
    %mul3A_7 = vector.broadcast %mul3A : f32 to vector<2048x128xf32>
    %mul3A_8 = arith.mulf %mul3A_7, %add3A : vector<2048x128xf32>
    %select_n3A = arith.select %ge3A_6, %add3A, %mul3A_8 : vector<2048x128xi1>, vector<2048x128xf32>
    %get3A_9 = arith.constant 0 : index
    %get3A_10 = arith.constant 0 : index
    %get3A_11 = vector.load %arg3[%get3A_9, %get3A_10] : memref<1x128xf32, #tpu.memory_space<vmem>>, vector<1x128xf32>
    %mul3A_12 = vector.broadcast %get3A_11 : vector<1x128xf32> to vector<2048x128xf32>
    %mul3A_13 = arith.mulf %select_n3A, %mul3A_12 : vector<2048x128xf32>
    %slice3A = vector.extract_strided_slice %mul3A_13 {offsets = [0, 0], sizes = [2048, 32], strides = [1, 1]} : vector<2048x128xf32> to vector<2048x32xf32>
    %reduce_sum3A = arith.constant dense<0.000000e+00> : vector<2048xf32>
    %reduce_sum3A_14 = vector.multi_reduction <add>, %slice3A, %reduce_sum3A [1] : vector<2048x32xf32> to vector<2048xf32>
    %broadcast_in_dim3A = vector.shape_cast %reduce_sum3A_14 : vector<2048xf32> to vector<2048x1xf32>
    %slice3A_15 = vector.extract_strided_slice %mul3A_13 {offsets = [0, 32], sizes = [2048, 32], strides = [1, 1]} : vector<2048x128xf32> to vector<2048x32xf32>
    %reduce_sum3A_16 = arith.constant dense<0.000000e+00> : vector<2048xf32>
    %reduce_sum3A_17 = vector.multi_reduction <add>, %slice3A_15, %reduce_sum3A_16 [1] : vector<2048x32xf32> to vector<2048xf32>
    %broadcast_in_dim3A_18 = vector.shape_cast %reduce_sum3A_17 : vector<2048xf32> to vector<2048x1xf32>
    %slice3A_19 = vector.extract_strided_slice %mul3A_13 {offsets = [0, 64], sizes = [2048, 32], strides = [1, 1]} : vector<2048x128xf32> to vector<2048x32xf32>
    %reduce_sum3A_20 = arith.constant dense<0.000000e+00> : vector<2048xf32>
    %reduce_sum3A_21 = vector.multi_reduction <add>, %slice3A_19, %reduce_sum3A_20 [1] : vector<2048x32xf32> to vector<2048xf32>
    %broadcast_in_dim3A_22 = vector.shape_cast %reduce_sum3A_21 : vector<2048xf32> to vector<2048x1xf32>
    %slice3A_23 = vector.extract_strided_slice %mul3A_13 {offsets = [0, 96], sizes = [2048, 32], strides = [1, 1]} : vector<2048x128xf32> to vector<2048x32xf32>
    %reduce_sum3A_24 = arith.constant dense<0.000000e+00> : vector<2048xf32>
    %reduce_sum3A_25 = vector.multi_reduction <add>, %slice3A_23, %reduce_sum3A_24 [1] : vector<2048x32xf32> to vector<2048xf32>
    %broadcast_in_dim3A_26 = vector.shape_cast %reduce_sum3A_25 : vector<2048xf32> to vector<2048x1xf32>
    %concatenate3A = tpu.concatenate %broadcast_in_dim3A, %broadcast_in_dim3A_18, %broadcast_in_dim3A_22, %broadcast_in_dim3A_26 in 1 : vector<2048x1xf32>, vector<2048x1xf32>, vector<2048x1xf32>, vector<2048x1xf32> -> vector<2048x4xf32>
    %swap3A = arith.constant 0 : index
    %swap3A_27 = arith.constant 0 : index
    %swap3A_28 = vector.load %arg4[%swap3A, %swap3A_27] : memref<2048x4xf32, #tpu.memory_space<vmem>>, vector<2048x4xf32>
    tpu.vector_store %arg4[%swap3A, %swap3A_27], %concatenate3A {strides = array<i32>} : memref<2048x4xf32, #tpu.memory_space<vmem>>, vector<2048x4xf32>,
    %reduce_max3A = vector.shape_cast %concatenate3A : vector<2048x4xf32> to vector<1x2048x4xf32>
    %reduce_max3A_29 = arith.constant dense<0xFF800000> : vector<1xf32>
    %reduce_max3A_30 = vector.multi_reduction <maximumf>, %reduce_max3A, %reduce_max3A_29 [1, 2] : vector<1x2048x4xf32> to vector<1xf32>
    %reduce_max3A_31 = vector.shape_cast %reduce_max3A_30 : vector<1xf32> to vector<1x1x1xf32>
    %reduce_max3A_32 = vector.extract %reduce_max3A_31[0, 0, 0] : f32 from vector<1x1x1xf32>
    %eq3A = arith.constant 0 : i32
    %eq3A_33 = arith.cmpi eq, %arg0, %eq3A : i32
    %convert_element_type3A = arith.extui %eq3A_33 : i1 to i32
    %cond3A = arith.constant 0 : i32
    %cond3A_34 = arith.cmpi ne, %convert_element_type3A, %cond3A : i32
    scf.if %cond3A_34 {
      %swap3A_45 = arith.constant 0 : index
      %swap3A_46 = memref.load %arg6[%swap3A_45] : memref<1xf32, #tpu.memory_space<smem>>
      memref.store %reduce_max3A_32, %arg6[%swap3A_45] : memref<1xf32, #tpu.memory_space<smem>>
    } else {
    }
    %gt3A = arith.constant 0 : i32
    %gt3A_35 = arith.cmpi sgt, %arg0, %gt3A : i32
    %convert_element_type3A_36 = arith.extui %gt3A_35 : i1 to i32
    %cond3A_37 = arith.constant 0 : i32
    %cond3A_38 = arith.cmpi ne, %convert_element_type3A_36, %cond3A_37 : i32
    scf.if %cond3A_38 {
      %get3A_45 = arith.constant 0 : index
      %get3A_46 = memref.load %arg6[%get3A_45] : memref<1xf32, #tpu.memory_space<smem>>
      %max3A = arith.maximumf %get3A_46, %reduce_max3A_32 : f32
      %swap3A_47 = arith.constant 0 : index
      %swap3A_48 = memref.load %arg6[%swap3A_47] : memref<1xf32, #tpu.memory_space<smem>>
      memref.store %max3A, %arg6[%swap3A_47] : memref<1xf32, #tpu.memory_space<smem>>
    } else {
    }
    %get3A_39 = arith.constant 0 : index
    %get3A_40 = memref.load %arg6[%get3A_39] : memref<1xf32, #tpu.memory_space<smem>>
    %broadcast_in_dim3A_41 = vector.broadcast %get3A_40 : f32 to vector<1x1xf32>
    %swap3A_42 = arith.constant 0 : index
    %swap3A_43 = arith.constant 0 : index
    %swap3A_44 = vector.load %arg5[%swap3A_42, %swap3A_43] : memref<1x1xf32, #tpu.memory_space<vmem>>, vector<1x1xf32>
    tpu.vector_store %arg5[%swap3A_42, %swap3A_43], %broadcast_in_dim3A_41 {strides = array<i32>} : memref<1x1xf32, #tpu.memory_space<vmem>>, vector<1x1xf32>,
    return
  }
  func.func @transform_0(%arg0: i32) -> (i32, i32) {
    %c0_i32 = arith.constant 0 : i32
    %c0_i32_0 = arith.constant 0 : i32
    return %arg0, %c0_i32 : i32, i32
  }
  func.func @transform_1(%arg0: i32) -> (i32, i32) {
    %c0_i32 = arith.constant 0 : i32
    %c0_i32_0 = arith.constant 0 : i32
    return %arg0, %c0_i32 : i32, i32
  }
  func.func @transform_2(%arg0: i32) -> (i32, i32) {
    %c0_i32 = arith.constant 0 : i32
    %c0_i32_0 = arith.constant 0 : i32
    %c0_i32_1 = arith.constant 0 : i32
    return %c0_i32, %c0_i32_0 : i32, i32
  }
  func.func @transform_3(%arg0: i32) -> (i32, i32) {
    %c0_i32 = arith.constant 0 : i32
    %c0_i32_0 = arith.constant 0 : i32
    return %arg0, %c0_i32 : i32, i32
  }
  func.func @transform_4(%arg0: i32) -> (i32, i32) {
    %c0_i32 = arith.constant 0 : i32
    %c0_i32_0 = arith.constant 0 : i32
    %c0_i32_1 = arith.constant 0 : i32
    return %c0_i32, %c0_i32_0 : i32, i32
  }
}

module attributes {stable_mosaic.version = 14 : i64} {
  func.func @_exp_body(%arg0: i32, %arg1: memref<4096x4xf32, #tpu.memory_space<vmem>>, %arg2: memref<1x1xf32, #tpu.memory_space<vmem>>, %arg3: memref<4096x4xf32, #tpu.memory_space<vmem>>) attributes {dimension_semantics = [#tpu.dimension_semantics<arbitrary>], iteration_bounds = array<i64: 82>, scalar_prefetch = 0 : i64, scratch_operands = 0 : i64, tpu.core_type = #tpu.core_type<tc>, window_params = [{transform_indices = @transform_0, window_bounds = array<i64: 4096, 4>}, {pipeline_mode = #tpu.pipeline_mode<synchronous>, transform_indices = @transform_1, window_bounds = array<i64: 1, 1>}, {transform_indices = @transform_2, window_bounds = array<i64: 4096, 4>}]} {
    %get3A = arith.constant 0 : index
    %get3A_0 = arith.constant 0 : index
    %get3A_1 = vector.load %arg1[%get3A, %get3A_0] : memref<4096x4xf32, #tpu.memory_space<vmem>>, vector<4096x4xf32>
    %get3A_2 = arith.constant 0 : index
    %get3A_3 = arith.constant 0 : index
    %get3A_4 = vector.load %arg2[%get3A_2, %get3A_3] : memref<1x1xf32, #tpu.memory_space<vmem>>, vector<1x1xf32>
    %get3A_5 = vector.extract %get3A_4[0, 0] : f32 from vector<1x1xf32>
    %sub3A = vector.broadcast %get3A_5 : f32 to vector<4096x4xf32>
    %sub3A_6 = arith.subf %get3A_1, %sub3A : vector<4096x4xf32>
    %exp3A = math.exp %sub3A_6 : vector<4096x4xf32>
    %swap3A = arith.constant 0 : index
    %swap3A_7 = arith.constant 0 : index
    %swap3A_8 = vector.load %arg3[%swap3A, %swap3A_7] : memref<4096x4xf32, #tpu.memory_space<vmem>>, vector<4096x4xf32>
    tpu.vector_store %arg3[%swap3A, %swap3A_7], %exp3A {strides = array<i32>} : memref<4096x4xf32, #tpu.memory_space<vmem>>, vector<4096x4xf32>,
    return
  }
  func.func @transform_0(%arg0: i32) -> (i32, i32) {
    %c0_i32 = arith.constant 0 : i32
    %c0_i32_0 = arith.constant 0 : i32
    return %arg0, %c0_i32 : i32, i32
  }
  func.func @transform_1(%arg0: i32) -> (i32, i32) {
    %c0_i32 = arith.constant 0 : i32
    %c0_i32_0 = arith.constant 0 : i32
    %c0_i32_1 = arith.constant 0 : i32
    return %c0_i32, %c0_i32_0 : i32, i32
  }
  func.func @transform_2(%arg0: i32) -> (i32, i32) {
    %c0_i32 = arith.constant 0 : i32
    %c0_i32_0 = arith.constant 0 : i32
    return %arg0, %c0_i32 : i32, i32
  }
}

module attributes {stable_mosaic.version = 14 : i64} {
  func.func @_dsum_body(%arg0: i32, %arg1: memref<32x5120xf32, #tpu.memory_space<vmem>>, %arg2: memref<1x5120xf32, #tpu.memory_space<vmem>>) attributes {dimension_semantics = [#tpu.dimension_semantics<arbitrary>], iteration_bounds = array<i64: 8>, scalar_prefetch = 0 : i64, scratch_operands = 0 : i64, tpu.core_type = #tpu.core_type<tc>, window_params = [{transform_indices = @transform_0, window_bounds = array<i64: 32, 5120>}, {transform_indices = @transform_1, window_bounds = array<i64: 1, 5120>}]} {
    %get3A = arith.constant 0 : index
    %get3A_0 = arith.constant 0 : index
    %get3A_1 = vector.load %arg1[%get3A, %get3A_0] : memref<32x5120xf32, #tpu.memory_space<vmem>>, vector<32x5120xf32>
    %reduce_sum3A = arith.constant dense<0.000000e+00> : vector<5120xf32>
    %reduce_sum3A_2 = vector.multi_reduction <add>, %get3A_1, %reduce_sum3A [0] : vector<32x5120xf32> to vector<5120xf32>
    %broadcast_in_dim3A = vector.shape_cast %reduce_sum3A_2 : vector<5120xf32> to vector<1x5120xf32>
    %swap3A = arith.constant 0 : index
    %swap3A_3 = arith.constant 0 : index
    %swap3A_4 = vector.load %arg2[%swap3A, %swap3A_3] : memref<1x5120xf32, #tpu.memory_space<vmem>>, vector<1x5120xf32>
    tpu.vector_store %arg2[%swap3A, %swap3A_3], %broadcast_in_dim3A {strides = array<i32>} : memref<1x5120xf32, #tpu.memory_space<vmem>>, vector<1x5120xf32>,
    return
  }
  func.func @transform_0(%arg0: i32) -> (i32, i32) {
    %c0_i32 = arith.constant 0 : i32
    %c0_i32_0 = arith.constant 0 : i32
    return %c0_i32, %arg0 : i32, i32
  }
  func.func @transform_1(%arg0: i32) -> (i32, i32) {
    %c0_i32 = arith.constant 0 : i32
    %c0_i32_0 = arith.constant 0 : i32
    return %c0_i32, %arg0 : i32, i32
  }
}

module attributes {stable_mosaic.version = 14 : i64} {
  func.func @_premul_body(%arg0: i32, %arg1: memref<2048x128xf32, #tpu.memory_space<vmem>>, %arg2: memref<2048x4xf32, #tpu.memory_space<vmem>>, %arg3: memref<2048x128xf32, #tpu.memory_space<vmem>>) attributes {dimension_semantics = [#tpu.dimension_semantics<arbitrary>], iteration_bounds = array<i64: 164>, scalar_prefetch = 0 : i64, scratch_operands = 0 : i64, tpu.core_type = #tpu.core_type<tc>, window_params = [{transform_indices = @transform_0, window_bounds = array<i64: 2048, 128>}, {transform_indices = @transform_1, window_bounds = array<i64: 2048, 4>}, {transform_indices = @transform_2, window_bounds = array<i64: 2048, 128>}]} {
    %get3A = arith.constant 0 : index
    %get3A_0 = arith.constant 0 : index
    %get3A_1 = vector.load %arg1[%get3A, %get3A_0] : memref<2048x128xf32, #tpu.memory_space<vmem>>, vector<2048x128xf32>
    %get3A_2 = arith.constant 0 : index
    %get3A_3 = arith.constant 0 : index
    %get3A_4 = vector.load %arg2[%get3A_2, %get3A_3] : memref<2048x4xf32, #tpu.memory_space<vmem>>, vector<2048x4xf32>
    %slice3A = vector.extract_strided_slice %get3A_1 {offsets = [0, 0], sizes = [2048, 32], strides = [1, 1]} : vector<2048x128xf32> to vector<2048x32xf32>
    %slice3A_5 = vector.extract_strided_slice %get3A_4 {offsets = [0, 0], sizes = [2048, 1], strides = [1, 1]} : vector<2048x4xf32> to vector<2048x1xf32>
    %mul3A = vector.broadcast %slice3A_5 : vector<2048x1xf32> to vector<2048x32xf32>
    %mul3A_6 = arith.mulf %slice3A, %mul3A : vector<2048x32xf32>
    %slice3A_7 = vector.extract_strided_slice %get3A_1 {offsets = [0, 32], sizes = [2048, 32], strides = [1, 1]} : vector<2048x128xf32> to vector<2048x32xf32>
    %slice3A_8 = vector.extract_strided_slice %get3A_4 {offsets = [0, 1], sizes = [2048, 1], strides = [1, 1]} : vector<2048x4xf32> to vector<2048x1xf32>
    %mul3A_9 = vector.broadcast %slice3A_8 : vector<2048x1xf32> to vector<2048x32xf32>
    %mul3A_10 = arith.mulf %slice3A_7, %mul3A_9 : vector<2048x32xf32>
    %slice3A_11 = vector.extract_strided_slice %get3A_1 {offsets = [0, 64], sizes = [2048, 32], strides = [1, 1]} : vector<2048x128xf32> to vector<2048x32xf32>
    %slice3A_12 = vector.extract_strided_slice %get3A_4 {offsets = [0, 2], sizes = [2048, 1], strides = [1, 1]} : vector<2048x4xf32> to vector<2048x1xf32>
    %mul3A_13 = vector.broadcast %slice3A_12 : vector<2048x1xf32> to vector<2048x32xf32>
    %mul3A_14 = arith.mulf %slice3A_11, %mul3A_13 : vector<2048x32xf32>
    %slice3A_15 = vector.extract_strided_slice %get3A_1 {offsets = [0, 96], sizes = [2048, 32], strides = [1, 1]} : vector<2048x128xf32> to vector<2048x32xf32>
    %slice3A_16 = vector.extract_strided_slice %get3A_4 {offsets = [0, 3], sizes = [2048, 1], strides = [1, 1]} : vector<2048x4xf32> to vector<2048x1xf32>
    %mul3A_17 = vector.broadcast %slice3A_16 : vector<2048x1xf32> to vector<2048x32xf32>
    %mul3A_18 = arith.mulf %slice3A_15, %mul3A_17 : vector<2048x32xf32>
    %concatenate3A = tpu.concatenate %mul3A_6, %mul3A_10, %mul3A_14, %mul3A_18 in 1 : vector<2048x32xf32>, vector<2048x32xf32>, vector<2048x32xf32>, vector<2048x32xf32> -> vector<2048x128xf32>
    %swap3A = arith.constant 0 : index
    %swap3A_19 = arith.constant 0 : index
    %swap3A_20 = vector.load %arg3[%swap3A, %swap3A_19] : memref<2048x128xf32, #tpu.memory_space<vmem>>, vector<2048x128xf32>
    tpu.vector_store %arg3[%swap3A, %swap3A_19], %concatenate3A {strides = array<i32>} : memref<2048x128xf32, #tpu.memory_space<vmem>>, vector<2048x128xf32>,
    return
  }
  func.func @transform_0(%arg0: i32) -> (i32, i32) {
    %c0_i32 = arith.constant 0 : i32
    %c0_i32_0 = arith.constant 0 : i32
    return %arg0, %c0_i32 : i32, i32
  }
  func.func @transform_1(%arg0: i32) -> (i32, i32) {
    %c0_i32 = arith.constant 0 : i32
    %c0_i32_0 = arith.constant 0 : i32
    return %arg0, %c0_i32 : i32, i32
  }
  func.func @transform_2(%arg0: i32) -> (i32, i32) {
    %c0_i32 = arith.constant 0 : i32
    %c0_i32_0 = arith.constant 0 : i32
    return %arg0, %c0_i32 : i32, i32
  }
}

module attributes {stable_mosaic.version = 14 : i64} {
  func.func @_proj_next_body(%arg0: i32, %arg1: memref<2048x128xf32, #tpu.memory_space<vmem>>, %arg2: memref<2048x128xf32, #tpu.memory_space<vmem>>, %arg3: memref<1x128xf32, #tpu.memory_space<vmem>>, %arg4: memref<128x128xf32, #tpu.memory_space<vmem>>, %arg5: memref<1x128xf32, #tpu.memory_space<vmem>>, %arg6: memref<128x128xf32, #tpu.memory_space<vmem>>, %arg7: memref<1x128xf32, #tpu.memory_space<vmem>>, %arg8: memref<2048x128xf32, #tpu.memory_space<vmem>>, %arg9: memref<2048x128xf32, #tpu.memory_space<vmem>>) attributes {dimension_semantics = [#tpu.dimension_semantics<arbitrary>], iteration_bounds = array<i64: 5>, scalar_prefetch = 0 : i64, scratch_operands = 0 : i64, tpu.core_type = #tpu.core_type<tc>, window_params = [{transform_indices = @transform_0, window_bounds = array<i64: 2048, 128>}, {transform_indices = @transform_1, window_bounds = array<i64: 2048, 128>}, {pipeline_mode = #tpu.pipeline_mode<synchronous>, transform_indices = @transform_2, window_bounds = array<i64: 1, 128>}, {pipeline_mode = #tpu.pipeline_mode<synchronous>, transform_indices = @transform_3, window_bounds = array<i64: 128, 128>}, {pipeline_mode = #tpu.pipeline_mode<synchronous>, transform_indices = @transform_4, window_bounds = array<i64: 1, 128>}, {pipeline_mode = #tpu.pipeline_mode<synchronous>, transform_indices = @transform_5, window_bounds = array<i64: 128, 128>}, {pipeline_mode = #tpu.pipeline_mode<synchronous>, transform_indices = @transform_6, window_bounds = array<i64: 1, 128>}, {transform_indices = @transform_7, window_bounds = array<i64: 2048, 128>}, {transform_indices = @transform_8, window_bounds = array<i64: 2048, 128>}]} {
    %get3A = arith.constant 0 : index
    %get3A_0 = arith.constant 0 : index
    %get3A_1 = vector.load %arg1[%get3A, %get3A_0] : memref<2048x128xf32, #tpu.memory_space<vmem>>, vector<2048x128xf32>
    %get3A_2 = arith.constant 0 : index
    %get3A_3 = arith.constant 0 : index
    %get3A_4 = vector.load %arg2[%get3A_2, %get3A_3] : memref<2048x128xf32, #tpu.memory_space<vmem>>, vector<2048x128xf32>
    %add3A = arith.addf %get3A_1, %get3A_4 : vector<2048x128xf32>
    %get3A_5 = arith.constant 0 : index
    %get3A_6 = arith.constant 0 : index
    %get3A_7 = vector.load %arg3[%get3A_5, %get3A_6] : memref<1x128xf32, #tpu.memory_space<vmem>>, vector<1x128xf32>
    %add3A_8 = vector.broadcast %get3A_7 : vector<1x128xf32> to vector<2048x128xf32>
    %add3A_9 = arith.addf %add3A, %add3A_8 : vector<2048x128xf32>
    %gt3A = arith.constant 0.000000e+00 : f32
    %gt3A_10 = vector.broadcast %gt3A : f32 to vector<2048x128xf32>
    %gt3A_11 = arith.cmpf ogt, %add3A_9, %gt3A_10 : vector<2048x128xf32>
    %min3A = arith.constant 0.000000e+00 : f32
    %min3A_12 = vector.broadcast %min3A : f32 to vector<2048x128xf32>
    %min3A_13 = arith.minimumf %add3A_9, %min3A_12 : vector<2048x128xf32>
    %exp3A = math.exp %min3A_13 : vector<2048x128xf32>
    %sub3A = arith.constant 1.000000e+00 : f32
    %sub3A_14 = vector.broadcast %sub3A : f32 to vector<2048x128xf32>
    %sub3A_15 = arith.subf %exp3A, %sub3A_14 : vector<2048x128xf32>
    %select_n3A = arith.select %gt3A_11, %add3A_9, %sub3A_15 : vector<2048x128xi1>, vector<2048x128xf32>
    %get3A_16 = arith.constant 0 : index
    %get3A_17 = arith.constant 0 : index
    %get3A_18 = vector.load %arg4[%get3A_16, %get3A_17] : memref<128x128xf32, #tpu.memory_space<vmem>>, vector<128x128xf32>
    %dot_general3A = arith.constant dense<0.000000e+00> : vector<2048x128xf32>
    %dot_general3A_19 = tpu.matmul %select_n3A, %get3A_18, %dot_general3A {dimension_numbers = #tpu.dot_dimension_numbers<[1], [0], [0], [1], [0, 0, 1, 1], [], []>, transpose_lhs_hint = false} : vector<2048x128xf32>, vector<128x128xf32>, vector<2048x128xf32> -> vector<2048x128xf32>
    %get3A_20 = arith.constant 0 : index
    %get3A_21 = arith.constant 0 : index
    %get3A_22 = vector.load %arg5[%get3A_20, %get3A_21] : memref<1x128xf32, #tpu.memory_space<vmem>>, vector<1x128xf32>
    %add3A_23 = vector.broadcast %get3A_22 : vector<1x128xf32> to vector<2048x128xf32>
    %add3A_24 = arith.addf %dot_general3A_19, %add3A_23 : vector<2048x128xf32>
    %swap3A = arith.constant 0 : index
    %swap3A_25 = arith.constant 0 : index
    %swap3A_26 = vector.load %arg8[%swap3A, %swap3A_25] : memref<2048x128xf32, #tpu.memory_space<vmem>>, vector<2048x128xf32>
    tpu.vector_store %arg8[%swap3A, %swap3A_25], %add3A_24 {strides = array<i32>} : memref<2048x128xf32, #tpu.memory_space<vmem>>, vector<2048x128xf32>,
    %get3A_27 = arith.constant 0 : index
    %get3A_28 = arith.constant 0 : index
    %get3A_29 = vector.load %arg6[%get3A_27, %get3A_28] : memref<128x128xf32, #tpu.memory_space<vmem>>, vector<128x128xf32>
    %dot_general3A_30 = arith.constant dense<0.000000e+00> : vector<2048x128xf32>
    %dot_general3A_31 = tpu.matmul %select_n3A, %get3A_29, %dot_general3A_30 {dimension_numbers = #tpu.dot_dimension_numbers<[1], [0], [0], [1], [0, 0, 1, 1], [], []>, transpose_lhs_hint = false} : vector<2048x128xf32>, vector<128x128xf32>, vector<2048x128xf32> -> vector<2048x128xf32>
    %get3A_32 = arith.constant 0 : index
    %get3A_33 = arith.constant 0 : index
    %get3A_34 = vector.load %arg7[%get3A_32, %get3A_33] : memref<1x128xf32, #tpu.memory_space<vmem>>, vector<1x128xf32>
    %add3A_35 = vector.broadcast %get3A_34 : vector<1x128xf32> to vector<2048x128xf32>
    %add3A_36 = arith.addf %dot_general3A_31, %add3A_35 : vector<2048x128xf32>
    %swap3A_37 = arith.constant 0 : index
    %swap3A_38 = arith.constant 0 : index
    %swap3A_39 = vector.load %arg9[%swap3A_37, %swap3A_38] : memref<2048x128xf32, #tpu.memory_space<vmem>>, vector<2048x128xf32>
    tpu.vector_store %arg9[%swap3A_37, %swap3A_38], %add3A_36 {strides = array<i32>} : memref<2048x128xf32, #tpu.memory_space<vmem>>, vector<2048x128xf32>,
    return
  }
  func.func @transform_0(%arg0: i32) -> (i32, i32) {
    %c0_i32 = arith.constant 0 : i32
    %c0_i32_0 = arith.constant 0 : i32
    return %arg0, %c0_i32 : i32, i32
  }
  func.func @transform_1(%arg0: i32) -> (i32, i32) {
    %c0_i32 = arith.constant 0 : i32
    %c0_i32_0 = arith.constant 0 : i32
    return %arg0, %c0_i32 : i32, i32
  }
  func.func @transform_2(%arg0: i32) -> (i32, i32) {
    %c0_i32 = arith.constant 0 : i32
    %c0_i32_0 = arith.constant 0 : i32
    %c0_i32_1 = arith.constant 0 : i32
    return %c0_i32, %c0_i32_0 : i32, i32
  }
  func.func @transform_3(%arg0: i32) -> (i32, i32) {
    %c0_i32 = arith.constant 0 : i32
    %c0_i32_0 = arith.constant 0 : i32
    %c0_i32_1 = arith.constant 0 : i32
    return %c0_i32, %c0_i32_0 : i32, i32
  }
  func.func @transform_4(%arg0: i32) -> (i32, i32) {
    %c0_i32 = arith.constant 0 : i32
    %c0_i32_0 = arith.constant 0 : i32
    %c0_i32_1 = arith.constant 0 : i32
    return %c0_i32, %c0_i32_0 : i32, i32
  }
  func.func @transform_5(%arg0: i32) -> (i32, i32) {
    %c0_i32 = arith.constant 0 : i32
    %c0_i32_0 = arith.constant 0 : i32
    %c0_i32_1 = arith.constant 0 : i32
    return %c0_i32, %c0_i32_0 : i32, i32
  }
  func.func @transform_6(%arg0: i32) -> (i32, i32) {
    %c0_i32 = arith.constant 0 : i32
    %c0_i32_0 = arith.constant 0 : i32
    %c0_i32_1 = arith.constant 0 : i32
    return %c0_i32, %c0_i32_0 : i32, i32
  }
  func.func @transform_7(%arg0: i32) -> (i32, i32) {
    %c0_i32 = arith.constant 0 : i32
    %c0_i32_0 = arith.constant 0 : i32
    return %arg0, %c0_i32 : i32, i32
  }
  func.func @transform_8(%arg0: i32) -> (i32, i32) {
    %c0_i32 = arith.constant 0 : i32
    %c0_i32_0 = arith.constant 0 : i32
    return %arg0, %c0_i32 : i32, i32
  }
}

module attributes {stable_mosaic.version = 14 : i64} {
  func.func @_alpha_body(%arg0: i32, %arg1: memref<2048x128xf32, #tpu.memory_space<vmem>>, %arg2: memref<2048x128xf32, #tpu.memory_space<vmem>>, %arg3: memref<1x128xf32, #tpu.memory_space<vmem>>, %arg4: memref<2048x1xf32, #tpu.memory_space<vmem>>, %arg5: memref<1x1xf32, #tpu.memory_space<vmem>>, %arg6: memref<1xf32, #tpu.memory_space<smem>>) attributes {dimension_semantics = [#tpu.dimension_semantics<arbitrary>], iteration_bounds = array<i64: 164>, scalar_prefetch = 0 : i64, scratch_operands = 1 : i64, tpu.core_type = #tpu.core_type<tc>, window_params = [{transform_indices = @transform_0, window_bounds = array<i64: 2048, 128>}, {transform_indices = @transform_1, window_bounds = array<i64: 2048, 128>}, {pipeline_mode = #tpu.pipeline_mode<synchronous>, transform_indices = @transform_2, window_bounds = array<i64: 1, 128>}, {transform_indices = @transform_3, window_bounds = array<i64: 2048, 1>}, {pipeline_mode = #tpu.pipeline_mode<synchronous>, transform_indices = @transform_4, window_bounds = array<i64: 1, 1>}]} {
    %get3A = arith.constant 0 : index
    %get3A_0 = arith.constant 0 : index
    %get3A_1 = vector.load %arg1[%get3A, %get3A_0] : memref<2048x128xf32, #tpu.memory_space<vmem>>, vector<2048x128xf32>
    %get3A_2 = arith.constant 0 : index
    %get3A_3 = arith.constant 0 : index
    %get3A_4 = vector.load %arg2[%get3A_2, %get3A_3] : memref<2048x128xf32, #tpu.memory_space<vmem>>, vector<2048x128xf32>
    %add3A = arith.addf %get3A_1, %get3A_4 : vector<2048x128xf32>
    %ge3A = arith.constant 0.000000e+00 : f32
    %ge3A_5 = vector.broadcast %ge3A : f32 to vector<2048x128xf32>
    %ge3A_6 = arith.cmpf oge, %add3A, %ge3A_5 : vector<2048x128xf32>
    %mul3A = arith.constant 2.000000e-01 : f32
    %mul3A_7 = vector.broadcast %mul3A : f32 to vector<2048x128xf32>
    %mul3A_8 = arith.mulf %mul3A_7, %add3A : vector<2048x128xf32>
    %select_n3A = arith.select %ge3A_6, %add3A, %mul3A_8 : vector<2048x128xi1>, vector<2048x128xf32>
    %get3A_9 = arith.constant 0 : index
    %get3A_10 = arith.constant 0 : index
    %get3A_11 = vector.load %arg3[%get3A_9, %get3A_10] : memref<1x128xf32, #tpu.memory_space<vmem>>, vector<1x128xf32>
    %mul3A_12 = vector.broadcast %get3A_11 : vector<1x128xf32> to vector<2048x128xf32>
    %mul3A_13 = arith.mulf %select_n3A, %mul3A_12 : vector<2048x128xf32>
    %reduce_sum3A = arith.constant dense<0.000000e+00> : vector<2048xf32>
    %reduce_sum3A_14 = vector.multi_reduction <add>, %mul3A_13, %reduce_sum3A [1] : vector<2048x128xf32> to vector<2048xf32>
    %broadcast_in_dim3A = vector.shape_cast %reduce_sum3A_14 : vector<2048xf32> to vector<2048x1xf32>
    %swap3A = arith.constant 0 : index
    %swap3A_15 = arith.constant 0 : index
    %swap3A_16 = vector.load %arg4[%swap3A, %swap3A_15] : memref<2048x1xf32, #tpu.memory_space<vmem>>, vector<2048x1xf32>
    tpu.vector_store %arg4[%swap3A, %swap3A_15], %broadcast_in_dim3A {strides = array<i32>} : memref<2048x1xf32, #tpu.memory_space<vmem>>, vector<2048x1xf32>,
    %reduce_max3A = vector.shape_cast %broadcast_in_dim3A : vector<2048x1xf32> to vector<1x2048x1xf32>
    %reduce_max3A_17 = arith.constant dense<0xFF800000> : vector<1xf32>
    %reduce_max3A_18 = vector.multi_reduction <maximumf>, %reduce_max3A, %reduce_max3A_17 [1, 2] : vector<1x2048x1xf32> to vector<1xf32>
    %reduce_max3A_19 = vector.shape_cast %reduce_max3A_18 : vector<1xf32> to vector<1x1x1xf32>
    %reduce_max3A_20 = vector.extract %reduce_max3A_19[0, 0, 0] : f32 from vector<1x1x1xf32>
    %eq3A = arith.constant 0 : i32
    %eq3A_21 = arith.cmpi eq, %arg0, %eq3A : i32
    %convert_element_type3A = arith.extui %eq3A_21 : i1 to i32
    %cond3A = arith.constant 0 : i32
    %cond3A_22 = arith.cmpi ne, %convert_element_type3A, %cond3A : i32
    scf.if %cond3A_22 {
      %swap3A_33 = arith.constant 0 : index
      %swap3A_34 = memref.load %arg6[%swap3A_33] : memref<1xf32, #tpu.memory_space<smem>>
      memref.store %reduce_max3A_20, %arg6[%swap3A_33] : memref<1xf32, #tpu.memory_space<smem>>
    } else {
    }
    %gt3A = arith.constant 0 : i32
    %gt3A_23 = arith.cmpi sgt, %arg0, %gt3A : i32
    %convert_element_type3A_24 = arith.extui %gt3A_23 : i1 to i32
    %cond3A_25 = arith.constant 0 : i32
    %cond3A_26 = arith.cmpi ne, %convert_element_type3A_24, %cond3A_25 : i32
    scf.if %cond3A_26 {
      %get3A_33 = arith.constant 0 : index
      %get3A_34 = memref.load %arg6[%get3A_33] : memref<1xf32, #tpu.memory_space<smem>>
      %max3A = arith.maximumf %get3A_34, %reduce_max3A_20 : f32
      %swap3A_35 = arith.constant 0 : index
      %swap3A_36 = memref.load %arg6[%swap3A_35] : memref<1xf32, #tpu.memory_space<smem>>
      memref.store %max3A, %arg6[%swap3A_35] : memref<1xf32, #tpu.memory_space<smem>>
    } else {
    }
    %get3A_27 = arith.constant 0 : index
    %get3A_28 = memref.load %arg6[%get3A_27] : memref<1xf32, #tpu.memory_space<smem>>
    %broadcast_in_dim3A_29 = vector.broadcast %get3A_28 : f32 to vector<1x1xf32>
    %swap3A_30 = arith.constant 0 : index
    %swap3A_31 = arith.constant 0 : index
    %swap3A_32 = vector.load %arg5[%swap3A_30, %swap3A_31] : memref<1x1xf32, #tpu.memory_space<vmem>>, vector<1x1xf32>
    tpu.vector_store %arg5[%swap3A_30, %swap3A_31], %broadcast_in_dim3A_29 {strides = array<i32>} : memref<1x1xf32, #tpu.memory_space<vmem>>, vector<1x1xf32>,
    return
  }
  func.func @transform_0(%arg0: i32) -> (i32, i32) {
    %c0_i32 = arith.constant 0 : i32
    %c0_i32_0 = arith.constant 0 : i32
    return %arg0, %c0_i32 : i32, i32
  }
  func.func @transform_1(%arg0: i32) -> (i32, i32) {
    %c0_i32 = arith.constant 0 : i32
    %c0_i32_0 = arith.constant 0 : i32
    return %arg0, %c0_i32 : i32, i32
  }
  func.func @transform_2(%arg0: i32) -> (i32, i32) {
    %c0_i32 = arith.constant 0 : i32
    %c0_i32_0 = arith.constant 0 : i32
    %c0_i32_1 = arith.constant 0 : i32
    return %c0_i32, %c0_i32_0 : i32, i32
  }
  func.func @transform_3(%arg0: i32) -> (i32, i32) {
    %c0_i32 = arith.constant 0 : i32
    %c0_i32_0 = arith.constant 0 : i32
    return %arg0, %c0_i32 : i32, i32
  }
  func.func @transform_4(%arg0: i32) -> (i32, i32) {
    %c0_i32 = arith.constant 0 : i32
    %c0_i32_0 = arith.constant 0 : i32
    %c0_i32_1 = arith.constant 0 : i32
    return %c0_i32, %c0_i32_0 : i32, i32
  }
}

module attributes {stable_mosaic.version = 14 : i64} {
  func.func @_exp_body(%arg0: i32, %arg1: memref<4096x1xf32, #tpu.memory_space<vmem>>, %arg2: memref<1x1xf32, #tpu.memory_space<vmem>>, %arg3: memref<4096x1xf32, #tpu.memory_space<vmem>>) attributes {dimension_semantics = [#tpu.dimension_semantics<arbitrary>], iteration_bounds = array<i64: 82>, scalar_prefetch = 0 : i64, scratch_operands = 0 : i64, tpu.core_type = #tpu.core_type<tc>, window_params = [{transform_indices = @transform_0, window_bounds = array<i64: 4096, 1>}, {pipeline_mode = #tpu.pipeline_mode<synchronous>, transform_indices = @transform_1, window_bounds = array<i64: 1, 1>}, {transform_indices = @transform_2, window_bounds = array<i64: 4096, 1>}]} {
    %get3A = arith.constant 0 : index
    %get3A_0 = arith.constant 0 : index
    %get3A_1 = vector.load %arg1[%get3A, %get3A_0] : memref<4096x1xf32, #tpu.memory_space<vmem>>, vector<4096x1xf32>
    %get3A_2 = arith.constant 0 : index
    %get3A_3 = arith.constant 0 : index
    %get3A_4 = vector.load %arg2[%get3A_2, %get3A_3] : memref<1x1xf32, #tpu.memory_space<vmem>>, vector<1x1xf32>
    %get3A_5 = vector.extract %get3A_4[0, 0] : f32 from vector<1x1xf32>
    %sub3A = vector.broadcast %get3A_5 : f32 to vector<4096x1xf32>
    %sub3A_6 = arith.subf %get3A_1, %sub3A : vector<4096x1xf32>
    %exp3A = math.exp %sub3A_6 : vector<4096x1xf32>
    %swap3A = arith.constant 0 : index
    %swap3A_7 = arith.constant 0 : index
    %swap3A_8 = vector.load %arg3[%swap3A, %swap3A_7] : memref<4096x1xf32, #tpu.memory_space<vmem>>, vector<4096x1xf32>
    tpu.vector_store %arg3[%swap3A, %swap3A_7], %exp3A {strides = array<i32>} : memref<4096x1xf32, #tpu.memory_space<vmem>>, vector<4096x1xf32>,
    return
  }
  func.func @transform_0(%arg0: i32) -> (i32, i32) {
    %c0_i32 = arith.constant 0 : i32
    %c0_i32_0 = arith.constant 0 : i32
    return %arg0, %c0_i32 : i32, i32
  }
  func.func @transform_1(%arg0: i32) -> (i32, i32) {
    %c0_i32 = arith.constant 0 : i32
    %c0_i32_0 = arith.constant 0 : i32
    %c0_i32_1 = arith.constant 0 : i32
    return %c0_i32, %c0_i32_0 : i32, i32
  }
  func.func @transform_2(%arg0: i32) -> (i32, i32) {
    %c0_i32 = arith.constant 0 : i32
    %c0_i32_0 = arith.constant 0 : i32
    return %arg0, %c0_i32 : i32, i32
  }
}

module attributes {stable_mosaic.version = 14 : i64} {
  func.func @_dsum_body(%arg0: i32, %arg1: memref<32x5120xf32, #tpu.memory_space<vmem>>, %arg2: memref<1x5120xf32, #tpu.memory_space<vmem>>) attributes {dimension_semantics = [#tpu.dimension_semantics<arbitrary>], iteration_bounds = array<i64: 2>, scalar_prefetch = 0 : i64, scratch_operands = 0 : i64, tpu.core_type = #tpu.core_type<tc>, window_params = [{transform_indices = @transform_0, window_bounds = array<i64: 32, 5120>}, {transform_indices = @transform_1, window_bounds = array<i64: 1, 5120>}]} {
    %get3A = arith.constant 0 : index
    %get3A_0 = arith.constant 0 : index
    %get3A_1 = vector.load %arg1[%get3A, %get3A_0] : memref<32x5120xf32, #tpu.memory_space<vmem>>, vector<32x5120xf32>
    %reduce_sum3A = arith.constant dense<0.000000e+00> : vector<5120xf32>
    %reduce_sum3A_2 = vector.multi_reduction <add>, %get3A_1, %reduce_sum3A [0] : vector<32x5120xf32> to vector<5120xf32>
    %broadcast_in_dim3A = vector.shape_cast %reduce_sum3A_2 : vector<5120xf32> to vector<1x5120xf32>
    %swap3A = arith.constant 0 : index
    %swap3A_3 = arith.constant 0 : index
    %swap3A_4 = vector.load %arg2[%swap3A, %swap3A_3] : memref<1x5120xf32, #tpu.memory_space<vmem>>, vector<1x5120xf32>
    tpu.vector_store %arg2[%swap3A, %swap3A_3], %broadcast_in_dim3A {strides = array<i32>} : memref<1x5120xf32, #tpu.memory_space<vmem>>, vector<1x5120xf32>,
    return
  }
  func.func @transform_0(%arg0: i32) -> (i32, i32) {
    %c0_i32 = arith.constant 0 : i32
    %c0_i32_0 = arith.constant 0 : i32
    return %c0_i32, %arg0 : i32, i32
  }
  func.func @transform_1(%arg0: i32) -> (i32, i32) {
    %c0_i32 = arith.constant 0 : i32
    %c0_i32_0 = arith.constant 0 : i32
    return %c0_i32, %arg0 : i32, i32
  }
}

module attributes {stable_mosaic.version = 14 : i64} {
  func.func @_premul_body(%arg0: i32, %arg1: memref<2048x128xf32, #tpu.memory_space<vmem>>, %arg2: memref<2048x1xf32, #tpu.memory_space<vmem>>, %arg3: memref<2048x128xf32, #tpu.memory_space<vmem>>) attributes {dimension_semantics = [#tpu.dimension_semantics<arbitrary>], iteration_bounds = array<i64: 164>, scalar_prefetch = 0 : i64, scratch_operands = 0 : i64, tpu.core_type = #tpu.core_type<tc>, window_params = [{transform_indices = @transform_0, window_bounds = array<i64: 2048, 128>}, {transform_indices = @transform_1, window_bounds = array<i64: 2048, 1>}, {transform_indices = @transform_2, window_bounds = array<i64: 2048, 128>}]} {
    %get3A = arith.constant 0 : index
    %get3A_0 = arith.constant 0 : index
    %get3A_1 = vector.load %arg1[%get3A, %get3A_0] : memref<2048x128xf32, #tpu.memory_space<vmem>>, vector<2048x128xf32>
    %get3A_2 = arith.constant 0 : index
    %get3A_3 = arith.constant 0 : index
    %get3A_4 = vector.load %arg2[%get3A_2, %get3A_3] : memref<2048x1xf32, #tpu.memory_space<vmem>>, vector<2048x1xf32>
    %mul3A = vector.broadcast %get3A_4 : vector<2048x1xf32> to vector<2048x128xf32>
    %mul3A_5 = arith.mulf %get3A_1, %mul3A : vector<2048x128xf32>
    %swap3A = arith.constant 0 : index
    %swap3A_6 = arith.constant 0 : index
    %swap3A_7 = vector.load %arg3[%swap3A, %swap3A_6] : memref<2048x128xf32, #tpu.memory_space<vmem>>, vector<2048x128xf32>
    tpu.vector_store %arg3[%swap3A, %swap3A_6], %mul3A_5 {strides = array<i32>} : memref<2048x128xf32, #tpu.memory_space<vmem>>, vector<2048x128xf32>,
    return
  }
  func.func @transform_0(%arg0: i32) -> (i32, i32) {
    %c0_i32 = arith.constant 0 : i32
    %c0_i32_0 = arith.constant 0 : i32
    return %arg0, %c0_i32 : i32, i32
  }
  func.func @transform_1(%arg0: i32) -> (i32, i32) {
    %c0_i32 = arith.constant 0 : i32
    %c0_i32_0 = arith.constant 0 : i32
    return %arg0, %c0_i32 : i32, i32
  }
  func.func @transform_2(%arg0: i32) -> (i32, i32) {
    %c0_i32 = arith.constant 0 : i32
    %c0_i32_0 = arith.constant 0 : i32
    return %arg0, %c0_i32 : i32, i32
  }
}

module attributes {stable_mosaic.version = 14 : i64} {
  func.func @_final_body(%arg0: i32, %arg1: memref<2048x128xf32, #tpu.memory_space<vmem>>, %arg2: memref<2048x128xf32, #tpu.memory_space<vmem>>, %arg3: memref<1x128xf32, #tpu.memory_space<vmem>>, %arg4: memref<2048x128xf32, #tpu.memory_space<vmem>>) attributes {dimension_semantics = [#tpu.dimension_semantics<arbitrary>], iteration_bounds = array<i64: 5>, scalar_prefetch = 0 : i64, scratch_operands = 0 : i64, tpu.core_type = #tpu.core_type<tc>, window_params = [{transform_indices = @transform_0, window_bounds = array<i64: 2048, 128>}, {transform_indices = @transform_1, window_bounds = array<i64: 2048, 128>}, {pipeline_mode = #tpu.pipeline_mode<synchronous>, transform_indices = @transform_2, window_bounds = array<i64: 1, 128>}, {transform_indices = @transform_3, window_bounds = array<i64: 2048, 128>}]} {
    %get3A = arith.constant 0 : index
    %get3A_0 = arith.constant 0 : index
    %get3A_1 = vector.load %arg1[%get3A, %get3A_0] : memref<2048x128xf32, #tpu.memory_space<vmem>>, vector<2048x128xf32>
    %get3A_2 = arith.constant 0 : index
    %get3A_3 = arith.constant 0 : index
    %get3A_4 = vector.load %arg2[%get3A_2, %get3A_3] : memref<2048x128xf32, #tpu.memory_space<vmem>>, vector<2048x128xf32>
    %add3A = arith.addf %get3A_1, %get3A_4 : vector<2048x128xf32>
    %get3A_5 = arith.constant 0 : index
    %get3A_6 = arith.constant 0 : index
    %get3A_7 = vector.load %arg3[%get3A_5, %get3A_6] : memref<1x128xf32, #tpu.memory_space<vmem>>, vector<1x128xf32>
    %add3A_8 = vector.broadcast %get3A_7 : vector<1x128xf32> to vector<2048x128xf32>
    %add3A_9 = arith.addf %add3A, %add3A_8 : vector<2048x128xf32>
    %swap3A = arith.constant 0 : index
    %swap3A_10 = arith.constant 0 : index
    %swap3A_11 = vector.load %arg4[%swap3A, %swap3A_10] : memref<2048x128xf32, #tpu.memory_space<vmem>>, vector<2048x128xf32>
    tpu.vector_store %arg4[%swap3A, %swap3A_10], %add3A_9 {strides = array<i32>} : memref<2048x128xf32, #tpu.memory_space<vmem>>, vector<2048x128xf32>,
    return
  }
  func.func @transform_0(%arg0: i32) -> (i32, i32) {
    %c0_i32 = arith.constant 0 : i32
    %c0_i32_0 = arith.constant 0 : i32
    return %arg0, %c0_i32 : i32, i32
  }
  func.func @transform_1(%arg0: i32) -> (i32, i32) {
    %c0_i32 = arith.constant 0 : i32
    %c0_i32_0 = arith.constant 0 : i32
    return %arg0, %c0_i32 : i32, i32
  }
  func.func @transform_2(%arg0: i32) -> (i32, i32) {
    %c0_i32 = arith.constant 0 : i32
    %c0_i32_0 = arith.constant 0 : i32
    %c0_i32_1 = arith.constant 0 : i32
    return %c0_i32, %c0_i32_0 : i32, i32
  }
  func.func @transform_3(%arg0: i32) -> (i32, i32) {
    %c0_i32 = arith.constant 0 : i32
    %c0_i32_0 = arith.constant 0 : i32
    return %arg0, %c0_i32 : i32, i32
  }
}

</mosaic_0001>

<sc_bundles>
// kernel: kernel.30.cloned.1.call-start
scs
__scs_entry_jumppad:
0x0: {  	(pc) =	sbr.rel $0x88, $3  }
0x1: {  	(tag) =	ssettag $0x0;
	lr =	simm.s32 $0x1  }
0x2: {  	[smem:$0x3F8D] =	sst lr;
	_ =	strace $0xD0000000  }
0x3: {  	_ = 	snop  }
0x4: {  	_ = 	snop  }
0x5: {  	_ = 	snop  }
0x6: {  	_ = 	snop  }
0x7: {  	_ = 	snop  }
__scs_overlays_trampoline_lowered:
0x8: {  	[smem:$0x3F9C] =	sst s0  }
0x9: {  	[smem:$0x3F9D] =	sst s1  }
0xa: {  	[smem:$0x3F9E] =	sst s2  }
0xb: {  	[smem:$0x3F9F] =	sst s3  }
0xc: {  	[smem:$0x3FA0] =	sst s4  }
0xd: {  	[smem:$0x3FA1] =	sst s5  }
0xe: {  	[smem:$0x3FA2] =	sst s6  }
0xf: {  	[smem:$0x3FA3] =	sst s7  }
0x10: {  	[smem:$0x3FA4] =	sst s8  }
0x11: {  	[smem:$0x3FA5] =	sst s9;
	s0 =	simm.s32 @!p0 $0x0  }
0x12: {  	s1 =	sld [smem:$0x3F8B];
	s0 =	simm.s32 @p0 $0x1  }
0x13: {  	[smem:$0x3FA6] =	sst s0;
	s0 =	simm.s32 @!p1 $0x0  }
0x14: {  	s2 =	sld [smem:$0x3F8A];
	s0 =	simm.s32 @p1 $0x1  }
0x15: {  	[smem:$0x3FA7] =	sst s0;
	s0 =	simm.s32 @!p2 $0x0  }
0x16: {  	s3 =	sld [smem:$0x3FDB];
	s0 =	simm.s32 @p2 $0x1  }
0x17: {  	s4 =	simm.s32 $0x1BF5;
	[smem:$0x3FA9] =	sst s0  }
0x18: {  	s0 =	sld [smem:$0x3F8C];
	_ =	swait.ge [sflag:s4], $0x0  }
0x19: {  	s7 =	sld [smem:$0x3F8D]  }
0x1a: {  	s8 =	sadd.s32 $0xFFFFE003, lr  }
0x1b: {  	s9 =	sadd.s32 $0xFFFFFEF7, lr;
	s5 =	simm.s32 $0xFFFFFFFF;
	p2 =	slt.u32 s8, $0xFFFFF086  }
0x1c: {  	p1 =	slt.u32 s9, $0xF7A;
	s5 =	simm.s32 @!p2 $0x0  }
0x1d: {  	s5 =	simm.s32 @p1 $0x1;
	p0 =	seq.s32 s7, s2  }
0x1e: {  	s7 =	smul.u32 @!p0 $0xF7A, s2;
	p2 =	seq.s32 @!p0 s5, $0x0  }
0x1f: {  	s9 =	smul.u32 $0xF7A, s1;
	s8 =	simm.s32 @!p0 $0x1BF5;
	p2 =	por !p2, p0  }
0x20: {  	[sflag:s8] =	ssyncset.s32 @!p0 $0xFFFFF086;
	s6 =	sadd.s32 @!p0 s3, s7;
	s7 =	simm.s32 @!p0 $0x108  }
0x21: {  	s3 =	sadd.s32 s3, s9;
	s6 =	sadd.s32 @!p0 $0x88, s6;
	s7 =	simm.s32 @p2 $0x1082  }
0x22: {  	[simem:s7], [sflag:s8] =	dma.local @!p0 [hbm:s6], $0xF7A  }
0x23: {  	s9 =	sor.u32 $0xD0000000, s2;
	s6 =	simm.s32 $0x108;
	_ =	swait.ge @!p0 [sflag:s8], $0x0  }
0x24: {  	s3 =	sadd.s32 $0x88, s3;
	s6 =	simm.s32 @!p1 $0x1082;
	[sflag:s4] =	ssyncset.s32 $0xFFFFF086  }
0x25: {  	[simem:s6], [sflag:s4] =	dma.local [hbm:s3], $0xF7A  }
0x26: {  	[smem:$0x3F8D] =	sst s1;
	(tag) =	ssettag s2;
	_ =	strace s9  }
0x27: {  	s1 =	sld [smem:$0x3F9D]  }
0x28: {  	s2 =	sld [smem:$0x3F9E]  }
0x29: {  	s4 =	sld [smem:$0x3FA0]  }
0x2a: {  	p0 =	seq.s32 s5, $0x0;
	s5 =	sld [smem:$0x3FA1]  }
0x2b: {  	s6 =	sld [smem:$0x3FA2]  }
0x2c: {  	s7 =	sld [smem:$0x3FA3]  }
0x2d: {  	s3 =	simm.s32 $0x108;
	s8 =	sld [smem:$0x3FA4]  }
0x2e: {  	s3 =	simm.s32 @!p0 $0x1082;
	s9 =	sld [smem:$0x3FA5]  }
0x2f: {  	lr =	sadd.s32 s0, s3;
	s0 =	sld [smem:$0x3F9C]  }
0x30: {  	s3 =	sld [smem:$0x3F9F]  }
0x31: {  	[smem:$0x3FA8] =	sst s10  }
0x32: {  	s10 =	sld [smem:$0x3FA6];
	_ =	sdelay $0x3  }
0x33: {  	p0 =	seq.s32 s10, $0x1;
	s10 =	sld [smem:$0x3FA8];
	_ =	sdelay $0x3  }
0x34: {  	[smem:$0x3FA8] =	sst s10  }
0x35: {  	s10 =	sld [smem:$0x3FA7];
	_ =	sdelay $0x3  }
0x36: {  	p1 =	seq.s32 s10, $0x1;
	s10 =	sld [smem:$0x3FA8];
	_ =	sdelay $0x3  }
0x37: {  	[smem:$0x3FA8] =	sst s10  }
0x38: {  	s10 =	sld [smem:$0x3FA9]  }
0x39: {  	_ = 	snop;
	(pc) =	sbr.ind lr, $3  }
0x3a: {  	_ = 	snop  }
0x3b: {  	_ = 	snop  }
0x3c: {  	p2 =	seq.s32 s10, $0x1;
	s10 =	sld [smem:$0x3FA8]  }
0x3d: {  	_ =	shalt  }
0x3e: {  	_ =	shalt  }
0x3f: {  	_ =	shalt  }
0x40: {  	_ =	shalt  }
0x41: {  	_ =	shalt  }
0x42: {  	_ =	shalt  }
0x43: {  	_ =	shalt  }
0x44: {  	_ =	shalt  }
0x45: {  	_ =	shalt  }
0x46: {  	_ =	shalt  }
0x47: {  	_ =	shalt  }
0x48: {  	_ =	shalt  }
0x49: {  	_ =	shalt  }
0x4a: {  	_ =	shalt  }
0x4b: {  	_ =	shalt  }
0x4c: {  	_ =	shalt  }
0x4d: {  	_ =	shalt  }
0x4e: {  	_ =	shalt  }
0x4f: {  	_ =	shalt  }
0x50: {  	_ =	shalt  }
0x51: {  	_ =	shalt  }
0x52: {  	_ =	shalt  }
0x53: {  	_ =	shalt  }
0x54: {  	_ =	shalt  }
0x55: {  	_ =	shalt  }
0x56: {  	_ =	shalt  }
0x57: {  	_ =	shalt  }
0x58: {  	_ =	shalt  }
0x59: {  	_ =	shalt  }
0x5a: {  	_ =	shalt  }
0x5b: {  	_ =	shalt  }
0x5c: {  	_ =	shalt  }
0x5d: {  	_ =	shalt  }
0x5e: {  	_ =	shalt  }
0x5f: {  	_ =	shalt  }
0x60: {  	_ =	shalt  }
0x61: {  	_ =	shalt  }
0x62: {  	_ =	shalt  }
0x63: {  	_ =	shalt  }
0x64: {  	_ =	shalt  }
0x65: {  	_ =	shalt  }
0x66: {  	_ =	shalt  }
0x67: {  	_ =	shalt  }
0x68: {  	_ =	shalt  }
0x69: {  	_ =	shalt  }
0x6a: {  	_ =	shalt  }
0x6b: {  	_ =	shalt  }
0x6c: {  	_ =	shalt  }
0x6d: {  	_ =	shalt  }
0x6e: {  	_ =	shalt  }
0x6f: {  	_ =	shalt  }
0x70: {  	_ =	shalt  }
0x71: {  	_ =	shalt  }
0x72: {  	_ =	shalt  }
0x73: {  	_ =	shalt  }
0x74: {  	_ =	shalt  }
0x75: {  	_ =	shalt  }
0x76: {  	_ =	shalt  }
0x77: {  	_ =	shalt  }
0x78: {  	_ =	shalt  }
0x79: {  	_ =	shalt  }
0x7a: {  	_ =	shalt  }
0x7b: {  	_ =	shalt  }
0x7c: {  	_ =	shalt  }
0x7d: {  	_ =	shalt  }
0x7e: {  	_ =	shalt  }
0x7f: {  	_ =	shalt  }
0x80: {  	_ =	shalt  }
0x81: {  	_ =	shalt  }
0x82: {  	_ =	shalt  }
0x83: {  	_ =	shalt  }
0x84: {  	_ =	shalt  }
0x85: {  	_ =	shalt  }
0x86: {  	_ =	shalt  }
0x87: {  	_ =	shalt  }
.Lfunc_end0:
.L_simem_size_0:
called_computation_lowered:
.L_overlay_start_0:
0x88: {  	s2 =	sld [smem:$0x3FD9]  }
0x89: {  	s3 =	sld [smem:$0x3FFE];
	_ =	sdelay $0x1  }
0x8a: {  	s1 =	srdreg.scid  }
0x8b: {  	s0 =	sand.u32 $0x1, s1  }
0x8c: {  	s17 =	sshll.u32 s0, $0xA;
	s2 =	sadd.s32 s3, s2  }
0x8d: {  	s2 =	sadd.s32 s2, s17  }
0x8e: {  	[smem:$0x3FB4] =	sst s2  }
0x8f: {  	_ = 	snop  }
0x90: {  	s2 =	sld [smem:$0x3FD0];
	(tm) =	ssettm $0x1  }
0x91: {  	s18 =	sld [smem:$0x3FFB];
	_ =	sdelay $0x3  }
0x92: {  	_ =	strace s18  }
0x93: {  	s3 =	sld [smem:$0x3FFC];
	_ =	sdelay $0x3  }
0x94: {  	_ =	strace s3  }
0x95: {  	s3 =	sld [smem:$0x3FFD];
	_ =	sdelay $0x3  }
0x96: {  	_ =	strace s3  }
0x97: {  	_ =	strace $0x8FFFFFFF  }
0x98: {  	s19 =	sld [smem:$0x3FDB];
	_ =	sdelay $0x1  }
0x99: {  	s4 =	simm.s32 $_scs_section_size  }
0x9a: {  	s5 =	simm.s32 $_size__tile_overlayer_lowered;
	s6 =	simm.s32 $_tile_overlayer_lowered  }
0x9b: {  	s22 =	simm.s32 $0x1BFF;
	s21 =	sshll.u32 s6, $0x1;
	s3 =	sadd.s32 s4, s19  }
0x9c: {  	s7 =	simm.s32 $0x0;
	s20 =	sshll.u32 s5, $0x1;
	s5 =	sadd.s32 s21, s3  }
0x9d: {  	[timem:s7], [sflag:s22] =	dma.local [hbm:s5], s20  }
0x9e: {  	_ =	swait.ge [sflag:s22], s20  }
0x9f: {  	s4 =	ssub.s32 $0x0, s20;
	[sflag:s22] =	ssyncset.done $0x0  }
0xa0: {  	[sflag:s22] =	ssyncadd.s32 s4;
	_ =	sdelay $0x1  }
0xa1: {  	s23 =	simm.s32 $0x1B8B  }
0xa2: {  	_ =	swait.ge [sflag:s23], $0x1  }
0xa3: {  	[sflag:s23] =	ssyncset.done $0x0  }
0xa4: {  	s25 =	simm.s32 $0x1B8E;
	s24 =	sld [smem:$0x3FFE];
	[sflag:s23] =	ssyncadd.s32 $0xFFFFFFFF  }
0xa5: {  	s26 =	simm.s32 $execute0_lowered;
	[smem:$0x3FD2] =	sst s25  }
0xa6: {  	s5 =	sshll.u32 s26, $0x1;
	_ =	strace $0x80000046;
	[dreg:$0x1] =	wrdreg $0xFFFFFFFF  }
0xa7: {  	s28 =	simm.s32 $_size_execute0_lowered;
	s3 =	sadd.s32 s3, s5;
	[dreg:$0x0] =	wrdreg $0x0  }
0xa8: {  	s5 =	sshll.u32 s28, $0x1;
	[dreg:$0x2] =	wrdreg s3  }
0xa9: {  	[dreg:$0x3] =	wrdreg s5  }
0xaa: {  	[dreg:$0x4] =	wrdreg $0xC0  }
0xab: {  	_ =	task [dreg:s7], $0x5FFFF  }
0xac: {  	[dreg:$0x1] =	wrdreg $0xFFFFFFFF  }
0xad: {  	[dreg:$0x0] =	wrdreg $0x60  }
0xae: {  	[dreg:$0x2] =	wrdreg s24  }
0xaf: {  	[dreg:$0x3] =	wrdreg s2  }
0xb0: {  	[dreg:$0x4] =	wrdreg $0x9  }
0xb1: {  	_ =	task.clear_ibuf [dreg:s7], $0x5FFFF;
	_ =	strace $0x90000046  }
0xb2: {  	s29 =	simm.s32 $0x9;
	_ =	strace $0x80000048  }
0xb3: {  	_ =	swait.ge [sflag:s29], $0x1  }
0xb4: {  	[sflag:s29] =	ssyncadd.s32 $0xFFFFFFFF  }
0xb5: {  	_ =	strace $0x90000048  }
0xb6: {  	_ =	sfence  }
0xb7: {  	s30 =	sld [smem:$0x0];
	_ =	sdelay $0x2  }
0xb8: {  	s31 =	sshll.u32 s1, $0xD;
	s1 =	sshrl.u32 s1, $0x2  }
0xb9: {  	s3 =	sand.u32 $0x4000, s31;
	s1 =	sadd.s32 s1, s30  }
0xba: {  	s0 =	sor.u32 s3, s0;
	s1 =	sshll.u32 s1, $0x11  }
0xbb: {  	s0 =	sor.u32 s1, s0  }
0xbc: {  	s0 =	sadd.s32 $0x8F2B, s0  }
0xbd: {  	[sflag:s0] =	ssyncadd.remote.s32 $0x1  }
0xbe: {  	_ =	sfence.sel $0xFFFF  }
0xbf: {  	[dreg:$0x0] =	wrdreg $0xFFFFFFFF;
	(pc) =	sbr.abs _section_cstart, $3  }
0xc0: {  	[dreg:$0x1] =	wrdreg $0xFFFFFFFF  }
0xc1: {  	_ =	task.clear_ibuf [dreg:s7], $0x2FFFF;
	_ =	strace $0x9FFFFFFF  }
0xc2: {  	(tm) =	ssettm $0x7FFFFFFF  }
0xc3: {  	_ =	shalt  }
tec
execute0_lowered:
.L_overlay_start_1:
0x0: {  	(tag) =	ssettag $0x1  }
0x1: {  	s1 =	srdreg.scid;
	s5 =	rddreg [dreg:$0x0]  }
0x2: {  	s0 =	stileid.u32;
	s10 =	rddreg [dreg:$0x1];
	s2 =	simm.s32 $0x0  }
0x3: {  	s17 =	simm.s32 $0x8200;
	s18 =	simm.s32 $0x180;
	s19 =	simm.s32 $0xC200  }
0x4: {  	s20 =	simm.s32 $0x1;
	s21 =	simm.s32 $0x2;
	s8 =	smul.u32 $0x1480, s0  }
0x5: {  	s6 =	sand.u32 $0x1, s1;
	s22 =	sshll.u32 s0, $0x1;
	s12 =	smul.u32 $0x52000, s0  }
0x6: {  	[smem:$0x7FF] =	sst s2;
	s4 =	sadd.s32 $0x3AA00, s5;
	s23 =	smul.u32 $0xA4, s0  }
0x7: {  	s13 =	sadd.s32 $0x582A00, s5;
	s16 =	sadd.s32 $0x62A00, s5;
	s9 =	smul.u32 $0xA40, s6  }
0x8: {  	s3 =	sor.u32 s6, s22;
	_ =	strace $0x80000047;
	s15 =	smul.u32 $0x29000, s6  }
0x9: {  	s11 =	ssub.s32 $0x2, s6;
	s25 =	smul.u32 $0x52, s6;
	s22 =	simm.s32 $0x3  }
0xa: {  	s7 =	smul.u32 $0xA40, s3;
	s3 =	sadd.s32 $0x12A00, s5;
	s14 =	sshrl.u32 s11, $0x1  }
0xb: {  	s24 =	sadd.s32 s8, s10;
	s26 =	sadd.s32 s12, s16;
	s29 =	sadd.s32 s12, s13  }
0xc: {  	s11 =	ssub.s32 s11, s14;
	s28 =	sadd.s32 s25, s23;
	s8 =	sadd.s32 s15, s29  }
0xd: {  	s14 =	simm.s32 $0x200;
	s23 =	simm.s32 $0x4;
	s5 =	sadd.s32 s10, s7  }
0xe: {  	s6 =	smax.u32 s11, $0x1;
	s7 =	sadd.s32 s9, s24;
	s9 =	sadd.s32 s15, s26  }
0xf: {  	s30 =	sshll.u32 s28, $0xB;
	s11 =	sshll.u32 s28, $0x5;
	s15 =	simm.s32 $0x4200  }
0x10: {  	s24 =	simm.s32 $0x0;
	s7 =	sadd.s32 $0x40, s7;
	[dreg:$0x3] =	wrdreg s9  }
0x11: {  	s31 =	sadd.s32 s30, s13;
	s12 =	sadd.s32 s30, s16;
	s11 =	sadd.s32 s11, s10  }
0x12: {  	s13 =	simm.s32 $0x80;
	s16 =	simm.s32 $0x100;
	s9 =	sadd.s32 $0x800, s31  }
0x13: {  	s10 =	sadd.s32 $0x800, s12;
	s11 =	sadd.s32 $0x20, s11;
	s12 =	simm.s32 $0x5  }
.LBB2_1:
0x14: {  	[tilespmem:s2], [sflag:$0x5] =	stream.linear.gather [hbm4b:s5+s2], $0x100, $0x38;
	[tilespmem:$0x10200] =	vst v63  }
0x15: {  	_ =	swait.ge [sflag:s12], $0x100  }
0x16: {  	[sflag:s12] =	ssyncset.done $0x0  }
0x17: {  	[sflag:s12] =	ssyncadd.s32 $0xFFFFFF00  }
0x18: {  	[tilespmem:s14], [sflag:$0x1] =	stream.indirect.gather [hbm4b:s3+s13], $0x80, s2, s13, $0xb8;
	[tilespmem:$0x10200] =	vst v63  }
0x19: {  	_ = 	snop  }
0x1a: {  	[tilespmem:s15], [sflag:$0x2] =	stream.indirect.gather [hbm4b:s4+s13], $0x80, s13, s13, $0xb8;
	[tilespmem:$0x10200] =	vst v63  }
0x1b: {  	_ = 	snop  }
0x1c: {  	[tilespmem:s16], [sflag:$0x5] =	stream.linear.gather [hbm4b:s11+s2], $0x100, $0x38;
	[tilespmem:$0x10200] =	vst v63  }
0x1d: {  	_ =	swait.ge [sflag:s12], $0x100  }
0x1e: {  	[sflag:s12] =	ssyncset.done $0x0  }
0x1f: {  	[sflag:s12] =	ssyncadd.s32 $0xFFFFFF00  }
0x20: {  	[tilespmem:s17], [sflag:$0x3] =	stream.indirect.gather [hbm4b:s3+s13], $0x80, s16, s13, $0xb8;
	[tilespmem:$0x10200] =	vst v63  }
0x21: {  	_ = 	snop  }
0x22: {  	[tilespmem:s19], [sflag:$0x4] =	stream.indirect.gather [hbm4b:s4+s13], $0x80, s18, s13, $0xb8;
	[tilespmem:$0x10200] =	vst v63  }
0x23: {  	_ =	swait.ge [sflag:s20], $0x4000  }
0x24: {  	[sflag:s20] =	ssyncset.done $0x0  }
0x25: {  	[sflag:s20] =	ssyncadd.s32 $0xFFFFC000  }
0x26: {  	_ =	swait.ge [sflag:s21], $0x4000  }
0x27: {  	[sflag:s21] =	ssyncset.done $0x0  }
0x28: {  	s25 =	sadd.s32 $0x0, s8;
	[sflag:s21] =	ssyncadd.s32 $0xFFFFC000  }
0x29: {  	[hbm4b:s25+s2] =	stream.linear.scatter [tilespmem:s14], [sflag:$0x5], $0x4000, $0x38;
	[tilespmem:$0x10200] =	vst v63  }
0x2a: {  	_ =	swait.ge [sflag:s12], $0x4000  }
0x2b: {  	s29 =	rddreg [dreg:$0x3];
	[sflag:s12] =	ssyncset.done $0x0  }
0x2c: {  	[sflag:s12] =	ssyncadd.s32 $0xFFFFC000;
	s25 =	sadd.s32 $0x0, s29  }
0x2d: {  	[hbm4b:s25+s2] =	stream.linear.scatter [tilespmem:s15], [sflag:$0x5], $0x4000, $0x38;
	[tilespmem:$0x10200] =	vst v63  }
0x2e: {  	_ =	swait.ge [sflag:s12], $0x4000  }
0x2f: {  	p0 =	por $0x0, $0x0;
	[sflag:s12] =	ssyncset.done $0x0  }
0x30: {  	s26 =	simm.s32 @!p0 $0x5;
	s25 =	simm.s32 @!p0 $0x0;
	[sflag:s12] =	ssyncadd.s32 $0xFFFFC000  }
0x31: {  	[tilespmem:s25], [sflag:$0x5] =	stream.linear.gather @!p0 [hbm4b:s7+s25], $0x100, $0x38;
	[tilespmem:$0x10200] =	vst v63  }
0x32: {  	_ =	swait.ge @!p0 [sflag:s26], $0x100  }
0x33: {  	[sflag:s26] =	ssyncset.done @!p0 $0x0  }
0x34: {  	s28 =	simm.s32 @!p0 $0x200;
	[sflag:s26] =	ssyncadd.s32 @!p0 $0xFFFFFF00;
	s26 =	simm.s32 @!p0 $0x80  }
0x35: {  	[tilespmem:s28], [sflag:$0x1] =	stream.indirect.gather @!p0 [hbm4b:s3+s26], $0x80, s25, s26, $0xb8;
	[tilespmem:$0x10200] =	vst v63  }
0x36: {  	s25 =	simm.s32 @!p0 $0x4200  }
0x37: {  	[tilespmem:s25], [sflag:$0x2] =	stream.indirect.gather @!p0 [hbm4b:s4+s26], $0x80, s26, s26, $0xb8;
	[tilespmem:$0x10200] =	vst v63  }
0x38: {  	_ =	swait.ge [sflag:s22], $0x4000  }
0x39: {  	[sflag:s22] =	ssyncset.done $0x0  }
0x3a: {  	[sflag:s22] =	ssyncadd.s32 $0xFFFFC000  }
0x3b: {  	_ =	swait.ge [sflag:s23], $0x4000  }
0x3c: {  	[sflag:s23] =	ssyncset.done $0x0  }
0x3d: {  	s30 =	sadd.s32 $0x0, s9;
	[sflag:s23] =	ssyncadd.s32 $0xFFFFC000  }
0x3e: {  	[hbm4b:s30+s2] =	stream.linear.scatter [tilespmem:s17], [sflag:$0x5], $0x4000, $0x38;
	[tilespmem:$0x10200] =	vst v63  }
0x3f: {  	_ =	swait.ge [sflag:s12], $0x4000  }
0x40: {  	[sflag:s12] =	ssyncset.done $0x0  }
0x41: {  	s31 =	sadd.s32 $0x0, s10;
	[sflag:s12] =	ssyncadd.s32 $0xFFFFC000  }
0x42: {  	[hbm4b:s31+s2] =	stream.linear.scatter [tilespmem:s19], [sflag:$0x5], $0x4000, $0x38;
	[tilespmem:$0x10200] =	vst v63  }
0x43: {  	s28 =	smov.u32 s7;
	_ =	swait.ge [sflag:s12], $0x4000  }
0x44: {  	s25 =	simm.s32 $0x1000;
	s26 =	sadd.s32 $0x40, s11;
	[sflag:s12] =	ssyncset.done $0x0  }
.LBB2_2:
0x45: {  	[sflag:s12] =	ssyncadd.s32 $0xFFFFC000  }
0x46: {  	[tilespmem:s16], [sflag:$0x5] =	stream.linear.gather [hbm4b:s26+s2], $0x100, $0x38;
	[tilespmem:$0x10200] =	vst v63  }
0x47: {  	_ =	swait.ge [sflag:s12], $0x100  }
0x48: {  	[sflag:s12] =	ssyncset.done $0x0  }
0x49: {  	[sflag:s12] =	ssyncadd.s32 $0xFFFFFF00  }
0x4a: {  	[tilespmem:s17], [sflag:$0x3] =	stream.indirect.gather [hbm4b:s3+s13], $0x80, s16, s13, $0xb8;
	[tilespmem:$0x10200] =	vst v63  }
0x4b: {  	_ = 	snop  }
0x4c: {  	[tilespmem:s19], [sflag:$0x4] =	stream.indirect.gather [hbm4b:s4+s13], $0x80, s18, s13, $0xb8;
	[tilespmem:$0x10200] =	vst v63  }
0x4d: {  	_ =	swait.ge [sflag:s20], $0x4000  }
0x4e: {  	[sflag:s20] =	ssyncset.done $0x0  }
0x4f: {  	[sflag:s20] =	ssyncadd.s32 $0xFFFFC000  }
0x50: {  	_ =	swait.ge [sflag:s21], $0x4000  }
0x51: {  	s29 =	smov.u32 s25;
	[sflag:s21] =	ssyncset.done $0x0  }
0x52: {  	s30 =	sadd.s32 s29, s8;
	[sflag:s21] =	ssyncadd.s32 $0xFFFFC000  }
0x53: {  	[hbm4b:s30+s2] =	stream.linear.scatter [tilespmem:s14], [sflag:$0x5], $0x4000, $0x38;
	[tilespmem:$0x10200] =	vst v63  }
0x54: {  	_ =	swait.ge [sflag:s12], $0x4000  }
0x55: {  	s1 =	rddreg [dreg:$0x3];
	[sflag:s12] =	ssyncset.done $0x0  }
0x56: {  	[sflag:s12] =	ssyncadd.s32 $0xFFFFC000;
	s30 =	sadd.s32 s29, s1  }
0x57: {  	[hbm4b:s30+s2] =	stream.linear.scatter [tilespmem:s15], [sflag:$0x5], $0x4000, $0x38;
	[tilespmem:$0x10200] =	vst v63  }
0x58: {  	_ =	swait.ge [sflag:s12], $0x4000  }
0x59: {  	s28 =	sadd.s32 $0x40, s28;
	p1 =	seq.s32 s29, $0x28000;
	[sflag:s12] =	ssyncset.done $0x0  }
0x5a: {  	s31 =	simm.s32 @!p1 $0x5;
	s30 =	simm.s32 @!p1 $0x0;
	[sflag:s12] =	ssyncadd.s32 $0xFFFFC000  }
0x5b: {  	[tilespmem:s30], [sflag:$0x5] =	stream.linear.gather @!p1 [hbm4b:s28+s30], $0x100, $0x38;
	[tilespmem:$0x10200] =	vst v63  }
0x5c: {  	_ =	swait.ge @!p1 [sflag:s31], $0x100  }
0x5d: {  	[sflag:s31] =	ssyncset.done @!p1 $0x0  }
0x5e: {  	s1 =	simm.s32 @!p1 $0x200;
	[sflag:s31] =	ssyncadd.s32 @!p1 $0xFFFFFF00;
	s31 =	simm.s32 @!p1 $0x80  }
0x5f: {  	[tilespmem:s1], [sflag:$0x1] =	stream.indirect.gather @!p1 [hbm4b:s3+s31], $0x80, s30, s31, $0xb8;
	[tilespmem:$0x10200] =	vst v63  }
0x60: {  	s1 =	simm.s32 @!p1 $0x4200  }
0x61: {  	[tilespmem:s1], [sflag:$0x2] =	stream.indirect.gather @!p1 [hbm4b:s4+s31], $0x80, s31, s31, $0xb8;
	[tilespmem:$0x10200] =	vst v63  }
0x62: {  	_ =	swait.ge [sflag:s22], $0x4000  }
0x63: {  	[sflag:s22] =	ssyncset.done $0x0  }
0x64: {  	[sflag:s22] =	ssyncadd.s32 $0xFFFFC000  }
0x65: {  	_ =	swait.ge [sflag:s23], $0x4000  }
0x66: {  	[sflag:s23] =	ssyncset.done $0x0  }
0x67: {  	s25 =	sadd.s32 $0x1000, s25;
	s30 =	sadd.s32 s29, s9;
	[sflag:s23] =	ssyncadd.s32 $0xFFFFC000  }
0x68: {  	[hbm4b:s30+s2] =	stream.linear.scatter [tilespmem:s17], [sflag:$0x5], $0x4000, $0x38;
	[tilespmem:$0x10200] =	vst v63  }
0x69: {  	p0 =	sne.s32 s25, $0x29000;
	_ =	swait.ge [sflag:s12], $0x4000  }
.Ltmp0:
0x6a: {  	[sflag:s12] =	ssyncset.done $0x0;
	(pc) =	sbr.rel @p0 .LBB2_2-.Ltmp0, $4  }
0x6b: {  	s31 =	sadd.s32 s29, s10;
	[sflag:s12] =	ssyncadd.s32 $0xFFFFC000  }
0x6c: {  	[hbm4b:s31+s2] =	stream.linear.scatter [tilespmem:s19], [sflag:$0x5], $0x4000, $0x38;
	[tilespmem:$0x10200] =	vst v63  }
0x6d: {  	_ =	swait.ge [sflag:s12], $0x4000  }
0x6e: {  	s26 =	sadd.s32 $0x40, s26;
	[sflag:s12] =	ssyncset.done $0x0  }
0x6f: {  	s24 =	sadd.s32 $0x1, s24  }
0x70: {  	p0 =	sne.s32 s24, s6  }
.Ltmp1:
0x71: {  	_ = 	snop;
	(pc) =	sbr.rel @p0 .LBB2_1-.Ltmp1, $2  }
0x72: {  	_ =	sdelay $0x2  }
0x73: {  	[sflag:s12] =	ssyncadd.s32 $0xFFFFC000  }
0x74: {  	_ =	sfence.sel $0x180000  }
0x75: {  	[bflag:$0x0] =	sbarrier.arrive $0xFFFF  }
0x76: {  	_ =	strace $0x90000047  }
0x77: {  	[bflag:$0x2] =	sbarrier.arrive $0xFFFF  }
0x78: {  	p0 =	sne.s32 s0, $0x0;
	s0 =	rddreg [dreg:$0x2]  }
0x79: {  	s0 =	sadd.s32 @!p0 $0x100000, s0  }
0x7a: {  	[sflag:s0] =	ssyncadd.tile.s32 @!p0 $0x1;
	_ =	shalt  }
.Lfunc_end2:
_tile_overlayer_lowered:
.L_overlay_start_2:
0x7b: {  	(tag) =	ssettag $0x2  }
0x7c: {  	s0 =	rddreg [dreg:$0x0];
	s2 =	stileid.u32  }
0x7d: {  	s1 =	rddreg [dreg:$0x1];
	p0 =	sne.s32 s2, $0x0  }
0x7e: {  	s3 =	rddreg [dreg:$0x2];
	[bflag:$0x3] =	sbarrier.arrive $0xFFFF;
	s2 =	simm.s32 @!p0 $0x1C05  }
0x7f: {  	[timem:s3], [sflag:s2] =	dma.local @!p0 [hbm:s0], s1  }
0x80: {  	s0 =	simm.s32 @!p0 $0x5  }
0x81: {  	_ =	swait.ge @!p0 [sflag:s0], s1  }
0x82: {  	s1 =	ssub.s32 @!p0 $0x0, s1;
	[sflag:s0] =	ssyncset.done @!p0 $0x0  }
0x83: {  	[sflag:s0] =	ssyncadd.s32 @!p0 s1  }
0x84: {  	[bflag:$0x3] =	sbarrier.arrive $0xFFFF  }
0x85: {  	_ =	shalt  }

// kernel: kernel.33.cloned.1.call-start
scs
__scs_entry_jumppad:
0x0: {  	(pc) =	sbr.rel $0x88, $3  }
0x1: {  	(tag) =	ssettag $0x0;
	lr =	simm.s32 $0x1  }
0x2: {  	[smem:$0x3F8D] =	sst lr;
	_ =	strace $0xD0000000  }
0x3: {  	_ = 	snop  }
0x4: {  	_ = 	snop  }
0x5: {  	_ = 	snop  }
0x6: {  	_ = 	snop  }
0x7: {  	_ = 	snop  }
__scs_overlays_trampoline_lowered:
0x8: {  	[smem:$0x3F9C] =	sst s0  }
0x9: {  	[smem:$0x3F9D] =	sst s1  }
0xa: {  	[smem:$0x3F9E] =	sst s2  }
0xb: {  	[smem:$0x3F9F] =	sst s3  }
0xc: {  	[smem:$0x3FA0] =	sst s4  }
0xd: {  	[smem:$0x3FA1] =	sst s5  }
0xe: {  	[smem:$0x3FA2] =	sst s6  }
0xf: {  	[smem:$0x3FA3] =	sst s7  }
0x10: {  	[smem:$0x3FA4] =	sst s8  }
0x11: {  	[smem:$0x3FA5] =	sst s9;
	s0 =	simm.s32 @!p0 $0x0  }
0x12: {  	s1 =	sld [smem:$0x3F8B];
	s0 =	simm.s32 @p0 $0x1  }
0x13: {  	[smem:$0x3FA6] =	sst s0;
	s0 =	simm.s32 @!p1 $0x0  }
0x14: {  	s2 =	sld [smem:$0x3F8A];
	s0 =	simm.s32 @p1 $0x1  }
0x15: {  	[smem:$0x3FA7] =	sst s0;
	s0 =	simm.s32 @!p2 $0x0  }
0x16: {  	s3 =	sld [smem:$0x3FDB];
	s0 =	simm.s32 @p2 $0x1  }
0x17: {  	s4 =	simm.s32 $0x1BF5;
	[smem:$0x3FA9] =	sst s0  }
0x18: {  	s0 =	sld [smem:$0x3F8C];
	_ =	swait.ge [sflag:s4], $0x0  }
0x19: {  	s7 =	sld [smem:$0x3F8D]  }
0x1a: {  	s8 =	sadd.s32 $0xFFFFE003, lr  }
0x1b: {  	s9 =	sadd.s32 $0xFFFFFEF7, lr;
	s5 =	simm.s32 $0xFFFFFFFF;
	p2 =	slt.u32 s8, $0xFFFFF086  }
0x1c: {  	p1 =	slt.u32 s9, $0xF7A;
	s5 =	simm.s32 @!p2 $0x0  }
0x1d: {  	s5 =	simm.s32 @p1 $0x1;
	p0 =	seq.s32 s7, s2  }
0x1e: {  	s7 =	smul.u32 @!p0 $0xF7A, s2;
	p2 =	seq.s32 @!p0 s5, $0x0  }
0x1f: {  	s9 =	smul.u32 $0xF7A, s1;
	s8 =	simm.s32 @!p0 $0x1BF5;
	p2 =	por !p2, p0  }
0x20: {  	[sflag:s8] =	ssyncset.s32 @!p0 $0xFFFFF086;
	s6 =	sadd.s32 @!p0 s3, s7;
	s7 =	simm.s32 @!p0 $0x108  }
0x21: {  	s3 =	sadd.s32 s3, s9;
	s6 =	sadd.s32 @!p0 $0x88, s6;
	s7 =	simm.s32 @p2 $0x1082  }
0x22: {  	[simem:s7], [sflag:s8] =	dma.local @!p0 [hbm:s6], $0xF7A  }
0x23: {  	s9 =	sor.u32 $0xD0000000, s2;
	s6 =	simm.s32 $0x108;
	_ =	swait.ge @!p0 [sflag:s8], $0x0  }
0x24: {  	s3 =	sadd.s32 $0x88, s3;
	s6 =	simm.s32 @!p1 $0x1082;
	[sflag:s4] =	ssyncset.s32 $0xFFFFF086  }
0x25: {  	[simem:s6], [sflag:s4] =	dma.local [hbm:s3], $0xF7A  }
0x26: {  	[smem:$0x3F8D] =	sst s1;
	(tag) =	ssettag s2;
	_ =	strace s9  }
0x27: {  	s1 =	sld [smem:$0x3F9D]  }
0x28: {  	s2 =	sld [smem:$0x3F9E]  }
0x29: {  	s4 =	sld [smem:$0x3FA0]  }
0x2a: {  	p0 =	seq.s32 s5, $0x0;
	s5 =	sld [smem:$0x3FA1]  }
0x2b: {  	s6 =	sld [smem:$0x3FA2]  }
0x2c: {  	s7 =	sld [smem:$0x3FA3]  }
0x2d: {  	s3 =	simm.s32 $0x108;
	s8 =	sld [smem:$0x3FA4]  }
0x2e: {  	s3 =	simm.s32 @!p0 $0x1082;
	s9 =	sld [smem:$0x3FA5]  }
0x2f: {  	lr =	sadd.s32 s0, s3;
	s0 =	sld [smem:$0x3F9C]  }
0x30: {  	s3 =	sld [smem:$0x3F9F]  }
0x31: {  	[smem:$0x3FA8] =	sst s10  }
0x32: {  	s10 =	sld [smem:$0x3FA6];
	_ =	sdelay $0x3  }
0x33: {  	p0 =	seq.s32 s10, $0x1;
	s10 =	sld [smem:$0x3FA8];
	_ =	sdelay $0x3  }
0x34: {  	[smem:$0x3FA8] =	sst s10  }
0x35: {  	s10 =	sld [smem:$0x3FA7];
	_ =	sdelay $0x3  }
0x36: {  	p1 =	seq.s32 s10, $0x1;
	s10 =	sld [smem:$0x3FA8];
	_ =	sdelay $0x3  }
0x37: {  	[smem:$0x3FA8] =	sst s10  }
0x38: {  	s10 =	sld [smem:$0x3FA9]  }
0x39: {  	_ = 	snop;
	(pc) =	sbr.ind lr, $3  }
0x3a: {  	_ = 	snop  }
0x3b: {  	_ = 	snop  }
0x3c: {  	p2 =	seq.s32 s10, $0x1;
	s10 =	sld [smem:$0x3FA8]  }
0x3d: {  	_ =	shalt  }
0x3e: {  	_ =	shalt  }
0x3f: {  	_ =	shalt  }
0x40: {  	_ =	shalt  }
0x41: {  	_ =	shalt  }
0x42: {  	_ =	shalt  }
0x43: {  	_ =	shalt  }
0x44: {  	_ =	shalt  }
0x45: {  	_ =	shalt  }
0x46: {  	_ =	shalt  }
0x47: {  	_ =	shalt  }
0x48: {  	_ =	shalt  }
0x49: {  	_ =	shalt  }
0x4a: {  	_ =	shalt  }
0x4b: {  	_ =	shalt  }
0x4c: {  	_ =	shalt  }
0x4d: {  	_ =	shalt  }
0x4e: {  	_ =	shalt  }
0x4f: {  	_ =	shalt  }
0x50: {  	_ =	shalt  }
0x51: {  	_ =	shalt  }
0x52: {  	_ =	shalt  }
0x53: {  	_ =	shalt  }
0x54: {  	_ =	shalt  }
0x55: {  	_ =	shalt  }
0x56: {  	_ =	shalt  }
0x57: {  	_ =	shalt  }
0x58: {  	_ =	shalt  }
0x59: {  	_ =	shalt  }
0x5a: {  	_ =	shalt  }
0x5b: {  	_ =	shalt  }
0x5c: {  	_ =	shalt  }
0x5d: {  	_ =	shalt  }
0x5e: {  	_ =	shalt  }
0x5f: {  	_ =	shalt  }
0x60: {  	_ =	shalt  }
0x61: {  	_ =	shalt  }
0x62: {  	_ =	shalt  }
0x63: {  	_ =	shalt  }
0x64: {  	_ =	shalt  }
0x65: {  	_ =	shalt  }
0x66: {  	_ =	shalt  }
0x67: {  	_ =	shalt  }
0x68: {  	_ =	shalt  }
0x69: {  	_ =	shalt  }
0x6a: {  	_ =	shalt  }
0x6b: {  	_ =	shalt  }
0x6c: {  	_ =	shalt  }
0x6d: {  	_ =	shalt  }
0x6e: {  	_ =	shalt  }
0x6f: {  	_ =	shalt  }
0x70: {  	_ =	shalt  }
0x71: {  	_ =	shalt  }
0x72: {  	_ =	shalt  }
0x73: {  	_ =	shalt  }
0x74: {  	_ =	shalt  }
0x75: {  	_ =	shalt  }
0x76: {  	_ =	shalt  }
0x77: {  	_ =	shalt  }
0x78: {  	_ =	shalt  }
0x79: {  	_ =	shalt  }
0x7a: {  	_ =	shalt  }
0x7b: {  	_ =	shalt  }
0x7c: {  	_ =	shalt  }
0x7d: {  	_ =	shalt  }
0x7e: {  	_ =	shalt  }
0x7f: {  	_ =	shalt  }
0x80: {  	_ =	shalt  }
0x81: {  	_ =	shalt  }
0x82: {  	_ =	shalt  }
0x83: {  	_ =	shalt  }
0x84: {  	_ =	shalt  }
0x85: {  	_ =	shalt  }
0x86: {  	_ =	shalt  }
0x87: {  	_ =	shalt  }
.Lfunc_end0:
.L_simem_size_0:
called_computation.1_lowered:
.L_overlay_start_0:
0x88: {  	s2 =	sld [smem:$0x3FD9]  }
0x89: {  	s3 =	sld [smem:$0x3FFE];
	_ =	sdelay $0x1  }
0x8a: {  	s1 =	srdreg.scid  }
0x8b: {  	s0 =	sand.u32 $0x1, s1  }
0x8c: {  	s16 =	sshll.u32 s0, $0xA;
	s2 =	sadd.s32 s3, s2  }
0x8d: {  	s2 =	sadd.s32 s2, s16  }
0x8e: {  	[smem:$0x3FB4] =	sst s2  }
0x8f: {  	_ = 	snop  }
0x90: {  	(tm) =	ssettm $0x1  }
0x91: {  	s17 =	sld [smem:$0x3FFB];
	_ =	sdelay $0x3  }
0x92: {  	_ =	strace s17  }
0x93: {  	s2 =	sld [smem:$0x3FFC];
	_ =	sdelay $0x3  }
0x94: {  	_ =	strace s2  }
0x95: {  	s2 =	sld [smem:$0x3FFD];
	_ =	sdelay $0x3  }
0x96: {  	_ =	strace s2  }
0x97: {  	_ =	strace $0x8FFFFFFF  }
0x98: {  	s18 =	sld [smem:$0x3FDB];
	_ =	sdelay $0x1  }
0x99: {  	s19 =	simm.s32 $_scs_section_size  }
0x9a: {  	s4 =	simm.s32 $_size__tile_overlayer_lowered;
	s5 =	simm.s32 $_tile_overlayer_lowered  }
0x9b: {  	s22 =	simm.s32 $0x1BFF;
	s21 =	sshll.u32 s5, $0x1;
	s2 =	sadd.s32 s19, s18  }
0x9c: {  	s6 =	simm.s32 $0x0;
	s20 =	sshll.u32 s4, $0x1;
	s4 =	sadd.s32 s21, s2  }
0x9d: {  	[timem:s6], [sflag:s22] =	dma.local [hbm:s4], s20  }
0x9e: {  	_ =	swait.ge [sflag:s22], s20  }
0x9f: {  	s3 =	ssub.s32 $0x0, s20;
	[sflag:s22] =	ssyncset.done $0x0  }
0xa0: {  	[sflag:s22] =	ssyncadd.s32 s3;
	_ =	sdelay $0x1  }
0xa1: {  	s23 =	simm.s32 $0x1B8B  }
0xa2: {  	_ =	swait.ge [sflag:s23], $0x1  }
0xa3: {  	[sflag:s23] =	ssyncset.done $0x0  }
0xa4: {  	s25 =	simm.s32 $0x1B8E;
	s24 =	sld [smem:$0x3FFE];
	[sflag:s23] =	ssyncadd.s32 $0xFFFFFFFF  }
0xa5: {  	s26 =	simm.s32 $execute0_lowered;
	[smem:$0x3FD2] =	sst s25  }
0xa6: {  	s4 =	sshll.u32 s26, $0x1;
	_ =	strace $0x80000049;
	[dreg:$0x1] =	wrdreg $0xFFFFFFFF  }
0xa7: {  	s28 =	simm.s32 $_size_execute0_lowered;
	s2 =	sadd.s32 s2, s4;
	[dreg:$0x0] =	wrdreg $0x0  }
0xa8: {  	s4 =	sshll.u32 s28, $0x1;
	[dreg:$0x2] =	wrdreg s2  }
0xa9: {  	[dreg:$0x3] =	wrdreg s4  }
0xaa: {  	[dreg:$0x4] =	wrdreg $0xC0  }
0xab: {  	_ =	task [dreg:s6], $0x5FFFF  }
0xac: {  	[dreg:$0x1] =	wrdreg $0xFFFFFFFF  }
0xad: {  	[dreg:$0x0] =	wrdreg $0x60  }
0xae: {  	[dreg:$0x2] =	wrdreg s24  }
0xaf: {  	[dreg:$0x3] =	wrdreg $0x9  }
0xb0: {  	_ =	task.clear_ibuf [dreg:s6], $0x4FFFF;
	_ =	strace $0x90000049  }
0xb1: {  	s29 =	simm.s32 $0x9;
	_ =	strace $0x8000004B  }
0xb2: {  	_ =	swait.ge [sflag:s29], $0x1  }
0xb3: {  	[sflag:s29] =	ssyncadd.s32 $0xFFFFFFFF  }
0xb4: {  	_ =	strace $0x9000004B  }
0xb5: {  	_ =	sfence  }
0xb6: {  	s30 =	sld [smem:$0x0];
	_ =	sdelay $0x2  }
0xb7: {  	s31 =	sshll.u32 s1, $0xD;
	s1 =	sshrl.u32 s1, $0x2  }
0xb8: {  	s3 =	sand.u32 $0x4000, s31;
	s1 =	sadd.s32 s1, s30  }
0xb9: {  	s0 =	sor.u32 s3, s0;
	s1 =	sshll.u32 s1, $0x11  }
0xba: {  	s0 =	sor.u32 s1, s0  }
0xbb: {  	s0 =	sadd.s32 $0x8F2B, s0  }
0xbc: {  	[sflag:s0] =	ssyncadd.remote.s32 $0x1  }
0xbd: {  	_ =	sfence.sel $0xFFFF  }
0xbe: {  	[dreg:$0x0] =	wrdreg $0xFFFFFFFF;
	(pc) =	sbr.abs _section_cstart, $3  }
0xbf: {  	[dreg:$0x1] =	wrdreg $0xFFFFFFFF  }
0xc0: {  	_ =	task.clear_ibuf [dreg:s6], $0x2FFFF;
	_ =	strace $0x9FFFFFFF  }
0xc1: {  	(tm) =	ssettm $0x7FFFFFFF  }
tec
execute0_lowered:
.L_overlay_start_1:
0x0: {  	(tag) =	ssettag $0x1  }
0x1: {  	s1 =	srdreg.scid;
	s0 =	stileid.u32  }
0x2: {  	s3 =	rddreg [dreg:$0x0];
	s9 =	simm.s32 $0x1;
	s10 =	simm.s32 $0x80  }
0x3: {  	s11 =	simm.s32 $0x400;
	s12 =	simm.s32 $0x2;
	s13 =	simm.s32 $0x0  }
0x4: {  	s4 =	sand.u32 $0x1, s1;
	s2 =	sshll.u32 s0, $0x1;
	s6 =	sshrl.u32 s0, $0x2  }
0x5: {  	s1 =	rddreg [dreg:$0x1];
	s5 =	sor.u32 s4, s2;
	s6 =	smul.u32 $0x50000, s6  }
0x6: {  	s2 =	simm.s32 $0x0;
	s4 =	ssub.s32 $0x2, s4;
	s8 =	smul.u32 $0x1480, s5  }
0x7: {  	s7 =	sshll.u32 s5, $0x7;
	[smem:$0x7FF] =	sst s2;
	s5 =	smul.u32 $0x520, s5  }
0x8: {  	s30 =	sshrl.u32 s4, $0x1;
	s7 =	sand.u32 $0x380, s7;
	_ =	strace $0x8000004A  }
0x9: {  	s31 =	ssub.s32 s4, s30;
	s6 =	sor.u32 s6, s7;
	s29 =	sadd.s32 s8, s3  }
0xa: {  	s5 =	sadd.s32 s5, s3;
	s7 =	simm.s32 $0xA000;
	s6 =	sshrl.u32 s6, $0x3  }
0xb: {  	v2 =	vlaneseq.u32;
	s8 =	simm.s32 $0xC900;
	s4 =	sadd.s32 $0x532C00, s29;
	s6 =	sadd.s32 s6, s3  }
0xc: {  	v0 =	vimm.f32 $0.0e+00;
	v1 =	vshrl.u32 v2, $0x2;
	v2 =	vand.u32 $0x3, v2;
	s3 =	sadd.s32 $0x8600, s5;
	s5 =	sadd.s32 $0x12A00, s6;
	s6 =	smax.u32 s31, $0x1  }
.LBB2_1:
0xd: {  	[tilespmem:s7], [sflag:$0x1] =	stream.linear.gather [hbm4b:s3+s2], $0x2900, $0x38;
	[tilespmem:$0x16D00] =	vst v63  }
0xe: {  	s14 =	simm.s32 $0x40;
	s15 =	simm.s32 $0x0  }
0xf: {  	[tilespmem:s8], [sflag:$0x1] =	stream.linear.gather [hbm4b:s4+s2], $0xA400, $0x38;
	[tilespmem:$0x16D00] =	vst v63  }
.LBB2_2:
0x10: {  	p0 =	sne.s32 s14, $0x27FC0;
	[tilespmem:s15+$0x0] =	vst v0;
	s15 =	smov.u32 s14;
	s14 =	sadd.s32 $0x40, s14  }
.Ltmp0:
0x11: {  	(pc) =	sbr.rel @p0 .LBB2_2-.Ltmp0, $2  }
0x12: {  	_ =	sdelay $0x2  }
0x13: {  	s15 =	sshra.s32 s15, $0x2  }
0x14: {  	[tilespmem:s15+$0x0] =	vst v0  }
0x15: {  	s14 =	simm.s32 $0x0;
	_ =	swait.ge [sflag:s9], $0x2900  }
0x16: {  	v3 =	vor.u32 s14, v1;
	[sflag:s9] =	ssyncset.done $0x0  }
0x17: {  	[sflag:s9] =	ssyncadd.s32 $0xFFFFD700  }
0x18: {  	_ =	swait.ge [sflag:s9], $0xA400  }
0x19: {  	[sflag:s9] =	ssyncset.done $0x0  }
0x1a: {  	[sflag:s9] =	ssyncadd.s32 $0xFFFF5C00  }
0x1b: {  	v3 =	vld.idx.msk [tilespmem:v3+s7+$0x0], $0xffff;
	_ =	sdelay $0x4  }
0x1c: {  	s14 =	simm.s32 $0xC900;
	v4 =	vshll.u32 v3, $0x2  }
0x1d: {  	s31 =	simm.s32 $0x4;
	v3 =	vld [tilespmem:s14+$0x0];
	v4 =	vor.u32 v2, v4  }
0x1e: {  	s15 =	simm.s32 $0x8;
	v5 =	vor.u32 s31, v1  }
.LBB2_4:
0x1f: {  	p0 =	sne.s32 s15, $0x28FC;
	_ =	sdelay $0x2  }
0x20: {  	[tilespmem:v4+s2+$0x0] =	vst.idx.add.f32.msk $0xffff, v3  }
0x21: {  	v3 =	vld.idx.msk [tilespmem:v5+s7+$0x0], $0xffff;
	_ =	sdelay $0x3  }
.Ltmp1:
0x22: {  	(pc) =	sbr.rel @p0 .LBB2_4-.Ltmp1, $4  }
0x23: {  	_ = 	snop  }
0x24: {  	s14 =	sadd.s32 $0x10, s14;
	v4 =	vshll.u32 v3, $0x2  }
0x25: {  	v4 =	vor.u32 v2, v4;
	v3 =	vld [tilespmem:s14+$0x0]  }
0x26: {  	v5 =	vor.u32 s15, v1;
	s15 =	sadd.s32 $0x4, s15  }
0x27: {  	_ =	sdelay $0x3  }
0x28: {  	[tilespmem:v4+s2+$0x0] =	vst.idx.add.f32.msk $0xffff, v3  }
0x29: {  	v3 =	vld.idx.msk [tilespmem:v5+s7+$0x0], $0xffff;
	_ =	sdelay $0x4  }
0x2a: {  	s14 =	sadd.s32 $0x10, s14;
	v3 =	vshll.u32 v3, $0x2  }
0x2b: {  	v4 =	vld [tilespmem:s14+$0x0];
	v3 =	vor.u32 v2, v3;
	_ =	sdelay $0x2  }
0x2c: {  	s13 =	sadd.s32 $0x1, s13  }
0x2d: {  	p0 =	sne.s32 s13, s6  }
.Ltmp2:
0x2e: {  	[tilespmem:v3+s2+$0x0] =	vst.idx.add.f32.msk $0xffff, v4;
	(pc) =	sbr.rel @p0 .LBB2_1-.Ltmp2, $4  }
0x2f: {  	[hbm4b:s5+s10] =	stream.strided.scatter [tilespmem:s2], [sflag:$0x2], $0xA000, s11, s10, $0x38;
	[tilespmem:$0x16D00] =	vst v63  }
0x30: {  	_ =	swait.ge [sflag:s12], $0xA000  }
0x31: {  	[sflag:s12] =	ssyncset.done $0x0  }
0x32: {  	[sflag:s12] =	ssyncadd.s32 $0xFFFF6000  }
0x33: {  	_ =	sfence.sel $0x180000  }
0x34: {  	[bflag:$0x0] =	sbarrier.arrive $0xFFFF  }
0x35: {  	p0 =	sne.s32 s0, $0x0;
	_ =	strace $0x9000004A  }
0x36: {  	s0 =	sadd.s32 @!p0 $0x100000, s1;
	[bflag:$0x2] =	sbarrier.arrive $0xFFFF  }
0x37: {  	[sflag:s0] =	ssyncadd.tile.s32 @!p0 $0x1;
	_ =	shalt  }
.Lfunc_end2:
_tile_overlayer_lowered:
.L_overlay_start_2:
0x38: {  	(tag) =	ssettag $0x2  }
0x39: {  	s0 =	rddreg [dreg:$0x0];
	s2 =	stileid.u32  }
0x3a: {  	s1 =	rddreg [dreg:$0x1];
	p0 =	sne.s32 s2, $0x0  }
0x3b: {  	s3 =	rddreg [dreg:$0x2];
	[bflag:$0x3] =	sbarrier.arrive $0xFFFF;
	s2 =	simm.s32 @!p0 $0x1C02  }
0x3c: {  	[timem:s3], [sflag:s2] =	dma.local @!p0 [hbm:s0], s1  }
0x3d: {  	s0 =	simm.s32 @!p0 $0x2  }
0x3e: {  	_ =	swait.ge @!p0 [sflag:s0], s1  }
0x3f: {  	s1 =	ssub.s32 @!p0 $0x0, s1;
	[sflag:s0] =	ssyncset.done @!p0 $0x0  }
0x40: {  	[sflag:s0] =	ssyncadd.s32 @!p0 s1  }
0x41: {  	[bflag:$0x3] =	sbarrier.arrive $0xFFFF  }
0x42: {  	_ =	shalt  }

// kernel: kernel.36.cloned.1.call-start
scs
__scs_entry_jumppad:
0x0: {  	(pc) =	sbr.rel $0x88, $3  }
0x1: {  	(tag) =	ssettag $0x0;
	lr =	simm.s32 $0x1  }
0x2: {  	[smem:$0x3F8D] =	sst lr;
	_ =	strace $0xD0000000  }
0x3: {  	_ = 	snop  }
0x4: {  	_ = 	snop  }
0x5: {  	_ = 	snop  }
0x6: {  	_ = 	snop  }
0x7: {  	_ = 	snop  }
__scs_overlays_trampoline_lowered:
0x8: {  	[smem:$0x3F9C] =	sst s0  }
0x9: {  	[smem:$0x3F9D] =	sst s1  }
0xa: {  	[smem:$0x3F9E] =	sst s2  }
0xb: {  	[smem:$0x3F9F] =	sst s3  }
0xc: {  	[smem:$0x3FA0] =	sst s4  }
0xd: {  	[smem:$0x3FA1] =	sst s5  }
0xe: {  	[smem:$0x3FA2] =	sst s6  }
0xf: {  	[smem:$0x3FA3] =	sst s7  }
0x10: {  	[smem:$0x3FA4] =	sst s8  }
0x11: {  	[smem:$0x3FA5] =	sst s9;
	s0 =	simm.s32 @!p0 $0x0  }
0x12: {  	s1 =	sld [smem:$0x3F8B];
	s0 =	simm.s32 @p0 $0x1  }
0x13: {  	[smem:$0x3FA6] =	sst s0;
	s0 =	simm.s32 @!p1 $0x0  }
0x14: {  	s2 =	sld [smem:$0x3F8A];
	s0 =	simm.s32 @p1 $0x1  }
0x15: {  	[smem:$0x3FA7] =	sst s0;
	s0 =	simm.s32 @!p2 $0x0  }
0x16: {  	s3 =	sld [smem:$0x3FDB];
	s0 =	simm.s32 @p2 $0x1  }
0x17: {  	s4 =	simm.s32 $0x1BF5;
	[smem:$0x3FA9] =	sst s0  }
0x18: {  	s0 =	sld [smem:$0x3F8C];
	_ =	swait.ge [sflag:s4], $0x0  }
0x19: {  	s7 =	sld [smem:$0x3F8D]  }
0x1a: {  	s8 =	sadd.s32 $0xFFFFE003, lr  }
0x1b: {  	s9 =	sadd.s32 $0xFFFFFEF7, lr;
	s5 =	simm.s32 $0xFFFFFFFF;
	p2 =	slt.u32 s8, $0xFFFFF086  }
0x1c: {  	p1 =	slt.u32 s9, $0xF7A;
	s5 =	simm.s32 @!p2 $0x0  }
0x1d: {  	s5 =	simm.s32 @p1 $0x1;
	p0 =	seq.s32 s7, s2  }
0x1e: {  	s7 =	smul.u32 @!p0 $0xF7A, s2;
	p2 =	seq.s32 @!p0 s5, $0x0  }
0x1f: {  	s9 =	smul.u32 $0xF7A, s1;
	s8 =	simm.s32 @!p0 $0x1BF5;
	p2 =	por !p2, p0  }
0x20: {  	[sflag:s8] =	ssyncset.s32 @!p0 $0xFFFFF086;
	s6 =	sadd.s32 @!p0 s3, s7;
	s7 =	simm.s32 @!p0 $0x108  }
0x21: {  	s3 =	sadd.s32 s3, s9;
	s6 =	sadd.s32 @!p0 $0x88, s6;
	s7 =	simm.s32 @p2 $0x1082  }
0x22: {  	[simem:s7], [sflag:s8] =	dma.local @!p0 [hbm:s6], $0xF7A  }
0x23: {  	s9 =	sor.u32 $0xD0000000, s2;
	s6 =	simm.s32 $0x108;
	_ =	swait.ge @!p0 [sflag:s8], $0x0  }
0x24: {  	s3 =	sadd.s32 $0x88, s3;
	s6 =	simm.s32 @!p1 $0x1082;
	[sflag:s4] =	ssyncset.s32 $0xFFFFF086  }
0x25: {  	[simem:s6], [sflag:s4] =	dma.local [hbm:s3], $0xF7A  }
0x26: {  	[smem:$0x3F8D] =	sst s1;
	(tag) =	ssettag s2;
	_ =	strace s9  }
0x27: {  	s1 =	sld [smem:$0x3F9D]  }
0x28: {  	s2 =	sld [smem:$0x3F9E]  }
0x29: {  	s4 =	sld [smem:$0x3FA0]  }
0x2a: {  	p0 =	seq.s32 s5, $0x0;
	s5 =	sld [smem:$0x3FA1]  }
0x2b: {  	s6 =	sld [smem:$0x3FA2]  }
0x2c: {  	s7 =	sld [smem:$0x3FA3]  }
0x2d: {  	s3 =	simm.s32 $0x108;
	s8 =	sld [smem:$0x3FA4]  }
0x2e: {  	s3 =	simm.s32 @!p0 $0x1082;
	s9 =	sld [smem:$0x3FA5]  }
0x2f: {  	lr =	sadd.s32 s0, s3;
	s0 =	sld [smem:$0x3F9C]  }
0x30: {  	s3 =	sld [smem:$0x3F9F]  }
0x31: {  	[smem:$0x3FA8] =	sst s10  }
0x32: {  	s10 =	sld [smem:$0x3FA6];
	_ =	sdelay $0x3  }
0x33: {  	p0 =	seq.s32 s10, $0x1;
	s10 =	sld [smem:$0x3FA8];
	_ =	sdelay $0x3  }
0x34: {  	[smem:$0x3FA8] =	sst s10  }
0x35: {  	s10 =	sld [smem:$0x3FA7];
	_ =	sdelay $0x3  }
0x36: {  	p1 =	seq.s32 s10, $0x1;
	s10 =	sld [smem:$0x3FA8];
	_ =	sdelay $0x3  }
0x37: {  	[smem:$0x3FA8] =	sst s10  }
0x38: {  	s10 =	sld [smem:$0x3FA9]  }
0x39: {  	_ = 	snop;
	(pc) =	sbr.ind lr, $3  }
0x3a: {  	_ = 	snop  }
0x3b: {  	_ = 	snop  }
0x3c: {  	p2 =	seq.s32 s10, $0x1;
	s10 =	sld [smem:$0x3FA8]  }
0x3d: {  	_ =	shalt  }
0x3e: {  	_ =	shalt  }
0x3f: {  	_ =	shalt  }
0x40: {  	_ =	shalt  }
0x41: {  	_ =	shalt  }
0x42: {  	_ =	shalt  }
0x43: {  	_ =	shalt  }
0x44: {  	_ =	shalt  }
0x45: {  	_ =	shalt  }
0x46: {  	_ =	shalt  }
0x47: {  	_ =	shalt  }
0x48: {  	_ =	shalt  }
0x49: {  	_ =	shalt  }
0x4a: {  	_ =	shalt  }
0x4b: {  	_ =	shalt  }
0x4c: {  	_ =	shalt  }
0x4d: {  	_ =	shalt  }
0x4e: {  	_ =	shalt  }
0x4f: {  	_ =	shalt  }
0x50: {  	_ =	shalt  }
0x51: {  	_ =	shalt  }
0x52: {  	_ =	shalt  }
0x53: {  	_ =	shalt  }
0x54: {  	_ =	shalt  }
0x55: {  	_ =	shalt  }
0x56: {  	_ =	shalt  }
0x57: {  	_ =	shalt  }
0x58: {  	_ =	shalt  }
0x59: {  	_ =	shalt  }
0x5a: {  	_ =	shalt  }
0x5b: {  	_ =	shalt  }
0x5c: {  	_ =	shalt  }
0x5d: {  	_ =	shalt  }
0x5e: {  	_ =	shalt  }
0x5f: {  	_ =	shalt  }
0x60: {  	_ =	shalt  }
0x61: {  	_ =	shalt  }
0x62: {  	_ =	shalt  }
0x63: {  	_ =	shalt  }
0x64: {  	_ =	shalt  }
0x65: {  	_ =	shalt  }
0x66: {  	_ =	shalt  }
0x67: {  	_ =	shalt  }
0x68: {  	_ =	shalt  }
0x69: {  	_ =	shalt  }
0x6a: {  	_ =	shalt  }
0x6b: {  	_ =	shalt  }
0x6c: {  	_ =	shalt  }
0x6d: {  	_ =	shalt  }
0x6e: {  	_ =	shalt  }
0x6f: {  	_ =	shalt  }
0x70: {  	_ =	shalt  }
0x71: {  	_ =	shalt  }
0x72: {  	_ =	shalt  }
0x73: {  	_ =	shalt  }
0x74: {  	_ =	shalt  }
0x75: {  	_ =	shalt  }
0x76: {  	_ =	shalt  }
0x77: {  	_ =	shalt  }
0x78: {  	_ =	shalt  }
0x79: {  	_ =	shalt  }
0x7a: {  	_ =	shalt  }
0x7b: {  	_ =	shalt  }
0x7c: {  	_ =	shalt  }
0x7d: {  	_ =	shalt  }
0x7e: {  	_ =	shalt  }
0x7f: {  	_ =	shalt  }
0x80: {  	_ =	shalt  }
0x81: {  	_ =	shalt  }
0x82: {  	_ =	shalt  }
0x83: {  	_ =	shalt  }
0x84: {  	_ =	shalt  }
0x85: {  	_ =	shalt  }
0x86: {  	_ =	shalt  }
0x87: {  	_ =	shalt  }
.Lfunc_end0:
.L_simem_size_0:
called_computation.2_lowered:
.L_overlay_start_0:
0x88: {  	s2 =	sld [smem:$0x3FD9]  }
0x89: {  	s3 =	sld [smem:$0x3FFE];
	_ =	sdelay $0x1  }
0x8a: {  	s1 =	srdreg.scid  }
0x8b: {  	s0 =	sand.u32 $0x1, s1  }
0x8c: {  	s16 =	sshll.u32 s0, $0xA;
	s2 =	sadd.s32 s3, s2  }
0x8d: {  	s2 =	sadd.s32 s2, s16  }
0x8e: {  	[smem:$0x3FB4] =	sst s2  }
0x8f: {  	_ = 	snop  }
0x90: {  	(tm) =	ssettm $0x1  }
0x91: {  	s17 =	sld [smem:$0x3FFB];
	_ =	sdelay $0x3  }
0x92: {  	_ =	strace s17  }
0x93: {  	s2 =	sld [smem:$0x3FFC];
	_ =	sdelay $0x3  }
0x94: {  	_ =	strace s2  }
0x95: {  	s2 =	sld [smem:$0x3FFD];
	_ =	sdelay $0x3  }
0x96: {  	_ =	strace s2  }
0x97: {  	_ =	strace $0x8FFFFFFF  }
0x98: {  	s18 =	sld [smem:$0x3FDB];
	_ =	sdelay $0x1  }
0x99: {  	s19 =	simm.s32 $_scs_section_size  }
0x9a: {  	s4 =	simm.s32 $_size__tile_overlayer_lowered;
	s5 =	simm.s32 $_tile_overlayer_lowered  }
0x9b: {  	s22 =	simm.s32 $0x1BFF;
	s21 =	sshll.u32 s5, $0x1;
	s2 =	sadd.s32 s19, s18  }
0x9c: {  	s6 =	simm.s32 $0x0;
	s20 =	sshll.u32 s4, $0x1;
	s4 =	sadd.s32 s21, s2  }
0x9d: {  	[timem:s6], [sflag:s22] =	dma.local [hbm:s4], s20  }
0x9e: {  	_ =	swait.ge [sflag:s22], s20  }
0x9f: {  	s3 =	ssub.s32 $0x0, s20;
	[sflag:s22] =	ssyncset.done $0x0  }
0xa0: {  	[sflag:s22] =	ssyncadd.s32 s3;
	_ =	sdelay $0x1  }
0xa1: {  	s23 =	simm.s32 $0x1B8B  }
0xa2: {  	_ =	swait.ge [sflag:s23], $0x1  }
0xa3: {  	[sflag:s23] =	ssyncset.done $0x0  }
0xa4: {  	s25 =	simm.s32 $0x1B8E;
	s24 =	sld [smem:$0x3FFE];
	[sflag:s23] =	ssyncadd.s32 $0xFFFFFFFF  }
0xa5: {  	s26 =	simm.s32 $execute0_lowered;
	[smem:$0x3FD2] =	sst s25  }
0xa6: {  	s4 =	sshll.u32 s26, $0x1;
	_ =	strace $0x8000004C;
	[dreg:$0x1] =	wrdreg $0xFFFFFFFF  }
0xa7: {  	s28 =	simm.s32 $_size_execute0_lowered;
	s2 =	sadd.s32 s2, s4;
	[dreg:$0x0] =	wrdreg $0x0  }
0xa8: {  	s4 =	sshll.u32 s28, $0x1;
	[dreg:$0x2] =	wrdreg s2  }
0xa9: {  	[dreg:$0x3] =	wrdreg s4  }
0xaa: {  	[dreg:$0x4] =	wrdreg $0xC0  }
0xab: {  	_ =	task [dreg:s6], $0x5FFFF  }
0xac: {  	[dreg:$0x1] =	wrdreg $0xFFFFFFFF  }
0xad: {  	[dreg:$0x0] =	wrdreg $0x60  }
0xae: {  	[dreg:$0x2] =	wrdreg s24  }
0xaf: {  	[dreg:$0x3] =	wrdreg $0x9  }
0xb0: {  	_ =	task.clear_ibuf [dreg:s6], $0x4FFFF;
	_ =	strace $0x9000004C  }
0xb1: {  	s29 =	simm.s32 $0x9;
	_ =	strace $0x8000004E  }
0xb2: {  	_ =	swait.ge [sflag:s29], $0x1  }
0xb3: {  	[sflag:s29] =	ssyncadd.s32 $0xFFFFFFFF  }
0xb4: {  	_ =	strace $0x9000004E  }
0xb5: {  	_ =	sfence  }
0xb6: {  	s30 =	sld [smem:$0x0];
	_ =	sdelay $0x2  }
0xb7: {  	s31 =	sshll.u32 s1, $0xD;
	s1 =	sshrl.u32 s1, $0x2  }
0xb8: {  	s3 =	sand.u32 $0x4000, s31;
	s1 =	sadd.s32 s1, s30  }
0xb9: {  	s0 =	sor.u32 s3, s0;
	s1 =	sshll.u32 s1, $0x11  }
0xba: {  	s0 =	sor.u32 s1, s0  }
0xbb: {  	s0 =	sadd.s32 $0x8F2B, s0  }
0xbc: {  	[sflag:s0] =	ssyncadd.remote.s32 $0x1  }
0xbd: {  	_ =	sfence.sel $0xFFFF  }
0xbe: {  	[dreg:$0x0] =	wrdreg $0xFFFFFFFF;
	(pc) =	sbr.abs _section_cstart, $3  }
0xbf: {  	[dreg:$0x1] =	wrdreg $0xFFFFFFFF  }
0xc0: {  	_ =	task.clear_ibuf [dreg:s6], $0x2FFFF;
	_ =	strace $0x9FFFFFFF  }
0xc1: {  	(tm) =	ssettm $0x7FFFFFFF  }
tec
execute0_lowered:
.L_overlay_start_1:
0x0: {  	(tag) =	ssettag $0x1  }
0x1: {  	s1 =	srdreg.scid  }
0x2: {  	s0 =	stileid.u32;
	s4 =	rddreg [dreg:$0x0]  }
0x3: {  	s2 =	simm.s32 $0x0;
	s10 =	simm.s32 $0x1;
	s11 =	simm.s32 $0xC900  }
0x4: {  	s3 =	sand.u32 $0x1, s1;
	s31 =	sshll.u32 s0, $0x1;
	s1 =	rddreg [dreg:$0x1]  }
0x5: {  	s12 =	simm.s32 $0x0;
	[smem:$0x7FF] =	sst s2;
	s5 =	sor.u32 s3, s31  }
0x6: {  	s7 =	ssub.s32 $0x2, s3;
	_ =	strace $0x8000004D;
	s6 =	smul.u32 $0x520, s5  }
0x7: {  	s3 =	sadd.s32 $0x55BC00, s4;
	s5 =	smul.u32 $0x1480, s5;
	s8 =	sshrl.u32 s7, $0x1  }
0x8: {  	s7 =	ssub.s32 s7, s8;
	s8 =	simm.s32 $0xA000;
	s6 =	sadd.s32 s6, s4  }
0x9: {  	v1 =	vlaneseq.u32;
	s9 =	sadd.s32 s5, s4;
	s7 =	smax.u32 s7, $0x1;
	s4 =	sadd.s32 $0x8600, s6  }
0xa: {  	v0 =	vshrl.u32 v1, $0x2;
	v1 =	vand.u32 $0x3, v1;
	s5 =	sadd.s32 $0x532C00, s9;
	s6 =	sadd.s32 $0x12A00, s9;
	s9 =	simm.s32 $0x2  }
.LBB2_1:
0xb: {  	[tilespmem:s8], [sflag:$0x1] =	stream.linear.gather [hbm4b:s4+s2], $0x2900, $0x38;
	[tilespmem:$0x16D00] =	vst v63  }
0xc: {  	_ = 	snop  }
0xd: {  	[tilespmem:s11], [sflag:$0x1] =	stream.linear.gather [hbm4b:s5+s2], $0xA400, $0x38;
	[tilespmem:$0x16D00] =	vst v63  }
0xe: {  	_ = 	snop  }
0xf: {  	[tilespmem:s2], [sflag:$0x2] =	stream.linear.gather [hbm4b:s3+s2], $0xA000, $0x38;
	[tilespmem:$0x16D00] =	vst v63  }
0x10: {  	_ =	swait.ge [sflag:s9], $0xA000  }
0x11: {  	[sflag:s9] =	ssyncset.done $0x0  }
0x12: {  	[sflag:s9] =	ssyncadd.s32 $0xFFFF6000  }
0x13: {  	_ =	swait.ge [sflag:s10], $0x2900  }
0x14: {  	v2 =	vor.u32 s2, v0;
	[sflag:s10] =	ssyncset.done $0x0  }
0x15: {  	[sflag:s10] =	ssyncadd.s32 $0xFFFFD700  }
0x16: {  	_ =	swait.ge [sflag:s10], $0xA400  }
0x17: {  	[sflag:s10] =	ssyncset.done $0x0  }
0x18: {  	[sflag:s10] =	ssyncadd.s32 $0xFFFF5C00  }
0x19: {  	v2 =	vld.idx.msk [tilespmem:v2+s8+$0x0], $0xffff;
	_ =	sdelay $0x4  }
0x1a: {  	v2 =	vshll.u32 v2, $0x2  }
0x1b: {  	v2 =	vor.u32 v1, v2;
	_ =	sdelay $0x4  }
0x1c: {  	v2 =	vld.idx.msk [tilespmem:v2+s2+$0x0], $0xffff;
	_ =	sdelay $0x4  }
0x1d: {  	v2 =	vadd.f32 $1.000000020e-16, v2;
	_ =	sdelay $0x1  }
0x1e: {  	(erf) = vrcp.f32 v2;
	_ =	sdelay $0x4  }
0x1f: {  	v3 =	vld [tilespmem:s11+$0x0];
	_ =	sdelay $0x1  }
0x20: {  	s13 =	simm.s32 $0x4  }
0x21: {  	s14 =	simm.s32 $0x8;
	v2 =	vor.u32 s13, v0;
	s13 =	simm.s32 $0xC900  }
.LBB2_2:
0x22: {  	p0 =	sne.s32 s14, $0x28FC;
	v4 =	vpop (erf)  }
0x23: {  	v3 =	vmul.f32 v4, v3;
	_ =	sdelay $0x1  }
0x24: {  	[tilespmem:s13+$0x0] =	vst v3  }
0x25: {  	v2 =	vld.idx.msk [tilespmem:v2+s8+$0x0], $0xffff;
	_ =	sdelay $0x5  }
0x26: {  	v2 =	vshll.u32 v2, $0x2  }
0x27: {  	v2 =	vor.u32 v1, v2;
	_ =	sdelay $0x4  }
0x28: {  	v2 =	vld.idx.msk [tilespmem:v2+s2+$0x0], $0xffff;
	_ =	sdelay $0x5  }
0x29: {  	v2 =	vadd.f32 $1.000000020e-16, v2;
	_ =	sdelay $0x1  }
0x2a: {  	(erf) = vrcp.f32 v2;
	_ =	sdelay $0x3  }
.Ltmp0:
0x2b: {  	s13 =	sadd.s32 $0x10, s13;
	(pc) =	sbr.rel @p0 .LBB2_2-.Ltmp0, $2  }
0x2c: {  	v3 =	vld [tilespmem:s13+$0x0];
	_ =	sdelay $0x2  }
0x2d: {  	v2 =	vor.u32 s14, v0;
	s14 =	sadd.s32 $0x4, s14  }
0x2e: {  	v4 =	vpop (erf)  }
0x2f: {  	v3 =	vmul.f32 v4, v3;
	_ =	sdelay $0x1  }
0x30: {  	[tilespmem:s13+$0x0] =	vst v3  }
0x31: {  	v2 =	vld.idx.msk [tilespmem:v2+s8+$0x0], $0xffff;
	_ =	sdelay $0x4  }
0x32: {  	v2 =	vshll.u32 v2, $0x2  }
0x33: {  	v2 =	vor.u32 v1, v2;
	_ =	sdelay $0x4  }
0x34: {  	v2 =	vld.idx.msk [tilespmem:v2+s2+$0x0], $0xffff;
	_ =	sdelay $0x4  }
0x35: {  	v2 =	vadd.f32 $1.000000020e-16, v2;
	_ =	sdelay $0x1  }
0x36: {  	(erf) = vrcp.f32 v2;
	_ =	sdelay $0x3  }
0x37: {  	s31 =	sadd.s32 $0x10, s13  }
0x38: {  	v2 =	vld [tilespmem:s31+$0x0];
	_ =	sdelay $0x3  }
0x39: {  	v3 =	vpop (erf)  }
0x3a: {  	s12 =	sadd.s32 $0x1, s12;
	v2 =	vmul.f32 v3, v2  }
0x3b: {  	p0 =	sne.s32 s12, s7  }
.Ltmp1:
0x3c: {  	[tilespmem:s31+$0x0] =	vst v2;
	(pc) =	sbr.rel @p0 .LBB2_1-.Ltmp1, $4  }
0x3d: {  	[hbm4b:s6+s2] =	stream.linear.scatter [tilespmem:s11], [sflag:$0x2], $0xA400, $0x38;
	[tilespmem:$0x16D00] =	vst v63  }
0x3e: {  	_ =	swait.ge [sflag:s9], $0xA400  }
0x3f: {  	[sflag:s9] =	ssyncset.done $0x0  }
0x40: {  	[sflag:s9] =	ssyncadd.s32 $0xFFFF5C00  }
0x41: {  	_ =	sfence.sel $0x180000  }
0x42: {  	[bflag:$0x0] =	sbarrier.arrive $0xFFFF  }
0x43: {  	p0 =	sne.s32 s0, $0x0;
	_ =	strace $0x9000004D  }
0x44: {  	s0 =	sadd.s32 @!p0 $0x100000, s1;
	[bflag:$0x2] =	sbarrier.arrive $0xFFFF  }
0x45: {  	[sflag:s0] =	ssyncadd.tile.s32 @!p0 $0x1;
	_ =	shalt  }
.Lfunc_end2:
_tile_overlayer_lowered:
.L_overlay_start_2:
0x46: {  	(tag) =	ssettag $0x2  }
0x47: {  	s0 =	rddreg [dreg:$0x0];
	s2 =	stileid.u32  }
0x48: {  	s1 =	rddreg [dreg:$0x1];
	p0 =	sne.s32 s2, $0x0  }
0x49: {  	s3 =	rddreg [dreg:$0x2];
	[bflag:$0x3] =	sbarrier.arrive $0xFFFF;
	s2 =	simm.s32 @!p0 $0x1C02  }
0x4a: {  	[timem:s3], [sflag:s2] =	dma.local @!p0 [hbm:s0], s1  }
0x4b: {  	s0 =	simm.s32 @!p0 $0x2  }
0x4c: {  	_ =	swait.ge @!p0 [sflag:s0], s1  }
0x4d: {  	s1 =	ssub.s32 @!p0 $0x0, s1;
	[sflag:s0] =	ssyncset.done @!p0 $0x0  }
0x4e: {  	[sflag:s0] =	ssyncadd.s32 @!p0 s1  }
0x4f: {  	[bflag:$0x3] =	sbarrier.arrive $0xFFFF  }
0x50: {  	_ =	shalt  }

// kernel: kernel.39.cloned.1.call-start
scs
__scs_entry_jumppad:
0x0: {  	(pc) =	sbr.rel $0x88, $3  }
0x1: {  	(tag) =	ssettag $0x0;
	lr =	simm.s32 $0x1  }
0x2: {  	[smem:$0x3F8D] =	sst lr;
	_ =	strace $0xD0000000  }
0x3: {  	_ = 	snop  }
0x4: {  	_ = 	snop  }
0x5: {  	_ = 	snop  }
0x6: {  	_ = 	snop  }
0x7: {  	_ = 	snop  }
__scs_overlays_trampoline_lowered:
0x8: {  	[smem:$0x3F9C] =	sst s0  }
0x9: {  	[smem:$0x3F9D] =	sst s1  }
0xa: {  	[smem:$0x3F9E] =	sst s2  }
0xb: {  	[smem:$0x3F9F] =	sst s3  }
0xc: {  	[smem:$0x3FA0] =	sst s4  }
0xd: {  	[smem:$0x3FA1] =	sst s5  }
0xe: {  	[smem:$0x3FA2] =	sst s6  }
0xf: {  	[smem:$0x3FA3] =	sst s7  }
0x10: {  	[smem:$0x3FA4] =	sst s8  }
0x11: {  	[smem:$0x3FA5] =	sst s9;
	s0 =	simm.s32 @!p0 $0x0  }
0x12: {  	s1 =	sld [smem:$0x3F8B];
	s0 =	simm.s32 @p0 $0x1  }
0x13: {  	[smem:$0x3FA6] =	sst s0;
	s0 =	simm.s32 @!p1 $0x0  }
0x14: {  	s2 =	sld [smem:$0x3F8A];
	s0 =	simm.s32 @p1 $0x1  }
0x15: {  	[smem:$0x3FA7] =	sst s0;
	s0 =	simm.s32 @!p2 $0x0  }
0x16: {  	s3 =	sld [smem:$0x3FDB];
	s0 =	simm.s32 @p2 $0x1  }
0x17: {  	s4 =	simm.s32 $0x1BF5;
	[smem:$0x3FA9] =	sst s0  }
0x18: {  	s0 =	sld [smem:$0x3F8C];
	_ =	swait.ge [sflag:s4], $0x0  }
0x19: {  	s7 =	sld [smem:$0x3F8D]  }
0x1a: {  	s8 =	sadd.s32 $0xFFFFE003, lr  }
0x1b: {  	s9 =	sadd.s32 $0xFFFFFEF7, lr;
	s5 =	simm.s32 $0xFFFFFFFF;
	p2 =	slt.u32 s8, $0xFFFFF086  }
0x1c: {  	p1 =	slt.u32 s9, $0xF7A;
	s5 =	simm.s32 @!p2 $0x0  }
0x1d: {  	s5 =	simm.s32 @p1 $0x1;
	p0 =	seq.s32 s7, s2  }
0x1e: {  	s7 =	smul.u32 @!p0 $0xF7A, s2;
	p2 =	seq.s32 @!p0 s5, $0x0  }
0x1f: {  	s9 =	smul.u32 $0xF7A, s1;
	s8 =	simm.s32 @!p0 $0x1BF5;
	p2 =	por !p2, p0  }
0x20: {  	[sflag:s8] =	ssyncset.s32 @!p0 $0xFFFFF086;
	s6 =	sadd.s32 @!p0 s3, s7;
	s7 =	simm.s32 @!p0 $0x108  }
0x21: {  	s3 =	sadd.s32 s3, s9;
	s6 =	sadd.s32 @!p0 $0x88, s6;
	s7 =	simm.s32 @p2 $0x1082  }
0x22: {  	[simem:s7], [sflag:s8] =	dma.local @!p0 [hbm:s6], $0xF7A  }
0x23: {  	s9 =	sor.u32 $0xD0000000, s2;
	s6 =	simm.s32 $0x108;
	_ =	swait.ge @!p0 [sflag:s8], $0x0  }
0x24: {  	s3 =	sadd.s32 $0x88, s3;
	s6 =	simm.s32 @!p1 $0x1082;
	[sflag:s4] =	ssyncset.s32 $0xFFFFF086  }
0x25: {  	[simem:s6], [sflag:s4] =	dma.local [hbm:s3], $0xF7A  }
0x26: {  	[smem:$0x3F8D] =	sst s1;
	(tag) =	ssettag s2;
	_ =	strace s9  }
0x27: {  	s1 =	sld [smem:$0x3F9D]  }
0x28: {  	s2 =	sld [smem:$0x3F9E]  }
0x29: {  	s4 =	sld [smem:$0x3FA0]  }
0x2a: {  	p0 =	seq.s32 s5, $0x0;
	s5 =	sld [smem:$0x3FA1]  }
0x2b: {  	s6 =	sld [smem:$0x3FA2]  }
0x2c: {  	s7 =	sld [smem:$0x3FA3]  }
0x2d: {  	s3 =	simm.s32 $0x108;
	s8 =	sld [smem:$0x3FA4]  }
0x2e: {  	s3 =	simm.s32 @!p0 $0x1082;
	s9 =	sld [smem:$0x3FA5]  }
0x2f: {  	lr =	sadd.s32 s0, s3;
	s0 =	sld [smem:$0x3F9C]  }
0x30: {  	s3 =	sld [smem:$0x3F9F]  }
0x31: {  	[smem:$0x3FA8] =	sst s10  }
0x32: {  	s10 =	sld [smem:$0x3FA6];
	_ =	sdelay $0x3  }
0x33: {  	p0 =	seq.s32 s10, $0x1;
	s10 =	sld [smem:$0x3FA8];
	_ =	sdelay $0x3  }
0x34: {  	[smem:$0x3FA8] =	sst s10  }
0x35: {  	s10 =	sld [smem:$0x3FA7];
	_ =	sdelay $0x3  }
0x36: {  	p1 =	seq.s32 s10, $0x1;
	s10 =	sld [smem:$0x3FA8];
	_ =	sdelay $0x3  }
0x37: {  	[smem:$0x3FA8] =	sst s10  }
0x38: {  	s10 =	sld [smem:$0x3FA9]  }
0x39: {  	_ = 	snop;
	(pc) =	sbr.ind lr, $3  }
0x3a: {  	_ = 	snop  }
0x3b: {  	_ = 	snop  }
0x3c: {  	p2 =	seq.s32 s10, $0x1;
	s10 =	sld [smem:$0x3FA8]  }
0x3d: {  	_ =	shalt  }
0x3e: {  	_ =	shalt  }
0x3f: {  	_ =	shalt  }
0x40: {  	_ =	shalt  }
0x41: {  	_ =	shalt  }
0x42: {  	_ =	shalt  }
0x43: {  	_ =	shalt  }
0x44: {  	_ =	shalt  }
0x45: {  	_ =	shalt  }
0x46: {  	_ =	shalt  }
0x47: {  	_ =	shalt  }
0x48: {  	_ =	shalt  }
0x49: {  	_ =	shalt  }
0x4a: {  	_ =	shalt  }
0x4b: {  	_ =	shalt  }
0x4c: {  	_ =	shalt  }
0x4d: {  	_ =	shalt  }
0x4e: {  	_ =	shalt  }
0x4f: {  	_ =	shalt  }
0x50: {  	_ =	shalt  }
0x51: {  	_ =	shalt  }
0x52: {  	_ =	shalt  }
0x53: {  	_ =	shalt  }
0x54: {  	_ =	shalt  }
0x55: {  	_ =	shalt  }
0x56: {  	_ =	shalt  }
0x57: {  	_ =	shalt  }
0x58: {  	_ =	shalt  }
0x59: {  	_ =	shalt  }
0x5a: {  	_ =	shalt  }
0x5b: {  	_ =	shalt  }
0x5c: {  	_ =	shalt  }
0x5d: {  	_ =	shalt  }
0x5e: {  	_ =	shalt  }
0x5f: {  	_ =	shalt  }
0x60: {  	_ =	shalt  }
0x61: {  	_ =	shalt  }
0x62: {  	_ =	shalt  }
0x63: {  	_ =	shalt  }
0x64: {  	_ =	shalt  }
0x65: {  	_ =	shalt  }
0x66: {  	_ =	shalt  }
0x67: {  	_ =	shalt  }
0x68: {  	_ =	shalt  }
0x69: {  	_ =	shalt  }
0x6a: {  	_ =	shalt  }
0x6b: {  	_ =	shalt  }
0x6c: {  	_ =	shalt  }
0x6d: {  	_ =	shalt  }
0x6e: {  	_ =	shalt  }
0x6f: {  	_ =	shalt  }
0x70: {  	_ =	shalt  }
0x71: {  	_ =	shalt  }
0x72: {  	_ =	shalt  }
0x73: {  	_ =	shalt  }
0x74: {  	_ =	shalt  }
0x75: {  	_ =	shalt  }
0x76: {  	_ =	shalt  }
0x77: {  	_ =	shalt  }
0x78: {  	_ =	shalt  }
0x79: {  	_ =	shalt  }
0x7a: {  	_ =	shalt  }
0x7b: {  	_ =	shalt  }
0x7c: {  	_ =	shalt  }
0x7d: {  	_ =	shalt  }
0x7e: {  	_ =	shalt  }
0x7f: {  	_ =	shalt  }
0x80: {  	_ =	shalt  }
0x81: {  	_ =	shalt  }
0x82: {  	_ =	shalt  }
0x83: {  	_ =	shalt  }
0x84: {  	_ =	shalt  }
0x85: {  	_ =	shalt  }
0x86: {  	_ =	shalt  }
0x87: {  	_ =	shalt  }
.Lfunc_end0:
.L_simem_size_0:
called_computation.3_lowered:
.L_overlay_start_0:
0x88: {  	s2 =	sld [smem:$0x3FD9]  }
0x89: {  	s3 =	sld [smem:$0x3FFE];
	_ =	sdelay $0x1  }
0x8a: {  	s1 =	srdreg.scid  }
0x8b: {  	s0 =	sand.u32 $0x1, s1  }
0x8c: {  	s17 =	sshll.u32 s0, $0xA;
	s2 =	sadd.s32 s3, s2  }
0x8d: {  	s2 =	sadd.s32 s2, s17  }
0x8e: {  	[smem:$0x3FB4] =	sst s2  }
0x8f: {  	_ = 	snop  }
0x90: {  	s2 =	sld [smem:$0x3FD0];
	(tm) =	ssettm $0x1  }
0x91: {  	s18 =	sld [smem:$0x3FFB];
	_ =	sdelay $0x3  }
0x92: {  	_ =	strace s18  }
0x93: {  	s3 =	sld [smem:$0x3FFC];
	_ =	sdelay $0x3  }
0x94: {  	_ =	strace s3  }
0x95: {  	s3 =	sld [smem:$0x3FFD];
	_ =	sdelay $0x3  }
0x96: {  	_ =	strace s3  }
0x97: {  	_ =	strace $0x8FFFFFFF  }
0x98: {  	s19 =	sld [smem:$0x3FDB];
	_ =	sdelay $0x1  }
0x99: {  	s4 =	simm.s32 $_scs_section_size  }
0x9a: {  	s5 =	simm.s32 $_size__tile_overlayer_lowered;
	s6 =	simm.s32 $_tile_overlayer_lowered  }
0x9b: {  	s22 =	simm.s32 $0x1BFF;
	s21 =	sshll.u32 s6, $0x1;
	s3 =	sadd.s32 s4, s19  }
0x9c: {  	s7 =	simm.s32 $0x0;
	s20 =	sshll.u32 s5, $0x1;
	s5 =	sadd.s32 s21, s3  }
0x9d: {  	[timem:s7], [sflag:s22] =	dma.local [hbm:s5], s20  }
0x9e: {  	_ =	swait.ge [sflag:s22], s20  }
0x9f: {  	s4 =	ssub.s32 $0x0, s20;
	[sflag:s22] =	ssyncset.done $0x0  }
0xa0: {  	[sflag:s22] =	ssyncadd.s32 s4;
	_ =	sdelay $0x1  }
0xa1: {  	s23 =	simm.s32 $0x1B8B  }
0xa2: {  	_ =	swait.ge [sflag:s23], $0x1  }
0xa3: {  	[sflag:s23] =	ssyncset.done $0x0  }
0xa4: {  	s25 =	simm.s32 $0x1B8E;
	s24 =	sld [smem:$0x3FFE];
	[sflag:s23] =	ssyncadd.s32 $0xFFFFFFFF  }
0xa5: {  	s26 =	simm.s32 $execute0_lowered;
	[smem:$0x3FD2] =	sst s25  }
0xa6: {  	s5 =	sshll.u32 s26, $0x1;
	_ =	strace $0x8000004F;
	[dreg:$0x1] =	wrdreg $0xFFFFFFFF  }
0xa7: {  	s28 =	simm.s32 $_size_execute0_lowered;
	s3 =	sadd.s32 s3, s5;
	[dreg:$0x0] =	wrdreg $0x0  }
0xa8: {  	s5 =	sshll.u32 s28, $0x1;
	[dreg:$0x2] =	wrdreg s3  }
0xa9: {  	[dreg:$0x3] =	wrdreg s5  }
0xaa: {  	[dreg:$0x4] =	wrdreg $0xC0  }
0xab: {  	_ =	task [dreg:s7], $0x5FFFF  }
0xac: {  	[dreg:$0x1] =	wrdreg $0xFFFFFFFF  }
0xad: {  	[dreg:$0x0] =	wrdreg $0x60  }
0xae: {  	[dreg:$0x2] =	wrdreg s24  }
0xaf: {  	[dreg:$0x3] =	wrdreg s2  }
0xb0: {  	[dreg:$0x4] =	wrdreg $0x0  }
0xb1: {  	[dreg:$0x5] =	wrdreg $0x9  }
0xb2: {  	_ =	task.clear_ibuf [dreg:s7], $0x6FFFF;
	_ =	strace $0x9000004F  }
0xb3: {  	s29 =	simm.s32 $0x9;
	_ =	strace $0x80000051  }
0xb4: {  	_ =	swait.ge [sflag:s29], $0x1  }
0xb5: {  	[sflag:s29] =	ssyncadd.s32 $0xFFFFFFFF  }
0xb6: {  	_ =	strace $0x90000051  }
0xb7: {  	_ =	sfence  }
0xb8: {  	s30 =	sld [smem:$0x0];
	_ =	sdelay $0x2  }
0xb9: {  	s31 =	sshll.u32 s1, $0xD;
	s1 =	sshrl.u32 s1, $0x2  }
0xba: {  	s3 =	sand.u32 $0x4000, s31;
	s1 =	sadd.s32 s1, s30  }
0xbb: {  	s0 =	sor.u32 s3, s0;
	s1 =	sshll.u32 s1, $0x11  }
0xbc: {  	s0 =	sor.u32 s1, s0  }
0xbd: {  	s0 =	sadd.s32 $0x8F2B, s0  }
0xbe: {  	[sflag:s0] =	ssyncadd.remote.s32 $0x1  }
0xbf: {  	_ =	sfence.sel $0xFFFF  }
0xc0: {  	[dreg:$0x0] =	wrdreg $0xFFFFFFFF;
	(pc) =	sbr.abs _section_cstart, $3  }
0xc1: {  	[dreg:$0x1] =	wrdreg $0xFFFFFFFF  }
0xc2: {  	_ =	task.clear_ibuf [dreg:s7], $0x2FFFF;
	_ =	strace $0x9FFFFFFF  }
0xc3: {  	(tm) =	ssettm $0x7FFFFFFF  }
tec
execute0_lowered:
.L_overlay_start_1:
0x0: {  	(tag) =	ssettag $0x1  }
0x1: {  	s0 =	rddreg [dreg:$0x0]  }
0x2: {  	s14 =	rddreg [dreg:$0x1]  }
0x3: {  	s2 =	rddreg [dreg:$0x2];
	s1 =	stileid.u32  }
0x4: {  	s3 =	simm.s32 $0x0;
	s4 =	srdreg.scid;
	s24 =	smul.u32 $0x2800, s1  }
0x5: {  	s28 =	simm.s32 $0x0;
	[smem:$0x7FF] =	sst s3;
	s9 =	smul.u32 $0x50000, s1  }
0x6: {  	s13 =	sadd.s32 $0xAA2A00, s0;
	s8 =	sand.u32 $0x1, s4;
	s12 =	smul.u32 $0xA4, s1  }
0x7: {  	s6 =	sshll.u32 s1, $0x1;
	s22 =	sshll.u32 s1, $0x6;
	s5 =	smul.u32 $0x28000, s8  }
0x8: {  	_ =	strace $0x80000050;
	s6 =	sor.u32 s8, s6;
	s26 =	smul.u32 $0x52, s8  }
0x9: {  	s7 =	ssub.s32 $0x2, s8;
	s18 =	sadd.s32 s24, s0;
	s10 =	smul.u32 $0x52, s6  }
0xa: {  	s19 =	sshrl.u32 s7, $0x1;
	s20 =	sshrl.u32 s9, $0x2;
	s21 =	smul.u32 $0xA40, s6  }
0xb: {  	s23 =	smul.u32 $0x29000, s6;
	s0 =	sadd.s32 s5, s0;
	s11 =	ssub.s32 s7, s19  }
0xc: {  	s15 =	sadd.s32 s20, s2;
	s4 =	sadd.s32 $0x12A00, s18;
	s5 =	sor.u32 $0x1C03, s22  }
0xd: {  	s12 =	sadd.s32 s26, s12;
	s18 =	simm.s32 $0x14200;
	s19 =	simm.s32 $0x14100  }
0xe: {  	s20 =	simm.s32 $0x18200;
	s22 =	simm.s32 $0x80;
	s26 =	simm.s32 $0x14180  }
0xf: {  	[dreg:$0x4] =	wrdreg s4;
	s25 =	sadd.s32 s14, s21;
	s7 =	sadd.s32 s13, s23  }
0x10: {  	s0 =	sadd.s32 $0x3AA00, s0;
	s8 =	smax.u32 s11, $0x1;
	s10 =	sadd.s32 $0x51, s10  }
0x11: {  	s30 =	sshll.u32 s12, $0xB;
	s16 =	sshll.u32 s12, $0x5;
	s12 =	sadd.s32 $0x2, s12  }
0x12: {  	s15 =	sshrl.u32 s15, $0x3;
	s21 =	simm.s32 $0x1;
	s23 =	simm.s32 $0x14080  }
0x13: {  	[dreg:$0x5] =	wrdreg s25;
	s29 =	sshll.u32 s10, $0x5;
	s10 =	sshll.u32 s10, $0xB  }
0x14: {  	s11 =	sadd.s32 s30, s13;
	s16 =	sadd.s32 s16, s14;
	s17 =	sshrl.u32 s12, $0x1  }
0x15: {  	s24 =	sadd.s32 s24, s0;
	s25 =	simm.s32 $0x2;
	s9 =	sadd.s32 s14, s29  }
0x16: {  	s10 =	sadd.s32 s13, s10;
	s11 =	sadd.s32 $0x800, s11;
	s12 =	sadd.s32 $0x20, s16  }
0x17: {  	s31 =	sshll.u32 s17, $0xC;
	s17 =	sshll.u32 s17, $0x6;
	s16 =	simm.s32 $0x3  }
0x18: {  	s13 =	sadd.s32 s31, s13;
	s14 =	sadd.s32 s17, s14;
	s17 =	simm.s32 $0x14000  }
.LBB2_1:
0x19: {  	s0 =	rddreg [dreg:$0x4]  }
0x1a: {  	[spmem:s15], [sflag:s5] =	dma.local [hbm:s0], $0x2800  }
0x1b: {  	_ =	swait.ge [sflag:s16], $0x2800  }
0x1c: {  	[sflag:s16] =	ssyncset.done $0x0  }
0x1d: {  	[sflag:s16] =	ssyncadd.s32 $0xFFFFD800  }
0x1e: {  	[bflag:$0x0] =	sbarrier.arrive $0xFFFF  }
0x1f: {  	s1 =	rddreg [dreg:$0x5]  }
0x20: {  	[tilespmem:s17], [sflag:$0x3] =	stream.linear.gather [hbm4b:s1+s3], $0x100, $0x38;
	[tilespmem:$0x1C200] =	vst v63  }
0x21: {  	_ =	swait.ge [sflag:s16], $0x100  }
0x22: {  	[sflag:s16] =	ssyncset.done $0x0  }
0x23: {  	[sflag:s16] =	ssyncadd.s32 $0xFFFFFF00  }
0x24: {  	[tilespmem:s18], [sflag:$0x1] =	stream.linear.gather [hbm4b:s7+s3], $0x4000, $0x38;
	[tilespmem:$0x1C200] =	vst v63  }
0x25: {  	s4 =	sadd.s32 $0x0, s12  }
0x26: {  	[tilespmem:s19], [sflag:$0x3] =	stream.linear.gather [hbm4b:s4+s3], $0x100, $0x38;
	[tilespmem:$0x1C200] =	vst v63  }
0x27: {  	_ =	swait.ge [sflag:s16], $0x100  }
0x28: {  	[sflag:s16] =	ssyncset.done $0x0  }
0x29: {  	[sflag:s16] =	ssyncadd.s32 $0xFFFFFF00  }
0x2a: {  	[tilespmem:s20], [sflag:$0x2] =	stream.linear.gather [hbm4b:s11+s3], $0x4000, $0x38;
	[tilespmem:$0x1C200] =	vst v63  }
0x2b: {  	_ =	swait.ge [sflag:s21], $0x4000  }
0x2c: {  	[sflag:s21] =	ssyncset.done $0x0  }
0x2d: {  	[sflag:s21] =	ssyncadd.s32 $0xFFFFC000  }
0x2e: {  	[spmem:s2] =	stream.indirect.scatter.add.f32 [tilespmem:s18], [sflag:$0x3], $0x80, s23, s22, $0xb8;
	[tilespmem:$0x1C200] =	vst v63  }
0x2f: {  	_ =	swait.ge [sflag:s16], $0x4000  }
0x30: {  	[sflag:s16] =	ssyncset.done $0x0  }
0x31: {  	s6 =	sadd.s32 $0x0, s14;
	[sflag:s16] =	ssyncadd.s32 $0xFFFFC000  }
0x32: {  	[tilespmem:s17], [sflag:$0x3] =	stream.linear.gather [hbm4b:s6+s3], $0x100, $0x38;
	[tilespmem:$0x1C200] =	vst v63  }
0x33: {  	_ =	swait.ge [sflag:s16], $0x100  }
0x34: {  	[sflag:s16] =	ssyncset.done $0x0  }
0x35: {  	[sflag:s16] =	ssyncadd.s32 $0xFFFFFF00  }
0x36: {  	[tilespmem:s18], [sflag:$0x1] =	stream.linear.gather [hbm4b:s13+s3], $0x4000, $0x38;
	[tilespmem:$0x1C200] =	vst v63  }
0x37: {  	_ =	swait.ge [sflag:s25], $0x4000  }
0x38: {  	[sflag:s25] =	ssyncset.done $0x0  }
0x39: {  	[sflag:s25] =	ssyncadd.s32 $0xFFFFC000  }
0x3a: {  	[spmem:s2] =	stream.indirect.scatter.add.f32 [tilespmem:s20], [sflag:$0x3], $0x80, s26, s22, $0xb8;
	[tilespmem:$0x1C200] =	vst v63  }
0x3b: {  	s30 =	simm.s32 $0x40;
	s31 =	sadd.s32 $0x1000, s11;
	_ =	swait.ge [sflag:s16], $0x4000  }
0x3c: {  	s29 =	sadd.s32 $0x1000, s13;
	s0 =	simm.s32 $0x80;
	[sflag:s16] =	ssyncset.done $0x0  }
.LBB2_2:
0x3d: {  	s1 =	sadd.s32 s30, s12  }
0x3e: {  	[sflag:s16] =	ssyncadd.s32 $0xFFFFC000;
	s4 =	smov.u32 s0;
	s6 =	sadd.s32 $0x40, s0  }
0x3f: {  	[tilespmem:s19], [sflag:$0x3] =	stream.linear.gather [hbm4b:s1+s3], $0x100, $0x38;
	[tilespmem:$0x1C200] =	vst v63  }
0x40: {  	p0 =	sne.s32 s0, $0x9C0;
	_ =	swait.ge [sflag:s16], $0x100  }
0x41: {  	[sflag:s16] =	ssyncset.done $0x0  }
0x42: {  	[sflag:s16] =	ssyncadd.s32 $0xFFFFFF00  }
0x43: {  	[tilespmem:s20], [sflag:$0x2] =	stream.linear.gather [hbm4b:s31+s3], $0x4000, $0x38;
	[tilespmem:$0x1C200] =	vst v63  }
0x44: {  	_ =	swait.ge [sflag:s21], $0x4000  }
0x45: {  	[sflag:s21] =	ssyncset.done $0x0  }
0x46: {  	[sflag:s21] =	ssyncadd.s32 $0xFFFFC000  }
0x47: {  	[spmem:s2] =	stream.indirect.scatter.add.f32 [tilespmem:s18], [sflag:$0x3], $0x80, s23, s22, $0xb8;
	[tilespmem:$0x1C200] =	vst v63  }
0x48: {  	_ =	swait.ge [sflag:s16], $0x4000  }
0x49: {  	[sflag:s16] =	ssyncset.done $0x0  }
0x4a: {  	s0 =	sadd.s32 s30, s14;
	s30 =	smov.u32 s4;
	[sflag:s16] =	ssyncadd.s32 $0xFFFFC000  }
0x4b: {  	[tilespmem:s17], [sflag:$0x3] =	stream.linear.gather [hbm4b:s0+s3], $0x100, $0x38;
	[tilespmem:$0x1C200] =	vst v63  }
0x4c: {  	_ =	swait.ge [sflag:s16], $0x100  }
0x4d: {  	[sflag:s16] =	ssyncset.done $0x0  }
0x4e: {  	[sflag:s16] =	ssyncadd.s32 $0xFFFFFF00  }
0x4f: {  	[tilespmem:s18], [sflag:$0x1] =	stream.linear.gather [hbm4b:s29+s3], $0x4000, $0x38;
	[tilespmem:$0x1C200] =	vst v63  }
0x50: {  	_ =	swait.ge [sflag:s25], $0x4000  }
.Ltmp0:
0x51: {  	[sflag:s25] =	ssyncset.done $0x0;
	(pc) =	sbr.rel @p0 .LBB2_2-.Ltmp0, $4  }
0x52: {  	[sflag:s25] =	ssyncadd.s32 $0xFFFFC000  }
0x53: {  	[spmem:s2] =	stream.indirect.scatter.add.f32 [tilespmem:s20], [sflag:$0x3], $0x80, s26, s22, $0xb8;
	[tilespmem:$0x1C200] =	vst v63  }
0x54: {  	s31 =	sadd.s32 $0x1000, s31;
	_ =	swait.ge [sflag:s16], $0x4000  }
0x55: {  	s0 =	smov.u32 s6;
	s29 =	sadd.s32 $0x1000, s29;
	[sflag:s16] =	ssyncset.done $0x0  }
0x56: {  	s0 =	sadd.s32 s30, s12;
	[sflag:s16] =	ssyncadd.s32 $0xFFFFC000  }
0x57: {  	[tilespmem:s19], [sflag:$0x3] =	stream.linear.gather [hbm4b:s0+s3], $0x100, $0x38;
	[tilespmem:$0x1C200] =	vst v63  }
0x58: {  	_ =	swait.ge [sflag:s16], $0x100  }
0x59: {  	[sflag:s16] =	ssyncset.done $0x0  }
0x5a: {  	[sflag:s16] =	ssyncadd.s32 $0xFFFFFF00  }
0x5b: {  	[tilespmem:s20], [sflag:$0x2] =	stream.linear.gather [hbm4b:s31+s3], $0x4000, $0x38;
	[tilespmem:$0x1C200] =	vst v63  }
0x5c: {  	_ =	swait.ge [sflag:s21], $0x4000  }
0x5d: {  	[sflag:s21] =	ssyncset.done $0x0  }
0x5e: {  	[sflag:s21] =	ssyncadd.s32 $0xFFFFC000  }
0x5f: {  	[spmem:s2] =	stream.indirect.scatter.add.f32 [tilespmem:s18], [sflag:$0x3], $0x80, s23, s22, $0xb8;
	[tilespmem:$0x1C200] =	vst v63  }
0x60: {  	_ =	swait.ge [sflag:s16], $0x4000  }
0x61: {  	[sflag:s16] =	ssyncset.done $0x0  }
0x62: {  	s31 =	sadd.s32 s30, s14;
	[sflag:s16] =	ssyncadd.s32 $0xFFFFC000  }
0x63: {  	[tilespmem:s17], [sflag:$0x3] =	stream.linear.gather [hbm4b:s31+s3], $0x100, $0x38;
	[tilespmem:$0x1C200] =	vst v63  }
0x64: {  	_ =	swait.ge [sflag:s16], $0x100  }
0x65: {  	[sflag:s16] =	ssyncset.done $0x0  }
0x66: {  	[sflag:s16] =	ssyncadd.s32 $0xFFFFFF00  }
0x67: {  	[tilespmem:s18], [sflag:$0x1] =	stream.linear.gather [hbm4b:s29+s3], $0x4000, $0x38;
	[tilespmem:$0x1C200] =	vst v63  }
0x68: {  	_ =	swait.ge [sflag:s25], $0x4000  }
0x69: {  	[sflag:s25] =	ssyncset.done $0x0  }
0x6a: {  	[sflag:s25] =	ssyncadd.s32 $0xFFFFC000  }
0x6b: {  	[spmem:s2] =	stream.indirect.scatter.add.f32 [tilespmem:s20], [sflag:$0x3], $0x80, s26, s22, $0xb8;
	[tilespmem:$0x1C200] =	vst v63  }
0x6c: {  	_ =	swait.ge [sflag:s16], $0x4000  }
0x6d: {  	[sflag:s16] =	ssyncset.done $0x0  }
0x6e: {  	[sflag:s16] =	ssyncadd.s32 $0xFFFFC000  }
0x6f: {  	[tilespmem:s19], [sflag:$0x3] =	stream.linear.gather [hbm4b:s9+s3], $0x100, $0x38;
	[tilespmem:$0x1C200] =	vst v63  }
0x70: {  	_ =	swait.ge [sflag:s16], $0x100  }
0x71: {  	[sflag:s16] =	ssyncset.done $0x0  }
0x72: {  	[sflag:s16] =	ssyncadd.s32 $0xFFFFFF00  }
0x73: {  	[tilespmem:s20], [sflag:$0x2] =	stream.linear.gather [hbm4b:s10+s3], $0x4000, $0x38;
	[tilespmem:$0x1C200] =	vst v63  }
0x74: {  	_ =	swait.ge [sflag:s21], $0x4000  }
0x75: {  	[sflag:s21] =	ssyncset.done $0x0  }
0x76: {  	[sflag:s21] =	ssyncadd.s32 $0xFFFFC000  }
0x77: {  	[spmem:s2] =	stream.indirect.scatter.add.f32 [tilespmem:s18], [sflag:$0x3], $0x80, s23, s22, $0xb8;
	[tilespmem:$0x1C200] =	vst v63  }
0x78: {  	_ =	swait.ge [sflag:s16], $0x4000  }
0x79: {  	[sflag:s16] =	ssyncset.done $0x0  }
0x7a: {  	[sflag:s16] =	ssyncadd.s32 $0xFFFFC000  }
0x7b: {  	_ =	swait.ge [sflag:s25], $0x4000  }
0x7c: {  	[sflag:s25] =	ssyncset.done $0x0  }
0x7d: {  	[sflag:s25] =	ssyncadd.s32 $0xFFFFC000  }
0x7e: {  	[spmem:s2] =	stream.indirect.scatter.add.f32 [tilespmem:s20], [sflag:$0x3], $0x80, s26, s22, $0xb8;
	[tilespmem:$0x1C200] =	vst v63  }
0x7f: {  	_ =	swait.ge [sflag:s16], $0x4000  }
0x80: {  	s28 =	sadd.s32 $0x1, s28;
	[sflag:s16] =	ssyncset.done $0x0  }
0x81: {  	p0 =	sne.s32 s28, s8;
	[sflag:s16] =	ssyncadd.s32 $0xFFFFC000  }
.Ltmp1:
0x82: {  	[bflag:$0x0] =	sbarrier.arrive $0xFFFF;
	(pc) =	sbr.rel @p0 .LBB2_1-.Ltmp1, $4  }
0x83: {  	[hbm:s24], [sflag:s5] =	dma.local [spmem:s15], $0x2800  }
0x84: {  	_ =	swait.ge [sflag:s16], $0x2800  }
0x85: {  	[sflag:s16] =	ssyncset.done $0x0  }
0x86: {  	[sflag:s16] =	ssyncadd.s32 $0xFFFFD800  }
0x87: {  	_ =	sfence.sel $0x180000  }
0x88: {  	[bflag:$0x0] =	sbarrier.arrive $0xFFFF  }
0x89: {  	_ =	strace $0x90000050  }
0x8a: {  	s0 =	stileid.u32;
	[bflag:$0x2] =	sbarrier.arrive $0xFFFF  }
0x8b: {  	p0 =	sne.s32 s0, $0x0;
	s0 =	rddreg [dreg:$0x3]  }
0x8c: {  	s0 =	sadd.s32 @!p0 $0x100000, s0  }
0x8d: {  	[sflag:s0] =	ssyncadd.tile.s32 @!p0 $0x1;
	_ =	shalt  }
.Lfunc_end2:
_tile_overlayer_lowered:
.L_overlay_start_2:
0x8e: {  	(tag) =	ssettag $0x2  }
0x8f: {  	s0 =	rddreg [dreg:$0x0];
	s2 =	stileid.u32  }
0x90: {  	s1 =	rddreg [dreg:$0x1];
	p0 =	sne.s32 s2, $0x0  }
0x91: {  	s3 =	rddreg [dreg:$0x2];
	[bflag:$0x3] =	sbarrier.arrive $0xFFFF;
	s2 =	simm.s32 @!p0 $0x1C03  }
0x92: {  	[timem:s3], [sflag:s2] =	dma.local @!p0 [hbm:s0], s1  }
0x93: {  	s0 =	simm.s32 @!p0 $0x3  }
0x94: {  	_ =	swait.ge @!p0 [sflag:s0], s1  }
0x95: {  	s1 =	ssub.s32 @!p0 $0x0, s1;
	[sflag:s0] =	ssyncset.done @!p0 $0x0  }
0x96: {  	[sflag:s0] =	ssyncadd.s32 @!p0 s1  }
0x97: {  	[bflag:$0x3] =	sbarrier.arrive $0xFFFF  }
0x98: {  	_ =	shalt  }

// kernel: kernel.42.cloned.1.call-start
scs
__scs_entry_jumppad:
0x0: {  	(pc) =	sbr.rel $0x88, $3  }
0x1: {  	(tag) =	ssettag $0x0;
	lr =	simm.s32 $0x1  }
0x2: {  	[smem:$0x3F8D] =	sst lr;
	_ =	strace $0xD0000000  }
0x3: {  	_ = 	snop  }
0x4: {  	_ = 	snop  }
0x5: {  	_ = 	snop  }
0x6: {  	_ = 	snop  }
0x7: {  	_ = 	snop  }
__scs_overlays_trampoline_lowered:
0x8: {  	[smem:$0x3F9C] =	sst s0  }
0x9: {  	[smem:$0x3F9D] =	sst s1  }
0xa: {  	[smem:$0x3F9E] =	sst s2  }
0xb: {  	[smem:$0x3F9F] =	sst s3  }
0xc: {  	[smem:$0x3FA0] =	sst s4  }
0xd: {  	[smem:$0x3FA1] =	sst s5  }
0xe: {  	[smem:$0x3FA2] =	sst s6  }
0xf: {  	[smem:$0x3FA3] =	sst s7  }
0x10: {  	[smem:$0x3FA4] =	sst s8  }
0x11: {  	[smem:$0x3FA5] =	sst s9;
	s0 =	simm.s32 @!p0 $0x0  }
0x12: {  	s1 =	sld [smem:$0x3F8B];
	s0 =	simm.s32 @p0 $0x1  }
0x13: {  	[smem:$0x3FA6] =	sst s0;
	s0 =	simm.s32 @!p1 $0x0  }
0x14: {  	s2 =	sld [smem:$0x3F8A];
	s0 =	simm.s32 @p1 $0x1  }
0x15: {  	[smem:$0x3FA7] =	sst s0;
	s0 =	simm.s32 @!p2 $0x0  }
0x16: {  	s3 =	sld [smem:$0x3FDB];
	s0 =	simm.s32 @p2 $0x1  }
0x17: {  	s4 =	simm.s32 $0x1BF5;
	[smem:$0x3FA9] =	sst s0  }
0x18: {  	s0 =	sld [smem:$0x3F8C];
	_ =	swait.ge [sflag:s4], $0x0  }
0x19: {  	s7 =	sld [smem:$0x3F8D]  }
0x1a: {  	s8 =	sadd.s32 $0xFFFFE003, lr  }
0x1b: {  	s9 =	sadd.s32 $0xFFFFFEF7, lr;
	s5 =	simm.s32 $0xFFFFFFFF;
	p2 =	slt.u32 s8, $0xFFFFF086  }
0x1c: {  	p1 =	slt.u32 s9, $0xF7A;
	s5 =	simm.s32 @!p2 $0x0  }
0x1d: {  	s5 =	simm.s32 @p1 $0x1;
	p0 =	seq.s32 s7, s2  }
0x1e: {  	s7 =	smul.u32 @!p0 $0xF7A, s2;
	p2 =	seq.s32 @!p0 s5, $0x0  }
0x1f: {  	s9 =	smul.u32 $0xF7A, s1;
	s8 =	simm.s32 @!p0 $0x1BF5;
	p2 =	por !p2, p0  }
0x20: {  	[sflag:s8] =	ssyncset.s32 @!p0 $0xFFFFF086;
	s6 =	sadd.s32 @!p0 s3, s7;
	s7 =	simm.s32 @!p0 $0x108  }
0x21: {  	s3 =	sadd.s32 s3, s9;
	s6 =	sadd.s32 @!p0 $0x88, s6;
	s7 =	simm.s32 @p2 $0x1082  }
0x22: {  	[simem:s7], [sflag:s8] =	dma.local @!p0 [hbm:s6], $0xF7A  }
0x23: {  	s9 =	sor.u32 $0xD0000000, s2;
	s6 =	simm.s32 $0x108;
	_ =	swait.ge @!p0 [sflag:s8], $0x0  }
0x24: {  	s3 =	sadd.s32 $0x88, s3;
	s6 =	simm.s32 @!p1 $0x1082;
	[sflag:s4] =	ssyncset.s32 $0xFFFFF086  }
0x25: {  	[simem:s6], [sflag:s4] =	dma.local [hbm:s3], $0xF7A  }
0x26: {  	[smem:$0x3F8D] =	sst s1;
	(tag) =	ssettag s2;
	_ =	strace s9  }
0x27: {  	s1 =	sld [smem:$0x3F9D]  }
0x28: {  	s2 =	sld [smem:$0x3F9E]  }
0x29: {  	s4 =	sld [smem:$0x3FA0]  }
0x2a: {  	p0 =	seq.s32 s5, $0x0;
	s5 =	sld [smem:$0x3FA1]  }
0x2b: {  	s6 =	sld [smem:$0x3FA2]  }
0x2c: {  	s7 =	sld [smem:$0x3FA3]  }
0x2d: {  	s3 =	simm.s32 $0x108;
	s8 =	sld [smem:$0x3FA4]  }
0x2e: {  	s3 =	simm.s32 @!p0 $0x1082;
	s9 =	sld [smem:$0x3FA5]  }
0x2f: {  	lr =	sadd.s32 s0, s3;
	s0 =	sld [smem:$0x3F9C]  }
0x30: {  	s3 =	sld [smem:$0x3F9F]  }
0x31: {  	[smem:$0x3FA8] =	sst s10  }
0x32: {  	s10 =	sld [smem:$0x3FA6];
	_ =	sdelay $0x3  }
0x33: {  	p0 =	seq.s32 s10, $0x1;
	s10 =	sld [smem:$0x3FA8];
	_ =	sdelay $0x3  }
0x34: {  	[smem:$0x3FA8] =	sst s10  }
0x35: {  	s10 =	sld [smem:$0x3FA7];
	_ =	sdelay $0x3  }
0x36: {  	p1 =	seq.s32 s10, $0x1;
	s10 =	sld [smem:$0x3FA8];
	_ =	sdelay $0x3  }
0x37: {  	[smem:$0x3FA8] =	sst s10  }
0x38: {  	s10 =	sld [smem:$0x3FA9]  }
0x39: {  	_ = 	snop;
	(pc) =	sbr.ind lr, $3  }
0x3a: {  	_ = 	snop  }
0x3b: {  	_ = 	snop  }
0x3c: {  	p2 =	seq.s32 s10, $0x1;
	s10 =	sld [smem:$0x3FA8]  }
0x3d: {  	_ =	shalt  }
0x3e: {  	_ =	shalt  }
0x3f: {  	_ =	shalt  }
0x40: {  	_ =	shalt  }
0x41: {  	_ =	shalt  }
0x42: {  	_ =	shalt  }
0x43: {  	_ =	shalt  }
0x44: {  	_ =	shalt  }
0x45: {  	_ =	shalt  }
0x46: {  	_ =	shalt  }
0x47: {  	_ =	shalt  }
0x48: {  	_ =	shalt  }
0x49: {  	_ =	shalt  }
0x4a: {  	_ =	shalt  }
0x4b: {  	_ =	shalt  }
0x4c: {  	_ =	shalt  }
0x4d: {  	_ =	shalt  }
0x4e: {  	_ =	shalt  }
0x4f: {  	_ =	shalt  }
0x50: {  	_ =	shalt  }
0x51: {  	_ =	shalt  }
0x52: {  	_ =	shalt  }
0x53: {  	_ =	shalt  }
0x54: {  	_ =	shalt  }
0x55: {  	_ =	shalt  }
0x56: {  	_ =	shalt  }
0x57: {  	_ =	shalt  }
0x58: {  	_ =	shalt  }
0x59: {  	_ =	shalt  }
0x5a: {  	_ =	shalt  }
0x5b: {  	_ =	shalt  }
0x5c: {  	_ =	shalt  }
0x5d: {  	_ =	shalt  }
0x5e: {  	_ =	shalt  }
0x5f: {  	_ =	shalt  }
0x60: {  	_ =	shalt  }
0x61: {  	_ =	shalt  }
0x62: {  	_ =	shalt  }
0x63: {  	_ =	shalt  }
0x64: {  	_ =	shalt  }
0x65: {  	_ =	shalt  }
0x66: {  	_ =	shalt  }
0x67: {  	_ =	shalt  }
0x68: {  	_ =	shalt  }
0x69: {  	_ =	shalt  }
0x6a: {  	_ =	shalt  }
0x6b: {  	_ =	shalt  }
0x6c: {  	_ =	shalt  }
0x6d: {  	_ =	shalt  }
0x6e: {  	_ =	shalt  }
0x6f: {  	_ =	shalt  }
0x70: {  	_ =	shalt  }
0x71: {  	_ =	shalt  }
0x72: {  	_ =	shalt  }
0x73: {  	_ =	shalt  }
0x74: {  	_ =	shalt  }
0x75: {  	_ =	shalt  }
0x76: {  	_ =	shalt  }
0x77: {  	_ =	shalt  }
0x78: {  	_ =	shalt  }
0x79: {  	_ =	shalt  }
0x7a: {  	_ =	shalt  }
0x7b: {  	_ =	shalt  }
0x7c: {  	_ =	shalt  }
0x7d: {  	_ =	shalt  }
0x7e: {  	_ =	shalt  }
0x7f: {  	_ =	shalt  }
0x80: {  	_ =	shalt  }
0x81: {  	_ =	shalt  }
0x82: {  	_ =	shalt  }
0x83: {  	_ =	shalt  }
0x84: {  	_ =	shalt  }
0x85: {  	_ =	shalt  }
0x86: {  	_ =	shalt  }
0x87: {  	_ =	shalt  }
.Lfunc_end0:
.L_simem_size_0:
called_computation.4_lowered:
.L_overlay_start_0:
0x88: {  	s2 =	sld [smem:$0x3FD9]  }
0x89: {  	s3 =	sld [smem:$0x3FFE];
	_ =	sdelay $0x1  }
0x8a: {  	s1 =	srdreg.scid  }
0x8b: {  	s0 =	sand.u32 $0x1, s1  }
0x8c: {  	s17 =	sshll.u32 s0, $0xA;
	s2 =	sadd.s32 s3, s2  }
0x8d: {  	s2 =	sadd.s32 s2, s17  }
0x8e: {  	[smem:$0x3FB4] =	sst s2  }
0x8f: {  	_ = 	snop  }
0x90: {  	s2 =	sld [smem:$0x3FD0];
	(tm) =	ssettm $0x1  }
0x91: {  	s18 =	sld [smem:$0x3FFB];
	_ =	sdelay $0x3  }
0x92: {  	_ =	strace s18  }
0x93: {  	s3 =	sld [smem:$0x3FFC];
	_ =	sdelay $0x3  }
0x94: {  	_ =	strace s3  }
0x95: {  	s3 =	sld [smem:$0x3FFD];
	_ =	sdelay $0x3  }
0x96: {  	_ =	strace s3  }
0x97: {  	_ =	strace $0x8FFFFFFF  }
0x98: {  	s19 =	sld [smem:$0x3FDB];
	_ =	sdelay $0x1  }
0x99: {  	s4 =	simm.s32 $_scs_section_size  }
0x9a: {  	s5 =	simm.s32 $_size__tile_overlayer_lowered;
	s6 =	simm.s32 $_tile_overlayer_lowered  }
0x9b: {  	s22 =	simm.s32 $0x1BFF;
	s21 =	sshll.u32 s6, $0x1;
	s3 =	sadd.s32 s4, s19  }
0x9c: {  	s7 =	simm.s32 $0x0;
	s20 =	sshll.u32 s5, $0x1;
	s5 =	sadd.s32 s21, s3  }
0x9d: {  	[timem:s7], [sflag:s22] =	dma.local [hbm:s5], s20  }
0x9e: {  	_ =	swait.ge [sflag:s22], s20  }
0x9f: {  	s4 =	ssub.s32 $0x0, s20;
	[sflag:s22] =	ssyncset.done $0x0  }
0xa0: {  	[sflag:s22] =	ssyncadd.s32 s4;
	_ =	sdelay $0x1  }
0xa1: {  	s23 =	simm.s32 $0x1B8B  }
0xa2: {  	_ =	swait.ge [sflag:s23], $0x1  }
0xa3: {  	[sflag:s23] =	ssyncset.done $0x0  }
0xa4: {  	s25 =	simm.s32 $0x1B8E;
	s24 =	sld [smem:$0x3FFE];
	[sflag:s23] =	ssyncadd.s32 $0xFFFFFFFF  }
0xa5: {  	s26 =	simm.s32 $execute0_lowered;
	[smem:$0x3FD2] =	sst s25  }
0xa6: {  	s5 =	sshll.u32 s26, $0x1;
	_ =	strace $0x80000052;
	[dreg:$0x1] =	wrdreg $0xFFFFFFFF  }
0xa7: {  	s28 =	simm.s32 $_size_execute0_lowered;
	s3 =	sadd.s32 s3, s5;
	[dreg:$0x0] =	wrdreg $0x0  }
0xa8: {  	s5 =	sshll.u32 s28, $0x1;
	[dreg:$0x2] =	wrdreg s3  }
0xa9: {  	[dreg:$0x3] =	wrdreg s5  }
0xaa: {  	[dreg:$0x4] =	wrdreg $0xC0  }
0xab: {  	_ =	task [dreg:s7], $0x5FFFF  }
0xac: {  	[dreg:$0x1] =	wrdreg $0xFFFFFFFF  }
0xad: {  	[dreg:$0x0] =	wrdreg $0x60  }
0xae: {  	[dreg:$0x2] =	wrdreg s24  }
0xaf: {  	[dreg:$0x3] =	wrdreg s2  }
0xb0: {  	[dreg:$0x4] =	wrdreg $0x9  }
0xb1: {  	_ =	task.clear_ibuf [dreg:s7], $0x5FFFF;
	_ =	strace $0x90000052  }
0xb2: {  	s29 =	simm.s32 $0x9;
	_ =	strace $0x80000054  }
0xb3: {  	_ =	swait.ge [sflag:s29], $0x1  }
0xb4: {  	[sflag:s29] =	ssyncadd.s32 $0xFFFFFFFF  }
0xb5: {  	_ =	strace $0x90000054  }
0xb6: {  	_ =	sfence  }
0xb7: {  	s30 =	sld [smem:$0x0];
	_ =	sdelay $0x2  }
0xb8: {  	s31 =	sshll.u32 s1, $0xD;
	s1 =	sshrl.u32 s1, $0x2  }
0xb9: {  	s3 =	sand.u32 $0x4000, s31;
	s1 =	sadd.s32 s1, s30  }
0xba: {  	s0 =	sor.u32 s3, s0;
	s1 =	sshll.u32 s1, $0x11  }
0xbb: {  	s0 =	sor.u32 s1, s0  }
0xbc: {  	s0 =	sadd.s32 $0x8F2B, s0  }
0xbd: {  	[sflag:s0] =	ssyncadd.remote.s32 $0x1  }
0xbe: {  	_ =	sfence.sel $0xFFFF  }
0xbf: {  	[dreg:$0x0] =	wrdreg $0xFFFFFFFF;
	(pc) =	sbr.abs _section_cstart, $3  }
0xc0: {  	[dreg:$0x1] =	wrdreg $0xFFFFFFFF  }
0xc1: {  	_ =	task.clear_ibuf [dreg:s7], $0x2FFFF;
	_ =	strace $0x9FFFFFFF  }
0xc2: {  	(tm) =	ssettm $0x7FFFFFFF  }
0xc3: {  	_ =	shalt  }
tec
execute0_lowered:
.L_overlay_start_1:
0x0: {  	(tag) =	ssettag $0x1  }
0x1: {  	s1 =	srdreg.scid;
	s5 =	rddreg [dreg:$0x0]  }
0x2: {  	s0 =	stileid.u32;
	s10 =	rddreg [dreg:$0x1];
	s2 =	simm.s32 $0x0  }
0x3: {  	s17 =	simm.s32 $0x8200;
	s18 =	simm.s32 $0x180;
	s19 =	simm.s32 $0xC200  }
0x4: {  	s20 =	simm.s32 $0x1;
	s21 =	simm.s32 $0x2;
	s8 =	smul.u32 $0x1480, s0  }
0x5: {  	s6 =	sand.u32 $0x1, s1;
	s22 =	sshll.u32 s0, $0x1;
	s12 =	smul.u32 $0x52000, s0  }
0x6: {  	[smem:$0x7FF] =	sst s2;
	s4 =	sadd.s32 $0x62A00, s5;
	s23 =	smul.u32 $0xA4, s0  }
0x7: {  	s13 =	sadd.s32 $0x5AAA00, s5;
	s16 =	sadd.s32 $0x8AA00, s5;
	s9 =	smul.u32 $0xA40, s6  }
0x8: {  	s3 =	sor.u32 s6, s22;
	_ =	strace $0x80000053;
	s15 =	smul.u32 $0x29000, s6  }
0x9: {  	s11 =	ssub.s32 $0x2, s6;
	s25 =	smul.u32 $0x52, s6;
	s22 =	simm.s32 $0x3  }
0xa: {  	s7 =	smul.u32 $0xA40, s3;
	s3 =	sadd.s32 $0x3AA00, s5;
	s14 =	sshrl.u32 s11, $0x1  }
0xb: {  	s24 =	sadd.s32 s8, s10;
	s26 =	sadd.s32 s12, s16;
	s29 =	sadd.s32 s12, s13  }
0xc: {  	s11 =	ssub.s32 s11, s14;
	s28 =	sadd.s32 s25, s23;
	s8 =	sadd.s32 s15, s29  }
0xd: {  	s14 =	simm.s32 $0x200;
	s23 =	simm.s32 $0x4;
	s5 =	sadd.s32 s10, s7  }
0xe: {  	s6 =	smax.u32 s11, $0x1;
	s7 =	sadd.s32 s9, s24;
	s9 =	sadd.s32 s15, s26  }
0xf: {  	s30 =	sshll.u32 s28, $0xB;
	s11 =	sshll.u32 s28, $0x5;
	s15 =	simm.s32 $0x4200  }
0x10: {  	s24 =	simm.s32 $0x0;
	s7 =	sadd.s32 $0x40, s7;
	[dreg:$0x3] =	wrdreg s9  }
0x11: {  	s31 =	sadd.s32 s30, s13;
	s12 =	sadd.s32 s30, s16;
	s11 =	sadd.s32 s11, s10  }
0x12: {  	s13 =	simm.s32 $0x80;
	s16 =	simm.s32 $0x100;
	s9 =	sadd.s32 $0x800, s31  }
0x13: {  	s10 =	sadd.s32 $0x800, s12;
	s11 =	sadd.s32 $0x20, s11;
	s12 =	simm.s32 $0x5  }
.LBB2_1:
0x14: {  	[tilespmem:s2], [sflag:$0x5] =	stream.linear.gather [hbm4b:s5+s2], $0x100, $0x38;
	[tilespmem:$0x10200] =	vst v63  }
0x15: {  	_ =	swait.ge [sflag:s12], $0x100  }
0x16: {  	[sflag:s12] =	ssyncset.done $0x0  }
0x17: {  	[sflag:s12] =	ssyncadd.s32 $0xFFFFFF00  }
0x18: {  	[tilespmem:s14], [sflag:$0x1] =	stream.indirect.gather [hbm4b:s3+s13], $0x80, s2, s13, $0xb8;
	[tilespmem:$0x10200] =	vst v63  }
0x19: {  	_ = 	snop  }
0x1a: {  	[tilespmem:s15], [sflag:$0x2] =	stream.indirect.gather [hbm4b:s4+s13], $0x80, s13, s13, $0xb8;
	[tilespmem:$0x10200] =	vst v63  }
0x1b: {  	_ = 	snop  }
0x1c: {  	[tilespmem:s16], [sflag:$0x5] =	stream.linear.gather [hbm4b:s11+s2], $0x100, $0x38;
	[tilespmem:$0x10200] =	vst v63  }
0x1d: {  	_ =	swait.ge [sflag:s12], $0x100  }
0x1e: {  	[sflag:s12] =	ssyncset.done $0x0  }
0x1f: {  	[sflag:s12] =	ssyncadd.s32 $0xFFFFFF00  }
0x20: {  	[tilespmem:s17], [sflag:$0x3] =	stream.indirect.gather [hbm4b:s3+s13], $0x80, s16, s13, $0xb8;
	[tilespmem:$0x10200] =	vst v63  }
0x21: {  	_ = 	snop  }
0x22: {  	[tilespmem:s19], [sflag:$0x4] =	stream.indirect.gather [hbm4b:s4+s13], $0x80, s18, s13, $0xb8;
	[tilespmem:$0x10200] =	vst v63  }
0x23: {  	_ =	swait.ge [sflag:s20], $0x4000  }
0x24: {  	[sflag:s20] =	ssyncset.done $0x0  }
0x25: {  	[sflag:s20] =	ssyncadd.s32 $0xFFFFC000  }
0x26: {  	_ =	swait.ge [sflag:s21], $0x4000  }
0x27: {  	[sflag:s21] =	ssyncset.done $0x0  }
0x28: {  	s25 =	sadd.s32 $0x0, s8;
	[sflag:s21] =	ssyncadd.s32 $0xFFFFC000  }
0x29: {  	[hbm4b:s25+s2] =	stream.linear.scatter [tilespmem:s14], [sflag:$0x5], $0x4000, $0x38;
	[tilespmem:$0x10200] =	vst v63  }
0x2a: {  	_ =	swait.ge [sflag:s12], $0x4000  }
0x2b: {  	s29 =	rddreg [dreg:$0x3];
	[sflag:s12] =	ssyncset.done $0x0  }
0x2c: {  	[sflag:s12] =	ssyncadd.s32 $0xFFFFC000;
	s25 =	sadd.s32 $0x0, s29  }
0x2d: {  	[hbm4b:s25+s2] =	stream.linear.scatter [tilespmem:s15], [sflag:$0x5], $0x4000, $0x38;
	[tilespmem:$0x10200] =	vst v63  }
0x2e: {  	_ =	swait.ge [sflag:s12], $0x4000  }
0x2f: {  	p0 =	por $0x0, $0x0;
	[sflag:s12] =	ssyncset.done $0x0  }
0x30: {  	s26 =	simm.s32 @!p0 $0x5;
	s25 =	simm.s32 @!p0 $0x0;
	[sflag:s12] =	ssyncadd.s32 $0xFFFFC000  }
0x31: {  	[tilespmem:s25], [sflag:$0x5] =	stream.linear.gather @!p0 [hbm4b:s7+s25], $0x100, $0x38;
	[tilespmem:$0x10200] =	vst v63  }
0x32: {  	_ =	swait.ge @!p0 [sflag:s26], $0x100  }
0x33: {  	[sflag:s26] =	ssyncset.done @!p0 $0x0  }
0x34: {  	s28 =	simm.s32 @!p0 $0x200;
	[sflag:s26] =	ssyncadd.s32 @!p0 $0xFFFFFF00;
	s26 =	simm.s32 @!p0 $0x80  }
0x35: {  	[tilespmem:s28], [sflag:$0x1] =	stream.indirect.gather @!p0 [hbm4b:s3+s26], $0x80, s25, s26, $0xb8;
	[tilespmem:$0x10200] =	vst v63  }
0x36: {  	s25 =	simm.s32 @!p0 $0x4200  }
0x37: {  	[tilespmem:s25], [sflag:$0x2] =	stream.indirect.gather @!p0 [hbm4b:s4+s26], $0x80, s26, s26, $0xb8;
	[tilespmem:$0x10200] =	vst v63  }
0x38: {  	_ =	swait.ge [sflag:s22], $0x4000  }
0x39: {  	[sflag:s22] =	ssyncset.done $0x0  }
0x3a: {  	[sflag:s22] =	ssyncadd.s32 $0xFFFFC000  }
0x3b: {  	_ =	swait.ge [sflag:s23], $0x4000  }
0x3c: {  	[sflag:s23] =	ssyncset.done $0x0  }
0x3d: {  	s30 =	sadd.s32 $0x0, s9;
	[sflag:s23] =	ssyncadd.s32 $0xFFFFC000  }
0x3e: {  	[hbm4b:s30+s2] =	stream.linear.scatter [tilespmem:s17], [sflag:$0x5], $0x4000, $0x38;
	[tilespmem:$0x10200] =	vst v63  }
0x3f: {  	_ =	swait.ge [sflag:s12], $0x4000  }
0x40: {  	[sflag:s12] =	ssyncset.done $0x0  }
0x41: {  	s31 =	sadd.s32 $0x0, s10;
	[sflag:s12] =	ssyncadd.s32 $0xFFFFC000  }
0x42: {  	[hbm4b:s31+s2] =	stream.linear.scatter [tilespmem:s19], [sflag:$0x5], $0x4000, $0x38;
	[tilespmem:$0x10200] =	vst v63  }
0x43: {  	s28 =	smov.u32 s7;
	_ =	swait.ge [sflag:s12], $0x4000  }
0x44: {  	s25 =	simm.s32 $0x1000;
	s26 =	sadd.s32 $0x40, s11;
	[sflag:s12] =	ssyncset.done $0x0  }
.LBB2_2:
0x45: {  	[sflag:s12] =	ssyncadd.s32 $0xFFFFC000  }
0x46: {  	[tilespmem:s16], [sflag:$0x5] =	stream.linear.gather [hbm4b:s26+s2], $0x100, $0x38;
	[tilespmem:$0x10200] =	vst v63  }
0x47: {  	_ =	swait.ge [sflag:s12], $0x100  }
0x48: {  	[sflag:s12] =	ssyncset.done $0x0  }
0x49: {  	[sflag:s12] =	ssyncadd.s32 $0xFFFFFF00  }
0x4a: {  	[tilespmem:s17], [sflag:$0x3] =	stream.indirect.gather [hbm4b:s3+s13], $0x80, s16, s13, $0xb8;
	[tilespmem:$0x10200] =	vst v63  }
0x4b: {  	_ = 	snop  }
0x4c: {  	[tilespmem:s19], [sflag:$0x4] =	stream.indirect.gather [hbm4b:s4+s13], $0x80, s18, s13, $0xb8;
	[tilespmem:$0x10200] =	vst v63  }
0x4d: {  	_ =	swait.ge [sflag:s20], $0x4000  }
0x4e: {  	[sflag:s20] =	ssyncset.done $0x0  }
0x4f: {  	[sflag:s20] =	ssyncadd.s32 $0xFFFFC000  }
0x50: {  	_ =	swait.ge [sflag:s21], $0x4000  }
0x51: {  	s29 =	smov.u32 s25;
	[sflag:s21] =	ssyncset.done $0x0  }
0x52: {  	s30 =	sadd.s32 s29, s8;
	[sflag:s21] =	ssyncadd.s32 $0xFFFFC000  }
0x53: {  	[hbm4b:s30+s2] =	stream.linear.scatter [tilespmem:s14], [sflag:$0x5], $0x4000, $0x38;
	[tilespmem:$0x10200] =	vst v63  }
0x54: {  	_ =	swait.ge [sflag:s12], $0x4000  }
0x55: {  	s1 =	rddreg [dreg:$0x3];
	[sflag:s12] =	ssyncset.done $0x0  }
0x56: {  	[sflag:s12] =	ssyncadd.s32 $0xFFFFC000;
	s30 =	sadd.s32 s29, s1  }
0x57: {  	[hbm4b:s30+s2] =	stream.linear.scatter [tilespmem:s15], [sflag:$0x5], $0x4000, $0x38;
	[tilespmem:$0x10200] =	vst v63  }
0x58: {  	_ =	swait.ge [sflag:s12], $0x4000  }
0x59: {  	s28 =	sadd.s32 $0x40, s28;
	p1 =	seq.s32 s29, $0x28000;
	[sflag:s12] =	ssyncset.done $0x0  }
0x5a: {  	s31 =	simm.s32 @!p1 $0x5;
	s30 =	simm.s32 @!p1 $0x0;
	[sflag:s12] =	ssyncadd.s32 $0xFFFFC000  }
0x5b: {  	[tilespmem:s30], [sflag:$0x5] =	stream.linear.gather @!p1 [hbm4b:s28+s30], $0x100, $0x38;
	[tilespmem:$0x10200] =	vst v63  }
0x5c: {  	_ =	swait.ge @!p1 [sflag:s31], $0x100  }
0x5d: {  	[sflag:s31] =	ssyncset.done @!p1 $0x0  }
0x5e: {  	s1 =	simm.s32 @!p1 $0x200;
	[sflag:s31] =	ssyncadd.s32 @!p1 $0xFFFFFF00;
	s31 =	simm.s32 @!p1 $0x80  }
0x5f: {  	[tilespmem:s1], [sflag:$0x1] =	stream.indirect.gather @!p1 [hbm4b:s3+s31], $0x80, s30, s31, $0xb8;
	[tilespmem:$0x10200] =	vst v63  }
0x60: {  	s1 =	simm.s32 @!p1 $0x4200  }
0x61: {  	[tilespmem:s1], [sflag:$0x2] =	stream.indirect.gather @!p1 [hbm4b:s4+s31], $0x80, s31, s31, $0xb8;
	[tilespmem:$0x10200] =	vst v63  }
0x62: {  	_ =	swait.ge [sflag:s22], $0x4000  }
0x63: {  	[sflag:s22] =	ssyncset.done $0x0  }
0x64: {  	[sflag:s22] =	ssyncadd.s32 $0xFFFFC000  }
0x65: {  	_ =	swait.ge [sflag:s23], $0x4000  }
0x66: {  	[sflag:s23] =	ssyncset.done $0x0  }
0x67: {  	s25 =	sadd.s32 $0x1000, s25;
	s30 =	sadd.s32 s29, s9;
	[sflag:s23] =	ssyncadd.s32 $0xFFFFC000  }
0x68: {  	[hbm4b:s30+s2] =	stream.linear.scatter [tilespmem:s17], [sflag:$0x5], $0x4000, $0x38;
	[tilespmem:$0x10200] =	vst v63  }
0x69: {  	p0 =	sne.s32 s25, $0x29000;
	_ =	swait.ge [sflag:s12], $0x4000  }
.Ltmp0:
0x6a: {  	[sflag:s12] =	ssyncset.done $0x0;
	(pc) =	sbr.rel @p0 .LBB2_2-.Ltmp0, $4  }
0x6b: {  	s31 =	sadd.s32 s29, s10;
	[sflag:s12] =	ssyncadd.s32 $0xFFFFC000  }
0x6c: {  	[hbm4b:s31+s2] =	stream.linear.scatter [tilespmem:s19], [sflag:$0x5], $0x4000, $0x38;
	[tilespmem:$0x10200] =	vst v63  }
0x6d: {  	_ =	swait.ge [sflag:s12], $0x4000  }
0x6e: {  	s26 =	sadd.s32 $0x40, s26;
	[sflag:s12] =	ssyncset.done $0x0  }
0x6f: {  	s24 =	sadd.s32 $0x1, s24  }
0x70: {  	p0 =	sne.s32 s24, s6  }
.Ltmp1:
0x71: {  	_ = 	snop;
	(pc) =	sbr.rel @p0 .LBB2_1-.Ltmp1, $2  }
0x72: {  	_ =	sdelay $0x2  }
0x73: {  	[sflag:s12] =	ssyncadd.s32 $0xFFFFC000  }
0x74: {  	_ =	sfence.sel $0x180000  }
0x75: {  	[bflag:$0x0] =	sbarrier.arrive $0xFFFF  }
0x76: {  	_ =	strace $0x90000053  }
0x77: {  	[bflag:$0x2] =	sbarrier.arrive $0xFFFF  }
0x78: {  	p0 =	sne.s32 s0, $0x0;
	s0 =	rddreg [dreg:$0x2]  }
0x79: {  	s0 =	sadd.s32 @!p0 $0x100000, s0  }
0x7a: {  	[sflag:s0] =	ssyncadd.tile.s32 @!p0 $0x1;
	_ =	shalt  }
.Lfunc_end2:
_tile_overlayer_lowered:
.L_overlay_start_2:
0x7b: {  	(tag) =	ssettag $0x2  }
0x7c: {  	s0 =	rddreg [dreg:$0x0];
	s2 =	stileid.u32  }
0x7d: {  	s1 =	rddreg [dreg:$0x1];
	p0 =	sne.s32 s2, $0x0  }
0x7e: {  	s3 =	rddreg [dreg:$0x2];
	[bflag:$0x3] =	sbarrier.arrive $0xFFFF;
	s2 =	simm.s32 @!p0 $0x1C05  }
0x7f: {  	[timem:s3], [sflag:s2] =	dma.local @!p0 [hbm:s0], s1  }
0x80: {  	s0 =	simm.s32 @!p0 $0x5  }
0x81: {  	_ =	swait.ge @!p0 [sflag:s0], s1  }
0x82: {  	s1 =	ssub.s32 @!p0 $0x0, s1;
	[sflag:s0] =	ssyncset.done @!p0 $0x0  }
0x83: {  	[sflag:s0] =	ssyncadd.s32 @!p0 s1  }
0x84: {  	[bflag:$0x3] =	sbarrier.arrive $0xFFFF  }
0x85: {  	_ =	shalt  }

// kernel: kernel.45.cloned.1.call-start
scs
__scs_entry_jumppad:
0x0: {  	(pc) =	sbr.rel $0x88, $3  }
0x1: {  	(tag) =	ssettag $0x0;
	lr =	simm.s32 $0x1  }
0x2: {  	[smem:$0x3F8D] =	sst lr;
	_ =	strace $0xD0000000  }
0x3: {  	_ = 	snop  }
0x4: {  	_ = 	snop  }
0x5: {  	_ = 	snop  }
0x6: {  	_ = 	snop  }
0x7: {  	_ = 	snop  }
__scs_overlays_trampoline_lowered:
0x8: {  	[smem:$0x3F9C] =	sst s0  }
0x9: {  	[smem:$0x3F9D] =	sst s1  }
0xa: {  	[smem:$0x3F9E] =	sst s2  }
0xb: {  	[smem:$0x3F9F] =	sst s3  }
0xc: {  	[smem:$0x3FA0] =	sst s4  }
0xd: {  	[smem:$0x3FA1] =	sst s5  }
0xe: {  	[smem:$0x3FA2] =	sst s6  }
0xf: {  	[smem:$0x3FA3] =	sst s7  }
0x10: {  	[smem:$0x3FA4] =	sst s8  }
0x11: {  	[smem:$0x3FA5] =	sst s9;
	s0 =	simm.s32 @!p0 $0x0  }
0x12: {  	s1 =	sld [smem:$0x3F8B];
	s0 =	simm.s32 @p0 $0x1  }
0x13: {  	[smem:$0x3FA6] =	sst s0;
	s0 =	simm.s32 @!p1 $0x0  }
0x14: {  	s2 =	sld [smem:$0x3F8A];
	s0 =	simm.s32 @p1 $0x1  }
0x15: {  	[smem:$0x3FA7] =	sst s0;
	s0 =	simm.s32 @!p2 $0x0  }
0x16: {  	s3 =	sld [smem:$0x3FDB];
	s0 =	simm.s32 @p2 $0x1  }
0x17: {  	s4 =	simm.s32 $0x1BF5;
	[smem:$0x3FA9] =	sst s0  }
0x18: {  	s0 =	sld [smem:$0x3F8C];
	_ =	swait.ge [sflag:s4], $0x0  }
0x19: {  	s7 =	sld [smem:$0x3F8D]  }
0x1a: {  	s8 =	sadd.s32 $0xFFFFE003, lr  }
0x1b: {  	s9 =	sadd.s32 $0xFFFFFEF7, lr;
	s5 =	simm.s32 $0xFFFFFFFF;
	p2 =	slt.u32 s8, $0xFFFFF086  }
0x1c: {  	p1 =	slt.u32 s9, $0xF7A;
	s5 =	simm.s32 @!p2 $0x0  }
0x1d: {  	s5 =	simm.s32 @p1 $0x1;
	p0 =	seq.s32 s7, s2  }
0x1e: {  	s7 =	smul.u32 @!p0 $0xF7A, s2;
	p2 =	seq.s32 @!p0 s5, $0x0  }
0x1f: {  	s9 =	smul.u32 $0xF7A, s1;
	s8 =	simm.s32 @!p0 $0x1BF5;
	p2 =	por !p2, p0  }
0x20: {  	[sflag:s8] =	ssyncset.s32 @!p0 $0xFFFFF086;
	s6 =	sadd.s32 @!p0 s3, s7;
	s7 =	simm.s32 @!p0 $0x108  }
0x21: {  	s3 =	sadd.s32 s3, s9;
	s6 =	sadd.s32 @!p0 $0x88, s6;
	s7 =	simm.s32 @p2 $0x1082  }
0x22: {  	[simem:s7], [sflag:s8] =	dma.local @!p0 [hbm:s6], $0xF7A  }
0x23: {  	s9 =	sor.u32 $0xD0000000, s2;
	s6 =	simm.s32 $0x108;
	_ =	swait.ge @!p0 [sflag:s8], $0x0  }
0x24: {  	s3 =	sadd.s32 $0x88, s3;
	s6 =	simm.s32 @!p1 $0x1082;
	[sflag:s4] =	ssyncset.s32 $0xFFFFF086  }
0x25: {  	[simem:s6], [sflag:s4] =	dma.local [hbm:s3], $0xF7A  }
0x26: {  	[smem:$0x3F8D] =	sst s1;
	(tag) =	ssettag s2;
	_ =	strace s9  }
0x27: {  	s1 =	sld [smem:$0x3F9D]  }
0x28: {  	s2 =	sld [smem:$0x3F9E]  }
0x29: {  	s4 =	sld [smem:$0x3FA0]  }
0x2a: {  	p0 =	seq.s32 s5, $0x0;
	s5 =	sld [smem:$0x3FA1]  }
0x2b: {  	s6 =	sld [smem:$0x3FA2]  }
0x2c: {  	s7 =	sld [smem:$0x3FA3]  }
0x2d: {  	s3 =	simm.s32 $0x108;
	s8 =	sld [smem:$0x3FA4]  }
0x2e: {  	s3 =	simm.s32 @!p0 $0x1082;
	s9 =	sld [smem:$0x3FA5]  }
0x2f: {  	lr =	sadd.s32 s0, s3;
	s0 =	sld [smem:$0x3F9C]  }
0x30: {  	s3 =	sld [smem:$0x3F9F]  }
0x31: {  	[smem:$0x3FA8] =	sst s10  }
0x32: {  	s10 =	sld [smem:$0x3FA6];
	_ =	sdelay $0x3  }
0x33: {  	p0 =	seq.s32 s10, $0x1;
	s10 =	sld [smem:$0x3FA8];
	_ =	sdelay $0x3  }
0x34: {  	[smem:$0x3FA8] =	sst s10  }
0x35: {  	s10 =	sld [smem:$0x3FA7];
	_ =	sdelay $0x3  }
0x36: {  	p1 =	seq.s32 s10, $0x1;
	s10 =	sld [smem:$0x3FA8];
	_ =	sdelay $0x3  }
0x37: {  	[smem:$0x3FA8] =	sst s10  }
0x38: {  	s10 =	sld [smem:$0x3FA9]  }
0x39: {  	_ = 	snop;
	(pc) =	sbr.ind lr, $3  }
0x3a: {  	_ = 	snop  }
0x3b: {  	_ = 	snop  }
0x3c: {  	p2 =	seq.s32 s10, $0x1;
	s10 =	sld [smem:$0x3FA8]  }
0x3d: {  	_ =	shalt  }
0x3e: {  	_ =	shalt  }
0x3f: {  	_ =	shalt  }
0x40: {  	_ =	shalt  }
0x41: {  	_ =	shalt  }
0x42: {  	_ =	shalt  }
0x43: {  	_ =	shalt  }
0x44: {  	_ =	shalt  }
0x45: {  	_ =	shalt  }
0x46: {  	_ =	shalt  }
0x47: {  	_ =	shalt  }
0x48: {  	_ =	shalt  }
0x49: {  	_ =	shalt  }
0x4a: {  	_ =	shalt  }
0x4b: {  	_ =	shalt  }
0x4c: {  	_ =	shalt  }
0x4d: {  	_ =	shalt  }
0x4e: {  	_ =	shalt  }
0x4f: {  	_ =	shalt  }
0x50: {  	_ =	shalt  }
0x51: {  	_ =	shalt  }
0x52: {  	_ =	shalt  }
0x53: {  	_ =	shalt  }
0x54: {  	_ =	shalt  }
0x55: {  	_ =	shalt  }
0x56: {  	_ =	shalt  }
0x57: {  	_ =	shalt  }
0x58: {  	_ =	shalt  }
0x59: {  	_ =	shalt  }
0x5a: {  	_ =	shalt  }
0x5b: {  	_ =	shalt  }
0x5c: {  	_ =	shalt  }
0x5d: {  	_ =	shalt  }
0x5e: {  	_ =	shalt  }
0x5f: {  	_ =	shalt  }
0x60: {  	_ =	shalt  }
0x61: {  	_ =	shalt  }
0x62: {  	_ =	shalt  }
0x63: {  	_ =	shalt  }
0x64: {  	_ =	shalt  }
0x65: {  	_ =	shalt  }
0x66: {  	_ =	shalt  }
0x67: {  	_ =	shalt  }
0x68: {  	_ =	shalt  }
0x69: {  	_ =	shalt  }
0x6a: {  	_ =	shalt  }
0x6b: {  	_ =	shalt  }
0x6c: {  	_ =	shalt  }
0x6d: {  	_ =	shalt  }
0x6e: {  	_ =	shalt  }
0x6f: {  	_ =	shalt  }
0x70: {  	_ =	shalt  }
0x71: {  	_ =	shalt  }
0x72: {  	_ =	shalt  }
0x73: {  	_ =	shalt  }
0x74: {  	_ =	shalt  }
0x75: {  	_ =	shalt  }
0x76: {  	_ =	shalt  }
0x77: {  	_ =	shalt  }
0x78: {  	_ =	shalt  }
0x79: {  	_ =	shalt  }
0x7a: {  	_ =	shalt  }
0x7b: {  	_ =	shalt  }
0x7c: {  	_ =	shalt  }
0x7d: {  	_ =	shalt  }
0x7e: {  	_ =	shalt  }
0x7f: {  	_ =	shalt  }
0x80: {  	_ =	shalt  }
0x81: {  	_ =	shalt  }
0x82: {  	_ =	shalt  }
0x83: {  	_ =	shalt  }
0x84: {  	_ =	shalt  }
0x85: {  	_ =	shalt  }
0x86: {  	_ =	shalt  }
0x87: {  	_ =	shalt  }
.Lfunc_end0:
.L_simem_size_0:
called_computation.5_lowered:
.L_overlay_start_0:
0x88: {  	s2 =	sld [smem:$0x3FD9]  }
0x89: {  	s3 =	sld [smem:$0x3FFE];
	_ =	sdelay $0x1  }
0x8a: {  	s1 =	srdreg.scid  }
0x8b: {  	s0 =	sand.u32 $0x1, s1  }
0x8c: {  	s16 =	sshll.u32 s0, $0xA;
	s2 =	sadd.s32 s3, s2  }
0x8d: {  	s2 =	sadd.s32 s2, s16  }
0x8e: {  	[smem:$0x3FB4] =	sst s2  }
0x8f: {  	_ = 	snop  }
0x90: {  	(tm) =	ssettm $0x1  }
0x91: {  	s17 =	sld [smem:$0x3FFB];
	_ =	sdelay $0x3  }
0x92: {  	_ =	strace s17  }
0x93: {  	s2 =	sld [smem:$0x3FFC];
	_ =	sdelay $0x3  }
0x94: {  	_ =	strace s2  }
0x95: {  	s2 =	sld [smem:$0x3FFD];
	_ =	sdelay $0x3  }
0x96: {  	_ =	strace s2  }
0x97: {  	_ =	strace $0x8FFFFFFF  }
0x98: {  	s18 =	sld [smem:$0x3FDB];
	_ =	sdelay $0x1  }
0x99: {  	s19 =	simm.s32 $_scs_section_size  }
0x9a: {  	s4 =	simm.s32 $_size__tile_overlayer_lowered;
	s5 =	simm.s32 $_tile_overlayer_lowered  }
0x9b: {  	s22 =	simm.s32 $0x1BFF;
	s21 =	sshll.u32 s5, $0x1;
	s2 =	sadd.s32 s19, s18  }
0x9c: {  	s6 =	simm.s32 $0x0;
	s20 =	sshll.u32 s4, $0x1;
	s4 =	sadd.s32 s21, s2  }
0x9d: {  	[timem:s6], [sflag:s22] =	dma.local [hbm:s4], s20  }
0x9e: {  	_ =	swait.ge [sflag:s22], s20  }
0x9f: {  	s3 =	ssub.s32 $0x0, s20;
	[sflag:s22] =	ssyncset.done $0x0  }
0xa0: {  	[sflag:s22] =	ssyncadd.s32 s3;
	_ =	sdelay $0x1  }
0xa1: {  	s23 =	simm.s32 $0x1B8B  }
0xa2: {  	_ =	swait.ge [sflag:s23], $0x1  }
0xa3: {  	[sflag:s23] =	ssyncset.done $0x0  }
0xa4: {  	s25 =	simm.s32 $0x1B8E;
	s24 =	sld [smem:$0x3FFE];
	[sflag:s23] =	ssyncadd.s32 $0xFFFFFFFF  }
0xa5: {  	s26 =	simm.s32 $execute0_lowered;
	[smem:$0x3FD2] =	sst s25  }
0xa6: {  	s4 =	sshll.u32 s26, $0x1;
	_ =	strace $0x80000055;
	[dreg:$0x1] =	wrdreg $0xFFFFFFFF  }
0xa7: {  	s28 =	simm.s32 $_size_execute0_lowered;
	s2 =	sadd.s32 s2, s4;
	[dreg:$0x0] =	wrdreg $0x0  }
0xa8: {  	s4 =	sshll.u32 s28, $0x1;
	[dreg:$0x2] =	wrdreg s2  }
0xa9: {  	[dreg:$0x3] =	wrdreg s4  }
0xaa: {  	[dreg:$0x4] =	wrdreg $0xC0  }
0xab: {  	_ =	task [dreg:s6], $0x5FFFF  }
0xac: {  	[dreg:$0x1] =	wrdreg $0xFFFFFFFF  }
0xad: {  	[dreg:$0x0] =	wrdreg $0x60  }
0xae: {  	[dreg:$0x2] =	wrdreg s24  }
0xaf: {  	[dreg:$0x3] =	wrdreg $0x9  }
0xb0: {  	_ =	task.clear_ibuf [dreg:s6], $0x4FFFF;
	_ =	strace $0x90000055  }
0xb1: {  	s29 =	simm.s32 $0x9;
	_ =	strace $0x80000057  }
0xb2: {  	_ =	swait.ge [sflag:s29], $0x1  }
0xb3: {  	[sflag:s29] =	ssyncadd.s32 $0xFFFFFFFF  }
0xb4: {  	_ =	strace $0x90000057  }
0xb5: {  	_ =	sfence  }
0xb6: {  	s30 =	sld [smem:$0x0];
	_ =	sdelay $0x2  }
0xb7: {  	s31 =	sshll.u32 s1, $0xD;
	s1 =	sshrl.u32 s1, $0x2  }
0xb8: {  	s3 =	sand.u32 $0x4000, s31;
	s1 =	sadd.s32 s1, s30  }
0xb9: {  	s0 =	sor.u32 s3, s0;
	s1 =	sshll.u32 s1, $0x11  }
0xba: {  	s0 =	sor.u32 s1, s0  }
0xbb: {  	s0 =	sadd.s32 $0x8F2B, s0  }
0xbc: {  	[sflag:s0] =	ssyncadd.remote.s32 $0x1  }
0xbd: {  	_ =	sfence.sel $0xFFFF  }
0xbe: {  	[dreg:$0x0] =	wrdreg $0xFFFFFFFF;
	(pc) =	sbr.abs _section_cstart, $3  }
0xbf: {  	[dreg:$0x1] =	wrdreg $0xFFFFFFFF  }
0xc0: {  	_ =	task.clear_ibuf [dreg:s6], $0x2FFFF;
	_ =	strace $0x9FFFFFFF  }
0xc1: {  	(tm) =	ssettm $0x7FFFFFFF  }
tec
execute0_lowered:
.L_overlay_start_1:
0x0: {  	(tag) =	ssettag $0x1  }
0x1: {  	s1 =	srdreg.scid;
	s0 =	stileid.u32  }
0x2: {  	s3 =	rddreg [dreg:$0x0];
	s9 =	simm.s32 $0x1;
	s10 =	simm.s32 $0x80  }
0x3: {  	s11 =	simm.s32 $0x400;
	s12 =	simm.s32 $0x2;
	s13 =	simm.s32 $0x0  }
0x4: {  	s4 =	sand.u32 $0x1, s1;
	s2 =	sshll.u32 s0, $0x1;
	s6 =	sshrl.u32 s0, $0x2  }
0x5: {  	s1 =	rddreg [dreg:$0x1];
	s5 =	sor.u32 s4, s2;
	s6 =	smul.u32 $0x50000, s6  }
0x6: {  	s2 =	simm.s32 $0x0;
	s4 =	ssub.s32 $0x2, s4;
	s8 =	smul.u32 $0x1480, s5  }
0x7: {  	s7 =	sshll.u32 s5, $0x7;
	[smem:$0x7FF] =	sst s2;
	s5 =	smul.u32 $0x520, s5  }
0x8: {  	s30 =	sshrl.u32 s4, $0x1;
	s7 =	sand.u32 $0x380, s7;
	_ =	strace $0x80000056  }
0x9: {  	s31 =	ssub.s32 s4, s30;
	s6 =	sor.u32 s6, s7;
	s29 =	sadd.s32 s8, s3  }
0xa: {  	s5 =	sadd.s32 s5, s3;
	s7 =	simm.s32 $0xA000;
	s6 =	sshrl.u32 s6, $0x3  }
0xb: {  	v2 =	vlaneseq.u32;
	s8 =	simm.s32 $0xC900;
	s4 =	sadd.s32 $0x55AC00, s29;
	s6 =	sadd.s32 s6, s3  }
0xc: {  	v0 =	vimm.f32 $0.0e+00;
	v1 =	vshrl.u32 v2, $0x2;
	v2 =	vand.u32 $0x3, v2;
	s3 =	sadd.s32 $0x8600, s5;
	s5 =	sadd.s32 $0x3AA00, s6;
	s6 =	smax.u32 s31, $0x1  }
.LBB2_1:
0xd: {  	[tilespmem:s7], [sflag:$0x1] =	stream.linear.gather [hbm4b:s3+s2], $0x2900, $0x38;
	[tilespmem:$0x16D00] =	vst v63  }
0xe: {  	s14 =	simm.s32 $0x40;
	s15 =	simm.s32 $0x0  }
0xf: {  	[tilespmem:s8], [sflag:$0x1] =	stream.linear.gather [hbm4b:s4+s2], $0xA400, $0x38;
	[tilespmem:$0x16D00] =	vst v63  }
.LBB2_2:
0x10: {  	p0 =	sne.s32 s14, $0x27FC0;
	[tilespmem:s15+$0x0] =	vst v0;
	s15 =	smov.u32 s14;
	s14 =	sadd.s32 $0x40, s14  }
.Ltmp0:
0x11: {  	(pc) =	sbr.rel @p0 .LBB2_2-.Ltmp0, $2  }
0x12: {  	_ =	sdelay $0x2  }
0x13: {  	s15 =	sshra.s32 s15, $0x2  }
0x14: {  	[tilespmem:s15+$0x0] =	vst v0  }
0x15: {  	s14 =	simm.s32 $0x0;
	_ =	swait.ge [sflag:s9], $0x2900  }
0x16: {  	v3 =	vor.u32 s14, v1;
	[sflag:s9] =	ssyncset.done $0x0  }
0x17: {  	[sflag:s9] =	ssyncadd.s32 $0xFFFFD700  }
0x18: {  	_ =	swait.ge [sflag:s9], $0xA400  }
0x19: {  	[sflag:s9] =	ssyncset.done $0x0  }
0x1a: {  	[sflag:s9] =	ssyncadd.s32 $0xFFFF5C00  }
0x1b: {  	v3 =	vld.idx.msk [tilespmem:v3+s7+$0x0], $0xffff;
	_ =	sdelay $0x4  }
0x1c: {  	s14 =	simm.s32 $0xC900;
	v4 =	vshll.u32 v3, $0x2  }
0x1d: {  	s31 =	simm.s32 $0x4;
	v3 =	vld [tilespmem:s14+$0x0];
	v4 =	vor.u32 v2, v4  }
0x1e: {  	s15 =	simm.s32 $0x8;
	v5 =	vor.u32 s31, v1  }
.LBB2_4:
0x1f: {  	p0 =	sne.s32 s15, $0x28FC;
	_ =	sdelay $0x2  }
0x20: {  	[tilespmem:v4+s2+$0x0] =	vst.idx.add.f32.msk $0xffff, v3  }
0x21: {  	v3 =	vld.idx.msk [tilespmem:v5+s7+$0x0], $0xffff;
	_ =	sdelay $0x3  }
.Ltmp1:
0x22: {  	(pc) =	sbr.rel @p0 .LBB2_4-.Ltmp1, $4  }
0x23: {  	_ = 	snop  }
0x24: {  	s14 =	sadd.s32 $0x10, s14;
	v4 =	vshll.u32 v3, $0x2  }
0x25: {  	v4 =	vor.u32 v2, v4;
	v3 =	vld [tilespmem:s14+$0x0]  }
0x26: {  	v5 =	vor.u32 s15, v1;
	s15 =	sadd.s32 $0x4, s15  }
0x27: {  	_ =	sdelay $0x3  }
0x28: {  	[tilespmem:v4+s2+$0x0] =	vst.idx.add.f32.msk $0xffff, v3  }
0x29: {  	v3 =	vld.idx.msk [tilespmem:v5+s7+$0x0], $0xffff;
	_ =	sdelay $0x4  }
0x2a: {  	s14 =	sadd.s32 $0x10, s14;
	v3 =	vshll.u32 v3, $0x2  }
0x2b: {  	v4 =	vld [tilespmem:s14+$0x0];
	v3 =	vor.u32 v2, v3;
	_ =	sdelay $0x2  }
0x2c: {  	s13 =	sadd.s32 $0x1, s13  }
0x2d: {  	p0 =	sne.s32 s13, s6  }
.Ltmp2:
0x2e: {  	[tilespmem:v3+s2+$0x0] =	vst.idx.add.f32.msk $0xffff, v4;
	(pc) =	sbr.rel @p0 .LBB2_1-.Ltmp2, $4  }
0x2f: {  	[hbm4b:s5+s10] =	stream.strided.scatter [tilespmem:s2], [sflag:$0x2], $0xA000, s11, s10, $0x38;
	[tilespmem:$0x16D00] =	vst v63  }
0x30: {  	_ =	swait.ge [sflag:s12], $0xA000  }
0x31: {  	[sflag:s12] =	ssyncset.done $0x0  }
0x32: {  	[sflag:s12] =	ssyncadd.s32 $0xFFFF6000  }
0x33: {  	_ =	sfence.sel $0x180000  }
0x34: {  	[bflag:$0x0] =	sbarrier.arrive $0xFFFF  }
0x35: {  	p0 =	sne.s32 s0, $0x0;
	_ =	strace $0x90000056  }
0x36: {  	s0 =	sadd.s32 @!p0 $0x100000, s1;
	[bflag:$0x2] =	sbarrier.arrive $0xFFFF  }
0x37: {  	[sflag:s0] =	ssyncadd.tile.s32 @!p0 $0x1;
	_ =	shalt  }
.Lfunc_end2:
_tile_overlayer_lowered:
.L_overlay_start_2:
0x38: {  	(tag) =	ssettag $0x2  }
0x39: {  	s0 =	rddreg [dreg:$0x0];
	s2 =	stileid.u32  }
0x3a: {  	s1 =	rddreg [dreg:$0x1];
	p0 =	sne.s32 s2, $0x0  }
0x3b: {  	s3 =	rddreg [dreg:$0x2];
	[bflag:$0x3] =	sbarrier.arrive $0xFFFF;
	s2 =	simm.s32 @!p0 $0x1C02  }
0x3c: {  	[timem:s3], [sflag:s2] =	dma.local @!p0 [hbm:s0], s1  }
0x3d: {  	s0 =	simm.s32 @!p0 $0x2  }
0x3e: {  	_ =	swait.ge @!p0 [sflag:s0], s1  }
0x3f: {  	s1 =	ssub.s32 @!p0 $0x0, s1;
	[sflag:s0] =	ssyncset.done @!p0 $0x0  }
0x40: {  	[sflag:s0] =	ssyncadd.s32 @!p0 s1  }
0x41: {  	[bflag:$0x3] =	sbarrier.arrive $0xFFFF  }
0x42: {  	_ =	shalt  }

// kernel: kernel.48.cloned.1.call-start
scs
__scs_entry_jumppad:
0x0: {  	(pc) =	sbr.rel $0x88, $3  }
0x1: {  	(tag) =	ssettag $0x0;
	lr =	simm.s32 $0x1  }
0x2: {  	[smem:$0x3F8D] =	sst lr;
	_ =	strace $0xD0000000  }
0x3: {  	_ = 	snop  }
0x4: {  	_ = 	snop  }
0x5: {  	_ = 	snop  }
0x6: {  	_ = 	snop  }
0x7: {  	_ = 	snop  }
__scs_overlays_trampoline_lowered:
0x8: {  	[smem:$0x3F9C] =	sst s0  }
0x9: {  	[smem:$0x3F9D] =	sst s1  }
0xa: {  	[smem:$0x3F9E] =	sst s2  }
0xb: {  	[smem:$0x3F9F] =	sst s3  }
0xc: {  	[smem:$0x3FA0] =	sst s4  }
0xd: {  	[smem:$0x3FA1] =	sst s5  }
0xe: {  	[smem:$0x3FA2] =	sst s6  }
0xf: {  	[smem:$0x3FA3] =	sst s7  }
0x10: {  	[smem:$0x3FA4] =	sst s8  }
0x11: {  	[smem:$0x3FA5] =	sst s9;
	s0 =	simm.s32 @!p0 $0x0  }
0x12: {  	s1 =	sld [smem:$0x3F8B];
	s0 =	simm.s32 @p0 $0x1  }
0x13: {  	[smem:$0x3FA6] =	sst s0;
	s0 =	simm.s32 @!p1 $0x0  }
0x14: {  	s2 =	sld [smem:$0x3F8A];
	s0 =	simm.s32 @p1 $0x1  }
0x15: {  	[smem:$0x3FA7] =	sst s0;
	s0 =	simm.s32 @!p2 $0x0  }
0x16: {  	s3 =	sld [smem:$0x3FDB];
	s0 =	simm.s32 @p2 $0x1  }
0x17: {  	s4 =	simm.s32 $0x1BF5;
	[smem:$0x3FA9] =	sst s0  }
0x18: {  	s0 =	sld [smem:$0x3F8C];
	_ =	swait.ge [sflag:s4], $0x0  }
0x19: {  	s7 =	sld [smem:$0x3F8D]  }
0x1a: {  	s8 =	sadd.s32 $0xFFFFE003, lr  }
0x1b: {  	s9 =	sadd.s32 $0xFFFFFEF7, lr;
	s5 =	simm.s32 $0xFFFFFFFF;
	p2 =	slt.u32 s8, $0xFFFFF086  }
0x1c: {  	p1 =	slt.u32 s9, $0xF7A;
	s5 =	simm.s32 @!p2 $0x0  }
0x1d: {  	s5 =	simm.s32 @p1 $0x1;
	p0 =	seq.s32 s7, s2  }
0x1e: {  	s7 =	smul.u32 @!p0 $0xF7A, s2;
	p2 =	seq.s32 @!p0 s5, $0x0  }
0x1f: {  	s9 =	smul.u32 $0xF7A, s1;
	s8 =	simm.s32 @!p0 $0x1BF5;
	p2 =	por !p2, p0  }
0x20: {  	[sflag:s8] =	ssyncset.s32 @!p0 $0xFFFFF086;
	s6 =	sadd.s32 @!p0 s3, s7;
	s7 =	simm.s32 @!p0 $0x108  }
0x21: {  	s3 =	sadd.s32 s3, s9;
	s6 =	sadd.s32 @!p0 $0x88, s6;
	s7 =	simm.s32 @p2 $0x1082  }
0x22: {  	[simem:s7], [sflag:s8] =	dma.local @!p0 [hbm:s6], $0xF7A  }
0x23: {  	s9 =	sor.u32 $0xD0000000, s2;
	s6 =	simm.s32 $0x108;
	_ =	swait.ge @!p0 [sflag:s8], $0x0  }
0x24: {  	s3 =	sadd.s32 $0x88, s3;
	s6 =	simm.s32 @!p1 $0x1082;
	[sflag:s4] =	ssyncset.s32 $0xFFFFF086  }
0x25: {  	[simem:s6], [sflag:s4] =	dma.local [hbm:s3], $0xF7A  }
0x26: {  	[smem:$0x3F8D] =	sst s1;
	(tag) =	ssettag s2;
	_ =	strace s9  }
0x27: {  	s1 =	sld [smem:$0x3F9D]  }
0x28: {  	s2 =	sld [smem:$0x3F9E]  }
0x29: {  	s4 =	sld [smem:$0x3FA0]  }
0x2a: {  	p0 =	seq.s32 s5, $0x0;
	s5 =	sld [smem:$0x3FA1]  }
0x2b: {  	s6 =	sld [smem:$0x3FA2]  }
0x2c: {  	s7 =	sld [smem:$0x3FA3]  }
0x2d: {  	s3 =	simm.s32 $0x108;
	s8 =	sld [smem:$0x3FA4]  }
0x2e: {  	s3 =	simm.s32 @!p0 $0x1082;
	s9 =	sld [smem:$0x3FA5]  }
0x2f: {  	lr =	sadd.s32 s0, s3;
	s0 =	sld [smem:$0x3F9C]  }
0x30: {  	s3 =	sld [smem:$0x3F9F]  }
0x31: {  	[smem:$0x3FA8] =	sst s10  }
0x32: {  	s10 =	sld [smem:$0x3FA6];
	_ =	sdelay $0x3  }
0x33: {  	p0 =	seq.s32 s10, $0x1;
	s10 =	sld [smem:$0x3FA8];
	_ =	sdelay $0x3  }
0x34: {  	[smem:$0x3FA8] =	sst s10  }
0x35: {  	s10 =	sld [smem:$0x3FA7];
	_ =	sdelay $0x3  }
0x36: {  	p1 =	seq.s32 s10, $0x1;
	s10 =	sld [smem:$0x3FA8];
	_ =	sdelay $0x3  }
0x37: {  	[smem:$0x3FA8] =	sst s10  }
0x38: {  	s10 =	sld [smem:$0x3FA9]  }
0x39: {  	_ = 	snop;
	(pc) =	sbr.ind lr, $3  }
0x3a: {  	_ = 	snop  }
0x3b: {  	_ = 	snop  }
0x3c: {  	p2 =	seq.s32 s10, $0x1;
	s10 =	sld [smem:$0x3FA8]  }
0x3d: {  	_ =	shalt  }
0x3e: {  	_ =	shalt  }
0x3f: {  	_ =	shalt  }
0x40: {  	_ =	shalt  }
0x41: {  	_ =	shalt  }
0x42: {  	_ =	shalt  }
0x43: {  	_ =	shalt  }
0x44: {  	_ =	shalt  }
0x45: {  	_ =	shalt  }
0x46: {  	_ =	shalt  }
0x47: {  	_ =	shalt  }
0x48: {  	_ =	shalt  }
0x49: {  	_ =	shalt  }
0x4a: {  	_ =	shalt  }
0x4b: {  	_ =	shalt  }
0x4c: {  	_ =	shalt  }
0x4d: {  	_ =	shalt  }
0x4e: {  	_ =	shalt  }
0x4f: {  	_ =	shalt  }
0x50: {  	_ =	shalt  }
0x51: {  	_ =	shalt  }
0x52: {  	_ =	shalt  }
0x53: {  	_ =	shalt  }
0x54: {  	_ =	shalt  }
0x55: {  	_ =	shalt  }
0x56: {  	_ =	shalt  }
0x57: {  	_ =	shalt  }
0x58: {  	_ =	shalt  }
0x59: {  	_ =	shalt  }
0x5a: {  	_ =	shalt  }
0x5b: {  	_ =	shalt  }
0x5c: {  	_ =	shalt  }
0x5d: {  	_ =	shalt  }
0x5e: {  	_ =	shalt  }
0x5f: {  	_ =	shalt  }
0x60: {  	_ =	shalt  }
0x61: {  	_ =	shalt  }
0x62: {  	_ =	shalt  }
0x63: {  	_ =	shalt  }
0x64: {  	_ =	shalt  }
0x65: {  	_ =	shalt  }
0x66: {  	_ =	shalt  }
0x67: {  	_ =	shalt  }
0x68: {  	_ =	shalt  }
0x69: {  	_ =	shalt  }
0x6a: {  	_ =	shalt  }
0x6b: {  	_ =	shalt  }
0x6c: {  	_ =	shalt  }
0x6d: {  	_ =	shalt  }
0x6e: {  	_ =	shalt  }
0x6f: {  	_ =	shalt  }
0x70: {  	_ =	shalt  }
0x71: {  	_ =	shalt  }
0x72: {  	_ =	shalt  }
0x73: {  	_ =	shalt  }
0x74: {  	_ =	shalt  }
0x75: {  	_ =	shalt  }
0x76: {  	_ =	shalt  }
0x77: {  	_ =	shalt  }
0x78: {  	_ =	shalt  }
0x79: {  	_ =	shalt  }
0x7a: {  	_ =	shalt  }
0x7b: {  	_ =	shalt  }
0x7c: {  	_ =	shalt  }
0x7d: {  	_ =	shalt  }
0x7e: {  	_ =	shalt  }
0x7f: {  	_ =	shalt  }
0x80: {  	_ =	shalt  }
0x81: {  	_ =	shalt  }
0x82: {  	_ =	shalt  }
0x83: {  	_ =	shalt  }
0x84: {  	_ =	shalt  }
0x85: {  	_ =	shalt  }
0x86: {  	_ =	shalt  }
0x87: {  	_ =	shalt  }
.Lfunc_end0:
.L_simem_size_0:
called_computation.6_lowered:
.L_overlay_start_0:
0x88: {  	s2 =	sld [smem:$0x3FD9]  }
0x89: {  	s3 =	sld [smem:$0x3FFE];
	_ =	sdelay $0x1  }
0x8a: {  	s1 =	srdreg.scid  }
0x8b: {  	s0 =	sand.u32 $0x1, s1  }
0x8c: {  	s16 =	sshll.u32 s0, $0xA;
	s2 =	sadd.s32 s3, s2  }
0x8d: {  	s2 =	sadd.s32 s2, s16  }
0x8e: {  	[smem:$0x3FB4] =	sst s2  }
0x8f: {  	_ = 	snop  }
0x90: {  	(tm) =	ssettm $0x1  }
0x91: {  	s17 =	sld [smem:$0x3FFB];
	_ =	sdelay $0x3  }
0x92: {  	_ =	strace s17  }
0x93: {  	s2 =	sld [smem:$0x3FFC];
	_ =	sdelay $0x3  }
0x94: {  	_ =	strace s2  }
0x95: {  	s2 =	sld [smem:$0x3FFD];
	_ =	sdelay $0x3  }
0x96: {  	_ =	strace s2  }
0x97: {  	_ =	strace $0x8FFFFFFF  }
0x98: {  	s18 =	sld [smem:$0x3FDB];
	_ =	sdelay $0x1  }
0x99: {  	s19 =	simm.s32 $_scs_section_size  }
0x9a: {  	s4 =	simm.s32 $_size__tile_overlayer_lowered;
	s5 =	simm.s32 $_tile_overlayer_lowered  }
0x9b: {  	s22 =	simm.s32 $0x1BFF;
	s21 =	sshll.u32 s5, $0x1;
	s2 =	sadd.s32 s19, s18  }
0x9c: {  	s6 =	simm.s32 $0x0;
	s20 =	sshll.u32 s4, $0x1;
	s4 =	sadd.s32 s21, s2  }
0x9d: {  	[timem:s6], [sflag:s22] =	dma.local [hbm:s4], s20  }
0x9e: {  	_ =	swait.ge [sflag:s22], s20  }
0x9f: {  	s3 =	ssub.s32 $0x0, s20;
	[sflag:s22] =	ssyncset.done $0x0  }
0xa0: {  	[sflag:s22] =	ssyncadd.s32 s3;
	_ =	sdelay $0x1  }
0xa1: {  	s23 =	simm.s32 $0x1B8B  }
0xa2: {  	_ =	swait.ge [sflag:s23], $0x1  }
0xa3: {  	[sflag:s23] =	ssyncset.done $0x0  }
0xa4: {  	s25 =	simm.s32 $0x1B8E;
	s24 =	sld [smem:$0x3FFE];
	[sflag:s23] =	ssyncadd.s32 $0xFFFFFFFF  }
0xa5: {  	s26 =	simm.s32 $execute0_lowered;
	[smem:$0x3FD2] =	sst s25  }
0xa6: {  	s4 =	sshll.u32 s26, $0x1;
	_ =	strace $0x80000058;
	[dreg:$0x1] =	wrdreg $0xFFFFFFFF  }
0xa7: {  	s28 =	simm.s32 $_size_execute0_lowered;
	s2 =	sadd.s32 s2, s4;
	[dreg:$0x0] =	wrdreg $0x0  }
0xa8: {  	s4 =	sshll.u32 s28, $0x1;
	[dreg:$0x2] =	wrdreg s2  }
0xa9: {  	[dreg:$0x3] =	wrdreg s4  }
0xaa: {  	[dreg:$0x4] =	wrdreg $0xC0  }
0xab: {  	_ =	task [dreg:s6], $0x5FFFF  }
0xac: {  	[dreg:$0x1] =	wrdreg $0xFFFFFFFF  }
0xad: {  	[dreg:$0x0] =	wrdreg $0x60  }
0xae: {  	[dreg:$0x2] =	wrdreg s24  }
0xaf: {  	[dreg:$0x3] =	wrdreg $0x9  }
0xb0: {  	_ =	task.clear_ibuf [dreg:s6], $0x4FFFF;
	_ =	strace $0x90000058  }
0xb1: {  	s29 =	simm.s32 $0x9;
	_ =	strace $0x8000005A  }
0xb2: {  	_ =	swait.ge [sflag:s29], $0x1  }
0xb3: {  	[sflag:s29] =	ssyncadd.s32 $0xFFFFFFFF  }
0xb4: {  	_ =	strace $0x9000005A  }
0xb5: {  	_ =	sfence  }
0xb6: {  	s30 =	sld [smem:$0x0];
	_ =	sdelay $0x2  }
0xb7: {  	s31 =	sshll.u32 s1, $0xD;
	s1 =	sshrl.u32 s1, $0x2  }
0xb8: {  	s3 =	sand.u32 $0x4000, s31;
	s1 =	sadd.s32 s1, s30  }
0xb9: {  	s0 =	sor.u32 s3, s0;
	s1 =	sshll.u32 s1, $0x11  }
0xba: {  	s0 =	sor.u32 s1, s0  }
0xbb: {  	s0 =	sadd.s32 $0x8F2B, s0  }
0xbc: {  	[sflag:s0] =	ssyncadd.remote.s32 $0x1  }
0xbd: {  	_ =	sfence.sel $0xFFFF  }
0xbe: {  	[dreg:$0x0] =	wrdreg $0xFFFFFFFF;
	(pc) =	sbr.abs _section_cstart, $3  }
0xbf: {  	[dreg:$0x1] =	wrdreg $0xFFFFFFFF  }
0xc0: {  	_ =	task.clear_ibuf [dreg:s6], $0x2FFFF;
	_ =	strace $0x9FFFFFFF  }
0xc1: {  	(tm) =	ssettm $0x7FFFFFFF  }
tec
execute0_lowered:
.L_overlay_start_1:
0x0: {  	(tag) =	ssettag $0x1  }
0x1: {  	s1 =	srdreg.scid  }
0x2: {  	s0 =	stileid.u32;
	s4 =	rddreg [dreg:$0x0]  }
0x3: {  	s2 =	simm.s32 $0x0;
	s10 =	simm.s32 $0x1;
	s11 =	simm.s32 $0xC900  }
0x4: {  	s3 =	sand.u32 $0x1, s1;
	s31 =	sshll.u32 s0, $0x1;
	s1 =	rddreg [dreg:$0x1]  }
0x5: {  	s12 =	simm.s32 $0x0;
	[smem:$0x7FF] =	sst s2;
	s5 =	sor.u32 s3, s31  }
0x6: {  	s7 =	ssub.s32 $0x2, s3;
	_ =	strace $0x80000059;
	s6 =	smul.u32 $0x520, s5  }
0x7: {  	s3 =	sadd.s32 $0x583C00, s4;
	s5 =	smul.u32 $0x1480, s5;
	s8 =	sshrl.u32 s7, $0x1  }
0x8: {  	s7 =	ssub.s32 s7, s8;
	s8 =	simm.s32 $0xA000;
	s6 =	sadd.s32 s6, s4  }
0x9: {  	v1 =	vlaneseq.u32;
	s9 =	sadd.s32 s5, s4;
	s7 =	smax.u32 s7, $0x1;
	s4 =	sadd.s32 $0x8600, s6  }
0xa: {  	v0 =	vshrl.u32 v1, $0x2;
	v1 =	vand.u32 $0x3, v1;
	s5 =	sadd.s32 $0x55AC00, s9;
	s6 =	sadd.s32 $0x3AA00, s9;
	s9 =	simm.s32 $0x2  }
.LBB2_1:
0xb: {  	[tilespmem:s8], [sflag:$0x1] =	stream.linear.gather [hbm4b:s4+s2], $0x2900, $0x38;
	[tilespmem:$0x16D00] =	vst v63  }
0xc: {  	_ = 	snop  }
0xd: {  	[tilespmem:s11], [sflag:$0x1] =	stream.linear.gather [hbm4b:s5+s2], $0xA400, $0x38;
	[tilespmem:$0x16D00] =	vst v63  }
0xe: {  	_ = 	snop  }
0xf: {  	[tilespmem:s2], [sflag:$0x2] =	stream.linear.gather [hbm4b:s3+s2], $0xA000, $0x38;
	[tilespmem:$0x16D00] =	vst v63  }
0x10: {  	_ =	swait.ge [sflag:s9], $0xA000  }
0x11: {  	[sflag:s9] =	ssyncset.done $0x0  }
0x12: {  	[sflag:s9] =	ssyncadd.s32 $0xFFFF6000  }
0x13: {  	_ =	swait.ge [sflag:s10], $0x2900  }
0x14: {  	v2 =	vor.u32 s2, v0;
	[sflag:s10] =	ssyncset.done $0x0  }
0x15: {  	[sflag:s10] =	ssyncadd.s32 $0xFFFFD700  }
0x16: {  	_ =	swait.ge [sflag:s10], $0xA400  }
0x17: {  	[sflag:s10] =	ssyncset.done $0x0  }
0x18: {  	[sflag:s10] =	ssyncadd.s32 $0xFFFF5C00  }
0x19: {  	v2 =	vld.idx.msk [tilespmem:v2+s8+$0x0], $0xffff;
	_ =	sdelay $0x4  }
0x1a: {  	v2 =	vshll.u32 v2, $0x2  }
0x1b: {  	v2 =	vor.u32 v1, v2;
	_ =	sdelay $0x4  }
0x1c: {  	v2 =	vld.idx.msk [tilespmem:v2+s2+$0x0], $0xffff;
	_ =	sdelay $0x4  }
0x1d: {  	v2 =	vadd.f32 $1.000000020e-16, v2;
	_ =	sdelay $0x1  }
0x1e: {  	(erf) = vrcp.f32 v2;
	_ =	sdelay $0x4  }
0x1f: {  	v3 =	vld [tilespmem:s11+$0x0];
	_ =	sdelay $0x1  }
0x20: {  	s13 =	simm.s32 $0x4  }
0x21: {  	s14 =	simm.s32 $0x8;
	v2 =	vor.u32 s13, v0;
	s13 =	simm.s32 $0xC900  }
.LBB2_2:
0x22: {  	p0 =	sne.s32 s14, $0x28FC;
	v4 =	vpop (erf)  }
0x23: {  	v3 =	vmul.f32 v4, v3;
	_ =	sdelay $0x1  }
0x24: {  	[tilespmem:s13+$0x0] =	vst v3  }
0x25: {  	v2 =	vld.idx.msk [tilespmem:v2+s8+$0x0], $0xffff;
	_ =	sdelay $0x5  }
0x26: {  	v2 =	vshll.u32 v2, $0x2  }
0x27: {  	v2 =	vor.u32 v1, v2;
	_ =	sdelay $0x4  }
0x28: {  	v2 =	vld.idx.msk [tilespmem:v2+s2+$0x0], $0xffff;
	_ =	sdelay $0x5  }
0x29: {  	v2 =	vadd.f32 $1.000000020e-16, v2;
	_ =	sdelay $0x1  }
0x2a: {  	(erf) = vrcp.f32 v2;
	_ =	sdelay $0x3  }
.Ltmp0:
0x2b: {  	s13 =	sadd.s32 $0x10, s13;
	(pc) =	sbr.rel @p0 .LBB2_2-.Ltmp0, $2  }
0x2c: {  	v3 =	vld [tilespmem:s13+$0x0];
	_ =	sdelay $0x2  }
0x2d: {  	v2 =	vor.u32 s14, v0;
	s14 =	sadd.s32 $0x4, s14  }
0x2e: {  	v4 =	vpop (erf)  }
0x2f: {  	v3 =	vmul.f32 v4, v3;
	_ =	sdelay $0x1  }
0x30: {  	[tilespmem:s13+$0x0] =	vst v3  }
0x31: {  	v2 =	vld.idx.msk [tilespmem:v2+s8+$0x0], $0xffff;
	_ =	sdelay $0x4  }
0x32: {  	v2 =	vshll.u32 v2, $0x2  }
0x33: {  	v2 =	vor.u32 v1, v2;
	_ =	sdelay $0x4  }
0x34: {  	v2 =	vld.idx.msk [tilespmem:v2+s2+$0x0], $0xffff;
	_ =	sdelay $0x4  }
0x35: {  	v2 =	vadd.f32 $1.000000020e-16, v2;
	_ =	sdelay $0x1  }
0x36: {  	(erf) = vrcp.f32 v2;
	_ =	sdelay $0x3  }
0x37: {  	s31 =	sadd.s32 $0x10, s13  }
0x38: {  	v2 =	vld [tilespmem:s31+$0x0];
	_ =	sdelay $0x3  }
0x39: {  	v3 =	vpop (erf)  }
0x3a: {  	s12 =	sadd.s32 $0x1, s12;
	v2 =	vmul.f32 v3, v2  }
0x3b: {  	p0 =	sne.s32 s12, s7  }
.Ltmp1:
0x3c: {  	[tilespmem:s31+$0x0] =	vst v2;
	(pc) =	sbr.rel @p0 .LBB2_1-.Ltmp1, $4  }
0x3d: {  	[hbm4b:s6+s2] =	stream.linear.scatter [tilespmem:s11], [sflag:$0x2], $0xA400, $0x38;
	[tilespmem:$0x16D00] =	vst v63  }
0x3e: {  	_ =	swait.ge [sflag:s9], $0xA400  }
0x3f: {  	[sflag:s9] =	ssyncset.done $0x0  }
0x40: {  	[sflag:s9] =	ssyncadd.s32 $0xFFFF5C00  }
0x41: {  	_ =	sfence.sel $0x180000  }
0x42: {  	[bflag:$0x0] =	sbarrier.arrive $0xFFFF  }
0x43: {  	p0 =	sne.s32 s0, $0x0;
	_ =	strace $0x90000059  }
0x44: {  	s0 =	sadd.s32 @!p0 $0x100000, s1;
	[bflag:$0x2] =	sbarrier.arrive $0xFFFF  }
0x45: {  	[sflag:s0] =	ssyncadd.tile.s32 @!p0 $0x1;
	_ =	shalt  }
.Lfunc_end2:
_tile_overlayer_lowered:
.L_overlay_start_2:
0x46: {  	(tag) =	ssettag $0x2  }
0x47: {  	s0 =	rddreg [dreg:$0x0];
	s2 =	stileid.u32  }
0x48: {  	s1 =	rddreg [dreg:$0x1];
	p0 =	sne.s32 s2, $0x0  }
0x49: {  	s3 =	rddreg [dreg:$0x2];
	[bflag:$0x3] =	sbarrier.arrive $0xFFFF;
	s2 =	simm.s32 @!p0 $0x1C02  }
0x4a: {  	[timem:s3], [sflag:s2] =	dma.local @!p0 [hbm:s0], s1  }
0x4b: {  	s0 =	simm.s32 @!p0 $0x2  }
0x4c: {  	_ =	swait.ge @!p0 [sflag:s0], s1  }
0x4d: {  	s1 =	ssub.s32 @!p0 $0x0, s1;
	[sflag:s0] =	ssyncset.done @!p0 $0x0  }
0x4e: {  	[sflag:s0] =	ssyncadd.s32 @!p0 s1  }
0x4f: {  	[bflag:$0x3] =	sbarrier.arrive $0xFFFF  }
0x50: {  	_ =	shalt  }

// kernel: kernel.51.cloned.1.call-start
scs
__scs_entry_jumppad:
0x0: {  	(pc) =	sbr.rel $0x88, $3  }
0x1: {  	(tag) =	ssettag $0x0;
	lr =	simm.s32 $0x1  }
0x2: {  	[smem:$0x3F8D] =	sst lr;
	_ =	strace $0xD0000000  }
0x3: {  	_ = 	snop  }
0x4: {  	_ = 	snop  }
0x5: {  	_ = 	snop  }
0x6: {  	_ = 	snop  }
0x7: {  	_ = 	snop  }
__scs_overlays_trampoline_lowered:
0x8: {  	[smem:$0x3F9C] =	sst s0  }
0x9: {  	[smem:$0x3F9D] =	sst s1  }
0xa: {  	[smem:$0x3F9E] =	sst s2  }
0xb: {  	[smem:$0x3F9F] =	sst s3  }
0xc: {  	[smem:$0x3FA0] =	sst s4  }
0xd: {  	[smem:$0x3FA1] =	sst s5  }
0xe: {  	[smem:$0x3FA2] =	sst s6  }
0xf: {  	[smem:$0x3FA3] =	sst s7  }
0x10: {  	[smem:$0x3FA4] =	sst s8  }
0x11: {  	[smem:$0x3FA5] =	sst s9;
	s0 =	simm.s32 @!p0 $0x0  }
0x12: {  	s1 =	sld [smem:$0x3F8B];
	s0 =	simm.s32 @p0 $0x1  }
0x13: {  	[smem:$0x3FA6] =	sst s0;
	s0 =	simm.s32 @!p1 $0x0  }
0x14: {  	s2 =	sld [smem:$0x3F8A];
	s0 =	simm.s32 @p1 $0x1  }
0x15: {  	[smem:$0x3FA7] =	sst s0;
	s0 =	simm.s32 @!p2 $0x0  }
0x16: {  	s3 =	sld [smem:$0x3FDB];
	s0 =	simm.s32 @p2 $0x1  }
0x17: {  	s4 =	simm.s32 $0x1BF5;
	[smem:$0x3FA9] =	sst s0  }
0x18: {  	s0 =	sld [smem:$0x3F8C];
	_ =	swait.ge [sflag:s4], $0x0  }
0x19: {  	s7 =	sld [smem:$0x3F8D]  }
0x1a: {  	s8 =	sadd.s32 $0xFFFFE003, lr  }
0x1b: {  	s9 =	sadd.s32 $0xFFFFFEF7, lr;
	s5 =	simm.s32 $0xFFFFFFFF;
	p2 =	slt.u32 s8, $0xFFFFF086  }
0x1c: {  	p1 =	slt.u32 s9, $0xF7A;
	s5 =	simm.s32 @!p2 $0x0  }
0x1d: {  	s5 =	simm.s32 @p1 $0x1;
	p0 =	seq.s32 s7, s2  }
0x1e: {  	s7 =	smul.u32 @!p0 $0xF7A, s2;
	p2 =	seq.s32 @!p0 s5, $0x0  }
0x1f: {  	s9 =	smul.u32 $0xF7A, s1;
	s8 =	simm.s32 @!p0 $0x1BF5;
	p2 =	por !p2, p0  }
0x20: {  	[sflag:s8] =	ssyncset.s32 @!p0 $0xFFFFF086;
	s6 =	sadd.s32 @!p0 s3, s7;
	s7 =	simm.s32 @!p0 $0x108  }
0x21: {  	s3 =	sadd.s32 s3, s9;
	s6 =	sadd.s32 @!p0 $0x88, s6;
	s7 =	simm.s32 @p2 $0x1082  }
0x22: {  	[simem:s7], [sflag:s8] =	dma.local @!p0 [hbm:s6], $0xF7A  }
0x23: {  	s9 =	sor.u32 $0xD0000000, s2;
	s6 =	simm.s32 $0x108;
	_ =	swait.ge @!p0 [sflag:s8], $0x0  }
0x24: {  	s3 =	sadd.s32 $0x88, s3;
	s6 =	simm.s32 @!p1 $0x1082;
	[sflag:s4] =	ssyncset.s32 $0xFFFFF086  }
0x25: {  	[simem:s6], [sflag:s4] =	dma.local [hbm:s3], $0xF7A  }
0x26: {  	[smem:$0x3F8D] =	sst s1;
	(tag) =	ssettag s2;
	_ =	strace s9  }
0x27: {  	s1 =	sld [smem:$0x3F9D]  }
0x28: {  	s2 =	sld [smem:$0x3F9E]  }
0x29: {  	s4 =	sld [smem:$0x3FA0]  }
0x2a: {  	p0 =	seq.s32 s5, $0x0;
	s5 =	sld [smem:$0x3FA1]  }
0x2b: {  	s6 =	sld [smem:$0x3FA2]  }
0x2c: {  	s7 =	sld [smem:$0x3FA3]  }
0x2d: {  	s3 =	simm.s32 $0x108;
	s8 =	sld [smem:$0x3FA4]  }
0x2e: {  	s3 =	simm.s32 @!p0 $0x1082;
	s9 =	sld [smem:$0x3FA5]  }
0x2f: {  	lr =	sadd.s32 s0, s3;
	s0 =	sld [smem:$0x3F9C]  }
0x30: {  	s3 =	sld [smem:$0x3F9F]  }
0x31: {  	[smem:$0x3FA8] =	sst s10  }
0x32: {  	s10 =	sld [smem:$0x3FA6];
	_ =	sdelay $0x3  }
0x33: {  	p0 =	seq.s32 s10, $0x1;
	s10 =	sld [smem:$0x3FA8];
	_ =	sdelay $0x3  }
0x34: {  	[smem:$0x3FA8] =	sst s10  }
0x35: {  	s10 =	sld [smem:$0x3FA7];
	_ =	sdelay $0x3  }
0x36: {  	p1 =	seq.s32 s10, $0x1;
	s10 =	sld [smem:$0x3FA8];
	_ =	sdelay $0x3  }
0x37: {  	[smem:$0x3FA8] =	sst s10  }
0x38: {  	s10 =	sld [smem:$0x3FA9]  }
0x39: {  	_ = 	snop;
	(pc) =	sbr.ind lr, $3  }
0x3a: {  	_ = 	snop  }
0x3b: {  	_ = 	snop  }
0x3c: {  	p2 =	seq.s32 s10, $0x1;
	s10 =	sld [smem:$0x3FA8]  }
0x3d: {  	_ =	shalt  }
0x3e: {  	_ =	shalt  }
0x3f: {  	_ =	shalt  }
0x40: {  	_ =	shalt  }
0x41: {  	_ =	shalt  }
0x42: {  	_ =	shalt  }
0x43: {  	_ =	shalt  }
0x44: {  	_ =	shalt  }
0x45: {  	_ =	shalt  }
0x46: {  	_ =	shalt  }
0x47: {  	_ =	shalt  }
0x48: {  	_ =	shalt  }
0x49: {  	_ =	shalt  }
0x4a: {  	_ =	shalt  }
0x4b: {  	_ =	shalt  }
0x4c: {  	_ =	shalt  }
0x4d: {  	_ =	shalt  }
0x4e: {  	_ =	shalt  }
0x4f: {  	_ =	shalt  }
0x50: {  	_ =	shalt  }
0x51: {  	_ =	shalt  }
0x52: {  	_ =	shalt  }
0x53: {  	_ =	shalt  }
0x54: {  	_ =	shalt  }
0x55: {  	_ =	shalt  }
0x56: {  	_ =	shalt  }
0x57: {  	_ =	shalt  }
0x58: {  	_ =	shalt  }
0x59: {  	_ =	shalt  }
0x5a: {  	_ =	shalt  }
0x5b: {  	_ =	shalt  }
0x5c: {  	_ =	shalt  }
0x5d: {  	_ =	shalt  }
0x5e: {  	_ =	shalt  }
0x5f: {  	_ =	shalt  }
0x60: {  	_ =	shalt  }
0x61: {  	_ =	shalt  }
0x62: {  	_ =	shalt  }
0x63: {  	_ =	shalt  }
0x64: {  	_ =	shalt  }
0x65: {  	_ =	shalt  }
0x66: {  	_ =	shalt  }
0x67: {  	_ =	shalt  }
0x68: {  	_ =	shalt  }
0x69: {  	_ =	shalt  }
0x6a: {  	_ =	shalt  }
0x6b: {  	_ =	shalt  }
0x6c: {  	_ =	shalt  }
0x6d: {  	_ =	shalt  }
0x6e: {  	_ =	shalt  }
0x6f: {  	_ =	shalt  }
0x70: {  	_ =	shalt  }
0x71: {  	_ =	shalt  }
0x72: {  	_ =	shalt  }
0x73: {  	_ =	shalt  }
0x74: {  	_ =	shalt  }
0x75: {  	_ =	shalt  }
0x76: {  	_ =	shalt  }
0x77: {  	_ =	shalt  }
0x78: {  	_ =	shalt  }
0x79: {  	_ =	shalt  }
0x7a: {  	_ =	shalt  }
0x7b: {  	_ =	shalt  }
0x7c: {  	_ =	shalt  }
0x7d: {  	_ =	shalt  }
0x7e: {  	_ =	shalt  }
0x7f: {  	_ =	shalt  }
0x80: {  	_ =	shalt  }
0x81: {  	_ =	shalt  }
0x82: {  	_ =	shalt  }
0x83: {  	_ =	shalt  }
0x84: {  	_ =	shalt  }
0x85: {  	_ =	shalt  }
0x86: {  	_ =	shalt  }
0x87: {  	_ =	shalt  }
.Lfunc_end0:
.L_simem_size_0:
called_computation.7_lowered:
.L_overlay_start_0:
0x88: {  	s2 =	sld [smem:$0x3FD9]  }
0x89: {  	s3 =	sld [smem:$0x3FFE];
	_ =	sdelay $0x1  }
0x8a: {  	s1 =	srdreg.scid  }
0x8b: {  	s0 =	sand.u32 $0x1, s1  }
0x8c: {  	s17 =	sshll.u32 s0, $0xA;
	s2 =	sadd.s32 s3, s2  }
0x8d: {  	s2 =	sadd.s32 s2, s17  }
0x8e: {  	[smem:$0x3FB4] =	sst s2  }
0x8f: {  	_ = 	snop  }
0x90: {  	s2 =	sld [smem:$0x3FD0];
	(tm) =	ssettm $0x1  }
0x91: {  	s18 =	sld [smem:$0x3FFB];
	_ =	sdelay $0x3  }
0x92: {  	_ =	strace s18  }
0x93: {  	s3 =	sld [smem:$0x3FFC];
	_ =	sdelay $0x3  }
0x94: {  	_ =	strace s3  }
0x95: {  	s3 =	sld [smem:$0x3FFD];
	_ =	sdelay $0x3  }
0x96: {  	_ =	strace s3  }
0x97: {  	_ =	strace $0x8FFFFFFF  }
0x98: {  	s19 =	sld [smem:$0x3FDB];
	_ =	sdelay $0x1  }
0x99: {  	s4 =	simm.s32 $_scs_section_size  }
0x9a: {  	s5 =	simm.s32 $_size__tile_overlayer_lowered;
	s6 =	simm.s32 $_tile_overlayer_lowered  }
0x9b: {  	s22 =	simm.s32 $0x1BFF;
	s21 =	sshll.u32 s6, $0x1;
	s3 =	sadd.s32 s4, s19  }
0x9c: {  	s7 =	simm.s32 $0x0;
	s20 =	sshll.u32 s5, $0x1;
	s5 =	sadd.s32 s21, s3  }
0x9d: {  	[timem:s7], [sflag:s22] =	dma.local [hbm:s5], s20  }
0x9e: {  	_ =	swait.ge [sflag:s22], s20  }
0x9f: {  	s4 =	ssub.s32 $0x0, s20;
	[sflag:s22] =	ssyncset.done $0x0  }
0xa0: {  	[sflag:s22] =	ssyncadd.s32 s4;
	_ =	sdelay $0x1  }
0xa1: {  	s23 =	simm.s32 $0x1B8B  }
0xa2: {  	_ =	swait.ge [sflag:s23], $0x1  }
0xa3: {  	[sflag:s23] =	ssyncset.done $0x0  }
0xa4: {  	s25 =	simm.s32 $0x1B8E;
	s24 =	sld [smem:$0x3FFE];
	[sflag:s23] =	ssyncadd.s32 $0xFFFFFFFF  }
0xa5: {  	s26 =	simm.s32 $execute0_lowered;
	[smem:$0x3FD2] =	sst s25  }
0xa6: {  	s5 =	sshll.u32 s26, $0x1;
	_ =	strace $0x8000005B;
	[dreg:$0x1] =	wrdreg $0xFFFFFFFF  }
0xa7: {  	s28 =	simm.s32 $_size_execute0_lowered;
	s3 =	sadd.s32 s3, s5;
	[dreg:$0x0] =	wrdreg $0x0  }
0xa8: {  	s5 =	sshll.u32 s28, $0x1;
	[dreg:$0x2] =	wrdreg s3  }
0xa9: {  	[dreg:$0x3] =	wrdreg s5  }
0xaa: {  	[dreg:$0x4] =	wrdreg $0xC0  }
0xab: {  	_ =	task [dreg:s7], $0x5FFFF  }
0xac: {  	[dreg:$0x1] =	wrdreg $0xFFFFFFFF  }
0xad: {  	[dreg:$0x0] =	wrdreg $0x60  }
0xae: {  	[dreg:$0x2] =	wrdreg s24  }
0xaf: {  	[dreg:$0x3] =	wrdreg s2  }
0xb0: {  	[dreg:$0x4] =	wrdreg $0x0  }
0xb1: {  	[dreg:$0x5] =	wrdreg $0x9  }
0xb2: {  	_ =	task.clear_ibuf [dreg:s7], $0x6FFFF;
	_ =	strace $0x9000005B  }
0xb3: {  	s29 =	simm.s32 $0x9;
	_ =	strace $0x8000005D  }
0xb4: {  	_ =	swait.ge [sflag:s29], $0x1  }
0xb5: {  	[sflag:s29] =	ssyncadd.s32 $0xFFFFFFFF  }
0xb6: {  	_ =	strace $0x9000005D  }
0xb7: {  	_ =	sfence  }
0xb8: {  	s30 =	sld [smem:$0x0];
	_ =	sdelay $0x2  }
0xb9: {  	s31 =	sshll.u32 s1, $0xD;
	s1 =	sshrl.u32 s1, $0x2  }
0xba: {  	s3 =	sand.u32 $0x4000, s31;
	s1 =	sadd.s32 s1, s30  }
0xbb: {  	s0 =	sor.u32 s3, s0;
	s1 =	sshll.u32 s1, $0x11  }
0xbc: {  	s0 =	sor.u32 s1, s0  }
0xbd: {  	s0 =	sadd.s32 $0x8F2B, s0  }
0xbe: {  	[sflag:s0] =	ssyncadd.remote.s32 $0x1  }
0xbf: {  	_ =	sfence.sel $0xFFFF  }
0xc0: {  	[dreg:$0x0] =	wrdreg $0xFFFFFFFF;
	(pc) =	sbr.abs _section_cstart, $3  }
0xc1: {  	[dreg:$0x1] =	wrdreg $0xFFFFFFFF  }
0xc2: {  	_ =	task.clear_ibuf [dreg:s7], $0x2FFFF;
	_ =	strace $0x9FFFFFFF  }
0xc3: {  	(tm) =	ssettm $0x7FFFFFFF  }
tec
execute0_lowered:
.L_overlay_start_1:
0x0: {  	(tag) =	ssettag $0x1  }
0x1: {  	s0 =	rddreg [dreg:$0x0]  }
0x2: {  	s14 =	rddreg [dreg:$0x1]  }
0x3: {  	s2 =	rddreg [dreg:$0x2];
	s1 =	stileid.u32  }
0x4: {  	s3 =	simm.s32 $0x0;
	s4 =	srdreg.scid;
	s24 =	smul.u32 $0x2800, s1  }
0x5: {  	s28 =	simm.s32 $0x0;
	[smem:$0x7FF] =	sst s3;
	s9 =	smul.u32 $0x50000, s1  }
0x6: {  	s13 =	sadd.s32 $0xACAA00, s0;
	s8 =	sand.u32 $0x1, s4;
	s12 =	smul.u32 $0xA4, s1  }
0x7: {  	s6 =	sshll.u32 s1, $0x1;
	s22 =	sshll.u32 s1, $0x6;
	s5 =	smul.u32 $0x28000, s8  }
0x8: {  	_ =	strace $0x8000005C;
	s6 =	sor.u32 s8, s6;
	s26 =	smul.u32 $0x52, s8  }
0x9: {  	s7 =	ssub.s32 $0x2, s8;
	s18 =	sadd.s32 s24, s0;
	s10 =	smul.u32 $0x52, s6  }
0xa: {  	s19 =	sshrl.u32 s7, $0x1;
	s20 =	sshrl.u32 s9, $0x2;
	s21 =	smul.u32 $0xA40, s6  }
0xb: {  	s23 =	smul.u32 $0x29000, s6;
	s0 =	sadd.s32 s5, s0;
	s11 =	ssub.s32 s7, s19  }
0xc: {  	s15 =	sadd.s32 s20, s2;
	s4 =	sadd.s32 $0x12A00, s18;
	s5 =	sor.u32 $0x1C03, s22  }
0xd: {  	s12 =	sadd.s32 s26, s12;
	s18 =	simm.s32 $0x14200;
	s19 =	simm.s32 $0x14100  }
0xe: {  	s20 =	simm.s32 $0x18200;
	s22 =	simm.s32 $0x80;
	s26 =	simm.s32 $0x14180  }
0xf: {  	[dreg:$0x4] =	wrdreg s4;
	s25 =	sadd.s32 s14, s21;
	s7 =	sadd.s32 s13, s23  }
0x10: {  	s0 =	sadd.s32 $0x3AA00, s0;
	s8 =	smax.u32 s11, $0x1;
	s10 =	sadd.s32 $0x51, s10  }
0x11: {  	s30 =	sshll.u32 s12, $0xB;
	s16 =	sshll.u32 s12, $0x5;
	s12 =	sadd.s32 $0x2, s12  }
0x12: {  	s15 =	sshrl.u32 s15, $0x3;
	s21 =	simm.s32 $0x1;
	s23 =	simm.s32 $0x14080  }
0x13: {  	[dreg:$0x5] =	wrdreg s25;
	s29 =	sshll.u32 s10, $0x5;
	s10 =	sshll.u32 s10, $0xB  }
0x14: {  	s11 =	sadd.s32 s30, s13;
	s16 =	sadd.s32 s16, s14;
	s17 =	sshrl.u32 s12, $0x1  }
0x15: {  	s24 =	sadd.s32 s24, s0;
	s25 =	simm.s32 $0x2;
	s9 =	sadd.s32 s14, s29  }
0x16: {  	s10 =	sadd.s32 s13, s10;
	s11 =	sadd.s32 $0x800, s11;
	s12 =	sadd.s32 $0x20, s16  }
0x17: {  	s31 =	sshll.u32 s17, $0xC;
	s17 =	sshll.u32 s17, $0x6;
	s16 =	simm.s32 $0x3  }
0x18: {  	s13 =	sadd.s32 s31, s13;
	s14 =	sadd.s32 s17, s14;
	s17 =	simm.s32 $0x14000  }
.LBB2_1:
0x19: {  	s0 =	rddreg [dreg:$0x4]  }
0x1a: {  	[spmem:s15], [sflag:s5] =	dma.local [hbm:s0], $0x2800  }
0x1b: {  	_ =	swait.ge [sflag:s16], $0x2800  }
0x1c: {  	[sflag:s16] =	ssyncset.done $0x0  }
0x1d: {  	[sflag:s16] =	ssyncadd.s32 $0xFFFFD800  }
0x1e: {  	[bflag:$0x0] =	sbarrier.arrive $0xFFFF  }
0x1f: {  	s1 =	rddreg [dreg:$0x5]  }
0x20: {  	[tilespmem:s17], [sflag:$0x3] =	stream.linear.gather [hbm4b:s1+s3], $0x100, $0x38;
	[tilespmem:$0x1C200] =	vst v63  }
0x21: {  	_ =	swait.ge [sflag:s16], $0x100  }
0x22: {  	[sflag:s16] =	ssyncset.done $0x0  }
0x23: {  	[sflag:s16] =	ssyncadd.s32 $0xFFFFFF00  }
0x24: {  	[tilespmem:s18], [sflag:$0x1] =	stream.linear.gather [hbm4b:s7+s3], $0x4000, $0x38;
	[tilespmem:$0x1C200] =	vst v63  }
0x25: {  	s4 =	sadd.s32 $0x0, s12  }
0x26: {  	[tilespmem:s19], [sflag:$0x3] =	stream.linear.gather [hbm4b:s4+s3], $0x100, $0x38;
	[tilespmem:$0x1C200] =	vst v63  }
0x27: {  	_ =	swait.ge [sflag:s16], $0x100  }
0x28: {  	[sflag:s16] =	ssyncset.done $0x0  }
0x29: {  	[sflag:s16] =	ssyncadd.s32 $0xFFFFFF00  }
0x2a: {  	[tilespmem:s20], [sflag:$0x2] =	stream.linear.gather [hbm4b:s11+s3], $0x4000, $0x38;
	[tilespmem:$0x1C200] =	vst v63  }
0x2b: {  	_ =	swait.ge [sflag:s21], $0x4000  }
0x2c: {  	[sflag:s21] =	ssyncset.done $0x0  }
0x2d: {  	[sflag:s21] =	ssyncadd.s32 $0xFFFFC000  }
0x2e: {  	[spmem:s2] =	stream.indirect.scatter.add.f32 [tilespmem:s18], [sflag:$0x3], $0x80, s23, s22, $0xb8;
	[tilespmem:$0x1C200] =	vst v63  }
0x2f: {  	_ =	swait.ge [sflag:s16], $0x4000  }
0x30: {  	[sflag:s16] =	ssyncset.done $0x0  }
0x31: {  	s6 =	sadd.s32 $0x0, s14;
	[sflag:s16] =	ssyncadd.s32 $0xFFFFC000  }
0x32: {  	[tilespmem:s17], [sflag:$0x3] =	stream.linear.gather [hbm4b:s6+s3], $0x100, $0x38;
	[tilespmem:$0x1C200] =	vst v63  }
0x33: {  	_ =	swait.ge [sflag:s16], $0x100  }
0x34: {  	[sflag:s16] =	ssyncset.done $0x0  }
0x35: {  	[sflag:s16] =	ssyncadd.s32 $0xFFFFFF00  }
0x36: {  	[tilespmem:s18], [sflag:$0x1] =	stream.linear.gather [hbm4b:s13+s3], $0x4000, $0x38;
	[tilespmem:$0x1C200] =	vst v63  }
0x37: {  	_ =	swait.ge [sflag:s25], $0x4000  }
0x38: {  	[sflag:s25] =	ssyncset.done $0x0  }
0x39: {  	[sflag:s25] =	ssyncadd.s32 $0xFFFFC000  }
0x3a: {  	[spmem:s2] =	stream.indirect.scatter.add.f32 [tilespmem:s20], [sflag:$0x3], $0x80, s26, s22, $0xb8;
	[tilespmem:$0x1C200] =	vst v63  }
0x3b: {  	s30 =	simm.s32 $0x40;
	s31 =	sadd.s32 $0x1000, s11;
	_ =	swait.ge [sflag:s16], $0x4000  }
0x3c: {  	s29 =	sadd.s32 $0x1000, s13;
	s0 =	simm.s32 $0x80;
	[sflag:s16] =	ssyncset.done $0x0  }
.LBB2_2:
0x3d: {  	s1 =	sadd.s32 s30, s12  }
0x3e: {  	[sflag:s16] =	ssyncadd.s32 $0xFFFFC000;
	s4 =	smov.u32 s0;
	s6 =	sadd.s32 $0x40, s0  }
0x3f: {  	[tilespmem:s19], [sflag:$0x3] =	stream.linear.gather [hbm4b:s1+s3], $0x100, $0x38;
	[tilespmem:$0x1C200] =	vst v63  }
0x40: {  	p0 =	sne.s32 s0, $0x9C0;
	_ =	swait.ge [sflag:s16], $0x100  }
0x41: {  	[sflag:s16] =	ssyncset.done $0x0  }
0x42: {  	[sflag:s16] =	ssyncadd.s32 $0xFFFFFF00  }
0x43: {  	[tilespmem:s20], [sflag:$0x2] =	stream.linear.gather [hbm4b:s31+s3], $0x4000, $0x38;
	[tilespmem:$0x1C200] =	vst v63  }
0x44: {  	_ =	swait.ge [sflag:s21], $0x4000  }
0x45: {  	[sflag:s21] =	ssyncset.done $0x0  }
0x46: {  	[sflag:s21] =	ssyncadd.s32 $0xFFFFC000  }
0x47: {  	[spmem:s2] =	stream.indirect.scatter.add.f32 [tilespmem:s18], [sflag:$0x3], $0x80, s23, s22, $0xb8;
	[tilespmem:$0x1C200] =	vst v63  }
0x48: {  	_ =	swait.ge [sflag:s16], $0x4000  }
0x49: {  	[sflag:s16] =	ssyncset.done $0x0  }
0x4a: {  	s0 =	sadd.s32 s30, s14;
	s30 =	smov.u32 s4;
	[sflag:s16] =	ssyncadd.s32 $0xFFFFC000  }
0x4b: {  	[tilespmem:s17], [sflag:$0x3] =	stream.linear.gather [hbm4b:s0+s3], $0x100, $0x38;
	[tilespmem:$0x1C200] =	vst v63  }
0x4c: {  	_ =	swait.ge [sflag:s16], $0x100  }
0x4d: {  	[sflag:s16] =	ssyncset.done $0x0  }
0x4e: {  	[sflag:s16] =	ssyncadd.s32 $0xFFFFFF00  }
0x4f: {  	[tilespmem:s18], [sflag:$0x1] =	stream.linear.gather [hbm4b:s29+s3], $0x4000, $0x38;
	[tilespmem:$0x1C200] =	vst v63  }
0x50: {  	_ =	swait.ge [sflag:s25], $0x4000  }
.Ltmp0:
0x51: {  	[sflag:s25] =	ssyncset.done $0x0;
	(pc) =	sbr.rel @p0 .LBB2_2-.Ltmp0, $4  }
0x52: {  	[sflag:s25] =	ssyncadd.s32 $0xFFFFC000  }
0x53: {  	[spmem:s2] =	stream.indirect.scatter.add.f32 [tilespmem:s20], [sflag:$0x3], $0x80, s26, s22, $0xb8;
	[tilespmem:$0x1C200] =	vst v63  }
0x54: {  	s31 =	sadd.s32 $0x1000, s31;
	_ =	swait.ge [sflag:s16], $0x4000  }
0x55: {  	s0 =	smov.u32 s6;
	s29 =	sadd.s32 $0x1000, s29;
	[sflag:s16] =	ssyncset.done $0x0  }
0x56: {  	s0 =	sadd.s32 s30, s12;
	[sflag:s16] =	ssyncadd.s32 $0xFFFFC000  }
0x57: {  	[tilespmem:s19], [sflag:$0x3] =	stream.linear.gather [hbm4b:s0+s3], $0x100, $0x38;
	[tilespmem:$0x1C200] =	vst v63  }
0x58: {  	_ =	swait.ge [sflag:s16], $0x100  }
0x59: {  	[sflag:s16] =	ssyncset.done $0x0  }
0x5a: {  	[sflag:s16] =	ssyncadd.s32 $0xFFFFFF00  }
0x5b: {  	[tilespmem:s20], [sflag:$0x2] =	stream.linear.gather [hbm4b:s31+s3], $0x4000, $0x38;
	[tilespmem:$0x1C200] =	vst v63  }
0x5c: {  	_ =	swait.ge [sflag:s21], $0x4000  }
0x5d: {  	[sflag:s21] =	ssyncset.done $0x0  }
0x5e: {  	[sflag:s21] =	ssyncadd.s32 $0xFFFFC000  }
0x5f: {  	[spmem:s2] =	stream.indirect.scatter.add.f32 [tilespmem:s18], [sflag:$0x3], $0x80, s23, s22, $0xb8;
	[tilespmem:$0x1C200] =	vst v63  }
0x60: {  	_ =	swait.ge [sflag:s16], $0x4000  }
0x61: {  	[sflag:s16] =	ssyncset.done $0x0  }
0x62: {  	s31 =	sadd.s32 s30, s14;
	[sflag:s16] =	ssyncadd.s32 $0xFFFFC000  }
0x63: {  	[tilespmem:s17], [sflag:$0x3] =	stream.linear.gather [hbm4b:s31+s3], $0x100, $0x38;
	[tilespmem:$0x1C200] =	vst v63  }
0x64: {  	_ =	swait.ge [sflag:s16], $0x100  }
0x65: {  	[sflag:s16] =	ssyncset.done $0x0  }
0x66: {  	[sflag:s16] =	ssyncadd.s32 $0xFFFFFF00  }
0x67: {  	[tilespmem:s18], [sflag:$0x1] =	stream.linear.gather [hbm4b:s29+s3], $0x4000, $0x38;
	[tilespmem:$0x1C200] =	vst v63  }
0x68: {  	_ =	swait.ge [sflag:s25], $0x4000  }
0x69: {  	[sflag:s25] =	ssyncset.done $0x0  }
0x6a: {  	[sflag:s25] =	ssyncadd.s32 $0xFFFFC000  }
0x6b: {  	[spmem:s2] =	stream.indirect.scatter.add.f32 [tilespmem:s20], [sflag:$0x3], $0x80, s26, s22, $0xb8;
	[tilespmem:$0x1C200] =	vst v63  }
0x6c: {  	_ =	swait.ge [sflag:s16], $0x4000  }
0x6d: {  	[sflag:s16] =	ssyncset.done $0x0  }
0x6e: {  	[sflag:s16] =	ssyncadd.s32 $0xFFFFC000  }
0x6f: {  	[tilespmem:s19], [sflag:$0x3] =	stream.linear.gather [hbm4b:s9+s3], $0x100, $0x38;
	[tilespmem:$0x1C200] =	vst v63  }
0x70: {  	_ =	swait.ge [sflag:s16], $0x100  }
0x71: {  	[sflag:s16] =	ssyncset.done $0x0  }
0x72: {  	[sflag:s16] =	ssyncadd.s32 $0xFFFFFF00  }
0x73: {  	[tilespmem:s20], [sflag:$0x2] =	stream.linear.gather [hbm4b:s10+s3], $0x4000, $0x38;
	[tilespmem:$0x1C200] =	vst v63  }
0x74: {  	_ =	swait.ge [sflag:s21], $0x4000  }
0x75: {  	[sflag:s21] =	ssyncset.done $0x0  }
0x76: {  	[sflag:s21] =	ssyncadd.s32 $0xFFFFC000  }
0x77: {  	[spmem:s2] =	stream.indirect.scatter.add.f32 [tilespmem:s18], [sflag:$0x3], $0x80, s23, s22, $0xb8;
	[tilespmem:$0x1C200] =	vst v63  }
0x78: {  	_ =	swait.ge [sflag:s16], $0x4000  }
0x79: {  	[sflag:s16] =	ssyncset.done $0x0  }
0x7a: {  	[sflag:s16] =	ssyncadd.s32 $0xFFFFC000  }
0x7b: {  	_ =	swait.ge [sflag:s25], $0x4000  }
0x7c: {  	[sflag:s25] =	ssyncset.done $0x0  }
0x7d: {  	[sflag:s25] =	ssyncadd.s32 $0xFFFFC000  }
0x7e: {  	[spmem:s2] =	stream.indirect.scatter.add.f32 [tilespmem:s20], [sflag:$0x3], $0x80, s26, s22, $0xb8;
	[tilespmem:$0x1C200] =	vst v63  }
0x7f: {  	_ =	swait.ge [sflag:s16], $0x4000  }
0x80: {  	s28 =	sadd.s32 $0x1, s28;
	[sflag:s16] =	ssyncset.done $0x0  }
0x81: {  	p0 =	sne.s32 s28, s8;
	[sflag:s16] =	ssyncadd.s32 $0xFFFFC000  }
.Ltmp1:
0x82: {  	[bflag:$0x0] =	sbarrier.arrive $0xFFFF;
	(pc) =	sbr.rel @p0 .LBB2_1-.Ltmp1, $4  }
0x83: {  	[hbm:s24], [sflag:s5] =	dma.local [spmem:s15], $0x2800  }
0x84: {  	_ =	swait.ge [sflag:s16], $0x2800  }
0x85: {  	[sflag:s16] =	ssyncset.done $0x0  }
0x86: {  	[sflag:s16] =	ssyncadd.s32 $0xFFFFD800  }
0x87: {  	_ =	sfence.sel $0x180000  }
0x88: {  	[bflag:$0x0] =	sbarrier.arrive $0xFFFF  }
0x89: {  	_ =	strace $0x9000005C  }
0x8a: {  	s0 =	stileid.u32;
	[bflag:$0x2] =	sbarrier.arrive $0xFFFF  }
0x8b: {  	p0 =	sne.s32 s0, $0x0;
	s0 =	rddreg [dreg:$0x3]  }
0x8c: {  	s0 =	sadd.s32 @!p0 $0x100000, s0  }
0x8d: {  	[sflag:s0] =	ssyncadd.tile.s32 @!p0 $0x1;
	_ =	shalt  }
.Lfunc_end2:
_tile_overlayer_lowered:
.L_overlay_start_2:
0x8e: {  	(tag) =	ssettag $0x2  }
0x8f: {  	s0 =	rddreg [dreg:$0x0];
	s2 =	stileid.u32  }
0x90: {  	s1 =	rddreg [dreg:$0x1];
	p0 =	sne.s32 s2, $0x0  }
0x91: {  	s3 =	rddreg [dreg:$0x2];
	[bflag:$0x3] =	sbarrier.arrive $0xFFFF;
	s2 =	simm.s32 @!p0 $0x1C03  }
0x92: {  	[timem:s3], [sflag:s2] =	dma.local @!p0 [hbm:s0], s1  }
0x93: {  	s0 =	simm.s32 @!p0 $0x3  }
0x94: {  	_ =	swait.ge @!p0 [sflag:s0], s1  }
0x95: {  	s1 =	ssub.s32 @!p0 $0x0, s1;
	[sflag:s0] =	ssyncset.done @!p0 $0x0  }
0x96: {  	[sflag:s0] =	ssyncadd.s32 @!p0 s1  }
0x97: {  	[bflag:$0x3] =	sbarrier.arrive $0xFFFF  }
0x98: {  	_ =	shalt  }

// kernel: kernel.54.cloned.1.call-start
scs
__scs_entry_jumppad:
0x0: {  	(pc) =	sbr.rel $0x88, $3  }
0x1: {  	(tag) =	ssettag $0x0;
	lr =	simm.s32 $0x1  }
0x2: {  	[smem:$0x3F8D] =	sst lr;
	_ =	strace $0xD0000000  }
0x3: {  	_ = 	snop  }
0x4: {  	_ = 	snop  }
0x5: {  	_ = 	snop  }
0x6: {  	_ = 	snop  }
0x7: {  	_ = 	snop  }
__scs_overlays_trampoline_lowered:
0x8: {  	[smem:$0x3F9C] =	sst s0  }
0x9: {  	[smem:$0x3F9D] =	sst s1  }
0xa: {  	[smem:$0x3F9E] =	sst s2  }
0xb: {  	[smem:$0x3F9F] =	sst s3  }
0xc: {  	[smem:$0x3FA0] =	sst s4  }
0xd: {  	[smem:$0x3FA1] =	sst s5  }
0xe: {  	[smem:$0x3FA2] =	sst s6  }
0xf: {  	[smem:$0x3FA3] =	sst s7  }
0x10: {  	[smem:$0x3FA4] =	sst s8  }
0x11: {  	[smem:$0x3FA5] =	sst s9;
	s0 =	simm.s32 @!p0 $0x0  }
0x12: {  	s1 =	sld [smem:$0x3F8B];
	s0 =	simm.s32 @p0 $0x1  }
0x13: {  	[smem:$0x3FA6] =	sst s0;
	s0 =	simm.s32 @!p1 $0x0  }
0x14: {  	s2 =	sld [smem:$0x3F8A];
	s0 =	simm.s32 @p1 $0x1  }
0x15: {  	[smem:$0x3FA7] =	sst s0;
	s0 =	simm.s32 @!p2 $0x0  }
0x16: {  	s3 =	sld [smem:$0x3FDB];
	s0 =	simm.s32 @p2 $0x1  }
0x17: {  	s4 =	simm.s32 $0x1BF5;
	[smem:$0x3FA9] =	sst s0  }
0x18: {  	s0 =	sld [smem:$0x3F8C];
	_ =	swait.ge [sflag:s4], $0x0  }
0x19: {  	s7 =	sld [smem:$0x3F8D]  }
0x1a: {  	s8 =	sadd.s32 $0xFFFFE003, lr  }
0x1b: {  	s9 =	sadd.s32 $0xFFFFFEF7, lr;
	s5 =	simm.s32 $0xFFFFFFFF;
	p2 =	slt.u32 s8, $0xFFFFF086  }
0x1c: {  	p1 =	slt.u32 s9, $0xF7A;
	s5 =	simm.s32 @!p2 $0x0  }
0x1d: {  	s5 =	simm.s32 @p1 $0x1;
	p0 =	seq.s32 s7, s2  }
0x1e: {  	s7 =	smul.u32 @!p0 $0xF7A, s2;
	p2 =	seq.s32 @!p0 s5, $0x0  }
0x1f: {  	s9 =	smul.u32 $0xF7A, s1;
	s8 =	simm.s32 @!p0 $0x1BF5;
	p2 =	por !p2, p0  }
0x20: {  	[sflag:s8] =	ssyncset.s32 @!p0 $0xFFFFF086;
	s6 =	sadd.s32 @!p0 s3, s7;
	s7 =	simm.s32 @!p0 $0x108  }
0x21: {  	s3 =	sadd.s32 s3, s9;
	s6 =	sadd.s32 @!p0 $0x88, s6;
	s7 =	simm.s32 @p2 $0x1082  }
0x22: {  	[simem:s7], [sflag:s8] =	dma.local @!p0 [hbm:s6], $0xF7A  }
0x23: {  	s9 =	sor.u32 $0xD0000000, s2;
	s6 =	simm.s32 $0x108;
	_ =	swait.ge @!p0 [sflag:s8], $0x0  }
0x24: {  	s3 =	sadd.s32 $0x88, s3;
	s6 =	simm.s32 @!p1 $0x1082;
	[sflag:s4] =	ssyncset.s32 $0xFFFFF086  }
0x25: {  	[simem:s6], [sflag:s4] =	dma.local [hbm:s3], $0xF7A  }
0x26: {  	[smem:$0x3F8D] =	sst s1;
	(tag) =	ssettag s2;
	_ =	strace s9  }
0x27: {  	s1 =	sld [smem:$0x3F9D]  }
0x28: {  	s2 =	sld [smem:$0x3F9E]  }
0x29: {  	s4 =	sld [smem:$0x3FA0]  }
0x2a: {  	p0 =	seq.s32 s5, $0x0;
	s5 =	sld [smem:$0x3FA1]  }
0x2b: {  	s6 =	sld [smem:$0x3FA2]  }
0x2c: {  	s7 =	sld [smem:$0x3FA3]  }
0x2d: {  	s3 =	simm.s32 $0x108;
	s8 =	sld [smem:$0x3FA4]  }
0x2e: {  	s3 =	simm.s32 @!p0 $0x1082;
	s9 =	sld [smem:$0x3FA5]  }
0x2f: {  	lr =	sadd.s32 s0, s3;
	s0 =	sld [smem:$0x3F9C]  }
0x30: {  	s3 =	sld [smem:$0x3F9F]  }
0x31: {  	[smem:$0x3FA8] =	sst s10  }
0x32: {  	s10 =	sld [smem:$0x3FA6];
	_ =	sdelay $0x3  }
0x33: {  	p0 =	seq.s32 s10, $0x1;
	s10 =	sld [smem:$0x3FA8];
	_ =	sdelay $0x3  }
0x34: {  	[smem:$0x3FA8] =	sst s10  }
0x35: {  	s10 =	sld [smem:$0x3FA7];
	_ =	sdelay $0x3  }
0x36: {  	p1 =	seq.s32 s10, $0x1;
	s10 =	sld [smem:$0x3FA8];
	_ =	sdelay $0x3  }
0x37: {  	[smem:$0x3FA8] =	sst s10  }
0x38: {  	s10 =	sld [smem:$0x3FA9]  }
0x39: {  	_ = 	snop;
	(pc) =	sbr.ind lr, $3  }
0x3a: {  	_ = 	snop  }
0x3b: {  	_ = 	snop  }
0x3c: {  	p2 =	seq.s32 s10, $0x1;
	s10 =	sld [smem:$0x3FA8]  }
0x3d: {  	_ =	shalt  }
0x3e: {  	_ =	shalt  }
0x3f: {  	_ =	shalt  }
0x40: {  	_ =	shalt  }
0x41: {  	_ =	shalt  }
0x42: {  	_ =	shalt  }
0x43: {  	_ =	shalt  }
0x44: {  	_ =	shalt  }
0x45: {  	_ =	shalt  }
0x46: {  	_ =	shalt  }
0x47: {  	_ =	shalt  }
0x48: {  	_ =	shalt  }
0x49: {  	_ =	shalt  }
0x4a: {  	_ =	shalt  }
0x4b: {  	_ =	shalt  }
0x4c: {  	_ =	shalt  }
0x4d: {  	_ =	shalt  }
0x4e: {  	_ =	shalt  }
0x4f: {  	_ =	shalt  }
0x50: {  	_ =	shalt  }
0x51: {  	_ =	shalt  }
0x52: {  	_ =	shalt  }
0x53: {  	_ =	shalt  }
0x54: {  	_ =	shalt  }
0x55: {  	_ =	shalt  }
0x56: {  	_ =	shalt  }
0x57: {  	_ =	shalt  }
0x58: {  	_ =	shalt  }
0x59: {  	_ =	shalt  }
0x5a: {  	_ =	shalt  }
0x5b: {  	_ =	shalt  }
0x5c: {  	_ =	shalt  }
0x5d: {  	_ =	shalt  }
0x5e: {  	_ =	shalt  }
0x5f: {  	_ =	shalt  }
0x60: {  	_ =	shalt  }
0x61: {  	_ =	shalt  }
0x62: {  	_ =	shalt  }
0x63: {  	_ =	shalt  }
0x64: {  	_ =	shalt  }
0x65: {  	_ =	shalt  }
0x66: {  	_ =	shalt  }
0x67: {  	_ =	shalt  }
0x68: {  	_ =	shalt  }
0x69: {  	_ =	shalt  }
0x6a: {  	_ =	shalt  }
0x6b: {  	_ =	shalt  }
0x6c: {  	_ =	shalt  }
0x6d: {  	_ =	shalt  }
0x6e: {  	_ =	shalt  }
0x6f: {  	_ =	shalt  }
0x70: {  	_ =	shalt  }
0x71: {  	_ =	shalt  }
0x72: {  	_ =	shalt  }
0x73: {  	_ =	shalt  }
0x74: {  	_ =	shalt  }
0x75: {  	_ =	shalt  }
0x76: {  	_ =	shalt  }
0x77: {  	_ =	shalt  }
0x78: {  	_ =	shalt  }
0x79: {  	_ =	shalt  }
0x7a: {  	_ =	shalt  }
0x7b: {  	_ =	shalt  }
0x7c: {  	_ =	shalt  }
0x7d: {  	_ =	shalt  }
0x7e: {  	_ =	shalt  }
0x7f: {  	_ =	shalt  }
0x80: {  	_ =	shalt  }
0x81: {  	_ =	shalt  }
0x82: {  	_ =	shalt  }
0x83: {  	_ =	shalt  }
0x84: {  	_ =	shalt  }
0x85: {  	_ =	shalt  }
0x86: {  	_ =	shalt  }
0x87: {  	_ =	shalt  }
.Lfunc_end0:
.L_simem_size_0:
called_computation.8_lowered:
.L_overlay_start_0:
0x88: {  	s2 =	sld [smem:$0x3FD9]  }
0x89: {  	s3 =	sld [smem:$0x3FFE];
	_ =	sdelay $0x1  }
0x8a: {  	s1 =	srdreg.scid  }
0x8b: {  	s0 =	sand.u32 $0x1, s1  }
0x8c: {  	s17 =	sshll.u32 s0, $0xA;
	s2 =	sadd.s32 s3, s2  }
0x8d: {  	s2 =	sadd.s32 s2, s17  }
0x8e: {  	[smem:$0x3FB4] =	sst s2  }
0x8f: {  	_ = 	snop  }
0x90: {  	s2 =	sld [smem:$0x3FD0];
	(tm) =	ssettm $0x1  }
0x91: {  	s18 =	sld [smem:$0x3FFB];
	_ =	sdelay $0x3  }
0x92: {  	_ =	strace s18  }
0x93: {  	s3 =	sld [smem:$0x3FFC];
	_ =	sdelay $0x3  }
0x94: {  	_ =	strace s3  }
0x95: {  	s3 =	sld [smem:$0x3FFD];
	_ =	sdelay $0x3  }
0x96: {  	_ =	strace s3  }
0x97: {  	_ =	strace $0x8FFFFFFF  }
0x98: {  	s19 =	sld [smem:$0x3FDB];
	_ =	sdelay $0x1  }
0x99: {  	s4 =	simm.s32 $_scs_section_size  }
0x9a: {  	s5 =	simm.s32 $_size__tile_overlayer_lowered;
	s6 =	simm.s32 $_tile_overlayer_lowered  }
0x9b: {  	s22 =	simm.s32 $0x1BFF;
	s21 =	sshll.u32 s6, $0x1;
	s3 =	sadd.s32 s4, s19  }
0x9c: {  	s7 =	simm.s32 $0x0;
	s20 =	sshll.u32 s5, $0x1;
	s5 =	sadd.s32 s21, s3  }
0x9d: {  	[timem:s7], [sflag:s22] =	dma.local [hbm:s5], s20  }
0x9e: {  	_ =	swait.ge [sflag:s22], s20  }
0x9f: {  	s4 =	ssub.s32 $0x0, s20;
	[sflag:s22] =	ssyncset.done $0x0  }
0xa0: {  	[sflag:s22] =	ssyncadd.s32 s4;
	_ =	sdelay $0x1  }
0xa1: {  	s23 =	simm.s32 $0x1B8B  }
0xa2: {  	_ =	swait.ge [sflag:s23], $0x1  }
0xa3: {  	[sflag:s23] =	ssyncset.done $0x0  }
0xa4: {  	s25 =	simm.s32 $0x1B8E;
	s24 =	sld [smem:$0x3FFE];
	[sflag:s23] =	ssyncadd.s32 $0xFFFFFFFF  }
0xa5: {  	s26 =	simm.s32 $execute0_lowered;
	[smem:$0x3FD2] =	sst s25  }
0xa6: {  	s5 =	sshll.u32 s26, $0x1;
	_ =	strace $0x8000005E;
	[dreg:$0x1] =	wrdreg $0xFFFFFFFF  }
0xa7: {  	s28 =	simm.s32 $_size_execute0_lowered;
	s3 =	sadd.s32 s3, s5;
	[dreg:$0x0] =	wrdreg $0x0  }
0xa8: {  	s5 =	sshll.u32 s28, $0x1;
	[dreg:$0x2] =	wrdreg s3  }
0xa9: {  	[dreg:$0x3] =	wrdreg s5  }
0xaa: {  	[dreg:$0x4] =	wrdreg $0xC0  }
0xab: {  	_ =	task [dreg:s7], $0x5FFFF  }
0xac: {  	[dreg:$0x1] =	wrdreg $0xFFFFFFFF  }
0xad: {  	[dreg:$0x0] =	wrdreg $0x60  }
0xae: {  	[dreg:$0x2] =	wrdreg s24  }
0xaf: {  	[dreg:$0x3] =	wrdreg s2  }
0xb0: {  	[dreg:$0x4] =	wrdreg $0x9  }
0xb1: {  	_ =	task.clear_ibuf [dreg:s7], $0x5FFFF;
	_ =	strace $0x9000005E  }
0xb2: {  	s29 =	simm.s32 $0x9;
	_ =	strace $0x80000060  }
0xb3: {  	_ =	swait.ge [sflag:s29], $0x1  }
0xb4: {  	[sflag:s29] =	ssyncadd.s32 $0xFFFFFFFF  }
0xb5: {  	_ =	strace $0x90000060  }
0xb6: {  	_ =	sfence  }
0xb7: {  	s30 =	sld [smem:$0x0];
	_ =	sdelay $0x2  }
0xb8: {  	s31 =	sshll.u32 s1, $0xD;
	s1 =	sshrl.u32 s1, $0x2  }
0xb9: {  	s3 =	sand.u32 $0x4000, s31;
	s1 =	sadd.s32 s1, s30  }
0xba: {  	s0 =	sor.u32 s3, s0;
	s1 =	sshll.u32 s1, $0x11  }
0xbb: {  	s0 =	sor.u32 s1, s0  }
0xbc: {  	s0 =	sadd.s32 $0x8F2B, s0  }
0xbd: {  	[sflag:s0] =	ssyncadd.remote.s32 $0x1  }
0xbe: {  	_ =	sfence.sel $0xFFFF  }
0xbf: {  	[dreg:$0x0] =	wrdreg $0xFFFFFFFF;
	(pc) =	sbr.abs _section_cstart, $3  }
0xc0: {  	[dreg:$0x1] =	wrdreg $0xFFFFFFFF  }
0xc1: {  	_ =	task.clear_ibuf [dreg:s7], $0x2FFFF;
	_ =	strace $0x9FFFFFFF  }
0xc2: {  	(tm) =	ssettm $0x7FFFFFFF  }
0xc3: {  	_ =	shalt  }
tec
execute0_lowered:
.L_overlay_start_1:
0x0: {  	(tag) =	ssettag $0x1  }
0x1: {  	s1 =	srdreg.scid;
	s5 =	rddreg [dreg:$0x0]  }
0x2: {  	s0 =	stileid.u32;
	s10 =	rddreg [dreg:$0x1];
	s2 =	simm.s32 $0x0  }
0x3: {  	s17 =	simm.s32 $0x8200;
	s18 =	simm.s32 $0x180;
	s19 =	simm.s32 $0xC200  }
0x4: {  	s20 =	simm.s32 $0x1;
	s21 =	simm.s32 $0x2;
	s8 =	smul.u32 $0x1480, s0  }
0x5: {  	s6 =	sand.u32 $0x1, s1;
	s22 =	sshll.u32 s0, $0x1;
	s12 =	smul.u32 $0x52000, s0  }
0x6: {  	[smem:$0x7FF] =	sst s2;
	s4 =	sadd.s32 $0x62A00, s5;
	s23 =	smul.u32 $0xA4, s0  }
0x7: {  	s13 =	sadd.s32 $0x5AAA00, s5;
	s16 =	sadd.s32 $0x8AA00, s5;
	s9 =	smul.u32 $0xA40, s6  }
0x8: {  	s3 =	sor.u32 s6, s22;
	_ =	strace $0x8000005F;
	s15 =	smul.u32 $0x29000, s6  }
0x9: {  	s11 =	ssub.s32 $0x2, s6;
	s25 =	smul.u32 $0x52, s6;
	s22 =	simm.s32 $0x3  }
0xa: {  	s7 =	smul.u32 $0xA40, s3;
	s3 =	sadd.s32 $0x3AA00, s5;
	s14 =	sshrl.u32 s11, $0x1  }
0xb: {  	s24 =	sadd.s32 s8, s10;
	s26 =	sadd.s32 s12, s16;
	s29 =	sadd.s32 s12, s13  }
0xc: {  	s11 =	ssub.s32 s11, s14;
	s28 =	sadd.s32 s25, s23;
	s8 =	sadd.s32 s15, s29  }
0xd: {  	s14 =	simm.s32 $0x200;
	s23 =	simm.s32 $0x4;
	s5 =	sadd.s32 s10, s7  }
0xe: {  	s6 =	smax.u32 s11, $0x1;
	s7 =	sadd.s32 s9, s24;
	s9 =	sadd.s32 s15, s26  }
0xf: {  	s30 =	sshll.u32 s28, $0xB;
	s11 =	sshll.u32 s28, $0x5;
	s15 =	simm.s32 $0x4200  }
0x10: {  	s24 =	simm.s32 $0x0;
	s7 =	sadd.s32 $0x40, s7;
	[dreg:$0x3] =	wrdreg s9  }
0x11: {  	s31 =	sadd.s32 s30, s13;
	s12 =	sadd.s32 s30, s16;
	s11 =	sadd.s32 s11, s10  }
0x12: {  	s13 =	simm.s32 $0x80;
	s16 =	simm.s32 $0x100;
	s9 =	sadd.s32 $0x800, s31  }
0x13: {  	s10 =	sadd.s32 $0x800, s12;
	s11 =	sadd.s32 $0x20, s11;
	s12 =	simm.s32 $0x5  }
.LBB2_1:
0x14: {  	[tilespmem:s2], [sflag:$0x5] =	stream.linear.gather [hbm4b:s5+s2], $0x100, $0x38;
	[tilespmem:$0x10200] =	vst v63  }
0x15: {  	_ =	swait.ge [sflag:s12], $0x100  }
0x16: {  	[sflag:s12] =	ssyncset.done $0x0  }
0x17: {  	[sflag:s12] =	ssyncadd.s32 $0xFFFFFF00  }
0x18: {  	[tilespmem:s14], [sflag:$0x1] =	stream.indirect.gather [hbm4b:s3+s13], $0x80, s2, s13, $0xb8;
	[tilespmem:$0x10200] =	vst v63  }
0x19: {  	_ = 	snop  }
0x1a: {  	[tilespmem:s15], [sflag:$0x2] =	stream.indirect.gather [hbm4b:s4+s13], $0x80, s13, s13, $0xb8;
	[tilespmem:$0x10200] =	vst v63  }
0x1b: {  	_ = 	snop  }
0x1c: {  	[tilespmem:s16], [sflag:$0x5] =	stream.linear.gather [hbm4b:s11+s2], $0x100, $0x38;
	[tilespmem:$0x10200] =	vst v63  }
0x1d: {  	_ =	swait.ge [sflag:s12], $0x100  }
0x1e: {  	[sflag:s12] =	ssyncset.done $0x0  }
0x1f: {  	[sflag:s12] =	ssyncadd.s32 $0xFFFFFF00  }
0x20: {  	[tilespmem:s17], [sflag:$0x3] =	stream.indirect.gather [hbm4b:s3+s13], $0x80, s16, s13, $0xb8;
	[tilespmem:$0x10200] =	vst v63  }
0x21: {  	_ = 	snop  }
0x22: {  	[tilespmem:s19], [sflag:$0x4] =	stream.indirect.gather [hbm4b:s4+s13], $0x80, s18, s13, $0xb8;
	[tilespmem:$0x10200] =	vst v63  }
0x23: {  	_ =	swait.ge [sflag:s20], $0x4000  }
0x24: {  	[sflag:s20] =	ssyncset.done $0x0  }
0x25: {  	[sflag:s20] =	ssyncadd.s32 $0xFFFFC000  }
0x26: {  	_ =	swait.ge [sflag:s21], $0x4000  }
0x27: {  	[sflag:s21] =	ssyncset.done $0x0  }
0x28: {  	s25 =	sadd.s32 $0x0, s8;
	[sflag:s21] =	ssyncadd.s32 $0xFFFFC000  }
0x29: {  	[hbm4b:s25+s2] =	stream.linear.scatter [tilespmem:s14], [sflag:$0x5], $0x4000, $0x38;
	[tilespmem:$0x10200] =	vst v63  }
0x2a: {  	_ =	swait.ge [sflag:s12], $0x4000  }
0x2b: {  	s29 =	rddreg [dreg:$0x3];
	[sflag:s12] =	ssyncset.done $0x0  }
0x2c: {  	[sflag:s12] =	ssyncadd.s32 $0xFFFFC000;
	s25 =	sadd.s32 $0x0, s29  }
0x2d: {  	[hbm4b:s25+s2] =	stream.linear.scatter [tilespmem:s15], [sflag:$0x5], $0x4000, $0x38;
	[tilespmem:$0x10200] =	vst v63  }
0x2e: {  	_ =	swait.ge [sflag:s12], $0x4000  }
0x2f: {  	p0 =	por $0x0, $0x0;
	[sflag:s12] =	ssyncset.done $0x0  }
0x30: {  	s26 =	simm.s32 @!p0 $0x5;
	s25 =	simm.s32 @!p0 $0x0;
	[sflag:s12] =	ssyncadd.s32 $0xFFFFC000  }
0x31: {  	[tilespmem:s25], [sflag:$0x5] =	stream.linear.gather @!p0 [hbm4b:s7+s25], $0x100, $0x38;
	[tilespmem:$0x10200] =	vst v63  }
0x32: {  	_ =	swait.ge @!p0 [sflag:s26], $0x100  }
0x33: {  	[sflag:s26] =	ssyncset.done @!p0 $0x0  }
0x34: {  	s28 =	simm.s32 @!p0 $0x200;
	[sflag:s26] =	ssyncadd.s32 @!p0 $0xFFFFFF00;
	s26 =	simm.s32 @!p0 $0x80  }
0x35: {  	[tilespmem:s28], [sflag:$0x1] =	stream.indirect.gather @!p0 [hbm4b:s3+s26], $0x80, s25, s26, $0xb8;
	[tilespmem:$0x10200] =	vst v63  }
0x36: {  	s25 =	simm.s32 @!p0 $0x4200  }
0x37: {  	[tilespmem:s25], [sflag:$0x2] =	stream.indirect.gather @!p0 [hbm4b:s4+s26], $0x80, s26, s26, $0xb8;
	[tilespmem:$0x10200] =	vst v63  }
0x38: {  	_ =	swait.ge [sflag:s22], $0x4000  }
0x39: {  	[sflag:s22] =	ssyncset.done $0x0  }
0x3a: {  	[sflag:s22] =	ssyncadd.s32 $0xFFFFC000  }
0x3b: {  	_ =	swait.ge [sflag:s23], $0x4000  }
0x3c: {  	[sflag:s23] =	ssyncset.done $0x0  }
0x3d: {  	s30 =	sadd.s32 $0x0, s9;
	[sflag:s23] =	ssyncadd.s32 $0xFFFFC000  }
0x3e: {  	[hbm4b:s30+s2] =	stream.linear.scatter [tilespmem:s17], [sflag:$0x5], $0x4000, $0x38;
	[tilespmem:$0x10200] =	vst v63  }
0x3f: {  	_ =	swait.ge [sflag:s12], $0x4000  }
0x40: {  	[sflag:s12] =	ssyncset.done $0x0  }
0x41: {  	s31 =	sadd.s32 $0x0, s10;
	[sflag:s12] =	ssyncadd.s32 $0xFFFFC000  }
0x42: {  	[hbm4b:s31+s2] =	stream.linear.scatter [tilespmem:s19], [sflag:$0x5], $0x4000, $0x38;
	[tilespmem:$0x10200] =	vst v63  }
0x43: {  	s28 =	smov.u32 s7;
	_ =	swait.ge [sflag:s12], $0x4000  }
0x44: {  	s25 =	simm.s32 $0x1000;
	s26 =	sadd.s32 $0x40, s11;
	[sflag:s12] =	ssyncset.done $0x0  }
.LBB2_2:
0x45: {  	[sflag:s12] =	ssyncadd.s32 $0xFFFFC000  }
0x46: {  	[tilespmem:s16], [sflag:$0x5] =	stream.linear.gather [hbm4b:s26+s2], $0x100, $0x38;
	[tilespmem:$0x10200] =	vst v63  }
0x47: {  	_ =	swait.ge [sflag:s12], $0x100  }
0x48: {  	[sflag:s12] =	ssyncset.done $0x0  }
0x49: {  	[sflag:s12] =	ssyncadd.s32 $0xFFFFFF00  }
0x4a: {  	[tilespmem:s17], [sflag:$0x3] =	stream.indirect.gather [hbm4b:s3+s13], $0x80, s16, s13, $0xb8;
	[tilespmem:$0x10200] =	vst v63  }
0x4b: {  	_ = 	snop  }
0x4c: {  	[tilespmem:s19], [sflag:$0x4] =	stream.indirect.gather [hbm4b:s4+s13], $0x80, s18, s13, $0xb8;
	[tilespmem:$0x10200] =	vst v63  }
0x4d: {  	_ =	swait.ge [sflag:s20], $0x4000  }
0x4e: {  	[sflag:s20] =	ssyncset.done $0x0  }
0x4f: {  	[sflag:s20] =	ssyncadd.s32 $0xFFFFC000  }
0x50: {  	_ =	swait.ge [sflag:s21], $0x4000  }
0x51: {  	s29 =	smov.u32 s25;
	[sflag:s21] =	ssyncset.done $0x0  }
0x52: {  	s30 =	sadd.s32 s29, s8;
	[sflag:s21] =	ssyncadd.s32 $0xFFFFC000  }
0x53: {  	[hbm4b:s30+s2] =	stream.linear.scatter [tilespmem:s14], [sflag:$0x5], $0x4000, $0x38;
	[tilespmem:$0x10200] =	vst v63  }
0x54: {  	_ =	swait.ge [sflag:s12], $0x4000  }
0x55: {  	s1 =	rddreg [dreg:$0x3];
	[sflag:s12] =	ssyncset.done $0x0  }
0x56: {  	[sflag:s12] =	ssyncadd.s32 $0xFFFFC000;
	s30 =	sadd.s32 s29, s1  }
0x57: {  	[hbm4b:s30+s2] =	stream.linear.scatter [tilespmem:s15], [sflag:$0x5], $0x4000, $0x38;
	[tilespmem:$0x10200] =	vst v63  }
0x58: {  	_ =	swait.ge [sflag:s12], $0x4000  }
0x59: {  	s28 =	sadd.s32 $0x40, s28;
	p1 =	seq.s32 s29, $0x28000;
	[sflag:s12] =	ssyncset.done $0x0  }
0x5a: {  	s31 =	simm.s32 @!p1 $0x5;
	s30 =	simm.s32 @!p1 $0x0;
	[sflag:s12] =	ssyncadd.s32 $0xFFFFC000  }
0x5b: {  	[tilespmem:s30], [sflag:$0x5] =	stream.linear.gather @!p1 [hbm4b:s28+s30], $0x100, $0x38;
	[tilespmem:$0x10200] =	vst v63  }
0x5c: {  	_ =	swait.ge @!p1 [sflag:s31], $0x100  }
0x5d: {  	[sflag:s31] =	ssyncset.done @!p1 $0x0  }
0x5e: {  	s1 =	simm.s32 @!p1 $0x200;
	[sflag:s31] =	ssyncadd.s32 @!p1 $0xFFFFFF00;
	s31 =	simm.s32 @!p1 $0x80  }
0x5f: {  	[tilespmem:s1], [sflag:$0x1] =	stream.indirect.gather @!p1 [hbm4b:s3+s31], $0x80, s30, s31, $0xb8;
	[tilespmem:$0x10200] =	vst v63  }
0x60: {  	s1 =	simm.s32 @!p1 $0x4200  }
0x61: {  	[tilespmem:s1], [sflag:$0x2] =	stream.indirect.gather @!p1 [hbm4b:s4+s31], $0x80, s31, s31, $0xb8;
	[tilespmem:$0x10200] =	vst v63  }
0x62: {  	_ =	swait.ge [sflag:s22], $0x4000  }
0x63: {  	[sflag:s22] =	ssyncset.done $0x0  }
0x64: {  	[sflag:s22] =	ssyncadd.s32 $0xFFFFC000  }
0x65: {  	_ =	swait.ge [sflag:s23], $0x4000  }
0x66: {  	[sflag:s23] =	ssyncset.done $0x0  }
0x67: {  	s25 =	sadd.s32 $0x1000, s25;
	s30 =	sadd.s32 s29, s9;
	[sflag:s23] =	ssyncadd.s32 $0xFFFFC000  }
0x68: {  	[hbm4b:s30+s2] =	stream.linear.scatter [tilespmem:s17], [sflag:$0x5], $0x4000, $0x38;
	[tilespmem:$0x10200] =	vst v63  }
0x69: {  	p0 =	sne.s32 s25, $0x29000;
	_ =	swait.ge [sflag:s12], $0x4000  }
.Ltmp0:
0x6a: {  	[sflag:s12] =	ssyncset.done $0x0;
	(pc) =	sbr.rel @p0 .LBB2_2-.Ltmp0, $4  }
0x6b: {  	s31 =	sadd.s32 s29, s10;
	[sflag:s12] =	ssyncadd.s32 $0xFFFFC000  }
0x6c: {  	[hbm4b:s31+s2] =	stream.linear.scatter [tilespmem:s19], [sflag:$0x5], $0x4000, $0x38;
	[tilespmem:$0x10200] =	vst v63  }
0x6d: {  	_ =	swait.ge [sflag:s12], $0x4000  }
0x6e: {  	s26 =	sadd.s32 $0x40, s26;
	[sflag:s12] =	ssyncset.done $0x0  }
0x6f: {  	s24 =	sadd.s32 $0x1, s24  }
0x70: {  	p0 =	sne.s32 s24, s6  }
.Ltmp1:
0x71: {  	_ = 	snop;
	(pc) =	sbr.rel @p0 .LBB2_1-.Ltmp1, $2  }
0x72: {  	_ =	sdelay $0x2  }
0x73: {  	[sflag:s12] =	ssyncadd.s32 $0xFFFFC000  }
0x74: {  	_ =	sfence.sel $0x180000  }
0x75: {  	[bflag:$0x0] =	sbarrier.arrive $0xFFFF  }
0x76: {  	_ =	strace $0x9000005F  }
0x77: {  	[bflag:$0x2] =	sbarrier.arrive $0xFFFF  }
0x78: {  	p0 =	sne.s32 s0, $0x0;
	s0 =	rddreg [dreg:$0x2]  }
0x79: {  	s0 =	sadd.s32 @!p0 $0x100000, s0  }
0x7a: {  	[sflag:s0] =	ssyncadd.tile.s32 @!p0 $0x1;
	_ =	shalt  }
.Lfunc_end2:
_tile_overlayer_lowered:
.L_overlay_start_2:
0x7b: {  	(tag) =	ssettag $0x2  }
0x7c: {  	s0 =	rddreg [dreg:$0x0];
	s2 =	stileid.u32  }
0x7d: {  	s1 =	rddreg [dreg:$0x1];
	p0 =	sne.s32 s2, $0x0  }
0x7e: {  	s3 =	rddreg [dreg:$0x2];
	[bflag:$0x3] =	sbarrier.arrive $0xFFFF;
	s2 =	simm.s32 @!p0 $0x1C05  }
0x7f: {  	[timem:s3], [sflag:s2] =	dma.local @!p0 [hbm:s0], s1  }
0x80: {  	s0 =	simm.s32 @!p0 $0x5  }
0x81: {  	_ =	swait.ge @!p0 [sflag:s0], s1  }
0x82: {  	s1 =	ssub.s32 @!p0 $0x0, s1;
	[sflag:s0] =	ssyncset.done @!p0 $0x0  }
0x83: {  	[sflag:s0] =	ssyncadd.s32 @!p0 s1  }
0x84: {  	[bflag:$0x3] =	sbarrier.arrive $0xFFFF  }
0x85: {  	_ =	shalt  }

// kernel: kernel.57.cloned.1.call-start
scs
__scs_entry_jumppad:
0x0: {  	(pc) =	sbr.rel $0x88, $3  }
0x1: {  	(tag) =	ssettag $0x0;
	lr =	simm.s32 $0x1  }
0x2: {  	[smem:$0x3F8D] =	sst lr;
	_ =	strace $0xD0000000  }
0x3: {  	_ = 	snop  }
0x4: {  	_ = 	snop  }
0x5: {  	_ = 	snop  }
0x6: {  	_ = 	snop  }
0x7: {  	_ = 	snop  }
__scs_overlays_trampoline_lowered:
0x8: {  	[smem:$0x3F9C] =	sst s0  }
0x9: {  	[smem:$0x3F9D] =	sst s1  }
0xa: {  	[smem:$0x3F9E] =	sst s2  }
0xb: {  	[smem:$0x3F9F] =	sst s3  }
0xc: {  	[smem:$0x3FA0] =	sst s4  }
0xd: {  	[smem:$0x3FA1] =	sst s5  }
0xe: {  	[smem:$0x3FA2] =	sst s6  }
0xf: {  	[smem:$0x3FA3] =	sst s7  }
0x10: {  	[smem:$0x3FA4] =	sst s8  }
0x11: {  	[smem:$0x3FA5] =	sst s9;
	s0 =	simm.s32 @!p0 $0x0  }
0x12: {  	s1 =	sld [smem:$0x3F8B];
	s0 =	simm.s32 @p0 $0x1  }
0x13: {  	[smem:$0x3FA6] =	sst s0;
	s0 =	simm.s32 @!p1 $0x0  }
0x14: {  	s2 =	sld [smem:$0x3F8A];
	s0 =	simm.s32 @p1 $0x1  }
0x15: {  	[smem:$0x3FA7] =	sst s0;
	s0 =	simm.s32 @!p2 $0x0  }
0x16: {  	s3 =	sld [smem:$0x3FDB];
	s0 =	simm.s32 @p2 $0x1  }
0x17: {  	s4 =	simm.s32 $0x1BF5;
	[smem:$0x3FA9] =	sst s0  }
0x18: {  	s0 =	sld [smem:$0x3F8C];
	_ =	swait.ge [sflag:s4], $0x0  }
0x19: {  	s7 =	sld [smem:$0x3F8D]  }
0x1a: {  	s8 =	sadd.s32 $0xFFFFE003, lr  }
0x1b: {  	s9 =	sadd.s32 $0xFFFFFEF7, lr;
	s5 =	simm.s32 $0xFFFFFFFF;
	p2 =	slt.u32 s8, $0xFFFFF086  }
0x1c: {  	p1 =	slt.u32 s9, $0xF7A;
	s5 =	simm.s32 @!p2 $0x0  }
0x1d: {  	s5 =	simm.s32 @p1 $0x1;
	p0 =	seq.s32 s7, s2  }
0x1e: {  	s7 =	smul.u32 @!p0 $0xF7A, s2;
	p2 =	seq.s32 @!p0 s5, $0x0  }
0x1f: {  	s9 =	smul.u32 $0xF7A, s1;
	s8 =	simm.s32 @!p0 $0x1BF5;
	p2 =	por !p2, p0  }
0x20: {  	[sflag:s8] =	ssyncset.s32 @!p0 $0xFFFFF086;
	s6 =	sadd.s32 @!p0 s3, s7;
	s7 =	simm.s32 @!p0 $0x108  }
0x21: {  	s3 =	sadd.s32 s3, s9;
	s6 =	sadd.s32 @!p0 $0x88, s6;
	s7 =	simm.s32 @p2 $0x1082  }
0x22: {  	[simem:s7], [sflag:s8] =	dma.local @!p0 [hbm:s6], $0xF7A  }
0x23: {  	s9 =	sor.u32 $0xD0000000, s2;
	s6 =	simm.s32 $0x108;
	_ =	swait.ge @!p0 [sflag:s8], $0x0  }
0x24: {  	s3 =	sadd.s32 $0x88, s3;
	s6 =	simm.s32 @!p1 $0x1082;
	[sflag:s4] =	ssyncset.s32 $0xFFFFF086  }
0x25: {  	[simem:s6], [sflag:s4] =	dma.local [hbm:s3], $0xF7A  }
0x26: {  	[smem:$0x3F8D] =	sst s1;
	(tag) =	ssettag s2;
	_ =	strace s9  }
0x27: {  	s1 =	sld [smem:$0x3F9D]  }
0x28: {  	s2 =	sld [smem:$0x3F9E]  }
0x29: {  	s4 =	sld [smem:$0x3FA0]  }
0x2a: {  	p0 =	seq.s32 s5, $0x0;
	s5 =	sld [smem:$0x3FA1]  }
0x2b: {  	s6 =	sld [smem:$0x3FA2]  }
0x2c: {  	s7 =	sld [smem:$0x3FA3]  }
0x2d: {  	s3 =	simm.s32 $0x108;
	s8 =	sld [smem:$0x3FA4]  }
0x2e: {  	s3 =	simm.s32 @!p0 $0x1082;
	s9 =	sld [smem:$0x3FA5]  }
0x2f: {  	lr =	sadd.s32 s0, s3;
	s0 =	sld [smem:$0x3F9C]  }
0x30: {  	s3 =	sld [smem:$0x3F9F]  }
0x31: {  	[smem:$0x3FA8] =	sst s10  }
0x32: {  	s10 =	sld [smem:$0x3FA6];
	_ =	sdelay $0x3  }
0x33: {  	p0 =	seq.s32 s10, $0x1;
	s10 =	sld [smem:$0x3FA8];
	_ =	sdelay $0x3  }
0x34: {  	[smem:$0x3FA8] =	sst s10  }
0x35: {  	s10 =	sld [smem:$0x3FA7];
	_ =	sdelay $0x3  }
0x36: {  	p1 =	seq.s32 s10, $0x1;
	s10 =	sld [smem:$0x3FA8];
	_ =	sdelay $0x3  }
0x37: {  	[smem:$0x3FA8] =	sst s10  }
0x38: {  	s10 =	sld [smem:$0x3FA9]  }
0x39: {  	_ = 	snop;
	(pc) =	sbr.ind lr, $3  }
0x3a: {  	_ = 	snop  }
0x3b: {  	_ = 	snop  }
0x3c: {  	p2 =	seq.s32 s10, $0x1;
	s10 =	sld [smem:$0x3FA8]  }
0x3d: {  	_ =	shalt  }
0x3e: {  	_ =	shalt  }
0x3f: {  	_ =	shalt  }
0x40: {  	_ =	shalt  }
0x41: {  	_ =	shalt  }
0x42: {  	_ =	shalt  }
0x43: {  	_ =	shalt  }
0x44: {  	_ =	shalt  }
0x45: {  	_ =	shalt  }
0x46: {  	_ =	shalt  }
0x47: {  	_ =	shalt  }
0x48: {  	_ =	shalt  }
0x49: {  	_ =	shalt  }
0x4a: {  	_ =	shalt  }
0x4b: {  	_ =	shalt  }
0x4c: {  	_ =	shalt  }
0x4d: {  	_ =	shalt  }
0x4e: {  	_ =	shalt  }
0x4f: {  	_ =	shalt  }
0x50: {  	_ =	shalt  }
0x51: {  	_ =	shalt  }
0x52: {  	_ =	shalt  }
0x53: {  	_ =	shalt  }
0x54: {  	_ =	shalt  }
0x55: {  	_ =	shalt  }
0x56: {  	_ =	shalt  }
0x57: {  	_ =	shalt  }
0x58: {  	_ =	shalt  }
0x59: {  	_ =	shalt  }
0x5a: {  	_ =	shalt  }
0x5b: {  	_ =	shalt  }
0x5c: {  	_ =	shalt  }
0x5d: {  	_ =	shalt  }
0x5e: {  	_ =	shalt  }
0x5f: {  	_ =	shalt  }
0x60: {  	_ =	shalt  }
0x61: {  	_ =	shalt  }
0x62: {  	_ =	shalt  }
0x63: {  	_ =	shalt  }
0x64: {  	_ =	shalt  }
0x65: {  	_ =	shalt  }
0x66: {  	_ =	shalt  }
0x67: {  	_ =	shalt  }
0x68: {  	_ =	shalt  }
0x69: {  	_ =	shalt  }
0x6a: {  	_ =	shalt  }
0x6b: {  	_ =	shalt  }
0x6c: {  	_ =	shalt  }
0x6d: {  	_ =	shalt  }
0x6e: {  	_ =	shalt  }
0x6f: {  	_ =	shalt  }
0x70: {  	_ =	shalt  }
0x71: {  	_ =	shalt  }
0x72: {  	_ =	shalt  }
0x73: {  	_ =	shalt  }
0x74: {  	_ =	shalt  }
0x75: {  	_ =	shalt  }
0x76: {  	_ =	shalt  }
0x77: {  	_ =	shalt  }
0x78: {  	_ =	shalt  }
0x79: {  	_ =	shalt  }
0x7a: {  	_ =	shalt  }
0x7b: {  	_ =	shalt  }
0x7c: {  	_ =	shalt  }
0x7d: {  	_ =	shalt  }
0x7e: {  	_ =	shalt  }
0x7f: {  	_ =	shalt  }
0x80: {  	_ =	shalt  }
0x81: {  	_ =	shalt  }
0x82: {  	_ =	shalt  }
0x83: {  	_ =	shalt  }
0x84: {  	_ =	shalt  }
0x85: {  	_ =	shalt  }
0x86: {  	_ =	shalt  }
0x87: {  	_ =	shalt  }
.Lfunc_end0:
.L_simem_size_0:
called_computation.9_lowered:
.L_overlay_start_0:
0x88: {  	s2 =	sld [smem:$0x3FD9]  }
0x89: {  	s3 =	sld [smem:$0x3FFE];
	_ =	sdelay $0x1  }
0x8a: {  	s1 =	srdreg.scid  }
0x8b: {  	s0 =	sand.u32 $0x1, s1  }
0x8c: {  	s16 =	sshll.u32 s0, $0xA;
	s2 =	sadd.s32 s3, s2  }
0x8d: {  	s2 =	sadd.s32 s2, s16  }
0x8e: {  	[smem:$0x3FB4] =	sst s2  }
0x8f: {  	_ = 	snop  }
0x90: {  	(tm) =	ssettm $0x1  }
0x91: {  	s17 =	sld [smem:$0x3FFB];
	_ =	sdelay $0x3  }
0x92: {  	_ =	strace s17  }
0x93: {  	s2 =	sld [smem:$0x3FFC];
	_ =	sdelay $0x3  }
0x94: {  	_ =	strace s2  }
0x95: {  	s2 =	sld [smem:$0x3FFD];
	_ =	sdelay $0x3  }
0x96: {  	_ =	strace s2  }
0x97: {  	_ =	strace $0x8FFFFFFF  }
0x98: {  	s18 =	sld [smem:$0x3FDB];
	_ =	sdelay $0x1  }
0x99: {  	s19 =	simm.s32 $_scs_section_size  }
0x9a: {  	s4 =	simm.s32 $_size__tile_overlayer_lowered;
	s5 =	simm.s32 $_tile_overlayer_lowered  }
0x9b: {  	s22 =	simm.s32 $0x1BFF;
	s21 =	sshll.u32 s5, $0x1;
	s2 =	sadd.s32 s19, s18  }
0x9c: {  	s6 =	simm.s32 $0x0;
	s20 =	sshll.u32 s4, $0x1;
	s4 =	sadd.s32 s21, s2  }
0x9d: {  	[timem:s6], [sflag:s22] =	dma.local [hbm:s4], s20  }
0x9e: {  	_ =	swait.ge [sflag:s22], s20  }
0x9f: {  	s3 =	ssub.s32 $0x0, s20;
	[sflag:s22] =	ssyncset.done $0x0  }
0xa0: {  	[sflag:s22] =	ssyncadd.s32 s3;
	_ =	sdelay $0x1  }
0xa1: {  	s23 =	simm.s32 $0x1B8B  }
0xa2: {  	_ =	swait.ge [sflag:s23], $0x1  }
0xa3: {  	[sflag:s23] =	ssyncset.done $0x0  }
0xa4: {  	s25 =	simm.s32 $0x1B8E;
	s24 =	sld [smem:$0x3FFE];
	[sflag:s23] =	ssyncadd.s32 $0xFFFFFFFF  }
0xa5: {  	s26 =	simm.s32 $execute0_lowered;
	[smem:$0x3FD2] =	sst s25  }
0xa6: {  	s4 =	sshll.u32 s26, $0x1;
	_ =	strace $0x80000061;
	[dreg:$0x1] =	wrdreg $0xFFFFFFFF  }
0xa7: {  	s28 =	simm.s32 $_size_execute0_lowered;
	s2 =	sadd.s32 s2, s4;
	[dreg:$0x0] =	wrdreg $0x0  }
0xa8: {  	s4 =	sshll.u32 s28, $0x1;
	[dreg:$0x2] =	wrdreg s2  }
0xa9: {  	[dreg:$0x3] =	wrdreg s4  }
0xaa: {  	[dreg:$0x4] =	wrdreg $0xC0  }
0xab: {  	_ =	task [dreg:s6], $0x5FFFF  }
0xac: {  	[dreg:$0x1] =	wrdreg $0xFFFFFFFF  }
0xad: {  	[dreg:$0x0] =	wrdreg $0x60  }
0xae: {  	[dreg:$0x2] =	wrdreg s24  }
0xaf: {  	[dreg:$0x3] =	wrdreg $0x9  }
0xb0: {  	_ =	task.clear_ibuf [dreg:s6], $0x4FFFF;
	_ =	strace $0x90000061  }
0xb1: {  	s29 =	simm.s32 $0x9;
	_ =	strace $0x80000063  }
0xb2: {  	_ =	swait.ge [sflag:s29], $0x1  }
0xb3: {  	[sflag:s29] =	ssyncadd.s32 $0xFFFFFFFF  }
0xb4: {  	_ =	strace $0x90000063  }
0xb5: {  	_ =	sfence  }
0xb6: {  	s30 =	sld [smem:$0x0];
	_ =	sdelay $0x2  }
0xb7: {  	s31 =	sshll.u32 s1, $0xD;
	s1 =	sshrl.u32 s1, $0x2  }
0xb8: {  	s3 =	sand.u32 $0x4000, s31;
	s1 =	sadd.s32 s1, s30  }
0xb9: {  	s0 =	sor.u32 s3, s0;
	s1 =	sshll.u32 s1, $0x11  }
0xba: {  	s0 =	sor.u32 s1, s0  }
0xbb: {  	s0 =	sadd.s32 $0x8F2B, s0  }
0xbc: {  	[sflag:s0] =	ssyncadd.remote.s32 $0x1  }
0xbd: {  	_ =	sfence.sel $0xFFFF  }
0xbe: {  	[dreg:$0x0] =	wrdreg $0xFFFFFFFF;
	(pc) =	sbr.abs _section_cstart, $3  }
0xbf: {  	[dreg:$0x1] =	wrdreg $0xFFFFFFFF  }
0xc0: {  	_ =	task.clear_ibuf [dreg:s6], $0x2FFFF;
	_ =	strace $0x9FFFFFFF  }
0xc1: {  	(tm) =	ssettm $0x7FFFFFFF  }
tec
execute0_lowered:
.L_overlay_start_1:
0x0: {  	(tag) =	ssettag $0x1  }
0x1: {  	s1 =	srdreg.scid  }
0x2: {  	s0 =	stileid.u32;
	s5 =	rddreg [dreg:$0x0]  }
0x3: {  	s2 =	simm.s32 $0x0;
	s8 =	simm.s32 $0x5100;
	s9 =	simm.s32 $0x1  }
0x4: {  	s10 =	simm.s32 $0x80;
	s11 =	simm.s32 $0x400;
	s12 =	simm.s32 $0x2  }
0x5: {  	s13 =	simm.s32 $0x0;
	s3 =	sand.u32 $0x1, s1;
	s29 =	sshll.u32 s0, $0x1  }
0x6: {  	s30 =	sshrl.u32 s0, $0x2;
	s1 =	rddreg [dreg:$0x1];
	s4 =	sor.u32 s3, s29  }
0x7: {  	[smem:$0x7FF] =	sst s2;
	s6 =	smul.u32 $0x14000, s30;
	s7 =	sshll.u32 s4, $0x7  }
0x8: {  	s3 =	ssub.s32 $0x2, s3;
	s4 =	smul.u32 $0x520, s4;
	s7 =	sand.u32 $0x380, s7  }
0x9: {  	_ =	strace $0x80000062;
	s31 =	sshrl.u32 s3, $0x1;
	s6 =	sor.u32 s6, s7  }
0xa: {  	s4 =	sadd.s32 s4, s5;
	s7 =	simm.s32 $0x2800;
	s6 =	sshrl.u32 s6, $0x3  }
0xb: {  	s5 =	sadd.s32 s6, s5;
	s6 =	ssub.s32 s3, s31;
	s3 =	sadd.s32 $0x8600, s4  }
0xc: {  	v0 =	vimm.f32 $0.0e+00;
	v1 =	vlaneseq.u32;
	s4 =	sadd.s32 $0x55AC00, s4;
	s5 =	sadd.s32 $0x565000, s5;
	s6 =	smax.u32 s6, $0x1  }
.LBB2_1:
0xd: {  	[tilespmem:s7], [sflag:$0x1] =	stream.linear.gather [hbm4b:s3+s2], $0x2900, $0x38;
	[tilespmem:$0x7A00] =	vst v63  }
0xe: {  	s14 =	simm.s32 $0x40;
	s15 =	simm.s32 $0x0  }
0xf: {  	[tilespmem:s8], [sflag:$0x1] =	stream.linear.gather [hbm4b:s4+s2], $0x2900, $0x38;
	[tilespmem:$0x7A00] =	vst v63  }
.LBB2_2:
0x10: {  	p0 =	sne.s32 s14, $0x9FC0;
	[tilespmem:s15+$0x0] =	vst v0;
	s15 =	smov.u32 s14;
	s14 =	sadd.s32 $0x40, s14  }
.Ltmp0:
0x11: {  	(pc) =	sbr.rel @p0 .LBB2_2-.Ltmp0, $2  }
0x12: {  	_ =	sdelay $0x2  }
0x13: {  	s15 =	sshra.s32 s15, $0x2  }
0x14: {  	[tilespmem:s15+$0x0] =	vst v0  }
0x15: {  	s14 =	simm.s32 $0x0;
	_ =	swait.ge [sflag:s9], $0x2900  }
0x16: {  	v2 =	vor.u32 s14, v1;
	[sflag:s9] =	ssyncset.done $0x0  }
0x17: {  	[sflag:s9] =	ssyncadd.s32 $0xFFFFD700  }
0x18: {  	_ =	swait.ge [sflag:s9], $0x2900  }
0x19: {  	[sflag:s9] =	ssyncset.done $0x0  }
0x1a: {  	[sflag:s9] =	ssyncadd.s32 $0xFFFFD700  }
0x1b: {  	v2 =	vld.idx.msk [tilespmem:v2+s7+$0x0], $0xffff;
	_ =	sdelay $0x1  }
0x1c: {  	s14 =	simm.s32 $0x5100  }
0x1d: {  	s31 =	simm.s32 $0x10;
	v3 =	vld [tilespmem:s14+$0x0]  }
0x1e: {  	s15 =	simm.s32 $0x20;
	v4 =	vor.u32 s31, v1  }
.LBB2_4:
0x1f: {  	p0 =	sne.s32 s15, $0x28F0;
	_ =	sdelay $0x2  }
0x20: {  	[tilespmem:v2+s2+$0x0] =	vst.idx.add.f32.msk $0xffff, v3  }
.Ltmp1:
0x21: {  	v2 =	vld.idx.msk [tilespmem:v4+s7+$0x0], $0xffff;
	(pc) =	sbr.rel @p0 .LBB2_4-.Ltmp1, $4  }
0x22: {  	_ = 	snop  }
0x23: {  	s14 =	sadd.s32 $0x10, s14  }
0x24: {  	v3 =	vld [tilespmem:s14+$0x0]  }
0x25: {  	v4 =	vor.u32 s15, v1;
	s15 =	sadd.s32 $0x10, s15  }
0x26: {  	_ =	sdelay $0x3  }
0x27: {  	[tilespmem:v2+s2+$0x0] =	vst.idx.add.f32.msk $0xffff, v3  }
0x28: {  	v2 =	vld.idx.msk [tilespmem:v4+s7+$0x0], $0xffff;
	_ =	sdelay $0x1  }
0x29: {  	s14 =	sadd.s32 $0x10, s14  }
0x2a: {  	v3 =	vld [tilespmem:s14+$0x0];
	_ =	sdelay $0x2  }
0x2b: {  	s13 =	sadd.s32 $0x1, s13  }
0x2c: {  	p0 =	sne.s32 s13, s6  }
.Ltmp2:
0x2d: {  	[tilespmem:v2+s2+$0x0] =	vst.idx.add.f32.msk $0xffff, v3;
	(pc) =	sbr.rel @p0 .LBB2_1-.Ltmp2, $4  }
0x2e: {  	[hbm4b:s5+s10] =	stream.strided.scatter [tilespmem:s2], [sflag:$0x2], $0x2800, s11, s10, $0x38;
	[tilespmem:$0x7A00] =	vst v63  }
0x2f: {  	_ =	swait.ge [sflag:s12], $0x2800  }
0x30: {  	[sflag:s12] =	ssyncset.done $0x0  }
0x31: {  	[sflag:s12] =	ssyncadd.s32 $0xFFFFD800  }
0x32: {  	_ =	sfence.sel $0x180000  }
0x33: {  	[bflag:$0x0] =	sbarrier.arrive $0xFFFF  }
0x34: {  	p0 =	sne.s32 s0, $0x0;
	_ =	strace $0x90000062  }
0x35: {  	s0 =	sadd.s32 @!p0 $0x100000, s1;
	[bflag:$0x2] =	sbarrier.arrive $0xFFFF  }
0x36: {  	[sflag:s0] =	ssyncadd.tile.s32 @!p0 $0x1;
	_ =	shalt  }
.Lfunc_end2:
_tile_overlayer_lowered:
.L_overlay_start_2:
0x37: {  	(tag) =	ssettag $0x2  }
0x38: {  	s0 =	rddreg [dreg:$0x0];
	s2 =	stileid.u32  }
0x39: {  	s1 =	rddreg [dreg:$0x1];
	p0 =	sne.s32 s2, $0x0  }
0x3a: {  	s3 =	rddreg [dreg:$0x2];
	[bflag:$0x3] =	sbarrier.arrive $0xFFFF;
	s2 =	simm.s32 @!p0 $0x1C02  }
0x3b: {  	[timem:s3], [sflag:s2] =	dma.local @!p0 [hbm:s0], s1  }
0x3c: {  	s0 =	simm.s32 @!p0 $0x2  }
0x3d: {  	_ =	swait.ge @!p0 [sflag:s0], s1  }
0x3e: {  	s1 =	ssub.s32 @!p0 $0x0, s1;
	[sflag:s0] =	ssyncset.done @!p0 $0x0  }
0x3f: {  	[sflag:s0] =	ssyncadd.s32 @!p0 s1  }
0x40: {  	[bflag:$0x3] =	sbarrier.arrive $0xFFFF  }
0x41: {  	_ =	shalt  }

// kernel: kernel.60.cloned.1.call-start
scs
__scs_entry_jumppad:
0x0: {  	(pc) =	sbr.rel $0x88, $3  }
0x1: {  	(tag) =	ssettag $0x0;
	lr =	simm.s32 $0x1  }
0x2: {  	[smem:$0x3F8D] =	sst lr;
	_ =	strace $0xD0000000  }
0x3: {  	_ = 	snop  }
0x4: {  	_ = 	snop  }
0x5: {  	_ = 	snop  }
0x6: {  	_ = 	snop  }
0x7: {  	_ = 	snop  }
__scs_overlays_trampoline_lowered:
0x8: {  	[smem:$0x3F9C] =	sst s0  }
0x9: {  	[smem:$0x3F9D] =	sst s1  }
0xa: {  	[smem:$0x3F9E] =	sst s2  }
0xb: {  	[smem:$0x3F9F] =	sst s3  }
0xc: {  	[smem:$0x3FA0] =	sst s4  }
0xd: {  	[smem:$0x3FA1] =	sst s5  }
0xe: {  	[smem:$0x3FA2] =	sst s6  }
0xf: {  	[smem:$0x3FA3] =	sst s7  }
0x10: {  	[smem:$0x3FA4] =	sst s8  }
0x11: {  	[smem:$0x3FA5] =	sst s9;
	s0 =	simm.s32 @!p0 $0x0  }
0x12: {  	s1 =	sld [smem:$0x3F8B];
	s0 =	simm.s32 @p0 $0x1  }
0x13: {  	[smem:$0x3FA6] =	sst s0;
	s0 =	simm.s32 @!p1 $0x0  }
0x14: {  	s2 =	sld [smem:$0x3F8A];
	s0 =	simm.s32 @p1 $0x1  }
0x15: {  	[smem:$0x3FA7] =	sst s0;
	s0 =	simm.s32 @!p2 $0x0  }
0x16: {  	s3 =	sld [smem:$0x3FDB];
	s0 =	simm.s32 @p2 $0x1  }
0x17: {  	s4 =	simm.s32 $0x1BF5;
	[smem:$0x3FA9] =	sst s0  }
0x18: {  	s0 =	sld [smem:$0x3F8C];
	_ =	swait.ge [sflag:s4], $0x0  }
0x19: {  	s7 =	sld [smem:$0x3F8D]  }
0x1a: {  	s8 =	sadd.s32 $0xFFFFE003, lr  }
0x1b: {  	s9 =	sadd.s32 $0xFFFFFEF7, lr;
	s5 =	simm.s32 $0xFFFFFFFF;
	p2 =	slt.u32 s8, $0xFFFFF086  }
0x1c: {  	p1 =	slt.u32 s9, $0xF7A;
	s5 =	simm.s32 @!p2 $0x0  }
0x1d: {  	s5 =	simm.s32 @p1 $0x1;
	p0 =	seq.s32 s7, s2  }
0x1e: {  	s7 =	smul.u32 @!p0 $0xF7A, s2;
	p2 =	seq.s32 @!p0 s5, $0x0  }
0x1f: {  	s9 =	smul.u32 $0xF7A, s1;
	s8 =	simm.s32 @!p0 $0x1BF5;
	p2 =	por !p2, p0  }
0x20: {  	[sflag:s8] =	ssyncset.s32 @!p0 $0xFFFFF086;
	s6 =	sadd.s32 @!p0 s3, s7;
	s7 =	simm.s32 @!p0 $0x108  }
0x21: {  	s3 =	sadd.s32 s3, s9;
	s6 =	sadd.s32 @!p0 $0x88, s6;
	s7 =	simm.s32 @p2 $0x1082  }
0x22: {  	[simem:s7], [sflag:s8] =	dma.local @!p0 [hbm:s6], $0xF7A  }
0x23: {  	s9 =	sor.u32 $0xD0000000, s2;
	s6 =	simm.s32 $0x108;
	_ =	swait.ge @!p0 [sflag:s8], $0x0  }
0x24: {  	s3 =	sadd.s32 $0x88, s3;
	s6 =	simm.s32 @!p1 $0x1082;
	[sflag:s4] =	ssyncset.s32 $0xFFFFF086  }
0x25: {  	[simem:s6], [sflag:s4] =	dma.local [hbm:s3], $0xF7A  }
0x26: {  	[smem:$0x3F8D] =	sst s1;
	(tag) =	ssettag s2;
	_ =	strace s9  }
0x27: {  	s1 =	sld [smem:$0x3F9D]  }
0x28: {  	s2 =	sld [smem:$0x3F9E]  }
0x29: {  	s4 =	sld [smem:$0x3FA0]  }
0x2a: {  	p0 =	seq.s32 s5, $0x0;
	s5 =	sld [smem:$0x3FA1]  }
0x2b: {  	s6 =	sld [smem:$0x3FA2]  }
0x2c: {  	s7 =	sld [smem:$0x3FA3]  }
0x2d: {  	s3 =	simm.s32 $0x108;
	s8 =	sld [smem:$0x3FA4]  }
0x2e: {  	s3 =	simm.s32 @!p0 $0x1082;
	s9 =	sld [smem:$0x3FA5]  }
0x2f: {  	lr =	sadd.s32 s0, s3;
	s0 =	sld [smem:$0x3F9C]  }
0x30: {  	s3 =	sld [smem:$0x3F9F]  }
0x31: {  	[smem:$0x3FA8] =	sst s10  }
0x32: {  	s10 =	sld [smem:$0x3FA6];
	_ =	sdelay $0x3  }
0x33: {  	p0 =	seq.s32 s10, $0x1;
	s10 =	sld [smem:$0x3FA8];
	_ =	sdelay $0x3  }
0x34: {  	[smem:$0x3FA8] =	sst s10  }
0x35: {  	s10 =	sld [smem:$0x3FA7];
	_ =	sdelay $0x3  }
0x36: {  	p1 =	seq.s32 s10, $0x1;
	s10 =	sld [smem:$0x3FA8];
	_ =	sdelay $0x3  }
0x37: {  	[smem:$0x3FA8] =	sst s10  }
0x38: {  	s10 =	sld [smem:$0x3FA9]  }
0x39: {  	_ = 	snop;
	(pc) =	sbr.ind lr, $3  }
0x3a: {  	_ = 	snop  }
0x3b: {  	_ = 	snop  }
0x3c: {  	p2 =	seq.s32 s10, $0x1;
	s10 =	sld [smem:$0x3FA8]  }
0x3d: {  	_ =	shalt  }
0x3e: {  	_ =	shalt  }
0x3f: {  	_ =	shalt  }
0x40: {  	_ =	shalt  }
0x41: {  	_ =	shalt  }
0x42: {  	_ =	shalt  }
0x43: {  	_ =	shalt  }
0x44: {  	_ =	shalt  }
0x45: {  	_ =	shalt  }
0x46: {  	_ =	shalt  }
0x47: {  	_ =	shalt  }
0x48: {  	_ =	shalt  }
0x49: {  	_ =	shalt  }
0x4a: {  	_ =	shalt  }
0x4b: {  	_ =	shalt  }
0x4c: {  	_ =	shalt  }
0x4d: {  	_ =	shalt  }
0x4e: {  	_ =	shalt  }
0x4f: {  	_ =	shalt  }
0x50: {  	_ =	shalt  }
0x51: {  	_ =	shalt  }
0x52: {  	_ =	shalt  }
0x53: {  	_ =	shalt  }
0x54: {  	_ =	shalt  }
0x55: {  	_ =	shalt  }
0x56: {  	_ =	shalt  }
0x57: {  	_ =	shalt  }
0x58: {  	_ =	shalt  }
0x59: {  	_ =	shalt  }
0x5a: {  	_ =	shalt  }
0x5b: {  	_ =	shalt  }
0x5c: {  	_ =	shalt  }
0x5d: {  	_ =	shalt  }
0x5e: {  	_ =	shalt  }
0x5f: {  	_ =	shalt  }
0x60: {  	_ =	shalt  }
0x61: {  	_ =	shalt  }
0x62: {  	_ =	shalt  }
0x63: {  	_ =	shalt  }
0x64: {  	_ =	shalt  }
0x65: {  	_ =	shalt  }
0x66: {  	_ =	shalt  }
0x67: {  	_ =	shalt  }
0x68: {  	_ =	shalt  }
0x69: {  	_ =	shalt  }
0x6a: {  	_ =	shalt  }
0x6b: {  	_ =	shalt  }
0x6c: {  	_ =	shalt  }
0x6d: {  	_ =	shalt  }
0x6e: {  	_ =	shalt  }
0x6f: {  	_ =	shalt  }
0x70: {  	_ =	shalt  }
0x71: {  	_ =	shalt  }
0x72: {  	_ =	shalt  }
0x73: {  	_ =	shalt  }
0x74: {  	_ =	shalt  }
0x75: {  	_ =	shalt  }
0x76: {  	_ =	shalt  }
0x77: {  	_ =	shalt  }
0x78: {  	_ =	shalt  }
0x79: {  	_ =	shalt  }
0x7a: {  	_ =	shalt  }
0x7b: {  	_ =	shalt  }
0x7c: {  	_ =	shalt  }
0x7d: {  	_ =	shalt  }
0x7e: {  	_ =	shalt  }
0x7f: {  	_ =	shalt  }
0x80: {  	_ =	shalt  }
0x81: {  	_ =	shalt  }
0x82: {  	_ =	shalt  }
0x83: {  	_ =	shalt  }
0x84: {  	_ =	shalt  }
0x85: {  	_ =	shalt  }
0x86: {  	_ =	shalt  }
0x87: {  	_ =	shalt  }
.Lfunc_end0:
.L_simem_size_0:
called_computation.10_lowered:
.L_overlay_start_0:
0x88: {  	s2 =	sld [smem:$0x3FD9]  }
0x89: {  	s3 =	sld [smem:$0x3FFE];
	_ =	sdelay $0x1  }
0x8a: {  	s1 =	srdreg.scid  }
0x8b: {  	s0 =	sand.u32 $0x1, s1  }
0x8c: {  	s16 =	sshll.u32 s0, $0xA;
	s2 =	sadd.s32 s3, s2  }
0x8d: {  	s2 =	sadd.s32 s2, s16  }
0x8e: {  	[smem:$0x3FB4] =	sst s2  }
0x8f: {  	_ = 	snop  }
0x90: {  	(tm) =	ssettm $0x1  }
0x91: {  	s17 =	sld [smem:$0x3FFB];
	_ =	sdelay $0x3  }
0x92: {  	_ =	strace s17  }
0x93: {  	s2 =	sld [smem:$0x3FFC];
	_ =	sdelay $0x3  }
0x94: {  	_ =	strace s2  }
0x95: {  	s2 =	sld [smem:$0x3FFD];
	_ =	sdelay $0x3  }
0x96: {  	_ =	strace s2  }
0x97: {  	_ =	strace $0x8FFFFFFF  }
0x98: {  	s18 =	sld [smem:$0x3FDB];
	_ =	sdelay $0x1  }
0x99: {  	s19 =	simm.s32 $_scs_section_size  }
0x9a: {  	s4 =	simm.s32 $_size__tile_overlayer_lowered;
	s5 =	simm.s32 $_tile_overlayer_lowered  }
0x9b: {  	s22 =	simm.s32 $0x1BFF;
	s21 =	sshll.u32 s5, $0x1;
	s2 =	sadd.s32 s19, s18  }
0x9c: {  	s6 =	simm.s32 $0x0;
	s20 =	sshll.u32 s4, $0x1;
	s4 =	sadd.s32 s21, s2  }
0x9d: {  	[timem:s6], [sflag:s22] =	dma.local [hbm:s4], s20  }
0x9e: {  	_ =	swait.ge [sflag:s22], s20  }
0x9f: {  	s3 =	ssub.s32 $0x0, s20;
	[sflag:s22] =	ssyncset.done $0x0  }
0xa0: {  	[sflag:s22] =	ssyncadd.s32 s3;
	_ =	sdelay $0x1  }
0xa1: {  	s23 =	simm.s32 $0x1B8B  }
0xa2: {  	_ =	swait.ge [sflag:s23], $0x1  }
0xa3: {  	[sflag:s23] =	ssyncset.done $0x0  }
0xa4: {  	s25 =	simm.s32 $0x1B8E;
	s24 =	sld [smem:$0x3FFE];
	[sflag:s23] =	ssyncadd.s32 $0xFFFFFFFF  }
0xa5: {  	s26 =	simm.s32 $execute0_lowered;
	[smem:$0x3FD2] =	sst s25  }
0xa6: {  	s4 =	sshll.u32 s26, $0x1;
	_ =	strace $0x80000064;
	[dreg:$0x1] =	wrdreg $0xFFFFFFFF  }
0xa7: {  	s28 =	simm.s32 $_size_execute0_lowered;
	s2 =	sadd.s32 s2, s4;
	[dreg:$0x0] =	wrdreg $0x0  }
0xa8: {  	s4 =	sshll.u32 s28, $0x1;
	[dreg:$0x2] =	wrdreg s2  }
0xa9: {  	[dreg:$0x3] =	wrdreg s4  }
0xaa: {  	[dreg:$0x4] =	wrdreg $0xC0  }
0xab: {  	_ =	task [dreg:s6], $0x5FFFF  }
0xac: {  	[dreg:$0x1] =	wrdreg $0xFFFFFFFF  }
0xad: {  	[dreg:$0x0] =	wrdreg $0x60  }
0xae: {  	[dreg:$0x2] =	wrdreg s24  }
0xaf: {  	[dreg:$0x3] =	wrdreg $0x9  }
0xb0: {  	_ =	task.clear_ibuf [dreg:s6], $0x4FFFF;
	_ =	strace $0x90000064  }
0xb1: {  	s29 =	simm.s32 $0x9;
	_ =	strace $0x80000066  }
0xb2: {  	_ =	swait.ge [sflag:s29], $0x1  }
0xb3: {  	[sflag:s29] =	ssyncadd.s32 $0xFFFFFFFF  }
0xb4: {  	_ =	strace $0x90000066  }
0xb5: {  	_ =	sfence  }
0xb6: {  	s30 =	sld [smem:$0x0];
	_ =	sdelay $0x2  }
0xb7: {  	s31 =	sshll.u32 s1, $0xD;
	s1 =	sshrl.u32 s1, $0x2  }
0xb8: {  	s3 =	sand.u32 $0x4000, s31;
	s1 =	sadd.s32 s1, s30  }
0xb9: {  	s0 =	sor.u32 s3, s0;
	s1 =	sshll.u32 s1, $0x11  }
0xba: {  	s0 =	sor.u32 s1, s0  }
0xbb: {  	s0 =	sadd.s32 $0x8F2B, s0  }
0xbc: {  	[sflag:s0] =	ssyncadd.remote.s32 $0x1  }
0xbd: {  	_ =	sfence.sel $0xFFFF  }
0xbe: {  	[dreg:$0x0] =	wrdreg $0xFFFFFFFF;
	(pc) =	sbr.abs _section_cstart, $3  }
0xbf: {  	[dreg:$0x1] =	wrdreg $0xFFFFFFFF  }
0xc0: {  	_ =	task.clear_ibuf [dreg:s6], $0x2FFFF;
	_ =	strace $0x9FFFFFFF  }
0xc1: {  	(tm) =	ssettm $0x7FFFFFFF  }
tec
execute0_lowered:
.L_overlay_start_1:
0x0: {  	(tag) =	ssettag $0x1  }
0x1: {  	s1 =	srdreg.scid  }
0x2: {  	s0 =	stileid.u32;
	s4 =	rddreg [dreg:$0x0];
	s2 =	simm.s32 $0x0  }
0x3: {  	s8 =	simm.s32 $0x2800;
	s3 =	sand.u32 $0x1, s1;
	s30 =	sshll.u32 s0, $0x1  }
0x4: {  	s9 =	simm.s32 $0x2;
	s10 =	simm.s32 $0x1;
	s5 =	sor.u32 s3, s30  }
0x5: {  	s11 =	simm.s32 $0x5100;
	s1 =	rddreg [dreg:$0x1];
	s5 =	smul.u32 $0x520, s5  }
0x6: {  	s12 =	simm.s32 $0x0;
	[smem:$0x7FF] =	sst s2;
	s31 =	ssub.s32 $0x2, s3  }
0x7: {  	_ =	strace $0x80000065;
	s7 =	sshrl.u32 s31, $0x1;
	s6 =	sadd.s32 s5, s4  }
0x8: {  	s3 =	sadd.s32 $0x565000, s4;
	s7 =	ssub.s32 s31, s7;
	s4 =	sadd.s32 $0x8600, s6  }
0x9: {  	v0 =	vlaneseq.u32;
	s7 =	smax.u32 s7, $0x1;
	s5 =	sadd.s32 $0x55AC00, s6;
	s6 =	sadd.s32 $0x565600, s6  }
.LBB2_1:
0xa: {  	[tilespmem:s8], [sflag:$0x1] =	stream.linear.gather [hbm4b:s4+s2], $0x2900, $0x38;
	[tilespmem:$0x7A00] =	vst v63  }
0xb: {  	_ = 	snop  }
0xc: {  	[tilespmem:s11], [sflag:$0x1] =	stream.linear.gather [hbm4b:s5+s2], $0x2900, $0x38;
	[tilespmem:$0x7A00] =	vst v63  }
0xd: {  	_ = 	snop  }
0xe: {  	[tilespmem:s2], [sflag:$0x2] =	stream.linear.gather [hbm4b:s3+s2], $0x2800, $0x38;
	[tilespmem:$0x7A00] =	vst v63  }
0xf: {  	_ =	swait.ge [sflag:s9], $0x2800  }
0x10: {  	[sflag:s9] =	ssyncset.done $0x0  }
0x11: {  	[sflag:s9] =	ssyncadd.s32 $0xFFFFD800  }
0x12: {  	_ =	swait.ge [sflag:s10], $0x2900  }
0x13: {  	v1 =	vor.u32 s2, v0;
	[sflag:s10] =	ssyncset.done $0x0  }
0x14: {  	[sflag:s10] =	ssyncadd.s32 $0xFFFFD700  }
0x15: {  	_ =	swait.ge [sflag:s10], $0x2900  }
0x16: {  	[sflag:s10] =	ssyncset.done $0x0  }
0x17: {  	[sflag:s10] =	ssyncadd.s32 $0xFFFFD700  }
0x18: {  	v1 =	vld.idx.msk [tilespmem:v1+s8+$0x0], $0xffff;
	_ =	sdelay $0x7  }
0x19: {  	v1 =	vld.idx.msk [tilespmem:v1+s2+$0x0], $0xffff;
	_ =	sdelay $0x4  }
0x1a: {  	v1 =	vadd.f32 $1.000000020e-16, v1;
	_ =	sdelay $0x1  }
0x1b: {  	(erf) = vrcp.f32 v1;
	_ =	sdelay $0x4  }
0x1c: {  	v2 =	vld [tilespmem:s11+$0x0];
	_ =	sdelay $0x1  }
0x1d: {  	s13 =	simm.s32 $0x10  }
0x1e: {  	s14 =	simm.s32 $0x20;
	v1 =	vor.u32 s13, v0;
	s13 =	simm.s32 $0x5100  }
.LBB2_2:
0x1f: {  	p0 =	sne.s32 s14, $0x28F0;
	v3 =	vpop (erf)  }
0x20: {  	v2 =	vmul.f32 v3, v2;
	_ =	sdelay $0x1  }
0x21: {  	[tilespmem:s13+$0x0] =	vst v2  }
0x22: {  	v1 =	vld.idx.msk [tilespmem:v1+s8+$0x0], $0xffff;
	_ =	sdelay $0x7  }
0x23: {  	v1 =	vld.idx.msk [tilespmem:v1+s2+$0x0], $0xffff;
	_ =	sdelay $0x5  }
0x24: {  	v1 =	vadd.f32 $1.000000020e-16, v1;
	_ =	sdelay $0x1  }
0x25: {  	(erf) = vrcp.f32 v1;
	_ =	sdelay $0x3  }
.Ltmp0:
0x26: {  	s13 =	sadd.s32 $0x10, s13;
	(pc) =	sbr.rel @p0 .LBB2_2-.Ltmp0, $2  }
0x27: {  	v2 =	vld [tilespmem:s13+$0x0];
	_ =	sdelay $0x2  }
0x28: {  	v1 =	vor.u32 s14, v0;
	s14 =	sadd.s32 $0x10, s14  }
0x29: {  	v3 =	vpop (erf)  }
0x2a: {  	v2 =	vmul.f32 v3, v2;
	_ =	sdelay $0x1  }
0x2b: {  	[tilespmem:s13+$0x0] =	vst v2  }
0x2c: {  	v1 =	vld.idx.msk [tilespmem:v1+s8+$0x0], $0xffff;
	_ =	sdelay $0x7  }
0x2d: {  	v1 =	vld.idx.msk [tilespmem:v1+s2+$0x0], $0xffff;
	_ =	sdelay $0x4  }
0x2e: {  	v1 =	vadd.f32 $1.000000020e-16, v1;
	_ =	sdelay $0x1  }
0x2f: {  	(erf) = vrcp.f32 v1;
	_ =	sdelay $0x3  }
0x30: {  	s31 =	sadd.s32 $0x10, s13  }
0x31: {  	v1 =	vld [tilespmem:s31+$0x0];
	_ =	sdelay $0x3  }
0x32: {  	v2 =	vpop (erf)  }
0x33: {  	s12 =	sadd.s32 $0x1, s12;
	v1 =	vmul.f32 v2, v1  }
0x34: {  	p0 =	sne.s32 s12, s7  }
.Ltmp1:
0x35: {  	[tilespmem:s31+$0x0] =	vst v1;
	(pc) =	sbr.rel @p0 .LBB2_1-.Ltmp1, $4  }
0x36: {  	[hbm4b:s6+s2] =	stream.linear.scatter [tilespmem:s11], [sflag:$0x2], $0x2900, $0x38;
	[tilespmem:$0x7A00] =	vst v63  }
0x37: {  	_ =	swait.ge [sflag:s9], $0x2900  }
0x38: {  	[sflag:s9] =	ssyncset.done $0x0  }
0x39: {  	[sflag:s9] =	ssyncadd.s32 $0xFFFFD700  }
0x3a: {  	_ =	sfence.sel $0x180000  }
0x3b: {  	[bflag:$0x0] =	sbarrier.arrive $0xFFFF  }
0x3c: {  	p0 =	sne.s32 s0, $0x0;
	_ =	strace $0x90000065  }
0x3d: {  	s0 =	sadd.s32 @!p0 $0x100000, s1;
	[bflag:$0x2] =	sbarrier.arrive $0xFFFF  }
0x3e: {  	[sflag:s0] =	ssyncadd.tile.s32 @!p0 $0x1;
	_ =	shalt  }
.Lfunc_end2:
_tile_overlayer_lowered:
.L_overlay_start_2:
0x3f: {  	(tag) =	ssettag $0x2  }
0x40: {  	s0 =	rddreg [dreg:$0x0];
	s2 =	stileid.u32  }
0x41: {  	s1 =	rddreg [dreg:$0x1];
	p0 =	sne.s32 s2, $0x0  }
0x42: {  	s3 =	rddreg [dreg:$0x2];
	[bflag:$0x3] =	sbarrier.arrive $0xFFFF;
	s2 =	simm.s32 @!p0 $0x1C02  }
0x43: {  	[timem:s3], [sflag:s2] =	dma.local @!p0 [hbm:s0], s1  }
0x44: {  	s0 =	simm.s32 @!p0 $0x2  }
0x45: {  	_ =	swait.ge @!p0 [sflag:s0], s1  }
0x46: {  	s1 =	ssub.s32 @!p0 $0x0, s1;
	[sflag:s0] =	ssyncset.done @!p0 $0x0  }
0x47: {  	[sflag:s0] =	ssyncadd.s32 @!p0 s1  }
0x48: {  	[bflag:$0x3] =	sbarrier.arrive $0xFFFF  }
0x49: {  	_ =	shalt  }

// kernel: kernel.63.cloned.1.call-start
scs
__scs_entry_jumppad:
0x0: {  	(pc) =	sbr.rel $0x88, $3  }
0x1: {  	(tag) =	ssettag $0x0;
	lr =	simm.s32 $0x1  }
0x2: {  	[smem:$0x3F8D] =	sst lr;
	_ =	strace $0xD0000000  }
0x3: {  	_ = 	snop  }
0x4: {  	_ = 	snop  }
0x5: {  	_ = 	snop  }
0x6: {  	_ = 	snop  }
0x7: {  	_ = 	snop  }
__scs_overlays_trampoline_lowered:
0x8: {  	[smem:$0x3F9C] =	sst s0  }
0x9: {  	[smem:$0x3F9D] =	sst s1  }
0xa: {  	[smem:$0x3F9E] =	sst s2  }
0xb: {  	[smem:$0x3F9F] =	sst s3  }
0xc: {  	[smem:$0x3FA0] =	sst s4  }
0xd: {  	[smem:$0x3FA1] =	sst s5  }
0xe: {  	[smem:$0x3FA2] =	sst s6  }
0xf: {  	[smem:$0x3FA3] =	sst s7  }
0x10: {  	[smem:$0x3FA4] =	sst s8  }
0x11: {  	[smem:$0x3FA5] =	sst s9;
	s0 =	simm.s32 @!p0 $0x0  }
0x12: {  	s1 =	sld [smem:$0x3F8B];
	s0 =	simm.s32 @p0 $0x1  }
0x13: {  	[smem:$0x3FA6] =	sst s0;
	s0 =	simm.s32 @!p1 $0x0  }
0x14: {  	s2 =	sld [smem:$0x3F8A];
	s0 =	simm.s32 @p1 $0x1  }
0x15: {  	[smem:$0x3FA7] =	sst s0;
	s0 =	simm.s32 @!p2 $0x0  }
0x16: {  	s3 =	sld [smem:$0x3FDB];
	s0 =	simm.s32 @p2 $0x1  }
0x17: {  	s4 =	simm.s32 $0x1BF5;
	[smem:$0x3FA9] =	sst s0  }
0x18: {  	s0 =	sld [smem:$0x3F8C];
	_ =	swait.ge [sflag:s4], $0x0  }
0x19: {  	s7 =	sld [smem:$0x3F8D]  }
0x1a: {  	s8 =	sadd.s32 $0xFFFFE003, lr  }
0x1b: {  	s9 =	sadd.s32 $0xFFFFFEF7, lr;
	s5 =	simm.s32 $0xFFFFFFFF;
	p2 =	slt.u32 s8, $0xFFFFF086  }
0x1c: {  	p1 =	slt.u32 s9, $0xF7A;
	s5 =	simm.s32 @!p2 $0x0  }
0x1d: {  	s5 =	simm.s32 @p1 $0x1;
	p0 =	seq.s32 s7, s2  }
0x1e: {  	s7 =	smul.u32 @!p0 $0xF7A, s2;
	p2 =	seq.s32 @!p0 s5, $0x0  }
0x1f: {  	s9 =	smul.u32 $0xF7A, s1;
	s8 =	simm.s32 @!p0 $0x1BF5;
	p2 =	por !p2, p0  }
0x20: {  	[sflag:s8] =	ssyncset.s32 @!p0 $0xFFFFF086;
	s6 =	sadd.s32 @!p0 s3, s7;
	s7 =	simm.s32 @!p0 $0x108  }
0x21: {  	s3 =	sadd.s32 s3, s9;
	s6 =	sadd.s32 @!p0 $0x88, s6;
	s7 =	simm.s32 @p2 $0x1082  }
0x22: {  	[simem:s7], [sflag:s8] =	dma.local @!p0 [hbm:s6], $0xF7A  }
0x23: {  	s9 =	sor.u32 $0xD0000000, s2;
	s6 =	simm.s32 $0x108;
	_ =	swait.ge @!p0 [sflag:s8], $0x0  }
0x24: {  	s3 =	sadd.s32 $0x88, s3;
	s6 =	simm.s32 @!p1 $0x1082;
	[sflag:s4] =	ssyncset.s32 $0xFFFFF086  }
0x25: {  	[simem:s6], [sflag:s4] =	dma.local [hbm:s3], $0xF7A  }
0x26: {  	[smem:$0x3F8D] =	sst s1;
	(tag) =	ssettag s2;
	_ =	strace s9  }
0x27: {  	s1 =	sld [smem:$0x3F9D]  }
0x28: {  	s2 =	sld [smem:$0x3F9E]  }
0x29: {  	s4 =	sld [smem:$0x3FA0]  }
0x2a: {  	p0 =	seq.s32 s5, $0x0;
	s5 =	sld [smem:$0x3FA1]  }
0x2b: {  	s6 =	sld [smem:$0x3FA2]  }
0x2c: {  	s7 =	sld [smem:$0x3FA3]  }
0x2d: {  	s3 =	simm.s32 $0x108;
	s8 =	sld [smem:$0x3FA4]  }
0x2e: {  	s3 =	simm.s32 @!p0 $0x1082;
	s9 =	sld [smem:$0x3FA5]  }
0x2f: {  	lr =	sadd.s32 s0, s3;
	s0 =	sld [smem:$0x3F9C]  }
0x30: {  	s3 =	sld [smem:$0x3F9F]  }
0x31: {  	[smem:$0x3FA8] =	sst s10  }
0x32: {  	s10 =	sld [smem:$0x3FA6];
	_ =	sdelay $0x3  }
0x33: {  	p0 =	seq.s32 s10, $0x1;
	s10 =	sld [smem:$0x3FA8];
	_ =	sdelay $0x3  }
0x34: {  	[smem:$0x3FA8] =	sst s10  }
0x35: {  	s10 =	sld [smem:$0x3FA7];
	_ =	sdelay $0x3  }
0x36: {  	p1 =	seq.s32 s10, $0x1;
	s10 =	sld [smem:$0x3FA8];
	_ =	sdelay $0x3  }
0x37: {  	[smem:$0x3FA8] =	sst s10  }
0x38: {  	s10 =	sld [smem:$0x3FA9]  }
0x39: {  	_ = 	snop;
	(pc) =	sbr.ind lr, $3  }
0x3a: {  	_ = 	snop  }
0x3b: {  	_ = 	snop  }
0x3c: {  	p2 =	seq.s32 s10, $0x1;
	s10 =	sld [smem:$0x3FA8]  }
0x3d: {  	_ =	shalt  }
0x3e: {  	_ =	shalt  }
0x3f: {  	_ =	shalt  }
0x40: {  	_ =	shalt  }
0x41: {  	_ =	shalt  }
0x42: {  	_ =	shalt  }
0x43: {  	_ =	shalt  }
0x44: {  	_ =	shalt  }
0x45: {  	_ =	shalt  }
0x46: {  	_ =	shalt  }
0x47: {  	_ =	shalt  }
0x48: {  	_ =	shalt  }
0x49: {  	_ =	shalt  }
0x4a: {  	_ =	shalt  }
0x4b: {  	_ =	shalt  }
0x4c: {  	_ =	shalt  }
0x4d: {  	_ =	shalt  }
0x4e: {  	_ =	shalt  }
0x4f: {  	_ =	shalt  }
0x50: {  	_ =	shalt  }
0x51: {  	_ =	shalt  }
0x52: {  	_ =	shalt  }
0x53: {  	_ =	shalt  }
0x54: {  	_ =	shalt  }
0x55: {  	_ =	shalt  }
0x56: {  	_ =	shalt  }
0x57: {  	_ =	shalt  }
0x58: {  	_ =	shalt  }
0x59: {  	_ =	shalt  }
0x5a: {  	_ =	shalt  }
0x5b: {  	_ =	shalt  }
0x5c: {  	_ =	shalt  }
0x5d: {  	_ =	shalt  }
0x5e: {  	_ =	shalt  }
0x5f: {  	_ =	shalt  }
0x60: {  	_ =	shalt  }
0x61: {  	_ =	shalt  }
0x62: {  	_ =	shalt  }
0x63: {  	_ =	shalt  }
0x64: {  	_ =	shalt  }
0x65: {  	_ =	shalt  }
0x66: {  	_ =	shalt  }
0x67: {  	_ =	shalt  }
0x68: {  	_ =	shalt  }
0x69: {  	_ =	shalt  }
0x6a: {  	_ =	shalt  }
0x6b: {  	_ =	shalt  }
0x6c: {  	_ =	shalt  }
0x6d: {  	_ =	shalt  }
0x6e: {  	_ =	shalt  }
0x6f: {  	_ =	shalt  }
0x70: {  	_ =	shalt  }
0x71: {  	_ =	shalt  }
0x72: {  	_ =	shalt  }
0x73: {  	_ =	shalt  }
0x74: {  	_ =	shalt  }
0x75: {  	_ =	shalt  }
0x76: {  	_ =	shalt  }
0x77: {  	_ =	shalt  }
0x78: {  	_ =	shalt  }
0x79: {  	_ =	shalt  }
0x7a: {  	_ =	shalt  }
0x7b: {  	_ =	shalt  }
0x7c: {  	_ =	shalt  }
0x7d: {  	_ =	shalt  }
0x7e: {  	_ =	shalt  }
0x7f: {  	_ =	shalt  }
0x80: {  	_ =	shalt  }
0x81: {  	_ =	shalt  }
0x82: {  	_ =	shalt  }
0x83: {  	_ =	shalt  }
0x84: {  	_ =	shalt  }
0x85: {  	_ =	shalt  }
0x86: {  	_ =	shalt  }
0x87: {  	_ =	shalt  }
.Lfunc_end0:
.L_simem_size_0:
called_computation.11_lowered:
.L_overlay_start_0:
0x88: {  	s2 =	sld [smem:$0x3FD9]  }
0x89: {  	s3 =	sld [smem:$0x3FFE];
	_ =	sdelay $0x1  }
0x8a: {  	s1 =	srdreg.scid  }
0x8b: {  	s0 =	sand.u32 $0x1, s1  }
0x8c: {  	s17 =	sshll.u32 s0, $0xA;
	s2 =	sadd.s32 s3, s2  }
0x8d: {  	s2 =	sadd.s32 s2, s17  }
0x8e: {  	[smem:$0x3FB4] =	sst s2  }
0x8f: {  	_ = 	snop  }
0x90: {  	s2 =	sld [smem:$0x3FD0];
	(tm) =	ssettm $0x1  }
0x91: {  	s18 =	sld [smem:$0x3FFB];
	_ =	sdelay $0x3  }
0x92: {  	_ =	strace s18  }
0x93: {  	s3 =	sld [smem:$0x3FFC];
	_ =	sdelay $0x3  }
0x94: {  	_ =	strace s3  }
0x95: {  	s3 =	sld [smem:$0x3FFD];
	_ =	sdelay $0x3  }
0x96: {  	_ =	strace s3  }
0x97: {  	_ =	strace $0x8FFFFFFF  }
0x98: {  	s19 =	sld [smem:$0x3FDB];
	_ =	sdelay $0x1  }
0x99: {  	s4 =	simm.s32 $_scs_section_size  }
0x9a: {  	s5 =	simm.s32 $_size__tile_overlayer_lowered;
	s6 =	simm.s32 $_tile_overlayer_lowered  }
0x9b: {  	s22 =	simm.s32 $0x1BFF;
	s21 =	sshll.u32 s6, $0x1;
	s3 =	sadd.s32 s4, s19  }
0x9c: {  	s7 =	simm.s32 $0x0;
	s20 =	sshll.u32 s5, $0x1;
	s5 =	sadd.s32 s21, s3  }
0x9d: {  	[timem:s7], [sflag:s22] =	dma.local [hbm:s5], s20  }
0x9e: {  	_ =	swait.ge [sflag:s22], s20  }
0x9f: {  	s4 =	ssub.s32 $0x0, s20;
	[sflag:s22] =	ssyncset.done $0x0  }
0xa0: {  	[sflag:s22] =	ssyncadd.s32 s4;
	_ =	sdelay $0x1  }
0xa1: {  	s23 =	simm.s32 $0x1B8B  }
0xa2: {  	_ =	swait.ge [sflag:s23], $0x1  }
0xa3: {  	[sflag:s23] =	ssyncset.done $0x0  }
0xa4: {  	s25 =	simm.s32 $0x1B8E;
	s24 =	sld [smem:$0x3FFE];
	[sflag:s23] =	ssyncadd.s32 $0xFFFFFFFF  }
0xa5: {  	s26 =	simm.s32 $execute0_lowered;
	[smem:$0x3FD2] =	sst s25  }
0xa6: {  	s5 =	sshll.u32 s26, $0x1;
	_ =	strace $0x80000067;
	[dreg:$0x1] =	wrdreg $0xFFFFFFFF  }
0xa7: {  	s28 =	simm.s32 $_size_execute0_lowered;
	s3 =	sadd.s32 s3, s5;
	[dreg:$0x0] =	wrdreg $0x0  }
0xa8: {  	s5 =	sshll.u32 s28, $0x1;
	[dreg:$0x2] =	wrdreg s3  }
0xa9: {  	[dreg:$0x3] =	wrdreg s5  }
0xaa: {  	[dreg:$0x4] =	wrdreg $0xC0  }
0xab: {  	_ =	task [dreg:s7], $0x5FFFF  }
0xac: {  	[dreg:$0x1] =	wrdreg $0xFFFFFFFF  }
0xad: {  	[dreg:$0x0] =	wrdreg $0x60  }
0xae: {  	[dreg:$0x2] =	wrdreg s24  }
0xaf: {  	[dreg:$0x3] =	wrdreg s2  }
0xb0: {  	[dreg:$0x4] =	wrdreg $0x0  }
0xb1: {  	[dreg:$0x5] =	wrdreg $0x9  }
0xb2: {  	_ =	task.clear_ibuf [dreg:s7], $0x6FFFF;
	_ =	strace $0x90000067  }
0xb3: {  	s29 =	simm.s32 $0x9;
	_ =	strace $0x80000069  }
0xb4: {  	_ =	swait.ge [sflag:s29], $0x1  }
0xb5: {  	[sflag:s29] =	ssyncadd.s32 $0xFFFFFFFF  }
0xb6: {  	_ =	strace $0x90000069  }
0xb7: {  	_ =	sfence  }
0xb8: {  	s30 =	sld [smem:$0x0];
	_ =	sdelay $0x2  }
0xb9: {  	s31 =	sshll.u32 s1, $0xD;
	s1 =	sshrl.u32 s1, $0x2  }
0xba: {  	s3 =	sand.u32 $0x4000, s31;
	s1 =	sadd.s32 s1, s30  }
0xbb: {  	s0 =	sor.u32 s3, s0;
	s1 =	sshll.u32 s1, $0x11  }
0xbc: {  	s0 =	sor.u32 s1, s0  }
0xbd: {  	s0 =	sadd.s32 $0x8F2B, s0  }
0xbe: {  	[sflag:s0] =	ssyncadd.remote.s32 $0x1  }
0xbf: {  	_ =	sfence.sel $0xFFFF  }
0xc0: {  	[dreg:$0x0] =	wrdreg $0xFFFFFFFF;
	(pc) =	sbr.abs _section_cstart, $3  }
0xc1: {  	[dreg:$0x1] =	wrdreg $0xFFFFFFFF  }
0xc2: {  	_ =	task.clear_ibuf [dreg:s7], $0x2FFFF;
	_ =	strace $0x9FFFFFFF  }
0xc3: {  	(tm) =	ssettm $0x7FFFFFFF  }
tec
execute0_lowered:
.L_overlay_start_1:
0x0: {  	(tag) =	ssettag $0x1  }
0x1: {  	s0 =	rddreg [dreg:$0x0]  }
0x2: {  	s14 =	rddreg [dreg:$0x1]  }
0x3: {  	s2 =	rddreg [dreg:$0x2];
	s1 =	stileid.u32  }
0x4: {  	s3 =	simm.s32 $0x0;
	s4 =	srdreg.scid;
	s24 =	smul.u32 $0x2800, s1  }
0x5: {  	s28 =	simm.s32 $0x0;
	[smem:$0x7FF] =	sst s3;
	s9 =	smul.u32 $0x50000, s1  }
0x6: {  	s13 =	sadd.s32 $0xACAA00, s0;
	s8 =	sand.u32 $0x1, s4;
	s12 =	smul.u32 $0xA4, s1  }
0x7: {  	s6 =	sshll.u32 s1, $0x1;
	s22 =	sshll.u32 s1, $0x6;
	s5 =	smul.u32 $0x28000, s8  }
0x8: {  	_ =	strace $0x80000068;
	s6 =	sor.u32 s8, s6;
	s26 =	smul.u32 $0x52, s8  }
0x9: {  	s7 =	ssub.s32 $0x2, s8;
	s18 =	sadd.s32 s24, s0;
	s10 =	smul.u32 $0x52, s6  }
0xa: {  	s19 =	sshrl.u32 s7, $0x1;
	s20 =	sshrl.u32 s9, $0x2;
	s21 =	smul.u32 $0xA40, s6  }
0xb: {  	s23 =	smul.u32 $0x29000, s6;
	s0 =	sadd.s32 s5, s0;
	s11 =	ssub.s32 s7, s19  }
0xc: {  	s15 =	sadd.s32 s20, s2;
	s4 =	sadd.s32 $0x12A00, s18;
	s5 =	sor.u32 $0x1C03, s22  }
0xd: {  	s12 =	sadd.s32 s26, s12;
	s18 =	simm.s32 $0x14200;
	s19 =	simm.s32 $0x14100  }
0xe: {  	s20 =	simm.s32 $0x18200;
	s22 =	simm.s32 $0x80;
	s26 =	simm.s32 $0x14180  }
0xf: {  	[dreg:$0x4] =	wrdreg s4;
	s25 =	sadd.s32 s14, s21;
	s7 =	sadd.s32 s13, s23  }
0x10: {  	s0 =	sadd.s32 $0x3AA00, s0;
	s8 =	smax.u32 s11, $0x1;
	s10 =	sadd.s32 $0x51, s10  }
0x11: {  	s30 =	sshll.u32 s12, $0xB;
	s16 =	sshll.u32 s12, $0x5;
	s12 =	sadd.s32 $0x2, s12  }
0x12: {  	s15 =	sshrl.u32 s15, $0x3;
	s21 =	simm.s32 $0x1;
	s23 =	simm.s32 $0x14080  }
0x13: {  	[dreg:$0x5] =	wrdreg s25;
	s29 =	sshll.u32 s10, $0x5;
	s10 =	sshll.u32 s10, $0xB  }
0x14: {  	s11 =	sadd.s32 s30, s13;
	s16 =	sadd.s32 s16, s14;
	s17 =	sshrl.u32 s12, $0x1  }
0x15: {  	s24 =	sadd.s32 s24, s0;
	s25 =	simm.s32 $0x2;
	s9 =	sadd.s32 s14, s29  }
0x16: {  	s10 =	sadd.s32 s13, s10;
	s11 =	sadd.s32 $0x800, s11;
	s12 =	sadd.s32 $0x20, s16  }
0x17: {  	s31 =	sshll.u32 s17, $0xC;
	s17 =	sshll.u32 s17, $0x6;
	s16 =	simm.s32 $0x3  }
0x18: {  	s13 =	sadd.s32 s31, s13;
	s14 =	sadd.s32 s17, s14;
	s17 =	simm.s32 $0x14000  }
.LBB2_1:
0x19: {  	s0 =	rddreg [dreg:$0x4]  }
0x1a: {  	[spmem:s15], [sflag:s5] =	dma.local [hbm:s0], $0x2800  }
0x1b: {  	_ =	swait.ge [sflag:s16], $0x2800  }
0x1c: {  	[sflag:s16] =	ssyncset.done $0x0  }
0x1d: {  	[sflag:s16] =	ssyncadd.s32 $0xFFFFD800  }
0x1e: {  	[bflag:$0x0] =	sbarrier.arrive $0xFFFF  }
0x1f: {  	s1 =	rddreg [dreg:$0x5]  }
0x20: {  	[tilespmem:s17], [sflag:$0x3] =	stream.linear.gather [hbm4b:s1+s3], $0x100, $0x38;
	[tilespmem:$0x1C200] =	vst v63  }
0x21: {  	_ =	swait.ge [sflag:s16], $0x100  }
0x22: {  	[sflag:s16] =	ssyncset.done $0x0  }
0x23: {  	[sflag:s16] =	ssyncadd.s32 $0xFFFFFF00  }
0x24: {  	[tilespmem:s18], [sflag:$0x1] =	stream.linear.gather [hbm4b:s7+s3], $0x4000, $0x38;
	[tilespmem:$0x1C200] =	vst v63  }
0x25: {  	s4 =	sadd.s32 $0x0, s12  }
0x26: {  	[tilespmem:s19], [sflag:$0x3] =	stream.linear.gather [hbm4b:s4+s3], $0x100, $0x38;
	[tilespmem:$0x1C200] =	vst v63  }
0x27: {  	_ =	swait.ge [sflag:s16], $0x100  }
0x28: {  	[sflag:s16] =	ssyncset.done $0x0  }
0x29: {  	[sflag:s16] =	ssyncadd.s32 $0xFFFFFF00  }
0x2a: {  	[tilespmem:s20], [sflag:$0x2] =	stream.linear.gather [hbm4b:s11+s3], $0x4000, $0x38;
	[tilespmem:$0x1C200] =	vst v63  }
0x2b: {  	_ =	swait.ge [sflag:s21], $0x4000  }
0x2c: {  	[sflag:s21] =	ssyncset.done $0x0  }
0x2d: {  	[sflag:s21] =	ssyncadd.s32 $0xFFFFC000  }
0x2e: {  	[spmem:s2] =	stream.indirect.scatter.add.f32 [tilespmem:s18], [sflag:$0x3], $0x80, s23, s22, $0xb8;
	[tilespmem:$0x1C200] =	vst v63  }
0x2f: {  	_ =	swait.ge [sflag:s16], $0x4000  }
0x30: {  	[sflag:s16] =	ssyncset.done $0x0  }
0x31: {  	s6 =	sadd.s32 $0x0, s14;
	[sflag:s16] =	ssyncadd.s32 $0xFFFFC000  }
0x32: {  	[tilespmem:s17], [sflag:$0x3] =	stream.linear.gather [hbm4b:s6+s3], $0x100, $0x38;
	[tilespmem:$0x1C200] =	vst v63  }
0x33: {  	_ =	swait.ge [sflag:s16], $0x100  }
0x34: {  	[sflag:s16] =	ssyncset.done $0x0  }
0x35: {  	[sflag:s16] =	ssyncadd.s32 $0xFFFFFF00  }
0x36: {  	[tilespmem:s18], [sflag:$0x1] =	stream.linear.gather [hbm4b:s13+s3], $0x4000, $0x38;
	[tilespmem:$0x1C200] =	vst v63  }
0x37: {  	_ =	swait.ge [sflag:s25], $0x4000  }
0x38: {  	[sflag:s25] =	ssyncset.done $0x0  }
0x39: {  	[sflag:s25] =	ssyncadd.s32 $0xFFFFC000  }
0x3a: {  	[spmem:s2] =	stream.indirect.scatter.add.f32 [tilespmem:s20], [sflag:$0x3], $0x80, s26, s22, $0xb8;
	[tilespmem:$0x1C200] =	vst v63  }
0x3b: {  	s30 =	simm.s32 $0x40;
	s31 =	sadd.s32 $0x1000, s11;
	_ =	swait.ge [sflag:s16], $0x4000  }
0x3c: {  	s29 =	sadd.s32 $0x1000, s13;
	s0 =	simm.s32 $0x80;
	[sflag:s16] =	ssyncset.done $0x0  }
.LBB2_2:
0x3d: {  	s1 =	sadd.s32 s30, s12  }
0x3e: {  	[sflag:s16] =	ssyncadd.s32 $0xFFFFC000;
	s4 =	smov.u32 s0;
	s6 =	sadd.s32 $0x40, s0  }
0x3f: {  	[tilespmem:s19], [sflag:$0x3] =	stream.linear.gather [hbm4b:s1+s3], $0x100, $0x38;
	[tilespmem:$0x1C200] =	vst v63  }
0x40: {  	p0 =	sne.s32 s0, $0x9C0;
	_ =	swait.ge [sflag:s16], $0x100  }
0x41: {  	[sflag:s16] =	ssyncset.done $0x0  }
0x42: {  	[sflag:s16] =	ssyncadd.s32 $0xFFFFFF00  }
0x43: {  	[tilespmem:s20], [sflag:$0x2] =	stream.linear.gather [hbm4b:s31+s3], $0x4000, $0x38;
	[tilespmem:$0x1C200] =	vst v63  }
0x44: {  	_ =	swait.ge [sflag:s21], $0x4000  }
0x45: {  	[sflag:s21] =	ssyncset.done $0x0  }
0x46: {  	[sflag:s21] =	ssyncadd.s32 $0xFFFFC000  }
0x47: {  	[spmem:s2] =	stream.indirect.scatter.add.f32 [tilespmem:s18], [sflag:$0x3], $0x80, s23, s22, $0xb8;
	[tilespmem:$0x1C200] =	vst v63  }
0x48: {  	_ =	swait.ge [sflag:s16], $0x4000  }
0x49: {  	[sflag:s16] =	ssyncset.done $0x0  }
0x4a: {  	s0 =	sadd.s32 s30, s14;
	s30 =	smov.u32 s4;
	[sflag:s16] =	ssyncadd.s32 $0xFFFFC000  }
0x4b: {  	[tilespmem:s17], [sflag:$0x3] =	stream.linear.gather [hbm4b:s0+s3], $0x100, $0x38;
	[tilespmem:$0x1C200] =	vst v63  }
0x4c: {  	_ =	swait.ge [sflag:s16], $0x100  }
0x4d: {  	[sflag:s16] =	ssyncset.done $0x0  }
0x4e: {  	[sflag:s16] =	ssyncadd.s32 $0xFFFFFF00  }
0x4f: {  	[tilespmem:s18], [sflag:$0x1] =	stream.linear.gather [hbm4b:s29+s3], $0x4000, $0x38;
	[tilespmem:$0x1C200] =	vst v63  }
0x50: {  	_ =	swait.ge [sflag:s25], $0x4000  }
.Ltmp0:
0x51: {  	[sflag:s25] =	ssyncset.done $0x0;
	(pc) =	sbr.rel @p0 .LBB2_2-.Ltmp0, $4  }
0x52: {  	[sflag:s25] =	ssyncadd.s32 $0xFFFFC000  }
0x53: {  	[spmem:s2] =	stream.indirect.scatter.add.f32 [tilespmem:s20], [sflag:$0x3], $0x80, s26, s22, $0xb8;
	[tilespmem:$0x1C200] =	vst v63  }
0x54: {  	s31 =	sadd.s32 $0x1000, s31;
	_ =	swait.ge [sflag:s16], $0x4000  }
0x55: {  	s0 =	smov.u32 s6;
	s29 =	sadd.s32 $0x1000, s29;
	[sflag:s16] =	ssyncset.done $0x0  }
0x56: {  	s0 =	sadd.s32 s30, s12;
	[sflag:s16] =	ssyncadd.s32 $0xFFFFC000  }
0x57: {  	[tilespmem:s19], [sflag:$0x3] =	stream.linear.gather [hbm4b:s0+s3], $0x100, $0x38;
	[tilespmem:$0x1C200] =	vst v63  }
0x58: {  	_ =	swait.ge [sflag:s16], $0x100  }
0x59: {  	[sflag:s16] =	ssyncset.done $0x0  }
0x5a: {  	[sflag:s16] =	ssyncadd.s32 $0xFFFFFF00  }
0x5b: {  	[tilespmem:s20], [sflag:$0x2] =	stream.linear.gather [hbm4b:s31+s3], $0x4000, $0x38;
	[tilespmem:$0x1C200] =	vst v63  }
0x5c: {  	_ =	swait.ge [sflag:s21], $0x4000  }
0x5d: {  	[sflag:s21] =	ssyncset.done $0x0  }
0x5e: {  	[sflag:s21] =	ssyncadd.s32 $0xFFFFC000  }
0x5f: {  	[spmem:s2] =	stream.indirect.scatter.add.f32 [tilespmem:s18], [sflag:$0x3], $0x80, s23, s22, $0xb8;
	[tilespmem:$0x1C200] =	vst v63  }
0x60: {  	_ =	swait.ge [sflag:s16], $0x4000  }
0x61: {  	[sflag:s16] =	ssyncset.done $0x0  }
0x62: {  	s31 =	sadd.s32 s30, s14;
	[sflag:s16] =	ssyncadd.s32 $0xFFFFC000  }
0x63: {  	[tilespmem:s17], [sflag:$0x3] =	stream.linear.gather [hbm4b:s31+s3], $0x100, $0x38;
	[tilespmem:$0x1C200] =	vst v63  }
0x64: {  	_ =	swait.ge [sflag:s16], $0x100  }
0x65: {  	[sflag:s16] =	ssyncset.done $0x0  }
0x66: {  	[sflag:s16] =	ssyncadd.s32 $0xFFFFFF00  }
0x67: {  	[tilespmem:s18], [sflag:$0x1] =	stream.linear.gather [hbm4b:s29+s3], $0x4000, $0x38;
	[tilespmem:$0x1C200] =	vst v63  }
0x68: {  	_ =	swait.ge [sflag:s25], $0x4000  }
0x69: {  	[sflag:s25] =	ssyncset.done $0x0  }
0x6a: {  	[sflag:s25] =	ssyncadd.s32 $0xFFFFC000  }
0x6b: {  	[spmem:s2] =	stream.indirect.scatter.add.f32 [tilespmem:s20], [sflag:$0x3], $0x80, s26, s22, $0xb8;
	[tilespmem:$0x1C200] =	vst v63  }
0x6c: {  	_ =	swait.ge [sflag:s16], $0x4000  }
0x6d: {  	[sflag:s16] =	ssyncset.done $0x0  }
0x6e: {  	[sflag:s16] =	ssyncadd.s32 $0xFFFFC000  }
0x6f: {  	[tilespmem:s19], [sflag:$0x3] =	stream.linear.gather [hbm4b:s9+s3], $0x100, $0x38;
	[tilespmem:$0x1C200] =	vst v63  }
0x70: {  	_ =	swait.ge [sflag:s16], $0x100  }
0x71: {  	[sflag:s16] =	ssyncset.done $0x0  }
0x72: {  	[sflag:s16] =	ssyncadd.s32 $0xFFFFFF00  }
0x73: {  	[tilespmem:s20], [sflag:$0x2] =	stream.linear.gather [hbm4b:s10+s3], $0x4000, $0x38;
	[tilespmem:$0x1C200] =	vst v63  }
0x74: {  	_ =	swait.ge [sflag:s21], $0x4000  }
0x75: {  	[sflag:s21] =	ssyncset.done $0x0  }
0x76: {  	[sflag:s21] =	ssyncadd.s32 $0xFFFFC000  }
0x77: {  	[spmem:s2] =	stream.indirect.scatter.add.f32 [tilespmem:s18], [sflag:$0x3], $0x80, s23, s22, $0xb8;
	[tilespmem:$0x1C200] =	vst v63  }
0x78: {  	_ =	swait.ge [sflag:s16], $0x4000  }
0x79: {  	[sflag:s16] =	ssyncset.done $0x0  }
0x7a: {  	[sflag:s16] =	ssyncadd.s32 $0xFFFFC000  }
0x7b: {  	_ =	swait.ge [sflag:s25], $0x4000  }
0x7c: {  	[sflag:s25] =	ssyncset.done $0x0  }
0x7d: {  	[sflag:s25] =	ssyncadd.s32 $0xFFFFC000  }
0x7e: {  	[spmem:s2] =	stream.indirect.scatter.add.f32 [tilespmem:s20], [sflag:$0x3], $0x80, s26, s22, $0xb8;
	[tilespmem:$0x1C200] =	vst v63  }
0x7f: {  	_ =	swait.ge [sflag:s16], $0x4000  }
0x80: {  	s28 =	sadd.s32 $0x1, s28;
	[sflag:s16] =	ssyncset.done $0x0  }
0x81: {  	p0 =	sne.s32 s28, s8;
	[sflag:s16] =	ssyncadd.s32 $0xFFFFC000  }
.Ltmp1:
0x82: {  	[bflag:$0x0] =	sbarrier.arrive $0xFFFF;
	(pc) =	sbr.rel @p0 .LBB2_1-.Ltmp1, $4  }
0x83: {  	[hbm:s24], [sflag:s5] =	dma.local [spmem:s15], $0x2800  }
0x84: {  	_ =	swait.ge [sflag:s16], $0x2800  }
0x85: {  	[sflag:s16] =	ssyncset.done $0x0  }
0x86: {  	[sflag:s16] =	ssyncadd.s32 $0xFFFFD800  }
0x87: {  	_ =	sfence.sel $0x180000  }
0x88: {  	[bflag:$0x0] =	sbarrier.arrive $0xFFFF  }
0x89: {  	_ =	strace $0x90000068  }
0x8a: {  	s0 =	stileid.u32;
	[bflag:$0x2] =	sbarrier.arrive $0xFFFF  }
0x8b: {  	p0 =	sne.s32 s0, $0x0;
	s0 =	rddreg [dreg:$0x3]  }
0x8c: {  	s0 =	sadd.s32 @!p0 $0x100000, s0  }
0x8d: {  	[sflag:s0] =	ssyncadd.tile.s32 @!p0 $0x1;
	_ =	shalt  }
.Lfunc_end2:
_tile_overlayer_lowered:
.L_overlay_start_2:
0x8e: {  	(tag) =	ssettag $0x2  }
0x8f: {  	s0 =	rddreg [dreg:$0x0];
	s2 =	stileid.u32  }
0x90: {  	s1 =	rddreg [dreg:$0x1];
	p0 =	sne.s32 s2, $0x0  }
0x91: {  	s3 =	rddreg [dreg:$0x2];
	[bflag:$0x3] =	sbarrier.arrive $0xFFFF;
	s2 =	simm.s32 @!p0 $0x1C03  }
0x92: {  	[timem:s3], [sflag:s2] =	dma.local @!p0 [hbm:s0], s1  }
0x93: {  	s0 =	simm.s32 @!p0 $0x3  }
0x94: {  	_ =	swait.ge @!p0 [sflag:s0], s1  }
0x95: {  	s1 =	ssub.s32 @!p0 $0x0, s1;
	[sflag:s0] =	ssyncset.done @!p0 $0x0  }
0x96: {  	[sflag:s0] =	ssyncadd.s32 @!p0 s1  }
0x97: {  	[bflag:$0x3] =	sbarrier.arrive $0xFFFF  }
0x98: {  	_ =	shalt  }

</sc_bundles>
